<compile_context>
chip_gen: v7x
topology: tpu7x:2x2x1
jax: 0.10.2.dev20260603
libtpu: 0.0.44.dev20260713+nightly
codegen_flags: <defaults>
</compile_context>

<pallas_src>
import functools

import jax
import jax.numpy as jnp
from jax import lax
from jax.experimental import pallas as pl
from jax.experimental.pallas import tpu as pltpu
from jax.experimental.pallas import tpu_sc as plsc

N = 10000
NP = 10240
E = 320000
D_IN, D_HID, D_OUT = 128, 64, 2
D_AGG2 = 16
NC, NS = 2, 16
NW = NC * NS
CH = 128
GCH = E // CH
NCH = 80
RPT = NP // NS
NBUF = 8

_MESH = plsc.VectorSubcoreMesh(
    core_axis_name="c", subcore_axis_name="s", num_cores=NC, num_subcores=NS)
_SC_PARAMS = pltpu.CompilerParams(use_tc_tiling_on_sc=False)


def _chunk(w, j):
  return w + NW * j


def _prefetch_idx(ei_hbm, row, w, idx_v, isem):

  def fire(j, carry):
    @pl.when(_chunk(w, j) < GCH)
    def _():
      pltpu.async_copy(ei_hbm.at[row].at[pl.ds(_chunk(w, j) * CH, CH)],
                       idx_v.at[j], isem)
    return carry

  lax.fori_loop(0, NCH, fire, 0)

  def drain(j, carry):
    @pl.when(_chunk(w, j) < GCH)
    def _():
      pltpu.make_async_copy(ei_hbm.at[row].at[pl.ds(0, CH)],
                            idx_v.at[0], isem).wait()
    return carry

  lax.fori_loop(0, NCH, drain, 0)


def _deg_body(ei_hbm, deg_out, idx_v, ones_v, zeros_v, dsem, acc):
  c = lax.axis_index("c")
  s = lax.axis_index("s")
  w = c * NS + s
  for i in range(CH // 16):
    ones_v[pl.ds(16 * i, 16)] = jnp.ones((16,), jnp.float32)
  for i in range(RPT // 16):
    zeros_v[pl.ds(16 * i, 16)] = jnp.zeros((16,), jnp.float32)
  pltpu.sync_copy(zeros_v, acc.at[pl.ds(s * RPT, RPT)])
  _prefetch_idx(ei_hbm, 1, w, idx_v, dsem)
  plsc.subcore_barrier()

  def body(j, carry):
    @pl.when(_chunk(w, j) < GCH)
    def _():
      pltpu.async_copy(ones_v, acc.at[idx_v.at[j]], dsem, add=True)

    @pl.when((j >= NBUF) & (_chunk(w, j - NBUF) < GCH))
    def _():
      pltpu.make_async_copy(ones_v, acc.at[idx_v.at[0]], dsem).wait()

    return carry

  lax.fori_loop(0, NCH, body, 0)
  for b in range(NBUF):
    @pl.when(_chunk(w, NCH - NBUF + b) < GCH)
    def _():
      pltpu.make_async_copy(ones_v, acc.at[idx_v.at[0]], dsem).wait()
  plsc.subcore_barrier()
  pltpu.sync_copy(acc.at[pl.ds(s * RPT, RPT)],
                  deg_out.at[c].at[pl.ds(s * RPT, RPT)])


_deg_call = functools.partial(
    pl.kernel,
    out_type=jax.ShapeDtypeStruct((NC, NP), jnp.float32),
    mesh=_MESH,
    compiler_params=_SC_PARAMS,
    scratch_types=[
        pltpu.VMEM((NCH, CH), jnp.int32),
        pltpu.VMEM((CH,), jnp.float32),
        pltpu.VMEM((RPT,), jnp.float32),
        pltpu.SemaphoreType.DMA,
        pltpu.VMEM_SHARED((NP,), jnp.float32),
    ],
)(_deg_body)


def _make_agg(d):
  def _agg_body(hs_hbm, ei_hbm, out_hbm,
                idxs_v, idxd_v, rows, isem, gsems, ssems, acc):
    c = lax.axis_index("c")
    s = lax.axis_index("s")
    w = c * NS + s
    pltpu.sync_copy(hs_hbm.at[pl.ds(s * RPT, RPT)],
                    acc.at[pl.ds(s * RPT, RPT)])
    _prefetch_idx(ei_hbm, 0, w, idxs_v, isem)
    _prefetch_idx(ei_hbm, 1, w, idxd_v, isem)
    plsc.subcore_barrier()

    half = NBUF // 2
    for b in range(half):
      pltpu.async_copy(hs_hbm.at[idxs_v.at[b]], rows[b], gsems[b])

    def body(t, carry):
      for b in range(NBUF):
        j = NBUF * t + b
        bg = (b + half) % NBUF
        vj = _chunk(w, j) < GCH
        @pl.when(vj)
        def _():
          pltpu.make_async_copy(hs_hbm.at[idxs_v.at[j]], rows[b],
                                gsems[b]).wait()
          pltpu.async_copy(rows[b], acc.at[idxd_v.at[j]], ssems[b], add=True)

        @pl.when((j >= half) & (_chunk(w, j - half) < GCH))
        def _():
          pltpu.make_async_copy(rows[bg], acc.at[idxd_v.at[j - half]],
                                ssems[bg]).wait()

        @pl.when((j + half < NCH) & (_chunk(w, j + half) < GCH))
        def _():
          pltpu.async_copy(hs_hbm.at[idxs_v.at[j + half]], rows[bg],
                           gsems[bg])
      return carry

    lax.fori_loop(0, NCH // NBUF, body, 0)
    for b in range(half, NBUF):
      j = NCH - NBUF + b
      @pl.when(_chunk(w, j) < GCH)
      def _():
        pltpu.make_async_copy(rows[b], acc.at[idxd_v.at[j]], ssems[b]).wait()
    plsc.subcore_barrier()
    pltpu.sync_copy(acc.at[pl.ds(s * RPT, RPT)],
                    out_hbm.at[c].at[pl.ds(s * RPT, RPT)])

  return functools.partial(
      pl.kernel,
      out_type=jax.ShapeDtypeStruct((NC, NP, d), jnp.float32),
      mesh=_MESH,
      compiler_params=_SC_PARAMS,
      scratch_types=[
          pltpu.VMEM((NCH, CH), jnp.int32),
          pltpu.VMEM((NCH, CH), jnp.int32),
          [pltpu.VMEM((CH, d), jnp.float32)] * NBUF,
          pltpu.SemaphoreType.DMA,
          [pltpu.SemaphoreType.DMA] * NBUF,
          [pltpu.SemaphoreType.DMA] * NBUF,
          pltpu.VMEM_SHARED((NP, d), jnp.float32),
      ],
  )(_agg_body)


_agg64_call = _make_agg(D_HID)
_agg2_call = _make_agg(D_AGG2)


def _mm1_body(x_ref, w1_ref, degp_ref, o_ref):
  dis = lax.rsqrt(degp_ref[0] + degp_ref[1] + 1.0)
  u = jnp.dot(x_ref[...], w1_ref[...], preferred_element_type=jnp.float32)
  o_ref[pl.ds(0, N), :] = u * dis[:N]
  o_ref[pl.ds(N, NP - N), :] = jnp.zeros((NP - N, D_HID), jnp.float32)


_mm1_call = pl.pallas_call(
    _mm1_body,
    out_shape=jax.ShapeDtypeStruct((NP, D_HID), jnp.float32),
)


def _mm2_body(degp_ref, hs1_ref, cp_ref, b1_ref, w2_ref, o_ref):
  dis = lax.rsqrt(degp_ref[0] + degp_ref[1] + 1.0)
  p = cp_ref[0] + cp_ref[1] - hs1_ref[...]
  h1 = jnp.maximum(dis * p + b1_ref[...], 0.0)
  o_ref[...] = jnp.dot(h1, w2_ref[...],
                       preferred_element_type=jnp.float32) * dis


_mm2_call = pl.pallas_call(
    _mm2_body,
    out_shape=jax.ShapeDtypeStruct((NP, D_AGG2), jnp.float32),
)


def _soft_body(degp_ref, hs2_ref, qp_ref, b2_ref, o_ref):
  dis = lax.rsqrt(degp_ref[0] + degp_ref[1] + 1.0)
  z = dis * (qp_ref[0] + qp_ref[1] - hs2_ref[...]) + b2_ref[...]
  z = z[:N, :D_OUT]
  m = jnp.max(z, axis=-1, keepdims=True)
  e = jnp.exp(z - m)
  o_ref[...] = e / jnp.sum(e, axis=-1, keepdims=True)


_soft_call = pl.pallas_call(
    _soft_body,
    out_shape=jax.ShapeDtypeStruct((N, D_OUT), jnp.float32),
)


def kernel(x, edge_index, W1, b1, W2, b2):
  ei = edge_index.astype(jnp.int32)
  w2p = jnp.zeros((D_HID, D_AGG2), jnp.float32).at[:, :D_OUT].set(W2)
  b2p = jnp.zeros((1, D_AGG2), jnp.float32).at[:, :D_OUT].set(b2)

  degp = _deg_call(ei)[..., None]
  hs1 = _mm1_call(x, W1, degp)
  cp = _agg64_call(hs1, ei)
  hs2 = _mm2_call(degp, hs1, cp, b1.reshape(1, -1), w2p)
  qp = _agg2_call(hs2, ei)
  return _soft_call(degp, hs2, qp, b2p)

# --- scband reference (transcript-rebuilt; emitter-appended) ---
"""Pipeline reference for scband-gcn-59459527246262 (READ-ONLY COPY).

The authoritative reference and input builder live on the scoring server;
editing this copy changes nothing except your own understanding.
"""

import jax, jax.numpy as jnp
import numpy as np

N_NODES = 10000
N_EDGES = 320000
D_IN = 128
D_HID = 64
D_OUT = 2


def setup_inputs(seed: int = 0) -> dict:
    key = jax.random.key(seed)
    k1, k2, k3, k4, k5, k6 = jax.random.split(key, 6)
    x = jax.random.normal(k1, (N_NODES, D_IN), dtype=jnp.float32)
    edge_index = jax.random.randint(k2, (2, N_EDGES), 0, N_NODES, dtype=jnp.int64)
    # GCNConv layer 1 params (PyG: lin weight [in, out] after transpose, glorot init)
    s1 = float(np.sqrt(6.0 / (D_IN + D_HID)))
    W1 = jax.random.uniform(k3, (D_IN, D_HID), dtype=jnp.float32, minval=-s1, maxval=s1)
    b1 = jnp.zeros((D_HID,), dtype=jnp.float32)
    s2 = float(np.sqrt(6.0 / (D_HID + D_OUT)))
    W2 = jax.random.uniform(k4, (D_HID, D_OUT), dtype=jnp.float32, minval=-s2, maxval=s2)
    b2 = jnp.zeros((D_OUT,), dtype=jnp.float32)
    return {"x": x, "edge_index": edge_index, "W1": W1, "b1": b1, "W2": W2, "b2": b2}


def _gcn_conv(x, edge_index, W, b):
    n = x.shape[0]
    # add self loops
    loop = jnp.arange(n, dtype=edge_index.dtype)
    src = jnp.concatenate([edge_index[0], loop])
    dst = jnp.concatenate([edge_index[1], loop])
    # linear transform first (out_dim <= in_dim)
    h = x @ W
    # symmetric normalization: D^{-1/2} (A+I) D^{-1/2}
    deg = jax.ops.segment_sum(jnp.ones_like(dst, dtype=h.dtype), dst, num_segments=n)
    deg_inv_sqrt = jnp.where(deg > 0, 1.0 / jnp.sqrt(deg), 0.0)
    norm = deg_inv_sqrt[src] * deg_inv_sqrt[dst]
    # gather messages from src, scale, scatter-add to dst
    msg = h[src] * norm[:, None]
    out = jax.ops.segment_sum(msg, dst, num_segments=n)
    return out + b


def reference(x, edge_index, W1, b1, W2, b2):
    h = _gcn_conv(x, edge_index, W1, b1)
    h = jax.nn.relu(h)
    # dropout p=0.5 is identity at inference (training=False)
    h = _gcn_conv(h, edge_index, W2, b2)
    return jax.nn.softmax(h, axis=-1)

if __name__ == "__main__":
    import jax
    _d = setup_inputs()
    print(jax.jit(kernel)(*tuple(_d.values())))

</pallas_src>

<mosaic_0001>
#map = affine_map<(d0, d1) -> (0, 0)>
#map1 = affine_map<(d0, d1) -> (0, 0, 0)>
module attributes {stable_mosaic.version = 14 : i64} {
  func.func @_agg_body(%arg0: i32, %arg1: i32, %arg2: memref<10240x16xf32, #tpu.memory_space<hbm>>, %arg3: memref<2x320000xi32, #tpu.memory_space<hbm>>, %arg4: memref<2x10240x16xf32, #tpu.memory_space<hbm>>, %arg5: memref<80x128xi32, #tpu.memory_space<vmem>>, %arg6: memref<80x128xi32, #tpu.memory_space<vmem>>, %arg7: memref<128x16xf32, #tpu.memory_space<vmem>>, %arg8: memref<128x16xf32, #tpu.memory_space<vmem>>, %arg9: memref<128x16xf32, #tpu.memory_space<vmem>>, %arg10: memref<128x16xf32, #tpu.memory_space<vmem>>, %arg11: memref<128x16xf32, #tpu.memory_space<vmem>>, %arg12: memref<128x16xf32, #tpu.memory_space<vmem>>, %arg13: memref<128x16xf32, #tpu.memory_space<vmem>>, %arg14: memref<128x16xf32, #tpu.memory_space<vmem>>, %arg15: memref<!tpu.dma_semaphore, #tpu.memory_space<semaphore_mem>>, %arg16: memref<!tpu.dma_semaphore, #tpu.memory_space<semaphore_mem>>, %arg17: memref<!tpu.dma_semaphore, #tpu.memory_space<semaphore_mem>>, %arg18: memref<!tpu.dma_semaphore, #tpu.memory_space<semaphore_mem>>, %arg19: memref<!tpu.dma_semaphore, #tpu.memory_space<semaphore_mem>>, %arg20: memref<!tpu.dma_semaphore, #tpu.memory_space<semaphore_mem>>, %arg21: memref<!tpu.dma_semaphore, #tpu.memory_space<semaphore_mem>>, %arg22: memref<!tpu.dma_semaphore, #tpu.memory_space<semaphore_mem>>, %arg23: memref<!tpu.dma_semaphore, #tpu.memory_space<semaphore_mem>>, %arg24: memref<!tpu.dma_semaphore, #tpu.memory_space<semaphore_mem>>, %arg25: memref<!tpu.dma_semaphore, #tpu.memory_space<semaphore_mem>>, %arg26: memref<!tpu.dma_semaphore, #tpu.memory_space<semaphore_mem>>, %arg27: memref<!tpu.dma_semaphore, #tpu.memory_space<semaphore_mem>>, %arg28: memref<!tpu.dma_semaphore, #tpu.memory_space<semaphore_mem>>, %arg29: memref<!tpu.dma_semaphore, #tpu.memory_space<semaphore_mem>>, %arg30: memref<!tpu.dma_semaphore, #tpu.memory_space<semaphore_mem>>, %arg31: memref<!tpu.dma_semaphore, #tpu.memory_space<semaphore_mem>>, %arg32: memref<10240x16xf32, #tpu.memory_space<vmem_shared>>) attributes {dimension_semantics = [#tpu.dimension_semantics<core_parallel>, #tpu.dimension_semantics<subcore_parallel>], iteration_bounds = array<i64: 2, 16>, scalar_prefetch = 0 : i64, scratch_operands = 28 : i64, tpu.core_type = #tpu.core_type<sc_vector_subcore>, window_params = [{transform_indices = #map}, {transform_indices = #map}, {transform_indices = #map1}]} {
    %mul3A = arith.constant 16 : i32
    %mul3A_0 = arith.muli %arg0, %mul3A : i32
    %add3A = arith.addi %mul3A_0, %arg1 : i32
    %mul3A_1 = arith.constant 640 : i32
    %mul3A_2 = arith.muli %arg1, %mul3A_1 : i32
    %mul3A_3 = arith.constant 640 : i32
    %mul3A_4 = arith.muli %arg1, %mul3A_3 : i32
    "tpu.region"() ({
      %run_scoped3A = tpu.sem_alloc : memref<!tpu.dma_semaphore, #tpu.memory_space<semaphore_mem>>
      %dma_start3A_91 = arith.constant 0 : i32
      %dma_start3A_92 = tpu.memref_slice %arg32[%mul3A_4, %dma_start3A_91] : memref<10240x16xf32, #tpu.memory_space<vmem_shared>> -> memref<640x16xf32, #tpu.memory_space<vmem_shared>>
      %dma_start3A_93 = arith.constant 0 : i32
      %dma_start3A_94 = tpu.memref_slice %arg2[%mul3A_2, %dma_start3A_93] : memref<10240x16xf32, #tpu.memory_space<hbm>> -> memref<640x16xf32, #tpu.memory_space<hbm>>
      tpu.enqueue_dma source(%dma_start3A_94 : memref<640x16xf32, #tpu.memory_space<hbm>>) target(%dma_start3A_92 : memref<640x16xf32, #tpu.memory_space<vmem_shared>>) target_semaphore(%run_scoped3A : memref<!tpu.dma_semaphore, #tpu.memory_space<semaphore_mem>>)
      %dma_wait3A = arith.constant 0 : i32
      %dma_wait3A_95 = tpu.memref_slice %arg32[%mul3A_4, %dma_wait3A] : memref<10240x16xf32, #tpu.memory_space<vmem_shared>> -> memref<640x16xf32, #tpu.memory_space<vmem_shared>>
      %dma_wait3A_96 = arith.constant 0 : i32
      %dma_wait3A_97 = tpu.memref_slice %arg2[%mul3A_2, %dma_wait3A_96] : memref<10240x16xf32, #tpu.memory_space<hbm>> -> memref<640x16xf32, #tpu.memory_space<hbm>>
      tpu.wait_dma2 semaphore(%run_scoped3A : memref<!tpu.dma_semaphore, #tpu.memory_space<semaphore_mem>>) src(%dma_wait3A_97 : memref<640x16xf32, #tpu.memory_space<hbm>>) dst(%dma_wait3A_95 : memref<640x16xf32, #tpu.memory_space<vmem_shared>>)
      tpu.yield
    }) : () -> ()
    %scan3A = arith.constant 0 : i32
    %scan3A_5 = arith.constant 0 : i32
    %scan3A_6 = arith.constant 80 : i32
    %scan3A_7 = arith.addi %scan3A_5, %scan3A_6 : i32
    %scan3A_8 = arith.constant 1 : i32
    scf.for %scan3A_91 = %scan3A_5 to %scan3A_7 step %scan3A_8  : i32 {
      %mul3A_92 = arith.constant 32 : i32
      %mul3A_93 = arith.muli %mul3A_92, %scan3A_91 : i32
      %add3A_94 = arith.addi %add3A, %mul3A_93 : i32
      %lt3A_95 = arith.constant 2500 : i32
      %lt3A_96 = arith.cmpi slt, %add3A_94, %lt3A_95 : i32
      %convert_element_type3A_97 = arith.extui %lt3A_96 : i1 to i32
      %cond3A_98 = arith.constant 0 : i32
      %cond3A_99 = arith.cmpi ne, %convert_element_type3A_97, %cond3A_98 : i32
      scf.if %cond3A_99 {
        %mul3A_100 = arith.constant 32 : i32
        %mul3A_101 = arith.muli %mul3A_100, %scan3A_91 : i32
        %add3A_102 = arith.addi %add3A, %mul3A_101 : i32
        %mul3A_103 = arith.constant 128 : i32
        %mul3A_104 = arith.muli %add3A_102, %mul3A_103 : i32
        %dma_start3A_105 = arith.constant 0 : i32
        %dma_start3A_106 = arith.constant 0 : i32
        %dma_start3A_107 = tpu.memref_slice %arg5[%scan3A_91, %dma_start3A_106] : memref<80x128xi32, #tpu.memory_space<vmem>> -> memref<1x128xi32, #tpu.memory_space<vmem>>
        %dma_start3A_108 = tpu.memref_squeeze %dma_start3A_107 : memref<1x128xi32, #tpu.memory_space<vmem>> -> memref<128xi32, #tpu.memory_space<vmem>>
        %dma_start3A_109 = arith.constant 0 : i32
        %dma_start3A_110 = tpu.memref_slice %arg3[%dma_start3A_105, %dma_start3A_109] : memref<2x320000xi32, #tpu.memory_space<hbm>> -> memref<1x320000xi32, #tpu.memory_space<hbm>>
        %dma_start3A_111 = tpu.memref_squeeze %dma_start3A_110 : memref<1x320000xi32, #tpu.memory_space<hbm>> -> memref<320000xi32, #tpu.memory_space<hbm>>
        %dma_start3A_112 = tpu.memref_slice %dma_start3A_111[%mul3A_104] : memref<320000xi32, #tpu.memory_space<hbm>> -> memref<128xi32, #tpu.memory_space<hbm>>
        %dma_start3A_113 = arith.constant 0 : i32
        %dma_start3A_114 = tpu.memref_slice %arg5[%scan3A_91, %dma_start3A_113] : memref<80x128xi32, #tpu.memory_space<vmem>> -> memref<1x128xi32, #tpu.memory_space<vmem>>
        %dma_start3A_115 = tpu.memref_squeeze %dma_start3A_114 : memref<1x128xi32, #tpu.memory_space<vmem>> -> memref<128xi32, #tpu.memory_space<vmem>>
        %dma_start3A_116 = arith.constant 0 : i32
        %dma_start3A_117 = tpu.memref_slice %arg3[%dma_start3A_105, %dma_start3A_116] : memref<2x320000xi32, #tpu.memory_space<hbm>> -> memref<1x320000xi32, #tpu.memory_space<hbm>>
        %dma_start3A_118 = tpu.memref_squeeze %dma_start3A_117 : memref<1x320000xi32, #tpu.memory_space<hbm>> -> memref<320000xi32, #tpu.memory_space<hbm>>
        %dma_start3A_119 = tpu.memref_slice %dma_start3A_118[%mul3A_104] : memref<320000xi32, #tpu.memory_space<hbm>> -> memref<128xi32, #tpu.memory_space<hbm>>
        tpu.enqueue_dma source(%dma_start3A_119 : memref<128xi32, #tpu.memory_space<hbm>>) target(%dma_start3A_115 : memref<128xi32, #tpu.memory_space<vmem>>) target_semaphore(%arg15 : memref<!tpu.dma_semaphore, #tpu.memory_space<semaphore_mem>>)
      } else {
      }
    }
    %scan3A_9 = arith.constant 80 : i32
    %scan3A_10 = arith.constant 0 : i32
    %scan3A_11 = arith.constant 0 : i32
    %scan3A_12 = arith.constant 80 : i32
    %scan3A_13 = arith.addi %scan3A_11, %scan3A_12 : i32
    %scan3A_14 = arith.constant 1 : i32
    scf.for %scan3A_91 = %scan3A_11 to %scan3A_13 step %scan3A_14  : i32 {
      %mul3A_92 = arith.constant 32 : i32
      %mul3A_93 = arith.muli %mul3A_92, %scan3A_91 : i32
      %add3A_94 = arith.addi %add3A, %mul3A_93 : i32
      %lt3A_95 = arith.constant 2500 : i32
      %lt3A_96 = arith.cmpi slt, %add3A_94, %lt3A_95 : i32
      %convert_element_type3A_97 = arith.extui %lt3A_96 : i1 to i32
      %cond3A_98 = arith.constant 0 : i32
      %cond3A_99 = arith.cmpi ne, %convert_element_type3A_97, %cond3A_98 : i32
      scf.if %cond3A_99 {
        %dma_wait3A = arith.constant 0 : i32
        %dma_wait3A_100 = arith.constant 0 : i32
        %dma_wait3A_101 = arith.constant 0 : i32
        %dma_wait3A_102 = tpu.memref_slice %arg5[%dma_wait3A_100, %dma_wait3A_101] : memref<80x128xi32, #tpu.memory_space<vmem>> -> memref<1x128xi32, #tpu.memory_space<vmem>>
        %dma_wait3A_103 = tpu.memref_squeeze %dma_wait3A_102 : memref<1x128xi32, #tpu.memory_space<vmem>> -> memref<128xi32, #tpu.memory_space<vmem>>
        %dma_wait3A_104 = arith.constant 0 : i32
        %dma_wait3A_105 = tpu.memref_slice %arg3[%dma_wait3A, %dma_wait3A_104] : memref<2x320000xi32, #tpu.memory_space<hbm>> -> memref<1x320000xi32, #tpu.memory_space<hbm>>
        %dma_wait3A_106 = tpu.memref_squeeze %dma_wait3A_105 : memref<1x320000xi32, #tpu.memory_space<hbm>> -> memref<320000xi32, #tpu.memory_space<hbm>>
        %dma_wait3A_107 = arith.constant 0 : i32
        %dma_wait3A_108 = tpu.memref_slice %dma_wait3A_106[%dma_wait3A_107] : memref<320000xi32, #tpu.memory_space<hbm>> -> memref<128xi32, #tpu.memory_space<hbm>>
        %dma_wait3A_109 = arith.constant 0 : i32
        %dma_wait3A_110 = tpu.memref_slice %arg5[%dma_wait3A_100, %dma_wait3A_109] : memref<80x128xi32, #tpu.memory_space<vmem>> -> memref<1x128xi32, #tpu.memory_space<vmem>>
        %dma_wait3A_111 = tpu.memref_squeeze %dma_wait3A_110 : memref<1x128xi32, #tpu.memory_space<vmem>> -> memref<128xi32, #tpu.memory_space<vmem>>
        %dma_wait3A_112 = arith.constant 0 : i32
        %dma_wait3A_113 = tpu.memref_slice %arg3[%dma_wait3A, %dma_wait3A_112] : memref<2x320000xi32, #tpu.memory_space<hbm>> -> memref<1x320000xi32, #tpu.memory_space<hbm>>
        %dma_wait3A_114 = tpu.memref_squeeze %dma_wait3A_113 : memref<1x320000xi32, #tpu.memory_space<hbm>> -> memref<320000xi32, #tpu.memory_space<hbm>>
        %dma_wait3A_115 = arith.constant 0 : i32
        %dma_wait3A_116 = tpu.memref_slice %dma_wait3A_114[%dma_wait3A_115] : memref<320000xi32, #tpu.memory_space<hbm>> -> memref<128xi32, #tpu.memory_space<hbm>>
        tpu.wait_dma2 semaphore(%arg15 : memref<!tpu.dma_semaphore, #tpu.memory_space<semaphore_mem>>) src(%dma_wait3A_116 : memref<128xi32, #tpu.memory_space<hbm>>) dst(%dma_wait3A_111 : memref<128xi32, #tpu.memory_space<vmem>>)
      } else {
      }
    }
    %scan3A_15 = arith.constant 80 : i32
    %scan3A_16 = arith.constant 0 : i32
    %scan3A_17 = arith.constant 0 : i32
    %scan3A_18 = arith.constant 80 : i32
    %scan3A_19 = arith.addi %scan3A_17, %scan3A_18 : i32
    %scan3A_20 = arith.constant 1 : i32
    scf.for %scan3A_91 = %scan3A_17 to %scan3A_19 step %scan3A_20  : i32 {
      %mul3A_92 = arith.constant 32 : i32
      %mul3A_93 = arith.muli %mul3A_92, %scan3A_91 : i32
      %add3A_94 = arith.addi %add3A, %mul3A_93 : i32
      %lt3A_95 = arith.constant 2500 : i32
      %lt3A_96 = arith.cmpi slt, %add3A_94, %lt3A_95 : i32
      %convert_element_type3A_97 = arith.extui %lt3A_96 : i1 to i32
      %cond3A_98 = arith.constant 0 : i32
      %cond3A_99 = arith.cmpi ne, %convert_element_type3A_97, %cond3A_98 : i32
      scf.if %cond3A_99 {
        %mul3A_100 = arith.constant 32 : i32
        %mul3A_101 = arith.muli %mul3A_100, %scan3A_91 : i32
        %add3A_102 = arith.addi %add3A, %mul3A_101 : i32
        %mul3A_103 = arith.constant 128 : i32
        %mul3A_104 = arith.muli %add3A_102, %mul3A_103 : i32
        %dma_start3A_105 = arith.constant 1 : i32
        %dma_start3A_106 = arith.constant 0 : i32
        %dma_start3A_107 = tpu.memref_slice %arg6[%scan3A_91, %dma_start3A_106] : memref<80x128xi32, #tpu.memory_space<vmem>> -> memref<1x128xi32, #tpu.memory_space<vmem>>
        %dma_start3A_108 = tpu.memref_squeeze %dma_start3A_107 : memref<1x128xi32, #tpu.memory_space<vmem>> -> memref<128xi32, #tpu.memory_space<vmem>>
        %dma_start3A_109 = arith.constant 0 : i32
        %dma_start3A_110 = tpu.memref_slice %arg3[%dma_start3A_105, %dma_start3A_109] : memref<2x320000xi32, #tpu.memory_space<hbm>> -> memref<1x320000xi32, #tpu.memory_space<hbm>>
        %dma_start3A_111 = tpu.memref_squeeze %dma_start3A_110 : memref<1x320000xi32, #tpu.memory_space<hbm>> -> memref<320000xi32, #tpu.memory_space<hbm>>
        %dma_start3A_112 = tpu.memref_slice %dma_start3A_111[%mul3A_104] : memref<320000xi32, #tpu.memory_space<hbm>> -> memref<128xi32, #tpu.memory_space<hbm>>
        %dma_start3A_113 = arith.constant 0 : i32
        %dma_start3A_114 = tpu.memref_slice %arg6[%scan3A_91, %dma_start3A_113] : memref<80x128xi32, #tpu.memory_space<vmem>> -> memref<1x128xi32, #tpu.memory_space<vmem>>
        %dma_start3A_115 = tpu.memref_squeeze %dma_start3A_114 : memref<1x128xi32, #tpu.memory_space<vmem>> -> memref<128xi32, #tpu.memory_space<vmem>>
        %dma_start3A_116 = arith.constant 0 : i32
        %dma_start3A_117 = tpu.memref_slice %arg3[%dma_start3A_105, %dma_start3A_116] : memref<2x320000xi32, #tpu.memory_space<hbm>> -> memref<1x320000xi32, #tpu.memory_space<hbm>>
        %dma_start3A_118 = tpu.memref_squeeze %dma_start3A_117 : memref<1x320000xi32, #tpu.memory_space<hbm>> -> memref<320000xi32, #tpu.memory_space<hbm>>
        %dma_start3A_119 = tpu.memref_slice %dma_start3A_118[%mul3A_104] : memref<320000xi32, #tpu.memory_space<hbm>> -> memref<128xi32, #tpu.memory_space<hbm>>
        tpu.enqueue_dma source(%dma_start3A_119 : memref<128xi32, #tpu.memory_space<hbm>>) target(%dma_start3A_115 : memref<128xi32, #tpu.memory_space<vmem>>) target_semaphore(%arg15 : memref<!tpu.dma_semaphore, #tpu.memory_space<semaphore_mem>>)
      } else {
      }
    }
    %scan3A_21 = arith.constant 80 : i32
    %scan3A_22 = arith.constant 0 : i32
    %scan3A_23 = arith.constant 0 : i32
    %scan3A_24 = arith.constant 80 : i32
    %scan3A_25 = arith.addi %scan3A_23, %scan3A_24 : i32
    %scan3A_26 = arith.constant 1 : i32
    scf.for %scan3A_91 = %scan3A_23 to %scan3A_25 step %scan3A_26  : i32 {
      %mul3A_92 = arith.constant 32 : i32
      %mul3A_93 = arith.muli %mul3A_92, %scan3A_91 : i32
      %add3A_94 = arith.addi %add3A, %mul3A_93 : i32
      %lt3A_95 = arith.constant 2500 : i32
      %lt3A_96 = arith.cmpi slt, %add3A_94, %lt3A_95 : i32
      %convert_element_type3A_97 = arith.extui %lt3A_96 : i1 to i32
      %cond3A_98 = arith.constant 0 : i32
      %cond3A_99 = arith.cmpi ne, %convert_element_type3A_97, %cond3A_98 : i32
      scf.if %cond3A_99 {
        %dma_wait3A = arith.constant 1 : i32
        %dma_wait3A_100 = arith.constant 0 : i32
        %dma_wait3A_101 = arith.constant 0 : i32
        %dma_wait3A_102 = tpu.memref_slice %arg6[%dma_wait3A_100, %dma_wait3A_101] : memref<80x128xi32, #tpu.memory_space<vmem>> -> memref<1x128xi32, #tpu.memory_space<vmem>>
        %dma_wait3A_103 = tpu.memref_squeeze %dma_wait3A_102 : memref<1x128xi32, #tpu.memory_space<vmem>> -> memref<128xi32, #tpu.memory_space<vmem>>
        %dma_wait3A_104 = arith.constant 0 : i32
        %dma_wait3A_105 = tpu.memref_slice %arg3[%dma_wait3A, %dma_wait3A_104] : memref<2x320000xi32, #tpu.memory_space<hbm>> -> memref<1x320000xi32, #tpu.memory_space<hbm>>
        %dma_wait3A_106 = tpu.memref_squeeze %dma_wait3A_105 : memref<1x320000xi32, #tpu.memory_space<hbm>> -> memref<320000xi32, #tpu.memory_space<hbm>>
        %dma_wait3A_107 = arith.constant 0 : i32
        %dma_wait3A_108 = tpu.memref_slice %dma_wait3A_106[%dma_wait3A_107] : memref<320000xi32, #tpu.memory_space<hbm>> -> memref<128xi32, #tpu.memory_space<hbm>>
        %dma_wait3A_109 = arith.constant 0 : i32
        %dma_wait3A_110 = tpu.memref_slice %arg6[%dma_wait3A_100, %dma_wait3A_109] : memref<80x128xi32, #tpu.memory_space<vmem>> -> memref<1x128xi32, #tpu.memory_space<vmem>>
        %dma_wait3A_111 = tpu.memref_squeeze %dma_wait3A_110 : memref<1x128xi32, #tpu.memory_space<vmem>> -> memref<128xi32, #tpu.memory_space<vmem>>
        %dma_wait3A_112 = arith.constant 0 : i32
        %dma_wait3A_113 = tpu.memref_slice %arg3[%dma_wait3A, %dma_wait3A_112] : memref<2x320000xi32, #tpu.memory_space<hbm>> -> memref<1x320000xi32, #tpu.memory_space<hbm>>
        %dma_wait3A_114 = tpu.memref_squeeze %dma_wait3A_113 : memref<1x320000xi32, #tpu.memory_space<hbm>> -> memref<320000xi32, #tpu.memory_space<hbm>>
        %dma_wait3A_115 = arith.constant 0 : i32
        %dma_wait3A_116 = tpu.memref_slice %dma_wait3A_114[%dma_wait3A_115] : memref<320000xi32, #tpu.memory_space<hbm>> -> memref<128xi32, #tpu.memory_space<hbm>>
        tpu.wait_dma2 semaphore(%arg15 : memref<!tpu.dma_semaphore, #tpu.memory_space<semaphore_mem>>) src(%dma_wait3A_116 : memref<128xi32, #tpu.memory_space<hbm>>) dst(%dma_wait3A_111 : memref<128xi32, #tpu.memory_space<vmem>>)
      } else {
      }
    }
    %scan3A_27 = arith.constant 80 : i32
    %barrier3A = arith.constant 0 : index
    tpu.barrier barrier_id(%barrier3A)
    %dma_start3A = arith.constant 0 : i32
    %dma_start3A_28 = arith.constant 0 : i32
    %dma_start3A_29 = tpu.memref_slice %arg5[%dma_start3A, %dma_start3A_28] : memref<80x128xi32, #tpu.memory_space<vmem>> -> memref<1x128xi32, #tpu.memory_space<vmem>>
    %dma_start3A_30 = tpu.memref_squeeze %dma_start3A_29 : memref<1x128xi32, #tpu.memory_space<vmem>> -> memref<128xi32, #tpu.memory_space<vmem>>
    %dma_start3A_31 = arith.constant 0 : i32
    %dma_start3A_32 = arith.constant 0 : i32
    %dma_start3A_33 = tpu.memref_slice %arg2[%dma_start3A_31, %dma_start3A_32] : memref<10240x16xf32, #tpu.memory_space<hbm>> -> memref<10240x16xf32, #tpu.memory_space<hbm>>
    tpu.enqueue_indirect_dma source(%dma_start3A_33 : memref<10240x16xf32, #tpu.memory_space<hbm>>) target(%arg7 : memref<128x16xf32, #tpu.memory_space<vmem>>) offsets(%dma_start3A_30 : memref<128xi32, #tpu.memory_space<vmem>>) semaphore(%arg16 : memref<!tpu.dma_semaphore, #tpu.memory_space<semaphore_mem>>)
    %dma_start3A_34 = arith.constant 1 : i32
    %dma_start3A_35 = arith.constant 0 : i32
    %dma_start3A_36 = tpu.memref_slice %arg5[%dma_start3A_34, %dma_start3A_35] : memref<80x128xi32, #tpu.memory_space<vmem>> -> memref<1x128xi32, #tpu.memory_space<vmem>>
    %dma_start3A_37 = tpu.memref_squeeze %dma_start3A_36 : memref<1x128xi32, #tpu.memory_space<vmem>> -> memref<128xi32, #tpu.memory_space<vmem>>
    %dma_start3A_38 = arith.constant 0 : i32
    %dma_start3A_39 = arith.constant 0 : i32
    %dma_start3A_40 = tpu.memref_slice %arg2[%dma_start3A_38, %dma_start3A_39] : memref<10240x16xf32, #tpu.memory_space<hbm>> -> memref<10240x16xf32, #tpu.memory_space<hbm>>
    tpu.enqueue_indirect_dma source(%dma_start3A_40 : memref<10240x16xf32, #tpu.memory_space<hbm>>) target(%arg8 : memref<128x16xf32, #tpu.memory_space<vmem>>) offsets(%dma_start3A_37 : memref<128xi32, #tpu.memory_space<vmem>>) semaphore(%arg17 : memref<!tpu.dma_semaphore, #tpu.memory_space<semaphore_mem>>)
    %dma_start3A_41 = arith.constant 2 : i32
    %dma_start3A_42 = arith.constant 0 : i32
    %dma_start3A_43 = tpu.memref_slice %arg5[%dma_start3A_41, %dma_start3A_42] : memref<80x128xi32, #tpu.memory_space<vmem>> -> memref<1x128xi32, #tpu.memory_space<vmem>>
    %dma_start3A_44 = tpu.memref_squeeze %dma_start3A_43 : memref<1x128xi32, #tpu.memory_space<vmem>> -> memref<128xi32, #tpu.memory_space<vmem>>
    %dma_start3A_45 = arith.constant 0 : i32
    %dma_start3A_46 = arith.constant 0 : i32
    %dma_start3A_47 = tpu.memref_slice %arg2[%dma_start3A_45, %dma_start3A_46] : memref<10240x16xf32, #tpu.memory_space<hbm>> -> memref<10240x16xf32, #tpu.memory_space<hbm>>
    tpu.enqueue_indirect_dma source(%dma_start3A_47 : memref<10240x16xf32, #tpu.memory_space<hbm>>) target(%arg9 : memref<128x16xf32, #tpu.memory_space<vmem>>) offsets(%dma_start3A_44 : memref<128xi32, #tpu.memory_space<vmem>>) semaphore(%arg18 : memref<!tpu.dma_semaphore, #tpu.memory_space<semaphore_mem>>)
    %dma_start3A_48 = arith.constant 3 : i32
    %dma_start3A_49 = arith.constant 0 : i32
    %dma_start3A_50 = tpu.memref_slice %arg5[%dma_start3A_48, %dma_start3A_49] : memref<80x128xi32, #tpu.memory_space<vmem>> -> memref<1x128xi32, #tpu.memory_space<vmem>>
    %dma_start3A_51 = tpu.memref_squeeze %dma_start3A_50 : memref<1x128xi32, #tpu.memory_space<vmem>> -> memref<128xi32, #tpu.memory_space<vmem>>
    %dma_start3A_52 = arith.constant 0 : i32
    %dma_start3A_53 = arith.constant 0 : i32
    %dma_start3A_54 = tpu.memref_slice %arg2[%dma_start3A_52, %dma_start3A_53] : memref<10240x16xf32, #tpu.memory_space<hbm>> -> memref<10240x16xf32, #tpu.memory_space<hbm>>
    tpu.enqueue_indirect_dma source(%dma_start3A_54 : memref<10240x16xf32, #tpu.memory_space<hbm>>) target(%arg10 : memref<128x16xf32, #tpu.memory_space<vmem>>) offsets(%dma_start3A_51 : memref<128xi32, #tpu.memory_space<vmem>>) semaphore(%arg19 : memref<!tpu.dma_semaphore, #tpu.memory_space<semaphore_mem>>)
    %scan3A_55 = arith.constant 0 : i32
    %scan3A_56 = arith.constant 0 : i32
    %scan3A_57 = arith.constant 10 : i32
    %scan3A_58 = arith.addi %scan3A_56, %scan3A_57 : i32
    %scan3A_59 = arith.constant 1 : i32
    scf.for %scan3A_91 = %scan3A_56 to %scan3A_58 step %scan3A_59  : i32 {
      %mul3A_92 = arith.constant 8 : i32
      %mul3A_93 = arith.muli %mul3A_92, %scan3A_91 : i32
      %add3A_94 = arith.constant 0 : i32
      %add3A_95 = arith.addi %mul3A_93, %add3A_94 : i32
      %mul3A_96 = arith.constant 32 : i32
      %mul3A_97 = arith.muli %mul3A_96, %add3A_95 : i32
      %add3A_98 = arith.addi %add3A, %mul3A_97 : i32
      %lt3A_99 = arith.constant 2500 : i32
      %lt3A_100 = arith.cmpi slt, %add3A_98, %lt3A_99 : i32
      %convert_element_type3A_101 = arith.extui %lt3A_100 : i1 to i32
      %cond3A_102 = arith.constant 0 : i32
      %cond3A_103 = arith.cmpi ne, %convert_element_type3A_101, %cond3A_102 : i32
      scf.if %cond3A_103 {
        %dma_wait3A = arith.constant 0 : i32
        %dma_wait3A_409 = tpu.memref_slice %arg5[%add3A_95, %dma_wait3A] : memref<80x128xi32, #tpu.memory_space<vmem>> -> memref<1x128xi32, #tpu.memory_space<vmem>>
        %dma_wait3A_410 = tpu.memref_squeeze %dma_wait3A_409 : memref<1x128xi32, #tpu.memory_space<vmem>> -> memref<128xi32, #tpu.memory_space<vmem>>
        %dma_wait3A_411 = arith.constant 0 : i32
        %dma_wait3A_412 = arith.constant 0 : i32
        %dma_wait3A_413 = tpu.memref_slice %arg2[%dma_wait3A_411, %dma_wait3A_412] : memref<10240x16xf32, #tpu.memory_space<hbm>> -> memref<10240x16xf32, #tpu.memory_space<hbm>>
        tpu.wait_indirect_dma semaphore(%arg16 : memref<!tpu.dma_semaphore, #tpu.memory_space<semaphore_mem>>) src(%dma_wait3A_413 : memref<10240x16xf32, #tpu.memory_space<hbm>>) dst(%arg7 : memref<128x16xf32, #tpu.memory_space<vmem>>)
        %dma_start3A_414 = arith.constant 0 : i32
        %dma_start3A_415 = tpu.memref_slice %arg6[%add3A_95, %dma_start3A_414] : memref<80x128xi32, #tpu.memory_space<vmem>> -> memref<1x128xi32, #tpu.memory_space<vmem>>
        %dma_start3A_416 = tpu.memref_squeeze %dma_start3A_415 : memref<1x128xi32, #tpu.memory_space<vmem>> -> memref<128xi32, #tpu.memory_space<vmem>>
        %dma_start3A_417 = arith.constant 0 : i32
        %dma_start3A_418 = arith.constant 0 : i32
        %dma_start3A_419 = tpu.memref_slice %arg32[%dma_start3A_417, %dma_start3A_418] : memref<10240x16xf32, #tpu.memory_space<vmem_shared>> -> memref<10240x16xf32, #tpu.memory_space<vmem_shared>>
        tpu.enqueue_indirect_dma source(%arg7 : memref<128x16xf32, #tpu.memory_space<vmem>>) target(%dma_start3A_419 : memref<10240x16xf32, #tpu.memory_space<vmem_shared>>) offsets(%dma_start3A_416 : memref<128xi32, #tpu.memory_space<vmem>>) semaphore(%arg24 : memref<!tpu.dma_semaphore, #tpu.memory_space<semaphore_mem>>) {add = true}
      } else {
      }
      %ge3A = arith.constant 4 : i32
      %ge3A_104 = arith.cmpi sge, %add3A_95, %ge3A : i32
      %sub3A = arith.constant 4 : i32
      %sub3A_105 = arith.subi %add3A_95, %sub3A : i32
      %mul3A_106 = arith.constant 32 : i32
      %mul3A_107 = arith.muli %mul3A_106, %sub3A_105 : i32
      %add3A_108 = arith.addi %add3A, %mul3A_107 : i32
      %lt3A_109 = arith.constant 2500 : i32
      %lt3A_110 = arith.cmpi slt, %add3A_108, %lt3A_109 : i32
      %and3A = arith.andi %ge3A_104, %lt3A_110 : i1
      %convert_element_type3A_111 = arith.extui %and3A : i1 to i32
      %cond3A_112 = arith.constant 0 : i32
      %cond3A_113 = arith.cmpi ne, %convert_element_type3A_111, %cond3A_112 : i32
      scf.if %cond3A_113 {
        %sub3A_409 = arith.constant 4 : i32
        %sub3A_410 = arith.subi %add3A_95, %sub3A_409 : i32
        %dma_wait3A = arith.constant 0 : i32
        %dma_wait3A_411 = tpu.memref_slice %arg6[%sub3A_410, %dma_wait3A] : memref<80x128xi32, #tpu.memory_space<vmem>> -> memref<1x128xi32, #tpu.memory_space<vmem>>
        %dma_wait3A_412 = tpu.memref_squeeze %dma_wait3A_411 : memref<1x128xi32, #tpu.memory_space<vmem>> -> memref<128xi32, #tpu.memory_space<vmem>>
        %dma_wait3A_413 = arith.constant 0 : i32
        %dma_wait3A_414 = arith.constant 0 : i32
        %dma_wait3A_415 = tpu.memref_slice %arg32[%dma_wait3A_413, %dma_wait3A_414] : memref<10240x16xf32, #tpu.memory_space<vmem_shared>> -> memref<10240x16xf32, #tpu.memory_space<vmem_shared>>
        tpu.wait_indirect_dma semaphore(%arg28 : memref<!tpu.dma_semaphore, #tpu.memory_space<semaphore_mem>>) src(%arg11 : memref<128x16xf32, #tpu.memory_space<vmem>>) dst(%dma_wait3A_415 : memref<10240x16xf32, #tpu.memory_space<vmem_shared>>)
      } else {
      }
      %add3A_114 = arith.constant 4 : i32
      %add3A_115 = arith.addi %add3A_95, %add3A_114 : i32
      %lt3A_116 = arith.constant 80 : i32
      %lt3A_117 = arith.cmpi slt, %add3A_115, %lt3A_116 : i32
      %add3A_118 = arith.constant 4 : i32
      %add3A_119 = arith.addi %add3A_95, %add3A_118 : i32
      %mul3A_120 = arith.constant 32 : i32
      %mul3A_121 = arith.muli %mul3A_120, %add3A_119 : i32
      %add3A_122 = arith.addi %add3A, %mul3A_121 : i32
      %lt3A_123 = arith.constant 2500 : i32
      %lt3A_124 = arith.cmpi slt, %add3A_122, %lt3A_123 : i32
      %and3A_125 = arith.andi %lt3A_117, %lt3A_124 : i1
      %convert_element_type3A_126 = arith.extui %and3A_125 : i1 to i32
      %cond3A_127 = arith.constant 0 : i32
      %cond3A_128 = arith.cmpi ne, %convert_element_type3A_126, %cond3A_127 : i32
      scf.if %cond3A_128 {
        %add3A_409 = arith.constant 4 : i32
        %add3A_410 = arith.addi %add3A_95, %add3A_409 : i32
        %dma_start3A_411 = arith.constant 0 : i32
        %dma_start3A_412 = tpu.memref_slice %arg5[%add3A_410, %dma_start3A_411] : memref<80x128xi32, #tpu.memory_space<vmem>> -> memref<1x128xi32, #tpu.memory_space<vmem>>
        %dma_start3A_413 = tpu.memref_squeeze %dma_start3A_412 : memref<1x128xi32, #tpu.memory_space<vmem>> -> memref<128xi32, #tpu.memory_space<vmem>>
        %dma_start3A_414 = arith.constant 0 : i32
        %dma_start3A_415 = arith.constant 0 : i32
        %dma_start3A_416 = tpu.memref_slice %arg2[%dma_start3A_414, %dma_start3A_415] : memref<10240x16xf32, #tpu.memory_space<hbm>> -> memref<10240x16xf32, #tpu.memory_space<hbm>>
        tpu.enqueue_indirect_dma source(%dma_start3A_416 : memref<10240x16xf32, #tpu.memory_space<hbm>>) target(%arg11 : memref<128x16xf32, #tpu.memory_space<vmem>>) offsets(%dma_start3A_413 : memref<128xi32, #tpu.memory_space<vmem>>) semaphore(%arg20 : memref<!tpu.dma_semaphore, #tpu.memory_space<semaphore_mem>>)
      } else {
      }
      %mul3A_129 = arith.constant 8 : i32
      %mul3A_130 = arith.muli %mul3A_129, %scan3A_91 : i32
      %add3A_131 = arith.constant 1 : i32
      %add3A_132 = arith.addi %mul3A_130, %add3A_131 : i32
      %mul3A_133 = arith.constant 32 : i32
      %mul3A_134 = arith.muli %mul3A_133, %add3A_132 : i32
      %add3A_135 = arith.addi %add3A, %mul3A_134 : i32
      %lt3A_136 = arith.constant 2500 : i32
      %lt3A_137 = arith.cmpi slt, %add3A_135, %lt3A_136 : i32
      %convert_element_type3A_138 = arith.extui %lt3A_137 : i1 to i32
      %cond3A_139 = arith.constant 0 : i32
      %cond3A_140 = arith.cmpi ne, %convert_element_type3A_138, %cond3A_139 : i32
      scf.if %cond3A_140 {
        %dma_wait3A = arith.constant 0 : i32
        %dma_wait3A_409 = tpu.memref_slice %arg5[%add3A_132, %dma_wait3A] : memref<80x128xi32, #tpu.memory_space<vmem>> -> memref<1x128xi32, #tpu.memory_space<vmem>>
        %dma_wait3A_410 = tpu.memref_squeeze %dma_wait3A_409 : memref<1x128xi32, #tpu.memory_space<vmem>> -> memref<128xi32, #tpu.memory_space<vmem>>
        %dma_wait3A_411 = arith.constant 0 : i32
        %dma_wait3A_412 = arith.constant 0 : i32
        %dma_wait3A_413 = tpu.memref_slice %arg2[%dma_wait3A_411, %dma_wait3A_412] : memref<10240x16xf32, #tpu.memory_space<hbm>> -> memref<10240x16xf32, #tpu.memory_space<hbm>>
        tpu.wait_indirect_dma semaphore(%arg17 : memref<!tpu.dma_semaphore, #tpu.memory_space<semaphore_mem>>) src(%dma_wait3A_413 : memref<10240x16xf32, #tpu.memory_space<hbm>>) dst(%arg8 : memref<128x16xf32, #tpu.memory_space<vmem>>)
        %dma_start3A_414 = arith.constant 0 : i32
        %dma_start3A_415 = tpu.memref_slice %arg6[%add3A_132, %dma_start3A_414] : memref<80x128xi32, #tpu.memory_space<vmem>> -> memref<1x128xi32, #tpu.memory_space<vmem>>
        %dma_start3A_416 = tpu.memref_squeeze %dma_start3A_415 : memref<1x128xi32, #tpu.memory_space<vmem>> -> memref<128xi32, #tpu.memory_space<vmem>>
        %dma_start3A_417 = arith.constant 0 : i32
        %dma_start3A_418 = arith.constant 0 : i32
        %dma_start3A_419 = tpu.memref_slice %arg32[%dma_start3A_417, %dma_start3A_418] : memref<10240x16xf32, #tpu.memory_space<vmem_shared>> -> memref<10240x16xf32, #tpu.memory_space<vmem_shared>>
        tpu.enqueue_indirect_dma source(%arg8 : memref<128x16xf32, #tpu.memory_space<vmem>>) target(%dma_start3A_419 : memref<10240x16xf32, #tpu.memory_space<vmem_shared>>) offsets(%dma_start3A_416 : memref<128xi32, #tpu.memory_space<vmem>>) semaphore(%arg25 : memref<!tpu.dma_semaphore, #tpu.memory_space<semaphore_mem>>) {add = true}
      } else {
      }
      %ge3A_141 = arith.constant 4 : i32
      %ge3A_142 = arith.cmpi sge, %add3A_132, %ge3A_141 : i32
      %sub3A_143 = arith.constant 4 : i32
      %sub3A_144 = arith.subi %add3A_132, %sub3A_143 : i32
      %mul3A_145 = arith.constant 32 : i32
      %mul3A_146 = arith.muli %mul3A_145, %sub3A_144 : i32
      %add3A_147 = arith.addi %add3A, %mul3A_146 : i32
      %lt3A_148 = arith.constant 2500 : i32
      %lt3A_149 = arith.cmpi slt, %add3A_147, %lt3A_148 : i32
      %and3A_150 = arith.andi %ge3A_142, %lt3A_149 : i1
      %convert_element_type3A_151 = arith.extui %and3A_150 : i1 to i32
      %cond3A_152 = arith.constant 0 : i32
      %cond3A_153 = arith.cmpi ne, %convert_element_type3A_151, %cond3A_152 : i32
      scf.if %cond3A_153 {
        %sub3A_409 = arith.constant 4 : i32
        %sub3A_410 = arith.subi %add3A_132, %sub3A_409 : i32
        %dma_wait3A = arith.constant 0 : i32
        %dma_wait3A_411 = tpu.memref_slice %arg6[%sub3A_410, %dma_wait3A] : memref<80x128xi32, #tpu.memory_space<vmem>> -> memref<1x128xi32, #tpu.memory_space<vmem>>
        %dma_wait3A_412 = tpu.memref_squeeze %dma_wait3A_411 : memref<1x128xi32, #tpu.memory_space<vmem>> -> memref<128xi32, #tpu.memory_space<vmem>>
        %dma_wait3A_413 = arith.constant 0 : i32
        %dma_wait3A_414 = arith.constant 0 : i32
        %dma_wait3A_415 = tpu.memref_slice %arg32[%dma_wait3A_413, %dma_wait3A_414] : memref<10240x16xf32, #tpu.memory_space<vmem_shared>> -> memref<10240x16xf32, #tpu.memory_space<vmem_shared>>
        tpu.wait_indirect_dma semaphore(%arg29 : memref<!tpu.dma_semaphore, #tpu.memory_space<semaphore_mem>>) src(%arg12 : memref<128x16xf32, #tpu.memory_space<vmem>>) dst(%dma_wait3A_415 : memref<10240x16xf32, #tpu.memory_space<vmem_shared>>)
      } else {
      }
      %add3A_154 = arith.constant 4 : i32
      %add3A_155 = arith.addi %add3A_132, %add3A_154 : i32
      %lt3A_156 = arith.constant 80 : i32
      %lt3A_157 = arith.cmpi slt, %add3A_155, %lt3A_156 : i32
      %add3A_158 = arith.constant 4 : i32
      %add3A_159 = arith.addi %add3A_132, %add3A_158 : i32
      %mul3A_160 = arith.constant 32 : i32
      %mul3A_161 = arith.muli %mul3A_160, %add3A_159 : i32
      %add3A_162 = arith.addi %add3A, %mul3A_161 : i32
      %lt3A_163 = arith.constant 2500 : i32
      %lt3A_164 = arith.cmpi slt, %add3A_162, %lt3A_163 : i32
      %and3A_165 = arith.andi %lt3A_157, %lt3A_164 : i1
      %convert_element_type3A_166 = arith.extui %and3A_165 : i1 to i32
      %cond3A_167 = arith.constant 0 : i32
      %cond3A_168 = arith.cmpi ne, %convert_element_type3A_166, %cond3A_167 : i32
      scf.if %cond3A_168 {
        %add3A_409 = arith.constant 4 : i32
        %add3A_410 = arith.addi %add3A_132, %add3A_409 : i32
        %dma_start3A_411 = arith.constant 0 : i32
        %dma_start3A_412 = tpu.memref_slice %arg5[%add3A_410, %dma_start3A_411] : memref<80x128xi32, #tpu.memory_space<vmem>> -> memref<1x128xi32, #tpu.memory_space<vmem>>
        %dma_start3A_413 = tpu.memref_squeeze %dma_start3A_412 : memref<1x128xi32, #tpu.memory_space<vmem>> -> memref<128xi32, #tpu.memory_space<vmem>>
        %dma_start3A_414 = arith.constant 0 : i32
        %dma_start3A_415 = arith.constant 0 : i32
        %dma_start3A_416 = tpu.memref_slice %arg2[%dma_start3A_414, %dma_start3A_415] : memref<10240x16xf32, #tpu.memory_space<hbm>> -> memref<10240x16xf32, #tpu.memory_space<hbm>>
        tpu.enqueue_indirect_dma source(%dma_start3A_416 : memref<10240x16xf32, #tpu.memory_space<hbm>>) target(%arg12 : memref<128x16xf32, #tpu.memory_space<vmem>>) offsets(%dma_start3A_413 : memref<128xi32, #tpu.memory_space<vmem>>) semaphore(%arg21 : memref<!tpu.dma_semaphore, #tpu.memory_space<semaphore_mem>>)
      } else {
      }
      %mul3A_169 = arith.constant 8 : i32
      %mul3A_170 = arith.muli %mul3A_169, %scan3A_91 : i32
      %add3A_171 = arith.constant 2 : i32
      %add3A_172 = arith.addi %mul3A_170, %add3A_171 : i32
      %mul3A_173 = arith.constant 32 : i32
      %mul3A_174 = arith.muli %mul3A_173, %add3A_172 : i32
      %add3A_175 = arith.addi %add3A, %mul3A_174 : i32
      %lt3A_176 = arith.constant 2500 : i32
      %lt3A_177 = arith.cmpi slt, %add3A_175, %lt3A_176 : i32
      %convert_element_type3A_178 = arith.extui %lt3A_177 : i1 to i32
      %cond3A_179 = arith.constant 0 : i32
      %cond3A_180 = arith.cmpi ne, %convert_element_type3A_178, %cond3A_179 : i32
      scf.if %cond3A_180 {
        %dma_wait3A = arith.constant 0 : i32
        %dma_wait3A_409 = tpu.memref_slice %arg5[%add3A_172, %dma_wait3A] : memref<80x128xi32, #tpu.memory_space<vmem>> -> memref<1x128xi32, #tpu.memory_space<vmem>>
        %dma_wait3A_410 = tpu.memref_squeeze %dma_wait3A_409 : memref<1x128xi32, #tpu.memory_space<vmem>> -> memref<128xi32, #tpu.memory_space<vmem>>
        %dma_wait3A_411 = arith.constant 0 : i32
        %dma_wait3A_412 = arith.constant 0 : i32
        %dma_wait3A_413 = tpu.memref_slice %arg2[%dma_wait3A_411, %dma_wait3A_412] : memref<10240x16xf32, #tpu.memory_space<hbm>> -> memref<10240x16xf32, #tpu.memory_space<hbm>>
        tpu.wait_indirect_dma semaphore(%arg18 : memref<!tpu.dma_semaphore, #tpu.memory_space<semaphore_mem>>) src(%dma_wait3A_413 : memref<10240x16xf32, #tpu.memory_space<hbm>>) dst(%arg9 : memref<128x16xf32, #tpu.memory_space<vmem>>)
        %dma_start3A_414 = arith.constant 0 : i32
        %dma_start3A_415 = tpu.memref_slice %arg6[%add3A_172, %dma_start3A_414] : memref<80x128xi32, #tpu.memory_space<vmem>> -> memref<1x128xi32, #tpu.memory_space<vmem>>
        %dma_start3A_416 = tpu.memref_squeeze %dma_start3A_415 : memref<1x128xi32, #tpu.memory_space<vmem>> -> memref<128xi32, #tpu.memory_space<vmem>>
        %dma_start3A_417 = arith.constant 0 : i32
        %dma_start3A_418 = arith.constant 0 : i32
        %dma_start3A_419 = tpu.memref_slice %arg32[%dma_start3A_417, %dma_start3A_418] : memref<10240x16xf32, #tpu.memory_space<vmem_shared>> -> memref<10240x16xf32, #tpu.memory_space<vmem_shared>>
        tpu.enqueue_indirect_dma source(%arg9 : memref<128x16xf32, #tpu.memory_space<vmem>>) target(%dma_start3A_419 : memref<10240x16xf32, #tpu.memory_space<vmem_shared>>) offsets(%dma_start3A_416 : memref<128xi32, #tpu.memory_space<vmem>>) semaphore(%arg26 : memref<!tpu.dma_semaphore, #tpu.memory_space<semaphore_mem>>) {add = true}
      } else {
      }
      %ge3A_181 = arith.constant 4 : i32
      %ge3A_182 = arith.cmpi sge, %add3A_172, %ge3A_181 : i32
      %sub3A_183 = arith.constant 4 : i32
      %sub3A_184 = arith.subi %add3A_172, %sub3A_183 : i32
      %mul3A_185 = arith.constant 32 : i32
      %mul3A_186 = arith.muli %mul3A_185, %sub3A_184 : i32
      %add3A_187 = arith.addi %add3A, %mul3A_186 : i32
      %lt3A_188 = arith.constant 2500 : i32
      %lt3A_189 = arith.cmpi slt, %add3A_187, %lt3A_188 : i32
      %and3A_190 = arith.andi %ge3A_182, %lt3A_189 : i1
      %convert_element_type3A_191 = arith.extui %and3A_190 : i1 to i32
      %cond3A_192 = arith.constant 0 : i32
      %cond3A_193 = arith.cmpi ne, %convert_element_type3A_191, %cond3A_192 : i32
      scf.if %cond3A_193 {
        %sub3A_409 = arith.constant 4 : i32
        %sub3A_410 = arith.subi %add3A_172, %sub3A_409 : i32
        %dma_wait3A = arith.constant 0 : i32
        %dma_wait3A_411 = tpu.memref_slice %arg6[%sub3A_410, %dma_wait3A] : memref<80x128xi32, #tpu.memory_space<vmem>> -> memref<1x128xi32, #tpu.memory_space<vmem>>
        %dma_wait3A_412 = tpu.memref_squeeze %dma_wait3A_411 : memref<1x128xi32, #tpu.memory_space<vmem>> -> memref<128xi32, #tpu.memory_space<vmem>>
        %dma_wait3A_413 = arith.constant 0 : i32
        %dma_wait3A_414 = arith.constant 0 : i32
        %dma_wait3A_415 = tpu.memref_slice %arg32[%dma_wait3A_413, %dma_wait3A_414] : memref<10240x16xf32, #tpu.memory_space<vmem_shared>> -> memref<10240x16xf32, #tpu.memory_space<vmem_shared>>
        tpu.wait_indirect_dma semaphore(%arg30 : memref<!tpu.dma_semaphore, #tpu.memory_space<semaphore_mem>>) src(%arg13 : memref<128x16xf32, #tpu.memory_space<vmem>>) dst(%dma_wait3A_415 : memref<10240x16xf32, #tpu.memory_space<vmem_shared>>)
      } else {
      }
      %add3A_194 = arith.constant 4 : i32
      %add3A_195 = arith.addi %add3A_172, %add3A_194 : i32
      %lt3A_196 = arith.constant 80 : i32
      %lt3A_197 = arith.cmpi slt, %add3A_195, %lt3A_196 : i32
      %add3A_198 = arith.constant 4 : i32
      %add3A_199 = arith.addi %add3A_172, %add3A_198 : i32
      %mul3A_200 = arith.constant 32 : i32
      %mul3A_201 = arith.muli %mul3A_200, %add3A_199 : i32
      %add3A_202 = arith.addi %add3A, %mul3A_201 : i32
      %lt3A_203 = arith.constant 2500 : i32
      %lt3A_204 = arith.cmpi slt, %add3A_202, %lt3A_203 : i32
      %and3A_205 = arith.andi %lt3A_197, %lt3A_204 : i1
      %convert_element_type3A_206 = arith.extui %and3A_205 : i1 to i32
      %cond3A_207 = arith.constant 0 : i32
      %cond3A_208 = arith.cmpi ne, %convert_element_type3A_206, %cond3A_207 : i32
      scf.if %cond3A_208 {
        %add3A_409 = arith.constant 4 : i32
        %add3A_410 = arith.addi %add3A_172, %add3A_409 : i32
        %dma_start3A_411 = arith.constant 0 : i32
        %dma_start3A_412 = tpu.memref_slice %arg5[%add3A_410, %dma_start3A_411] : memref<80x128xi32, #tpu.memory_space<vmem>> -> memref<1x128xi32, #tpu.memory_space<vmem>>
        %dma_start3A_413 = tpu.memref_squeeze %dma_start3A_412 : memref<1x128xi32, #tpu.memory_space<vmem>> -> memref<128xi32, #tpu.memory_space<vmem>>
        %dma_start3A_414 = arith.constant 0 : i32
        %dma_start3A_415 = arith.constant 0 : i32
        %dma_start3A_416 = tpu.memref_slice %arg2[%dma_start3A_414, %dma_start3A_415] : memref<10240x16xf32, #tpu.memory_space<hbm>> -> memref<10240x16xf32, #tpu.memory_space<hbm>>
        tpu.enqueue_indirect_dma source(%dma_start3A_416 : memref<10240x16xf32, #tpu.memory_space<hbm>>) target(%arg13 : memref<128x16xf32, #tpu.memory_space<vmem>>) offsets(%dma_start3A_413 : memref<128xi32, #tpu.memory_space<vmem>>) semaphore(%arg22 : memref<!tpu.dma_semaphore, #tpu.memory_space<semaphore_mem>>)
      } else {
      }
      %mul3A_209 = arith.constant 8 : i32
      %mul3A_210 = arith.muli %mul3A_209, %scan3A_91 : i32
      %add3A_211 = arith.constant 3 : i32
      %add3A_212 = arith.addi %mul3A_210, %add3A_211 : i32
      %mul3A_213 = arith.constant 32 : i32
      %mul3A_214 = arith.muli %mul3A_213, %add3A_212 : i32
      %add3A_215 = arith.addi %add3A, %mul3A_214 : i32
      %lt3A_216 = arith.constant 2500 : i32
      %lt3A_217 = arith.cmpi slt, %add3A_215, %lt3A_216 : i32
      %convert_element_type3A_218 = arith.extui %lt3A_217 : i1 to i32
      %cond3A_219 = arith.constant 0 : i32
      %cond3A_220 = arith.cmpi ne, %convert_element_type3A_218, %cond3A_219 : i32
      scf.if %cond3A_220 {
        %dma_wait3A = arith.constant 0 : i32
        %dma_wait3A_409 = tpu.memref_slice %arg5[%add3A_212, %dma_wait3A] : memref<80x128xi32, #tpu.memory_space<vmem>> -> memref<1x128xi32, #tpu.memory_space<vmem>>
        %dma_wait3A_410 = tpu.memref_squeeze %dma_wait3A_409 : memref<1x128xi32, #tpu.memory_space<vmem>> -> memref<128xi32, #tpu.memory_space<vmem>>
        %dma_wait3A_411 = arith.constant 0 : i32
        %dma_wait3A_412 = arith.constant 0 : i32
        %dma_wait3A_413 = tpu.memref_slice %arg2[%dma_wait3A_411, %dma_wait3A_412] : memref<10240x16xf32, #tpu.memory_space<hbm>> -> memref<10240x16xf32, #tpu.memory_space<hbm>>
        tpu.wait_indirect_dma semaphore(%arg19 : memref<!tpu.dma_semaphore, #tpu.memory_space<semaphore_mem>>) src(%dma_wait3A_413 : memref<10240x16xf32, #tpu.memory_space<hbm>>) dst(%arg10 : memref<128x16xf32, #tpu.memory_space<vmem>>)
        %dma_start3A_414 = arith.constant 0 : i32
        %dma_start3A_415 = tpu.memref_slice %arg6[%add3A_212, %dma_start3A_414] : memref<80x128xi32, #tpu.memory_space<vmem>> -> memref<1x128xi32, #tpu.memory_space<vmem>>
        %dma_start3A_416 = tpu.memref_squeeze %dma_start3A_415 : memref<1x128xi32, #tpu.memory_space<vmem>> -> memref<128xi32, #tpu.memory_space<vmem>>
        %dma_start3A_417 = arith.constant 0 : i32
        %dma_start3A_418 = arith.constant 0 : i32
        %dma_start3A_419 = tpu.memref_slice %arg32[%dma_start3A_417, %dma_start3A_418] : memref<10240x16xf32, #tpu.memory_space<vmem_shared>> -> memref<10240x16xf32, #tpu.memory_space<vmem_shared>>
        tpu.enqueue_indirect_dma source(%arg10 : memref<128x16xf32, #tpu.memory_space<vmem>>) target(%dma_start3A_419 : memref<10240x16xf32, #tpu.memory_space<vmem_shared>>) offsets(%dma_start3A_416 : memref<128xi32, #tpu.memory_space<vmem>>) semaphore(%arg27 : memref<!tpu.dma_semaphore, #tpu.memory_space<semaphore_mem>>) {add = true}
      } else {
      }
      %ge3A_221 = arith.constant 4 : i32
      %ge3A_222 = arith.cmpi sge, %add3A_212, %ge3A_221 : i32
      %sub3A_223 = arith.constant 4 : i32
      %sub3A_224 = arith.subi %add3A_212, %sub3A_223 : i32
      %mul3A_225 = arith.constant 32 : i32
      %mul3A_226 = arith.muli %mul3A_225, %sub3A_224 : i32
      %add3A_227 = arith.addi %add3A, %mul3A_226 : i32
      %lt3A_228 = arith.constant 2500 : i32
      %lt3A_229 = arith.cmpi slt, %add3A_227, %lt3A_228 : i32
      %and3A_230 = arith.andi %ge3A_222, %lt3A_229 : i1
      %convert_element_type3A_231 = arith.extui %and3A_230 : i1 to i32
      %cond3A_232 = arith.constant 0 : i32
      %cond3A_233 = arith.cmpi ne, %convert_element_type3A_231, %cond3A_232 : i32
      scf.if %cond3A_233 {
        %sub3A_409 = arith.constant 4 : i32
        %sub3A_410 = arith.subi %add3A_212, %sub3A_409 : i32
        %dma_wait3A = arith.constant 0 : i32
        %dma_wait3A_411 = tpu.memref_slice %arg6[%sub3A_410, %dma_wait3A] : memref<80x128xi32, #tpu.memory_space<vmem>> -> memref<1x128xi32, #tpu.memory_space<vmem>>
        %dma_wait3A_412 = tpu.memref_squeeze %dma_wait3A_411 : memref<1x128xi32, #tpu.memory_space<vmem>> -> memref<128xi32, #tpu.memory_space<vmem>>
        %dma_wait3A_413 = arith.constant 0 : i32
        %dma_wait3A_414 = arith.constant 0 : i32
        %dma_wait3A_415 = tpu.memref_slice %arg32[%dma_wait3A_413, %dma_wait3A_414] : memref<10240x16xf32, #tpu.memory_space<vmem_shared>> -> memref<10240x16xf32, #tpu.memory_space<vmem_shared>>
        tpu.wait_indirect_dma semaphore(%arg31 : memref<!tpu.dma_semaphore, #tpu.memory_space<semaphore_mem>>) src(%arg14 : memref<128x16xf32, #tpu.memory_space<vmem>>) dst(%dma_wait3A_415 : memref<10240x16xf32, #tpu.memory_space<vmem_shared>>)
      } else {
      }
      %add3A_234 = arith.constant 4 : i32
      %add3A_235 = arith.addi %add3A_212, %add3A_234 : i32
      %lt3A_236 = arith.constant 80 : i32
      %lt3A_237 = arith.cmpi slt, %add3A_235, %lt3A_236 : i32
      %add3A_238 = arith.constant 4 : i32
      %add3A_239 = arith.addi %add3A_212, %add3A_238 : i32
      %mul3A_240 = arith.constant 32 : i32
      %mul3A_241 = arith.muli %mul3A_240, %add3A_239 : i32
      %add3A_242 = arith.addi %add3A, %mul3A_241 : i32
      %lt3A_243 = arith.constant 2500 : i32
      %lt3A_244 = arith.cmpi slt, %add3A_242, %lt3A_243 : i32
      %and3A_245 = arith.andi %lt3A_237, %lt3A_244 : i1
      %convert_element_type3A_246 = arith.extui %and3A_245 : i1 to i32
      %cond3A_247 = arith.constant 0 : i32
      %cond3A_248 = arith.cmpi ne, %convert_element_type3A_246, %cond3A_247 : i32
      scf.if %cond3A_248 {
        %add3A_409 = arith.constant 4 : i32
        %add3A_410 = arith.addi %add3A_212, %add3A_409 : i32
        %dma_start3A_411 = arith.constant 0 : i32
        %dma_start3A_412 = tpu.memref_slice %arg5[%add3A_410, %dma_start3A_411] : memref<80x128xi32, #tpu.memory_space<vmem>> -> memref<1x128xi32, #tpu.memory_space<vmem>>
        %dma_start3A_413 = tpu.memref_squeeze %dma_start3A_412 : memref<1x128xi32, #tpu.memory_space<vmem>> -> memref<128xi32, #tpu.memory_space<vmem>>
        %dma_start3A_414 = arith.constant 0 : i32
        %dma_start3A_415 = arith.constant 0 : i32
        %dma_start3A_416 = tpu.memref_slice %arg2[%dma_start3A_414, %dma_start3A_415] : memref<10240x16xf32, #tpu.memory_space<hbm>> -> memref<10240x16xf32, #tpu.memory_space<hbm>>
        tpu.enqueue_indirect_dma source(%dma_start3A_416 : memref<10240x16xf32, #tpu.memory_space<hbm>>) target(%arg14 : memref<128x16xf32, #tpu.memory_space<vmem>>) offsets(%dma_start3A_413 : memref<128xi32, #tpu.memory_space<vmem>>) semaphore(%arg23 : memref<!tpu.dma_semaphore, #tpu.memory_space<semaphore_mem>>)
      } else {
      }
      %mul3A_249 = arith.constant 8 : i32
      %mul3A_250 = arith.muli %mul3A_249, %scan3A_91 : i32
      %add3A_251 = arith.constant 4 : i32
      %add3A_252 = arith.addi %mul3A_250, %add3A_251 : i32
      %mul3A_253 = arith.constant 32 : i32
      %mul3A_254 = arith.muli %mul3A_253, %add3A_252 : i32
      %add3A_255 = arith.addi %add3A, %mul3A_254 : i32
      %lt3A_256 = arith.constant 2500 : i32
      %lt3A_257 = arith.cmpi slt, %add3A_255, %lt3A_256 : i32
      %convert_element_type3A_258 = arith.extui %lt3A_257 : i1 to i32
      %cond3A_259 = arith.constant 0 : i32
      %cond3A_260 = arith.cmpi ne, %convert_element_type3A_258, %cond3A_259 : i32
      scf.if %cond3A_260 {
        %dma_wait3A = arith.constant 0 : i32
        %dma_wait3A_409 = tpu.memref_slice %arg5[%add3A_252, %dma_wait3A] : memref<80x128xi32, #tpu.memory_space<vmem>> -> memref<1x128xi32, #tpu.memory_space<vmem>>
        %dma_wait3A_410 = tpu.memref_squeeze %dma_wait3A_409 : memref<1x128xi32, #tpu.memory_space<vmem>> -> memref<128xi32, #tpu.memory_space<vmem>>
        %dma_wait3A_411 = arith.constant 0 : i32
        %dma_wait3A_412 = arith.constant 0 : i32
        %dma_wait3A_413 = tpu.memref_slice %arg2[%dma_wait3A_411, %dma_wait3A_412] : memref<10240x16xf32, #tpu.memory_space<hbm>> -> memref<10240x16xf32, #tpu.memory_space<hbm>>
        tpu.wait_indirect_dma semaphore(%arg20 : memref<!tpu.dma_semaphore, #tpu.memory_space<semaphore_mem>>) src(%dma_wait3A_413 : memref<10240x16xf32, #tpu.memory_space<hbm>>) dst(%arg11 : memref<128x16xf32, #tpu.memory_space<vmem>>)
        %dma_start3A_414 = arith.constant 0 : i32
        %dma_start3A_415 = tpu.memref_slice %arg6[%add3A_252, %dma_start3A_414] : memref<80x128xi32, #tpu.memory_space<vmem>> -> memref<1x128xi32, #tpu.memory_space<vmem>>
        %dma_start3A_416 = tpu.memref_squeeze %dma_start3A_415 : memref<1x128xi32, #tpu.memory_space<vmem>> -> memref<128xi32, #tpu.memory_space<vmem>>
        %dma_start3A_417 = arith.constant 0 : i32
        %dma_start3A_418 = arith.constant 0 : i32
        %dma_start3A_419 = tpu.memref_slice %arg32[%dma_start3A_417, %dma_start3A_418] : memref<10240x16xf32, #tpu.memory_space<vmem_shared>> -> memref<10240x16xf32, #tpu.memory_space<vmem_shared>>
        tpu.enqueue_indirect_dma source(%arg11 : memref<128x16xf32, #tpu.memory_space<vmem>>) target(%dma_start3A_419 : memref<10240x16xf32, #tpu.memory_space<vmem_shared>>) offsets(%dma_start3A_416 : memref<128xi32, #tpu.memory_space<vmem>>) semaphore(%arg28 : memref<!tpu.dma_semaphore, #tpu.memory_space<semaphore_mem>>) {add = true}
      } else {
      }
      %ge3A_261 = arith.constant 4 : i32
      %ge3A_262 = arith.cmpi sge, %add3A_252, %ge3A_261 : i32
      %sub3A_263 = arith.constant 4 : i32
      %sub3A_264 = arith.subi %add3A_252, %sub3A_263 : i32
      %mul3A_265 = arith.constant 32 : i32
      %mul3A_266 = arith.muli %mul3A_265, %sub3A_264 : i32
      %add3A_267 = arith.addi %add3A, %mul3A_266 : i32
      %lt3A_268 = arith.constant 2500 : i32
      %lt3A_269 = arith.cmpi slt, %add3A_267, %lt3A_268 : i32
      %and3A_270 = arith.andi %ge3A_262, %lt3A_269 : i1
      %convert_element_type3A_271 = arith.extui %and3A_270 : i1 to i32
      %cond3A_272 = arith.constant 0 : i32
      %cond3A_273 = arith.cmpi ne, %convert_element_type3A_271, %cond3A_272 : i32
      scf.if %cond3A_273 {
        %sub3A_409 = arith.constant 4 : i32
        %sub3A_410 = arith.subi %add3A_252, %sub3A_409 : i32
        %dma_wait3A = arith.constant 0 : i32
        %dma_wait3A_411 = tpu.memref_slice %arg6[%sub3A_410, %dma_wait3A] : memref<80x128xi32, #tpu.memory_space<vmem>> -> memref<1x128xi32, #tpu.memory_space<vmem>>
        %dma_wait3A_412 = tpu.memref_squeeze %dma_wait3A_411 : memref<1x128xi32, #tpu.memory_space<vmem>> -> memref<128xi32, #tpu.memory_space<vmem>>
        %dma_wait3A_413 = arith.constant 0 : i32
        %dma_wait3A_414 = arith.constant 0 : i32
        %dma_wait3A_415 = tpu.memref_slice %arg32[%dma_wait3A_413, %dma_wait3A_414] : memref<10240x16xf32, #tpu.memory_space<vmem_shared>> -> memref<10240x16xf32, #tpu.memory_space<vmem_shared>>
        tpu.wait_indirect_dma semaphore(%arg24 : memref<!tpu.dma_semaphore, #tpu.memory_space<semaphore_mem>>) src(%arg7 : memref<128x16xf32, #tpu.memory_space<vmem>>) dst(%dma_wait3A_415 : memref<10240x16xf32, #tpu.memory_space<vmem_shared>>)
      } else {
      }
      %add3A_274 = arith.constant 4 : i32
      %add3A_275 = arith.addi %add3A_252, %add3A_274 : i32
      %lt3A_276 = arith.constant 80 : i32
      %lt3A_277 = arith.cmpi slt, %add3A_275, %lt3A_276 : i32
      %add3A_278 = arith.constant 4 : i32
      %add3A_279 = arith.addi %add3A_252, %add3A_278 : i32
      %mul3A_280 = arith.constant 32 : i32
      %mul3A_281 = arith.muli %mul3A_280, %add3A_279 : i32
      %add3A_282 = arith.addi %add3A, %mul3A_281 : i32
      %lt3A_283 = arith.constant 2500 : i32
      %lt3A_284 = arith.cmpi slt, %add3A_282, %lt3A_283 : i32
      %and3A_285 = arith.andi %lt3A_277, %lt3A_284 : i1
      %convert_element_type3A_286 = arith.extui %and3A_285 : i1 to i32
      %cond3A_287 = arith.constant 0 : i32
      %cond3A_288 = arith.cmpi ne, %convert_element_type3A_286, %cond3A_287 : i32
      scf.if %cond3A_288 {
        %add3A_409 = arith.constant 4 : i32
        %add3A_410 = arith.addi %add3A_252, %add3A_409 : i32
        %dma_start3A_411 = arith.constant 0 : i32
        %dma_start3A_412 = tpu.memref_slice %arg5[%add3A_410, %dma_start3A_411] : memref<80x128xi32, #tpu.memory_space<vmem>> -> memref<1x128xi32, #tpu.memory_space<vmem>>
        %dma_start3A_413 = tpu.memref_squeeze %dma_start3A_412 : memref<1x128xi32, #tpu.memory_space<vmem>> -> memref<128xi32, #tpu.memory_space<vmem>>
        %dma_start3A_414 = arith.constant 0 : i32
        %dma_start3A_415 = arith.constant 0 : i32
        %dma_start3A_416 = tpu.memref_slice %arg2[%dma_start3A_414, %dma_start3A_415] : memref<10240x16xf32, #tpu.memory_space<hbm>> -> memref<10240x16xf32, #tpu.memory_space<hbm>>
        tpu.enqueue_indirect_dma source(%dma_start3A_416 : memref<10240x16xf32, #tpu.memory_space<hbm>>) target(%arg7 : memref<128x16xf32, #tpu.memory_space<vmem>>) offsets(%dma_start3A_413 : memref<128xi32, #tpu.memory_space<vmem>>) semaphore(%arg16 : memref<!tpu.dma_semaphore, #tpu.memory_space<semaphore_mem>>)
      } else {
      }
      %mul3A_289 = arith.constant 8 : i32
      %mul3A_290 = arith.muli %mul3A_289, %scan3A_91 : i32
      %add3A_291 = arith.constant 5 : i32
      %add3A_292 = arith.addi %mul3A_290, %add3A_291 : i32
      %mul3A_293 = arith.constant 32 : i32
      %mul3A_294 = arith.muli %mul3A_293, %add3A_292 : i32
      %add3A_295 = arith.addi %add3A, %mul3A_294 : i32
      %lt3A_296 = arith.constant 2500 : i32
      %lt3A_297 = arith.cmpi slt, %add3A_295, %lt3A_296 : i32
      %convert_element_type3A_298 = arith.extui %lt3A_297 : i1 to i32
      %cond3A_299 = arith.constant 0 : i32
      %cond3A_300 = arith.cmpi ne, %convert_element_type3A_298, %cond3A_299 : i32
      scf.if %cond3A_300 {
        %dma_wait3A = arith.constant 0 : i32
        %dma_wait3A_409 = tpu.memref_slice %arg5[%add3A_292, %dma_wait3A] : memref<80x128xi32, #tpu.memory_space<vmem>> -> memref<1x128xi32, #tpu.memory_space<vmem>>
        %dma_wait3A_410 = tpu.memref_squeeze %dma_wait3A_409 : memref<1x128xi32, #tpu.memory_space<vmem>> -> memref<128xi32, #tpu.memory_space<vmem>>
        %dma_wait3A_411 = arith.constant 0 : i32
        %dma_wait3A_412 = arith.constant 0 : i32
        %dma_wait3A_413 = tpu.memref_slice %arg2[%dma_wait3A_411, %dma_wait3A_412] : memref<10240x16xf32, #tpu.memory_space<hbm>> -> memref<10240x16xf32, #tpu.memory_space<hbm>>
        tpu.wait_indirect_dma semaphore(%arg21 : memref<!tpu.dma_semaphore, #tpu.memory_space<semaphore_mem>>) src(%dma_wait3A_413 : memref<10240x16xf32, #tpu.memory_space<hbm>>) dst(%arg12 : memref<128x16xf32, #tpu.memory_space<vmem>>)
        %dma_start3A_414 = arith.constant 0 : i32
        %dma_start3A_415 = tpu.memref_slice %arg6[%add3A_292, %dma_start3A_414] : memref<80x128xi32, #tpu.memory_space<vmem>> -> memref<1x128xi32, #tpu.memory_space<vmem>>
        %dma_start3A_416 = tpu.memref_squeeze %dma_start3A_415 : memref<1x128xi32, #tpu.memory_space<vmem>> -> memref<128xi32, #tpu.memory_space<vmem>>
        %dma_start3A_417 = arith.constant 0 : i32
        %dma_start3A_418 = arith.constant 0 : i32
        %dma_start3A_419 = tpu.memref_slice %arg32[%dma_start3A_417, %dma_start3A_418] : memref<10240x16xf32, #tpu.memory_space<vmem_shared>> -> memref<10240x16xf32, #tpu.memory_space<vmem_shared>>
        tpu.enqueue_indirect_dma source(%arg12 : memref<128x16xf32, #tpu.memory_space<vmem>>) target(%dma_start3A_419 : memref<10240x16xf32, #tpu.memory_space<vmem_shared>>) offsets(%dma_start3A_416 : memref<128xi32, #tpu.memory_space<vmem>>) semaphore(%arg29 : memref<!tpu.dma_semaphore, #tpu.memory_space<semaphore_mem>>) {add = true}
      } else {
      }
      %ge3A_301 = arith.constant 4 : i32
      %ge3A_302 = arith.cmpi sge, %add3A_292, %ge3A_301 : i32
      %sub3A_303 = arith.constant 4 : i32
      %sub3A_304 = arith.subi %add3A_292, %sub3A_303 : i32
      %mul3A_305 = arith.constant 32 : i32
      %mul3A_306 = arith.muli %mul3A_305, %sub3A_304 : i32
      %add3A_307 = arith.addi %add3A, %mul3A_306 : i32
      %lt3A_308 = arith.constant 2500 : i32
      %lt3A_309 = arith.cmpi slt, %add3A_307, %lt3A_308 : i32
      %and3A_310 = arith.andi %ge3A_302, %lt3A_309 : i1
      %convert_element_type3A_311 = arith.extui %and3A_310 : i1 to i32
      %cond3A_312 = arith.constant 0 : i32
      %cond3A_313 = arith.cmpi ne, %convert_element_type3A_311, %cond3A_312 : i32
      scf.if %cond3A_313 {
        %sub3A_409 = arith.constant 4 : i32
        %sub3A_410 = arith.subi %add3A_292, %sub3A_409 : i32
        %dma_wait3A = arith.constant 0 : i32
        %dma_wait3A_411 = tpu.memref_slice %arg6[%sub3A_410, %dma_wait3A] : memref<80x128xi32, #tpu.memory_space<vmem>> -> memref<1x128xi32, #tpu.memory_space<vmem>>
        %dma_wait3A_412 = tpu.memref_squeeze %dma_wait3A_411 : memref<1x128xi32, #tpu.memory_space<vmem>> -> memref<128xi32, #tpu.memory_space<vmem>>
        %dma_wait3A_413 = arith.constant 0 : i32
        %dma_wait3A_414 = arith.constant 0 : i32
        %dma_wait3A_415 = tpu.memref_slice %arg32[%dma_wait3A_413, %dma_wait3A_414] : memref<10240x16xf32, #tpu.memory_space<vmem_shared>> -> memref<10240x16xf32, #tpu.memory_space<vmem_shared>>
        tpu.wait_indirect_dma semaphore(%arg25 : memref<!tpu.dma_semaphore, #tpu.memory_space<semaphore_mem>>) src(%arg8 : memref<128x16xf32, #tpu.memory_space<vmem>>) dst(%dma_wait3A_415 : memref<10240x16xf32, #tpu.memory_space<vmem_shared>>)
      } else {
      }
      %add3A_314 = arith.constant 4 : i32
      %add3A_315 = arith.addi %add3A_292, %add3A_314 : i32
      %lt3A_316 = arith.constant 80 : i32
      %lt3A_317 = arith.cmpi slt, %add3A_315, %lt3A_316 : i32
      %add3A_318 = arith.constant 4 : i32
      %add3A_319 = arith.addi %add3A_292, %add3A_318 : i32
      %mul3A_320 = arith.constant 32 : i32
      %mul3A_321 = arith.muli %mul3A_320, %add3A_319 : i32
      %add3A_322 = arith.addi %add3A, %mul3A_321 : i32
      %lt3A_323 = arith.constant 2500 : i32
      %lt3A_324 = arith.cmpi slt, %add3A_322, %lt3A_323 : i32
      %and3A_325 = arith.andi %lt3A_317, %lt3A_324 : i1
      %convert_element_type3A_326 = arith.extui %and3A_325 : i1 to i32
      %cond3A_327 = arith.constant 0 : i32
      %cond3A_328 = arith.cmpi ne, %convert_element_type3A_326, %cond3A_327 : i32
      scf.if %cond3A_328 {
        %add3A_409 = arith.constant 4 : i32
        %add3A_410 = arith.addi %add3A_292, %add3A_409 : i32
        %dma_start3A_411 = arith.constant 0 : i32
        %dma_start3A_412 = tpu.memref_slice %arg5[%add3A_410, %dma_start3A_411] : memref<80x128xi32, #tpu.memory_space<vmem>> -> memref<1x128xi32, #tpu.memory_space<vmem>>
        %dma_start3A_413 = tpu.memref_squeeze %dma_start3A_412 : memref<1x128xi32, #tpu.memory_space<vmem>> -> memref<128xi32, #tpu.memory_space<vmem>>
        %dma_start3A_414 = arith.constant 0 : i32
        %dma_start3A_415 = arith.constant 0 : i32
        %dma_start3A_416 = tpu.memref_slice %arg2[%dma_start3A_414, %dma_start3A_415] : memref<10240x16xf32, #tpu.memory_space<hbm>> -> memref<10240x16xf32, #tpu.memory_space<hbm>>
        tpu.enqueue_indirect_dma source(%dma_start3A_416 : memref<10240x16xf32, #tpu.memory_space<hbm>>) target(%arg8 : memref<128x16xf32, #tpu.memory_space<vmem>>) offsets(%dma_start3A_413 : memref<128xi32, #tpu.memory_space<vmem>>) semaphore(%arg17 : memref<!tpu.dma_semaphore, #tpu.memory_space<semaphore_mem>>)
      } else {
      }
      %mul3A_329 = arith.constant 8 : i32
      %mul3A_330 = arith.muli %mul3A_329, %scan3A_91 : i32
      %add3A_331 = arith.constant 6 : i32
      %add3A_332 = arith.addi %mul3A_330, %add3A_331 : i32
      %mul3A_333 = arith.constant 32 : i32
      %mul3A_334 = arith.muli %mul3A_333, %add3A_332 : i32
      %add3A_335 = arith.addi %add3A, %mul3A_334 : i32
      %lt3A_336 = arith.constant 2500 : i32
      %lt3A_337 = arith.cmpi slt, %add3A_335, %lt3A_336 : i32
      %convert_element_type3A_338 = arith.extui %lt3A_337 : i1 to i32
      %cond3A_339 = arith.constant 0 : i32
      %cond3A_340 = arith.cmpi ne, %convert_element_type3A_338, %cond3A_339 : i32
      scf.if %cond3A_340 {
        %dma_wait3A = arith.constant 0 : i32
        %dma_wait3A_409 = tpu.memref_slice %arg5[%add3A_332, %dma_wait3A] : memref<80x128xi32, #tpu.memory_space<vmem>> -> memref<1x128xi32, #tpu.memory_space<vmem>>
        %dma_wait3A_410 = tpu.memref_squeeze %dma_wait3A_409 : memref<1x128xi32, #tpu.memory_space<vmem>> -> memref<128xi32, #tpu.memory_space<vmem>>
        %dma_wait3A_411 = arith.constant 0 : i32
        %dma_wait3A_412 = arith.constant 0 : i32
        %dma_wait3A_413 = tpu.memref_slice %arg2[%dma_wait3A_411, %dma_wait3A_412] : memref<10240x16xf32, #tpu.memory_space<hbm>> -> memref<10240x16xf32, #tpu.memory_space<hbm>>
        tpu.wait_indirect_dma semaphore(%arg22 : memref<!tpu.dma_semaphore, #tpu.memory_space<semaphore_mem>>) src(%dma_wait3A_413 : memref<10240x16xf32, #tpu.memory_space<hbm>>) dst(%arg13 : memref<128x16xf32, #tpu.memory_space<vmem>>)
        %dma_start3A_414 = arith.constant 0 : i32
        %dma_start3A_415 = tpu.memref_slice %arg6[%add3A_332, %dma_start3A_414] : memref<80x128xi32, #tpu.memory_space<vmem>> -> memref<1x128xi32, #tpu.memory_space<vmem>>
        %dma_start3A_416 = tpu.memref_squeeze %dma_start3A_415 : memref<1x128xi32, #tpu.memory_space<vmem>> -> memref<128xi32, #tpu.memory_space<vmem>>
        %dma_start3A_417 = arith.constant 0 : i32
        %dma_start3A_418 = arith.constant 0 : i32
        %dma_start3A_419 = tpu.memref_slice %arg32[%dma_start3A_417, %dma_start3A_418] : memref<10240x16xf32, #tpu.memory_space<vmem_shared>> -> memref<10240x16xf32, #tpu.memory_space<vmem_shared>>
        tpu.enqueue_indirect_dma source(%arg13 : memref<128x16xf32, #tpu.memory_space<vmem>>) target(%dma_start3A_419 : memref<10240x16xf32, #tpu.memory_space<vmem_shared>>) offsets(%dma_start3A_416 : memref<128xi32, #tpu.memory_space<vmem>>) semaphore(%arg30 : memref<!tpu.dma_semaphore, #tpu.memory_space<semaphore_mem>>) {add = true}
      } else {
      }
      %ge3A_341 = arith.constant 4 : i32
      %ge3A_342 = arith.cmpi sge, %add3A_332, %ge3A_341 : i32
      %sub3A_343 = arith.constant 4 : i32
      %sub3A_344 = arith.subi %add3A_332, %sub3A_343 : i32
      %mul3A_345 = arith.constant 32 : i32
      %mul3A_346 = arith.muli %mul3A_345, %sub3A_344 : i32
      %add3A_347 = arith.addi %add3A, %mul3A_346 : i32
      %lt3A_348 = arith.constant 2500 : i32
      %lt3A_349 = arith.cmpi slt, %add3A_347, %lt3A_348 : i32
      %and3A_350 = arith.andi %ge3A_342, %lt3A_349 : i1
      %convert_element_type3A_351 = arith.extui %and3A_350 : i1 to i32
      %cond3A_352 = arith.constant 0 : i32
      %cond3A_353 = arith.cmpi ne, %convert_element_type3A_351, %cond3A_352 : i32
      scf.if %cond3A_353 {
        %sub3A_409 = arith.constant 4 : i32
        %sub3A_410 = arith.subi %add3A_332, %sub3A_409 : i32
        %dma_wait3A = arith.constant 0 : i32
        %dma_wait3A_411 = tpu.memref_slice %arg6[%sub3A_410, %dma_wait3A] : memref<80x128xi32, #tpu.memory_space<vmem>> -> memref<1x128xi32, #tpu.memory_space<vmem>>
        %dma_wait3A_412 = tpu.memref_squeeze %dma_wait3A_411 : memref<1x128xi32, #tpu.memory_space<vmem>> -> memref<128xi32, #tpu.memory_space<vmem>>
        %dma_wait3A_413 = arith.constant 0 : i32
        %dma_wait3A_414 = arith.constant 0 : i32
        %dma_wait3A_415 = tpu.memref_slice %arg32[%dma_wait3A_413, %dma_wait3A_414] : memref<10240x16xf32, #tpu.memory_space<vmem_shared>> -> memref<10240x16xf32, #tpu.memory_space<vmem_shared>>
        tpu.wait_indirect_dma semaphore(%arg26 : memref<!tpu.dma_semaphore, #tpu.memory_space<semaphore_mem>>) src(%arg9 : memref<128x16xf32, #tpu.memory_space<vmem>>) dst(%dma_wait3A_415 : memref<10240x16xf32, #tpu.memory_space<vmem_shared>>)
      } else {
      }
      %add3A_354 = arith.constant 4 : i32
      %add3A_355 = arith.addi %add3A_332, %add3A_354 : i32
      %lt3A_356 = arith.constant 80 : i32
      %lt3A_357 = arith.cmpi slt, %add3A_355, %lt3A_356 : i32
      %add3A_358 = arith.constant 4 : i32
      %add3A_359 = arith.addi %add3A_332, %add3A_358 : i32
      %mul3A_360 = arith.constant 32 : i32
      %mul3A_361 = arith.muli %mul3A_360, %add3A_359 : i32
      %add3A_362 = arith.addi %add3A, %mul3A_361 : i32
      %lt3A_363 = arith.constant 2500 : i32
      %lt3A_364 = arith.cmpi slt, %add3A_362, %lt3A_363 : i32
      %and3A_365 = arith.andi %lt3A_357, %lt3A_364 : i1
      %convert_element_type3A_366 = arith.extui %and3A_365 : i1 to i32
      %cond3A_367 = arith.constant 0 : i32
      %cond3A_368 = arith.cmpi ne, %convert_element_type3A_366, %cond3A_367 : i32
      scf.if %cond3A_368 {
        %add3A_409 = arith.constant 4 : i32
        %add3A_410 = arith.addi %add3A_332, %add3A_409 : i32
        %dma_start3A_411 = arith.constant 0 : i32
        %dma_start3A_412 = tpu.memref_slice %arg5[%add3A_410, %dma_start3A_411] : memref<80x128xi32, #tpu.memory_space<vmem>> -> memref<1x128xi32, #tpu.memory_space<vmem>>
        %dma_start3A_413 = tpu.memref_squeeze %dma_start3A_412 : memref<1x128xi32, #tpu.memory_space<vmem>> -> memref<128xi32, #tpu.memory_space<vmem>>
        %dma_start3A_414 = arith.constant 0 : i32
        %dma_start3A_415 = arith.constant 0 : i32
        %dma_start3A_416 = tpu.memref_slice %arg2[%dma_start3A_414, %dma_start3A_415] : memref<10240x16xf32, #tpu.memory_space<hbm>> -> memref<10240x16xf32, #tpu.memory_space<hbm>>
        tpu.enqueue_indirect_dma source(%dma_start3A_416 : memref<10240x16xf32, #tpu.memory_space<hbm>>) target(%arg9 : memref<128x16xf32, #tpu.memory_space<vmem>>) offsets(%dma_start3A_413 : memref<128xi32, #tpu.memory_space<vmem>>) semaphore(%arg18 : memref<!tpu.dma_semaphore, #tpu.memory_space<semaphore_mem>>)
      } else {
      }
      %mul3A_369 = arith.constant 8 : i32
      %mul3A_370 = arith.muli %mul3A_369, %scan3A_91 : i32
      %add3A_371 = arith.constant 7 : i32
      %add3A_372 = arith.addi %mul3A_370, %add3A_371 : i32
      %mul3A_373 = arith.constant 32 : i32
      %mul3A_374 = arith.muli %mul3A_373, %add3A_372 : i32
      %add3A_375 = arith.addi %add3A, %mul3A_374 : i32
      %lt3A_376 = arith.constant 2500 : i32
      %lt3A_377 = arith.cmpi slt, %add3A_375, %lt3A_376 : i32
      %convert_element_type3A_378 = arith.extui %lt3A_377 : i1 to i32
      %cond3A_379 = arith.constant 0 : i32
      %cond3A_380 = arith.cmpi ne, %convert_element_type3A_378, %cond3A_379 : i32
      scf.if %cond3A_380 {
        %dma_wait3A = arith.constant 0 : i32
        %dma_wait3A_409 = tpu.memref_slice %arg5[%add3A_372, %dma_wait3A] : memref<80x128xi32, #tpu.memory_space<vmem>> -> memref<1x128xi32, #tpu.memory_space<vmem>>
        %dma_wait3A_410 = tpu.memref_squeeze %dma_wait3A_409 : memref<1x128xi32, #tpu.memory_space<vmem>> -> memref<128xi32, #tpu.memory_space<vmem>>
        %dma_wait3A_411 = arith.constant 0 : i32
        %dma_wait3A_412 = arith.constant 0 : i32
        %dma_wait3A_413 = tpu.memref_slice %arg2[%dma_wait3A_411, %dma_wait3A_412] : memref<10240x16xf32, #tpu.memory_space<hbm>> -> memref<10240x16xf32, #tpu.memory_space<hbm>>
        tpu.wait_indirect_dma semaphore(%arg23 : memref<!tpu.dma_semaphore, #tpu.memory_space<semaphore_mem>>) src(%dma_wait3A_413 : memref<10240x16xf32, #tpu.memory_space<hbm>>) dst(%arg14 : memref<128x16xf32, #tpu.memory_space<vmem>>)
        %dma_start3A_414 = arith.constant 0 : i32
        %dma_start3A_415 = tpu.memref_slice %arg6[%add3A_372, %dma_start3A_414] : memref<80x128xi32, #tpu.memory_space<vmem>> -> memref<1x128xi32, #tpu.memory_space<vmem>>
        %dma_start3A_416 = tpu.memref_squeeze %dma_start3A_415 : memref<1x128xi32, #tpu.memory_space<vmem>> -> memref<128xi32, #tpu.memory_space<vmem>>
        %dma_start3A_417 = arith.constant 0 : i32
        %dma_start3A_418 = arith.constant 0 : i32
        %dma_start3A_419 = tpu.memref_slice %arg32[%dma_start3A_417, %dma_start3A_418] : memref<10240x16xf32, #tpu.memory_space<vmem_shared>> -> memref<10240x16xf32, #tpu.memory_space<vmem_shared>>
        tpu.enqueue_indirect_dma source(%arg14 : memref<128x16xf32, #tpu.memory_space<vmem>>) target(%dma_start3A_419 : memref<10240x16xf32, #tpu.memory_space<vmem_shared>>) offsets(%dma_start3A_416 : memref<128xi32, #tpu.memory_space<vmem>>) semaphore(%arg31 : memref<!tpu.dma_semaphore, #tpu.memory_space<semaphore_mem>>) {add = true}
      } else {
      }
      %ge3A_381 = arith.constant 4 : i32
      %ge3A_382 = arith.cmpi sge, %add3A_372, %ge3A_381 : i32
      %sub3A_383 = arith.constant 4 : i32
      %sub3A_384 = arith.subi %add3A_372, %sub3A_383 : i32
      %mul3A_385 = arith.constant 32 : i32
      %mul3A_386 = arith.muli %mul3A_385, %sub3A_384 : i32
      %add3A_387 = arith.addi %add3A, %mul3A_386 : i32
      %lt3A_388 = arith.constant 2500 : i32
      %lt3A_389 = arith.cmpi slt, %add3A_387, %lt3A_388 : i32
      %and3A_390 = arith.andi %ge3A_382, %lt3A_389 : i1
      %convert_element_type3A_391 = arith.extui %and3A_390 : i1 to i32
      %cond3A_392 = arith.constant 0 : i32
      %cond3A_393 = arith.cmpi ne, %convert_element_type3A_391, %cond3A_392 : i32
      scf.if %cond3A_393 {
        %sub3A_409 = arith.constant 4 : i32
        %sub3A_410 = arith.subi %add3A_372, %sub3A_409 : i32
        %dma_wait3A = arith.constant 0 : i32
        %dma_wait3A_411 = tpu.memref_slice %arg6[%sub3A_410, %dma_wait3A] : memref<80x128xi32, #tpu.memory_space<vmem>> -> memref<1x128xi32, #tpu.memory_space<vmem>>
        %dma_wait3A_412 = tpu.memref_squeeze %dma_wait3A_411 : memref<1x128xi32, #tpu.memory_space<vmem>> -> memref<128xi32, #tpu.memory_space<vmem>>
        %dma_wait3A_413 = arith.constant 0 : i32
        %dma_wait3A_414 = arith.constant 0 : i32
        %dma_wait3A_415 = tpu.memref_slice %arg32[%dma_wait3A_413, %dma_wait3A_414] : memref<10240x16xf32, #tpu.memory_space<vmem_shared>> -> memref<10240x16xf32, #tpu.memory_space<vmem_shared>>
        tpu.wait_indirect_dma semaphore(%arg27 : memref<!tpu.dma_semaphore, #tpu.memory_space<semaphore_mem>>) src(%arg10 : memref<128x16xf32, #tpu.memory_space<vmem>>) dst(%dma_wait3A_415 : memref<10240x16xf32, #tpu.memory_space<vmem_shared>>)
      } else {
      }
      %add3A_394 = arith.constant 4 : i32
      %add3A_395 = arith.addi %add3A_372, %add3A_394 : i32
      %lt3A_396 = arith.constant 80 : i32
      %lt3A_397 = arith.cmpi slt, %add3A_395, %lt3A_396 : i32
      %add3A_398 = arith.constant 4 : i32
      %add3A_399 = arith.addi %add3A_372, %add3A_398 : i32
      %mul3A_400 = arith.constant 32 : i32
      %mul3A_401 = arith.muli %mul3A_400, %add3A_399 : i32
      %add3A_402 = arith.addi %add3A, %mul3A_401 : i32
      %lt3A_403 = arith.constant 2500 : i32
      %lt3A_404 = arith.cmpi slt, %add3A_402, %lt3A_403 : i32
      %and3A_405 = arith.andi %lt3A_397, %lt3A_404 : i1
      %convert_element_type3A_406 = arith.extui %and3A_405 : i1 to i32
      %cond3A_407 = arith.constant 0 : i32
      %cond3A_408 = arith.cmpi ne, %convert_element_type3A_406, %cond3A_407 : i32
      scf.if %cond3A_408 {
        %add3A_409 = arith.constant 4 : i32
        %add3A_410 = arith.addi %add3A_372, %add3A_409 : i32
        %dma_start3A_411 = arith.constant 0 : i32
        %dma_start3A_412 = tpu.memref_slice %arg5[%add3A_410, %dma_start3A_411] : memref<80x128xi32, #tpu.memory_space<vmem>> -> memref<1x128xi32, #tpu.memory_space<vmem>>
        %dma_start3A_413 = tpu.memref_squeeze %dma_start3A_412 : memref<1x128xi32, #tpu.memory_space<vmem>> -> memref<128xi32, #tpu.memory_space<vmem>>
        %dma_start3A_414 = arith.constant 0 : i32
        %dma_start3A_415 = arith.constant 0 : i32
        %dma_start3A_416 = tpu.memref_slice %arg2[%dma_start3A_414, %dma_start3A_415] : memref<10240x16xf32, #tpu.memory_space<hbm>> -> memref<10240x16xf32, #tpu.memory_space<hbm>>
        tpu.enqueue_indirect_dma source(%dma_start3A_416 : memref<10240x16xf32, #tpu.memory_space<hbm>>) target(%arg10 : memref<128x16xf32, #tpu.memory_space<vmem>>) offsets(%dma_start3A_413 : memref<128xi32, #tpu.memory_space<vmem>>) semaphore(%arg19 : memref<!tpu.dma_semaphore, #tpu.memory_space<semaphore_mem>>)
      } else {
      }
    }
    %scan3A_60 = arith.constant 10 : i32
    %add3A_61 = arith.constant 2432 : i32
    %add3A_62 = arith.addi %add3A, %add3A_61 : i32
    %lt3A = arith.constant 2500 : i32
    %lt3A_63 = arith.cmpi slt, %add3A_62, %lt3A : i32
    %convert_element_type3A = arith.extui %lt3A_63 : i1 to i32
    %cond3A = arith.constant 0 : i32
    %cond3A_64 = arith.cmpi ne, %convert_element_type3A, %cond3A : i32
    scf.if %cond3A_64 {
      %dma_wait3A = arith.constant 76 : i32
      %dma_wait3A_91 = arith.constant 0 : i32
      %dma_wait3A_92 = tpu.memref_slice %arg6[%dma_wait3A, %dma_wait3A_91] : memref<80x128xi32, #tpu.memory_space<vmem>> -> memref<1x128xi32, #tpu.memory_space<vmem>>
      %dma_wait3A_93 = tpu.memref_squeeze %dma_wait3A_92 : memref<1x128xi32, #tpu.memory_space<vmem>> -> memref<128xi32, #tpu.memory_space<vmem>>
      %dma_wait3A_94 = arith.constant 0 : i32
      %dma_wait3A_95 = arith.constant 0 : i32
      %dma_wait3A_96 = tpu.memref_slice %arg32[%dma_wait3A_94, %dma_wait3A_95] : memref<10240x16xf32, #tpu.memory_space<vmem_shared>> -> memref<10240x16xf32, #tpu.memory_space<vmem_shared>>
      tpu.wait_indirect_dma semaphore(%arg28 : memref<!tpu.dma_semaphore, #tpu.memory_space<semaphore_mem>>) src(%arg11 : memref<128x16xf32, #tpu.memory_space<vmem>>) dst(%dma_wait3A_96 : memref<10240x16xf32, #tpu.memory_space<vmem_shared>>)
    } else {
    }
    %add3A_65 = arith.constant 2464 : i32
    %add3A_66 = arith.addi %add3A, %add3A_65 : i32
    %lt3A_67 = arith.constant 2500 : i32
    %lt3A_68 = arith.cmpi slt, %add3A_66, %lt3A_67 : i32
    %convert_element_type3A_69 = arith.extui %lt3A_68 : i1 to i32
    %cond3A_70 = arith.constant 0 : i32
    %cond3A_71 = arith.cmpi ne, %convert_element_type3A_69, %cond3A_70 : i32
    scf.if %cond3A_71 {
      %dma_wait3A = arith.constant 77 : i32
      %dma_wait3A_91 = arith.constant 0 : i32
      %dma_wait3A_92 = tpu.memref_slice %arg6[%dma_wait3A, %dma_wait3A_91] : memref<80x128xi32, #tpu.memory_space<vmem>> -> memref<1x128xi32, #tpu.memory_space<vmem>>
      %dma_wait3A_93 = tpu.memref_squeeze %dma_wait3A_92 : memref<1x128xi32, #tpu.memory_space<vmem>> -> memref<128xi32, #tpu.memory_space<vmem>>
      %dma_wait3A_94 = arith.constant 0 : i32
      %dma_wait3A_95 = arith.constant 0 : i32
      %dma_wait3A_96 = tpu.memref_slice %arg32[%dma_wait3A_94, %dma_wait3A_95] : memref<10240x16xf32, #tpu.memory_space<vmem_shared>> -> memref<10240x16xf32, #tpu.memory_space<vmem_shared>>
      tpu.wait_indirect_dma semaphore(%arg29 : memref<!tpu.dma_semaphore, #tpu.memory_space<semaphore_mem>>) src(%arg12 : memref<128x16xf32, #tpu.memory_space<vmem>>) dst(%dma_wait3A_96 : memref<10240x16xf32, #tpu.memory_space<vmem_shared>>)
    } else {
    }
    %add3A_72 = arith.constant 2496 : i32
    %add3A_73 = arith.addi %add3A, %add3A_72 : i32
    %lt3A_74 = arith.constant 2500 : i32
    %lt3A_75 = arith.cmpi slt, %add3A_73, %lt3A_74 : i32
    %convert_element_type3A_76 = arith.extui %lt3A_75 : i1 to i32
    %cond3A_77 = arith.constant 0 : i32
    %cond3A_78 = arith.cmpi ne, %convert_element_type3A_76, %cond3A_77 : i32
    scf.if %cond3A_78 {
      %dma_wait3A = arith.constant 78 : i32
      %dma_wait3A_91 = arith.constant 0 : i32
      %dma_wait3A_92 = tpu.memref_slice %arg6[%dma_wait3A, %dma_wait3A_91] : memref<80x128xi32, #tpu.memory_space<vmem>> -> memref<1x128xi32, #tpu.memory_space<vmem>>
      %dma_wait3A_93 = tpu.memref_squeeze %dma_wait3A_92 : memref<1x128xi32, #tpu.memory_space<vmem>> -> memref<128xi32, #tpu.memory_space<vmem>>
      %dma_wait3A_94 = arith.constant 0 : i32
      %dma_wait3A_95 = arith.constant 0 : i32
      %dma_wait3A_96 = tpu.memref_slice %arg32[%dma_wait3A_94, %dma_wait3A_95] : memref<10240x16xf32, #tpu.memory_space<vmem_shared>> -> memref<10240x16xf32, #tpu.memory_space<vmem_shared>>
      tpu.wait_indirect_dma semaphore(%arg30 : memref<!tpu.dma_semaphore, #tpu.memory_space<semaphore_mem>>) src(%arg13 : memref<128x16xf32, #tpu.memory_space<vmem>>) dst(%dma_wait3A_96 : memref<10240x16xf32, #tpu.memory_space<vmem_shared>>)
    } else {
    }
    %add3A_79 = arith.constant 2528 : i32
    %add3A_80 = arith.addi %add3A, %add3A_79 : i32
    %lt3A_81 = arith.constant 2500 : i32
    %lt3A_82 = arith.cmpi slt, %add3A_80, %lt3A_81 : i32
    %convert_element_type3A_83 = arith.extui %lt3A_82 : i1 to i32
    %cond3A_84 = arith.constant 0 : i32
    %cond3A_85 = arith.cmpi ne, %convert_element_type3A_83, %cond3A_84 : i32
    scf.if %cond3A_85 {
      %dma_wait3A = arith.constant 79 : i32
      %dma_wait3A_91 = arith.constant 0 : i32
      %dma_wait3A_92 = tpu.memref_slice %arg6[%dma_wait3A, %dma_wait3A_91] : memref<80x128xi32, #tpu.memory_space<vmem>> -> memref<1x128xi32, #tpu.memory_space<vmem>>
      %dma_wait3A_93 = tpu.memref_squeeze %dma_wait3A_92 : memref<1x128xi32, #tpu.memory_space<vmem>> -> memref<128xi32, #tpu.memory_space<vmem>>
      %dma_wait3A_94 = arith.constant 0 : i32
      %dma_wait3A_95 = arith.constant 0 : i32
      %dma_wait3A_96 = tpu.memref_slice %arg32[%dma_wait3A_94, %dma_wait3A_95] : memref<10240x16xf32, #tpu.memory_space<vmem_shared>> -> memref<10240x16xf32, #tpu.memory_space<vmem_shared>>
      tpu.wait_indirect_dma semaphore(%arg31 : memref<!tpu.dma_semaphore, #tpu.memory_space<semaphore_mem>>) src(%arg14 : memref<128x16xf32, #tpu.memory_space<vmem>>) dst(%dma_wait3A_96 : memref<10240x16xf32, #tpu.memory_space<vmem_shared>>)
    } else {
    }
    %barrier3A_86 = arith.constant 0 : index
    tpu.barrier barrier_id(%barrier3A_86)
    %mul3A_87 = arith.constant 640 : i32
    %mul3A_88 = arith.muli %arg1, %mul3A_87 : i32
    %mul3A_89 = arith.constant 640 : i32
    %mul3A_90 = arith.muli %arg1, %mul3A_89 : i32
    "tpu.region"() ({
      %run_scoped3A = tpu.sem_alloc : memref<!tpu.dma_semaphore, #tpu.memory_space<semaphore_mem>>
      %dma_start3A_91 = arith.constant 0 : i32
      %dma_start3A_92 = arith.constant 0 : i32
      %dma_start3A_93 = tpu.memref_slice %arg4[%arg0, %dma_start3A_91, %dma_start3A_92] : memref<2x10240x16xf32, #tpu.memory_space<hbm>> -> memref<1x10240x16xf32, #tpu.memory_space<hbm>>
      %dma_start3A_94 = tpu.memref_squeeze %dma_start3A_93 : memref<1x10240x16xf32, #tpu.memory_space<hbm>> -> memref<10240x16xf32, #tpu.memory_space<hbm>>
      %dma_start3A_95 = arith.constant 0 : i32
      %dma_start3A_96 = tpu.memref_slice %dma_start3A_94[%mul3A_90, %dma_start3A_95] : memref<10240x16xf32, #tpu.memory_space<hbm>> -> memref<640x16xf32, #tpu.memory_space<hbm>>
      %dma_start3A_97 = arith.constant 0 : i32
      %dma_start3A_98 = tpu.memref_slice %arg32[%mul3A_88, %dma_start3A_97] : memref<10240x16xf32, #tpu.memory_space<vmem_shared>> -> memref<640x16xf32, #tpu.memory_space<vmem_shared>>
      tpu.enqueue_dma source(%dma_start3A_98 : memref<640x16xf32, #tpu.memory_space<vmem_shared>>) target(%dma_start3A_96 : memref<640x16xf32, #tpu.memory_space<hbm>>) target_semaphore(%run_scoped3A : memref<!tpu.dma_semaphore, #tpu.memory_space<semaphore_mem>>)
      %dma_wait3A = arith.constant 0 : i32
      %dma_wait3A_99 = arith.constant 0 : i32
      %dma_wait3A_100 = tpu.memref_slice %arg4[%arg0, %dma_wait3A, %dma_wait3A_99] : memref<2x10240x16xf32, #tpu.memory_space<hbm>> -> memref<1x10240x16xf32, #tpu.memory_space<hbm>>
      %dma_wait3A_101 = tpu.memref_squeeze %dma_wait3A_100 : memref<1x10240x16xf32, #tpu.memory_space<hbm>> -> memref<10240x16xf32, #tpu.memory_space<hbm>>
      %dma_wait3A_102 = arith.constant 0 : i32
      %dma_wait3A_103 = tpu.memref_slice %dma_wait3A_101[%mul3A_90, %dma_wait3A_102] : memref<10240x16xf32, #tpu.memory_space<hbm>> -> memref<640x16xf32, #tpu.memory_space<hbm>>
      %dma_wait3A_104 = arith.constant 0 : i32
      %dma_wait3A_105 = tpu.memref_slice %arg32[%mul3A_88, %dma_wait3A_104] : memref<10240x16xf32, #tpu.memory_space<vmem_shared>> -> memref<640x16xf32, #tpu.memory_space<vmem_shared>>
      tpu.wait_dma2 semaphore(%run_scoped3A : memref<!tpu.dma_semaphore, #tpu.memory_space<semaphore_mem>>) src(%dma_wait3A_105 : memref<640x16xf32, #tpu.memory_space<vmem_shared>>) dst(%dma_wait3A_103 : memref<640x16xf32, #tpu.memory_space<hbm>>)
      tpu.yield
    }) : () -> ()
    return
  }
}

#map = affine_map<(d0, d1) -> (0, 0)>
module attributes {stable_mosaic.version = 14 : i64} {
  func.func @_deg_body(%arg0: i32, %arg1: i32, %arg2: memref<2x320000xi32, #tpu.memory_space<hbm>>, %arg3: memref<2x10240xf32, #tpu.memory_space<hbm>>, %arg4: memref<80x128xi32, #tpu.memory_space<vmem>>, %arg5: memref<128xf32, #tpu.memory_space<vmem>>, %arg6: memref<640xf32, #tpu.memory_space<vmem>>, %arg7: memref<!tpu.dma_semaphore, #tpu.memory_space<semaphore_mem>>, %arg8: memref<10240xf32, #tpu.memory_space<vmem_shared>>) attributes {dimension_semantics = [#tpu.dimension_semantics<core_parallel>, #tpu.dimension_semantics<subcore_parallel>], iteration_bounds = array<i64: 2, 16>, scalar_prefetch = 0 : i64, scratch_operands = 5 : i64, tpu.core_type = #tpu.core_type<sc_vector_subcore>, window_params = [{transform_indices = #map}, {transform_indices = #map}]} {
    %mul3A = arith.constant 16 : i32
    %mul3A_0 = arith.muli %arg0, %mul3A : i32
    %add3A = arith.addi %mul3A_0, %arg1 : i32
    %broadcast_in_dim3A = arith.constant 1.000000e+00 : f32
    %broadcast_in_dim3A_1 = vector.broadcast %broadcast_in_dim3A : f32 to vector<16xf32>
    %swap3A = arith.constant 0 : index
    %swap3A_2 = tpu.vector_load %arg5[%swap3A] {strides = array<i32>} : memref<128xf32, #tpu.memory_space<vmem>>, vector<16xf32>,
    %swap3A_3 = vector.shape_cast %swap3A_2 : vector<16xf32> to vector<16xf32>
    %swap3A_4 = vector.shape_cast %broadcast_in_dim3A_1 : vector<16xf32> to vector<16xf32>
    tpu.vector_store %arg5[%swap3A], %swap3A_4 {strides = array<i32>} : memref<128xf32, #tpu.memory_space<vmem>>, vector<16xf32>,
    %broadcast_in_dim3A_5 = arith.constant 1.000000e+00 : f32
    %broadcast_in_dim3A_6 = vector.broadcast %broadcast_in_dim3A_5 : f32 to vector<16xf32>
    %swap3A_7 = arith.constant 16 : index
    %swap3A_8 = tpu.vector_load %arg5[%swap3A_7] {strides = array<i32>} : memref<128xf32, #tpu.memory_space<vmem>>, vector<16xf32>,
    %swap3A_9 = vector.shape_cast %swap3A_8 : vector<16xf32> to vector<16xf32>
    %swap3A_10 = vector.shape_cast %broadcast_in_dim3A_6 : vector<16xf32> to vector<16xf32>
    tpu.vector_store %arg5[%swap3A_7], %swap3A_10 {strides = array<i32>} : memref<128xf32, #tpu.memory_space<vmem>>, vector<16xf32>,
    %broadcast_in_dim3A_11 = arith.constant 1.000000e+00 : f32
    %broadcast_in_dim3A_12 = vector.broadcast %broadcast_in_dim3A_11 : f32 to vector<16xf32>
    %swap3A_13 = arith.constant 32 : index
    %swap3A_14 = tpu.vector_load %arg5[%swap3A_13] {strides = array<i32>} : memref<128xf32, #tpu.memory_space<vmem>>, vector<16xf32>,
    %swap3A_15 = vector.shape_cast %swap3A_14 : vector<16xf32> to vector<16xf32>
    %swap3A_16 = vector.shape_cast %broadcast_in_dim3A_12 : vector<16xf32> to vector<16xf32>
    tpu.vector_store %arg5[%swap3A_13], %swap3A_16 {strides = array<i32>} : memref<128xf32, #tpu.memory_space<vmem>>, vector<16xf32>,
    %broadcast_in_dim3A_17 = arith.constant 1.000000e+00 : f32
    %broadcast_in_dim3A_18 = vector.broadcast %broadcast_in_dim3A_17 : f32 to vector<16xf32>
    %swap3A_19 = arith.constant 48 : index
    %swap3A_20 = tpu.vector_load %arg5[%swap3A_19] {strides = array<i32>} : memref<128xf32, #tpu.memory_space<vmem>>, vector<16xf32>,
    %swap3A_21 = vector.shape_cast %swap3A_20 : vector<16xf32> to vector<16xf32>
    %swap3A_22 = vector.shape_cast %broadcast_in_dim3A_18 : vector<16xf32> to vector<16xf32>
    tpu.vector_store %arg5[%swap3A_19], %swap3A_22 {strides = array<i32>} : memref<128xf32, #tpu.memory_space<vmem>>, vector<16xf32>,
    %broadcast_in_dim3A_23 = arith.constant 1.000000e+00 : f32
    %broadcast_in_dim3A_24 = vector.broadcast %broadcast_in_dim3A_23 : f32 to vector<16xf32>
    %swap3A_25 = arith.constant 64 : index
    %swap3A_26 = tpu.vector_load %arg5[%swap3A_25] {strides = array<i32>} : memref<128xf32, #tpu.memory_space<vmem>>, vector<16xf32>,
    %swap3A_27 = vector.shape_cast %swap3A_26 : vector<16xf32> to vector<16xf32>
    %swap3A_28 = vector.shape_cast %broadcast_in_dim3A_24 : vector<16xf32> to vector<16xf32>
    tpu.vector_store %arg5[%swap3A_25], %swap3A_28 {strides = array<i32>} : memref<128xf32, #tpu.memory_space<vmem>>, vector<16xf32>,
    %broadcast_in_dim3A_29 = arith.constant 1.000000e+00 : f32
    %broadcast_in_dim3A_30 = vector.broadcast %broadcast_in_dim3A_29 : f32 to vector<16xf32>
    %swap3A_31 = arith.constant 80 : index
    %swap3A_32 = tpu.vector_load %arg5[%swap3A_31] {strides = array<i32>} : memref<128xf32, #tpu.memory_space<vmem>>, vector<16xf32>,
    %swap3A_33 = vector.shape_cast %swap3A_32 : vector<16xf32> to vector<16xf32>
    %swap3A_34 = vector.shape_cast %broadcast_in_dim3A_30 : vector<16xf32> to vector<16xf32>
    tpu.vector_store %arg5[%swap3A_31], %swap3A_34 {strides = array<i32>} : memref<128xf32, #tpu.memory_space<vmem>>, vector<16xf32>,
    %broadcast_in_dim3A_35 = arith.constant 1.000000e+00 : f32
    %broadcast_in_dim3A_36 = vector.broadcast %broadcast_in_dim3A_35 : f32 to vector<16xf32>
    %swap3A_37 = arith.constant 96 : index
    %swap3A_38 = tpu.vector_load %arg5[%swap3A_37] {strides = array<i32>} : memref<128xf32, #tpu.memory_space<vmem>>, vector<16xf32>,
    %swap3A_39 = vector.shape_cast %swap3A_38 : vector<16xf32> to vector<16xf32>
    %swap3A_40 = vector.shape_cast %broadcast_in_dim3A_36 : vector<16xf32> to vector<16xf32>
    tpu.vector_store %arg5[%swap3A_37], %swap3A_40 {strides = array<i32>} : memref<128xf32, #tpu.memory_space<vmem>>, vector<16xf32>,
    %broadcast_in_dim3A_41 = arith.constant 1.000000e+00 : f32
    %broadcast_in_dim3A_42 = vector.broadcast %broadcast_in_dim3A_41 : f32 to vector<16xf32>
    %swap3A_43 = arith.constant 112 : index
    %swap3A_44 = tpu.vector_load %arg5[%swap3A_43] {strides = array<i32>} : memref<128xf32, #tpu.memory_space<vmem>>, vector<16xf32>,
    %swap3A_45 = vector.shape_cast %swap3A_44 : vector<16xf32> to vector<16xf32>
    %swap3A_46 = vector.shape_cast %broadcast_in_dim3A_42 : vector<16xf32> to vector<16xf32>
    tpu.vector_store %arg5[%swap3A_43], %swap3A_46 {strides = array<i32>} : memref<128xf32, #tpu.memory_space<vmem>>, vector<16xf32>,
    %broadcast_in_dim3A_47 = arith.constant 0.000000e+00 : f32
    %broadcast_in_dim3A_48 = vector.broadcast %broadcast_in_dim3A_47 : f32 to vector<16xf32>
    %swap3A_49 = arith.constant 0 : index
    %swap3A_50 = tpu.vector_load %arg6[%swap3A_49] {strides = array<i32>} : memref<640xf32, #tpu.memory_space<vmem>>, vector<16xf32>,
    %swap3A_51 = vector.shape_cast %swap3A_50 : vector<16xf32> to vector<16xf32>
    %swap3A_52 = vector.shape_cast %broadcast_in_dim3A_48 : vector<16xf32> to vector<16xf32>
    tpu.vector_store %arg6[%swap3A_49], %swap3A_52 {strides = array<i32>} : memref<640xf32, #tpu.memory_space<vmem>>, vector<16xf32>,
    %broadcast_in_dim3A_53 = arith.constant 0.000000e+00 : f32
    %broadcast_in_dim3A_54 = vector.broadcast %broadcast_in_dim3A_53 : f32 to vector<16xf32>
    %swap3A_55 = arith.constant 16 : index
    %swap3A_56 = tpu.vector_load %arg6[%swap3A_55] {strides = array<i32>} : memref<640xf32, #tpu.memory_space<vmem>>, vector<16xf32>,
    %swap3A_57 = vector.shape_cast %swap3A_56 : vector<16xf32> to vector<16xf32>
    %swap3A_58 = vector.shape_cast %broadcast_in_dim3A_54 : vector<16xf32> to vector<16xf32>
    tpu.vector_store %arg6[%swap3A_55], %swap3A_58 {strides = array<i32>} : memref<640xf32, #tpu.memory_space<vmem>>, vector<16xf32>,
    %broadcast_in_dim3A_59 = arith.constant 0.000000e+00 : f32
    %broadcast_in_dim3A_60 = vector.broadcast %broadcast_in_dim3A_59 : f32 to vector<16xf32>
    %swap3A_61 = arith.constant 32 : index
    %swap3A_62 = tpu.vector_load %arg6[%swap3A_61] {strides = array<i32>} : memref<640xf32, #tpu.memory_space<vmem>>, vector<16xf32>,
    %swap3A_63 = vector.shape_cast %swap3A_62 : vector<16xf32> to vector<16xf32>
    %swap3A_64 = vector.shape_cast %broadcast_in_dim3A_60 : vector<16xf32> to vector<16xf32>
    tpu.vector_store %arg6[%swap3A_61], %swap3A_64 {strides = array<i32>} : memref<640xf32, #tpu.memory_space<vmem>>, vector<16xf32>,
    %broadcast_in_dim3A_65 = arith.constant 0.000000e+00 : f32
    %broadcast_in_dim3A_66 = vector.broadcast %broadcast_in_dim3A_65 : f32 to vector<16xf32>
    %swap3A_67 = arith.constant 48 : index
    %swap3A_68 = tpu.vector_load %arg6[%swap3A_67] {strides = array<i32>} : memref<640xf32, #tpu.memory_space<vmem>>, vector<16xf32>,
    %swap3A_69 = vector.shape_cast %swap3A_68 : vector<16xf32> to vector<16xf32>
    %swap3A_70 = vector.shape_cast %broadcast_in_dim3A_66 : vector<16xf32> to vector<16xf32>
    tpu.vector_store %arg6[%swap3A_67], %swap3A_70 {strides = array<i32>} : memref<640xf32, #tpu.memory_space<vmem>>, vector<16xf32>,
    %broadcast_in_dim3A_71 = arith.constant 0.000000e+00 : f32
    %broadcast_in_dim3A_72 = vector.broadcast %broadcast_in_dim3A_71 : f32 to vector<16xf32>
    %swap3A_73 = arith.constant 64 : index
    %swap3A_74 = tpu.vector_load %arg6[%swap3A_73] {strides = array<i32>} : memref<640xf32, #tpu.memory_space<vmem>>, vector<16xf32>,
    %swap3A_75 = vector.shape_cast %swap3A_74 : vector<16xf32> to vector<16xf32>
    %swap3A_76 = vector.shape_cast %broadcast_in_dim3A_72 : vector<16xf32> to vector<16xf32>
    tpu.vector_store %arg6[%swap3A_73], %swap3A_76 {strides = array<i32>} : memref<640xf32, #tpu.memory_space<vmem>>, vector<16xf32>,
    %broadcast_in_dim3A_77 = arith.constant 0.000000e+00 : f32
    %broadcast_in_dim3A_78 = vector.broadcast %broadcast_in_dim3A_77 : f32 to vector<16xf32>
    %swap3A_79 = arith.constant 80 : index
    %swap3A_80 = tpu.vector_load %arg6[%swap3A_79] {strides = array<i32>} : memref<640xf32, #tpu.memory_space<vmem>>, vector<16xf32>,
    %swap3A_81 = vector.shape_cast %swap3A_80 : vector<16xf32> to vector<16xf32>
    %swap3A_82 = vector.shape_cast %broadcast_in_dim3A_78 : vector<16xf32> to vector<16xf32>
    tpu.vector_store %arg6[%swap3A_79], %swap3A_82 {strides = array<i32>} : memref<640xf32, #tpu.memory_space<vmem>>, vector<16xf32>,
    %broadcast_in_dim3A_83 = arith.constant 0.000000e+00 : f32
    %broadcast_in_dim3A_84 = vector.broadcast %broadcast_in_dim3A_83 : f32 to vector<16xf32>
    %swap3A_85 = arith.constant 96 : index
    %swap3A_86 = tpu.vector_load %arg6[%swap3A_85] {strides = array<i32>} : memref<640xf32, #tpu.memory_space<vmem>>, vector<16xf32>,
    %swap3A_87 = vector.shape_cast %swap3A_86 : vector<16xf32> to vector<16xf32>
    %swap3A_88 = vector.shape_cast %broadcast_in_dim3A_84 : vector<16xf32> to vector<16xf32>
    tpu.vector_store %arg6[%swap3A_85], %swap3A_88 {strides = array<i32>} : memref<640xf32, #tpu.memory_space<vmem>>, vector<16xf32>,
    %broadcast_in_dim3A_89 = arith.constant 0.000000e+00 : f32
    %broadcast_in_dim3A_90 = vector.broadcast %broadcast_in_dim3A_89 : f32 to vector<16xf32>
    %swap3A_91 = arith.constant 112 : index
    %swap3A_92 = tpu.vector_load %arg6[%swap3A_91] {strides = array<i32>} : memref<640xf32, #tpu.memory_space<vmem>>, vector<16xf32>,
    %swap3A_93 = vector.shape_cast %swap3A_92 : vector<16xf32> to vector<16xf32>
    %swap3A_94 = vector.shape_cast %broadcast_in_dim3A_90 : vector<16xf32> to vector<16xf32>
    tpu.vector_store %arg6[%swap3A_91], %swap3A_94 {strides = array<i32>} : memref<640xf32, #tpu.memory_space<vmem>>, vector<16xf32>,
    %broadcast_in_dim3A_95 = arith.constant 0.000000e+00 : f32
    %broadcast_in_dim3A_96 = vector.broadcast %broadcast_in_dim3A_95 : f32 to vector<16xf32>
    %swap3A_97 = arith.constant 128 : index
    %swap3A_98 = tpu.vector_load %arg6[%swap3A_97] {strides = array<i32>} : memref<640xf32, #tpu.memory_space<vmem>>, vector<16xf32>,
    %swap3A_99 = vector.shape_cast %swap3A_98 : vector<16xf32> to vector<16xf32>
    %swap3A_100 = vector.shape_cast %broadcast_in_dim3A_96 : vector<16xf32> to vector<16xf32>
    tpu.vector_store %arg6[%swap3A_97], %swap3A_100 {strides = array<i32>} : memref<640xf32, #tpu.memory_space<vmem>>, vector<16xf32>,
    %broadcast_in_dim3A_101 = arith.constant 0.000000e+00 : f32
    %broadcast_in_dim3A_102 = vector.broadcast %broadcast_in_dim3A_101 : f32 to vector<16xf32>
    %swap3A_103 = arith.constant 144 : index
    %swap3A_104 = tpu.vector_load %arg6[%swap3A_103] {strides = array<i32>} : memref<640xf32, #tpu.memory_space<vmem>>, vector<16xf32>,
    %swap3A_105 = vector.shape_cast %swap3A_104 : vector<16xf32> to vector<16xf32>
    %swap3A_106 = vector.shape_cast %broadcast_in_dim3A_102 : vector<16xf32> to vector<16xf32>
    tpu.vector_store %arg6[%swap3A_103], %swap3A_106 {strides = array<i32>} : memref<640xf32, #tpu.memory_space<vmem>>, vector<16xf32>,
    %broadcast_in_dim3A_107 = arith.constant 0.000000e+00 : f32
    %broadcast_in_dim3A_108 = vector.broadcast %broadcast_in_dim3A_107 : f32 to vector<16xf32>
    %swap3A_109 = arith.constant 160 : index
    %swap3A_110 = tpu.vector_load %arg6[%swap3A_109] {strides = array<i32>} : memref<640xf32, #tpu.memory_space<vmem>>, vector<16xf32>,
    %swap3A_111 = vector.shape_cast %swap3A_110 : vector<16xf32> to vector<16xf32>
    %swap3A_112 = vector.shape_cast %broadcast_in_dim3A_108 : vector<16xf32> to vector<16xf32>
    tpu.vector_store %arg6[%swap3A_109], %swap3A_112 {strides = array<i32>} : memref<640xf32, #tpu.memory_space<vmem>>, vector<16xf32>,
    %broadcast_in_dim3A_113 = arith.constant 0.000000e+00 : f32
    %broadcast_in_dim3A_114 = vector.broadcast %broadcast_in_dim3A_113 : f32 to vector<16xf32>
    %swap3A_115 = arith.constant 176 : index
    %swap3A_116 = tpu.vector_load %arg6[%swap3A_115] {strides = array<i32>} : memref<640xf32, #tpu.memory_space<vmem>>, vector<16xf32>,
    %swap3A_117 = vector.shape_cast %swap3A_116 : vector<16xf32> to vector<16xf32>
    %swap3A_118 = vector.shape_cast %broadcast_in_dim3A_114 : vector<16xf32> to vector<16xf32>
    tpu.vector_store %arg6[%swap3A_115], %swap3A_118 {strides = array<i32>} : memref<640xf32, #tpu.memory_space<vmem>>, vector<16xf32>,
    %broadcast_in_dim3A_119 = arith.constant 0.000000e+00 : f32
    %broadcast_in_dim3A_120 = vector.broadcast %broadcast_in_dim3A_119 : f32 to vector<16xf32>
    %swap3A_121 = arith.constant 192 : index
    %swap3A_122 = tpu.vector_load %arg6[%swap3A_121] {strides = array<i32>} : memref<640xf32, #tpu.memory_space<vmem>>, vector<16xf32>,
    %swap3A_123 = vector.shape_cast %swap3A_122 : vector<16xf32> to vector<16xf32>
    %swap3A_124 = vector.shape_cast %broadcast_in_dim3A_120 : vector<16xf32> to vector<16xf32>
    tpu.vector_store %arg6[%swap3A_121], %swap3A_124 {strides = array<i32>} : memref<640xf32, #tpu.memory_space<vmem>>, vector<16xf32>,
    %broadcast_in_dim3A_125 = arith.constant 0.000000e+00 : f32
    %broadcast_in_dim3A_126 = vector.broadcast %broadcast_in_dim3A_125 : f32 to vector<16xf32>
    %swap3A_127 = arith.constant 208 : index
    %swap3A_128 = tpu.vector_load %arg6[%swap3A_127] {strides = array<i32>} : memref<640xf32, #tpu.memory_space<vmem>>, vector<16xf32>,
    %swap3A_129 = vector.shape_cast %swap3A_128 : vector<16xf32> to vector<16xf32>
    %swap3A_130 = vector.shape_cast %broadcast_in_dim3A_126 : vector<16xf32> to vector<16xf32>
    tpu.vector_store %arg6[%swap3A_127], %swap3A_130 {strides = array<i32>} : memref<640xf32, #tpu.memory_space<vmem>>, vector<16xf32>,
    %broadcast_in_dim3A_131 = arith.constant 0.000000e+00 : f32
    %broadcast_in_dim3A_132 = vector.broadcast %broadcast_in_dim3A_131 : f32 to vector<16xf32>
    %swap3A_133 = arith.constant 224 : index
    %swap3A_134 = tpu.vector_load %arg6[%swap3A_133] {strides = array<i32>} : memref<640xf32, #tpu.memory_space<vmem>>, vector<16xf32>,
    %swap3A_135 = vector.shape_cast %swap3A_134 : vector<16xf32> to vector<16xf32>
    %swap3A_136 = vector.shape_cast %broadcast_in_dim3A_132 : vector<16xf32> to vector<16xf32>
    tpu.vector_store %arg6[%swap3A_133], %swap3A_136 {strides = array<i32>} : memref<640xf32, #tpu.memory_space<vmem>>, vector<16xf32>,
    %broadcast_in_dim3A_137 = arith.constant 0.000000e+00 : f32
    %broadcast_in_dim3A_138 = vector.broadcast %broadcast_in_dim3A_137 : f32 to vector<16xf32>
    %swap3A_139 = arith.constant 240 : index
    %swap3A_140 = tpu.vector_load %arg6[%swap3A_139] {strides = array<i32>} : memref<640xf32, #tpu.memory_space<vmem>>, vector<16xf32>,
    %swap3A_141 = vector.shape_cast %swap3A_140 : vector<16xf32> to vector<16xf32>
    %swap3A_142 = vector.shape_cast %broadcast_in_dim3A_138 : vector<16xf32> to vector<16xf32>
    tpu.vector_store %arg6[%swap3A_139], %swap3A_142 {strides = array<i32>} : memref<640xf32, #tpu.memory_space<vmem>>, vector<16xf32>,
    %broadcast_in_dim3A_143 = arith.constant 0.000000e+00 : f32
    %broadcast_in_dim3A_144 = vector.broadcast %broadcast_in_dim3A_143 : f32 to vector<16xf32>
    %swap3A_145 = arith.constant 256 : index
    %swap3A_146 = tpu.vector_load %arg6[%swap3A_145] {strides = array<i32>} : memref<640xf32, #tpu.memory_space<vmem>>, vector<16xf32>,
    %swap3A_147 = vector.shape_cast %swap3A_146 : vector<16xf32> to vector<16xf32>
    %swap3A_148 = vector.shape_cast %broadcast_in_dim3A_144 : vector<16xf32> to vector<16xf32>
    tpu.vector_store %arg6[%swap3A_145], %swap3A_148 {strides = array<i32>} : memref<640xf32, #tpu.memory_space<vmem>>, vector<16xf32>,
    %broadcast_in_dim3A_149 = arith.constant 0.000000e+00 : f32
    %broadcast_in_dim3A_150 = vector.broadcast %broadcast_in_dim3A_149 : f32 to vector<16xf32>
    %swap3A_151 = arith.constant 272 : index
    %swap3A_152 = tpu.vector_load %arg6[%swap3A_151] {strides = array<i32>} : memref<640xf32, #tpu.memory_space<vmem>>, vector<16xf32>,
    %swap3A_153 = vector.shape_cast %swap3A_152 : vector<16xf32> to vector<16xf32>
    %swap3A_154 = vector.shape_cast %broadcast_in_dim3A_150 : vector<16xf32> to vector<16xf32>
    tpu.vector_store %arg6[%swap3A_151], %swap3A_154 {strides = array<i32>} : memref<640xf32, #tpu.memory_space<vmem>>, vector<16xf32>,
    %broadcast_in_dim3A_155 = arith.constant 0.000000e+00 : f32
    %broadcast_in_dim3A_156 = vector.broadcast %broadcast_in_dim3A_155 : f32 to vector<16xf32>
    %swap3A_157 = arith.constant 288 : index
    %swap3A_158 = tpu.vector_load %arg6[%swap3A_157] {strides = array<i32>} : memref<640xf32, #tpu.memory_space<vmem>>, vector<16xf32>,
    %swap3A_159 = vector.shape_cast %swap3A_158 : vector<16xf32> to vector<16xf32>
    %swap3A_160 = vector.shape_cast %broadcast_in_dim3A_156 : vector<16xf32> to vector<16xf32>
    tpu.vector_store %arg6[%swap3A_157], %swap3A_160 {strides = array<i32>} : memref<640xf32, #tpu.memory_space<vmem>>, vector<16xf32>,
    %broadcast_in_dim3A_161 = arith.constant 0.000000e+00 : f32
    %broadcast_in_dim3A_162 = vector.broadcast %broadcast_in_dim3A_161 : f32 to vector<16xf32>
    %swap3A_163 = arith.constant 304 : index
    %swap3A_164 = tpu.vector_load %arg6[%swap3A_163] {strides = array<i32>} : memref<640xf32, #tpu.memory_space<vmem>>, vector<16xf32>,
    %swap3A_165 = vector.shape_cast %swap3A_164 : vector<16xf32> to vector<16xf32>
    %swap3A_166 = vector.shape_cast %broadcast_in_dim3A_162 : vector<16xf32> to vector<16xf32>
    tpu.vector_store %arg6[%swap3A_163], %swap3A_166 {strides = array<i32>} : memref<640xf32, #tpu.memory_space<vmem>>, vector<16xf32>,
    %broadcast_in_dim3A_167 = arith.constant 0.000000e+00 : f32
    %broadcast_in_dim3A_168 = vector.broadcast %broadcast_in_dim3A_167 : f32 to vector<16xf32>
    %swap3A_169 = arith.constant 320 : index
    %swap3A_170 = tpu.vector_load %arg6[%swap3A_169] {strides = array<i32>} : memref<640xf32, #tpu.memory_space<vmem>>, vector<16xf32>,
    %swap3A_171 = vector.shape_cast %swap3A_170 : vector<16xf32> to vector<16xf32>
    %swap3A_172 = vector.shape_cast %broadcast_in_dim3A_168 : vector<16xf32> to vector<16xf32>
    tpu.vector_store %arg6[%swap3A_169], %swap3A_172 {strides = array<i32>} : memref<640xf32, #tpu.memory_space<vmem>>, vector<16xf32>,
    %broadcast_in_dim3A_173 = arith.constant 0.000000e+00 : f32
    %broadcast_in_dim3A_174 = vector.broadcast %broadcast_in_dim3A_173 : f32 to vector<16xf32>
    %swap3A_175 = arith.constant 336 : index
    %swap3A_176 = tpu.vector_load %arg6[%swap3A_175] {strides = array<i32>} : memref<640xf32, #tpu.memory_space<vmem>>, vector<16xf32>,
    %swap3A_177 = vector.shape_cast %swap3A_176 : vector<16xf32> to vector<16xf32>
    %swap3A_178 = vector.shape_cast %broadcast_in_dim3A_174 : vector<16xf32> to vector<16xf32>
    tpu.vector_store %arg6[%swap3A_175], %swap3A_178 {strides = array<i32>} : memref<640xf32, #tpu.memory_space<vmem>>, vector<16xf32>,
    %broadcast_in_dim3A_179 = arith.constant 0.000000e+00 : f32
    %broadcast_in_dim3A_180 = vector.broadcast %broadcast_in_dim3A_179 : f32 to vector<16xf32>
    %swap3A_181 = arith.constant 352 : index
    %swap3A_182 = tpu.vector_load %arg6[%swap3A_181] {strides = array<i32>} : memref<640xf32, #tpu.memory_space<vmem>>, vector<16xf32>,
    %swap3A_183 = vector.shape_cast %swap3A_182 : vector<16xf32> to vector<16xf32>
    %swap3A_184 = vector.shape_cast %broadcast_in_dim3A_180 : vector<16xf32> to vector<16xf32>
    tpu.vector_store %arg6[%swap3A_181], %swap3A_184 {strides = array<i32>} : memref<640xf32, #tpu.memory_space<vmem>>, vector<16xf32>,
    %broadcast_in_dim3A_185 = arith.constant 0.000000e+00 : f32
    %broadcast_in_dim3A_186 = vector.broadcast %broadcast_in_dim3A_185 : f32 to vector<16xf32>
    %swap3A_187 = arith.constant 368 : index
    %swap3A_188 = tpu.vector_load %arg6[%swap3A_187] {strides = array<i32>} : memref<640xf32, #tpu.memory_space<vmem>>, vector<16xf32>,
    %swap3A_189 = vector.shape_cast %swap3A_188 : vector<16xf32> to vector<16xf32>
    %swap3A_190 = vector.shape_cast %broadcast_in_dim3A_186 : vector<16xf32> to vector<16xf32>
    tpu.vector_store %arg6[%swap3A_187], %swap3A_190 {strides = array<i32>} : memref<640xf32, #tpu.memory_space<vmem>>, vector<16xf32>,
    %broadcast_in_dim3A_191 = arith.constant 0.000000e+00 : f32
    %broadcast_in_dim3A_192 = vector.broadcast %broadcast_in_dim3A_191 : f32 to vector<16xf32>
    %swap3A_193 = arith.constant 384 : index
    %swap3A_194 = tpu.vector_load %arg6[%swap3A_193] {strides = array<i32>} : memref<640xf32, #tpu.memory_space<vmem>>, vector<16xf32>,
    %swap3A_195 = vector.shape_cast %swap3A_194 : vector<16xf32> to vector<16xf32>
    %swap3A_196 = vector.shape_cast %broadcast_in_dim3A_192 : vector<16xf32> to vector<16xf32>
    tpu.vector_store %arg6[%swap3A_193], %swap3A_196 {strides = array<i32>} : memref<640xf32, #tpu.memory_space<vmem>>, vector<16xf32>,
    %broadcast_in_dim3A_197 = arith.constant 0.000000e+00 : f32
    %broadcast_in_dim3A_198 = vector.broadcast %broadcast_in_dim3A_197 : f32 to vector<16xf32>
    %swap3A_199 = arith.constant 400 : index
    %swap3A_200 = tpu.vector_load %arg6[%swap3A_199] {strides = array<i32>} : memref<640xf32, #tpu.memory_space<vmem>>, vector<16xf32>,
    %swap3A_201 = vector.shape_cast %swap3A_200 : vector<16xf32> to vector<16xf32>
    %swap3A_202 = vector.shape_cast %broadcast_in_dim3A_198 : vector<16xf32> to vector<16xf32>
    tpu.vector_store %arg6[%swap3A_199], %swap3A_202 {strides = array<i32>} : memref<640xf32, #tpu.memory_space<vmem>>, vector<16xf32>,
    %broadcast_in_dim3A_203 = arith.constant 0.000000e+00 : f32
    %broadcast_in_dim3A_204 = vector.broadcast %broadcast_in_dim3A_203 : f32 to vector<16xf32>
    %swap3A_205 = arith.constant 416 : index
    %swap3A_206 = tpu.vector_load %arg6[%swap3A_205] {strides = array<i32>} : memref<640xf32, #tpu.memory_space<vmem>>, vector<16xf32>,
    %swap3A_207 = vector.shape_cast %swap3A_206 : vector<16xf32> to vector<16xf32>
    %swap3A_208 = vector.shape_cast %broadcast_in_dim3A_204 : vector<16xf32> to vector<16xf32>
    tpu.vector_store %arg6[%swap3A_205], %swap3A_208 {strides = array<i32>} : memref<640xf32, #tpu.memory_space<vmem>>, vector<16xf32>,
    %broadcast_in_dim3A_209 = arith.constant 0.000000e+00 : f32
    %broadcast_in_dim3A_210 = vector.broadcast %broadcast_in_dim3A_209 : f32 to vector<16xf32>
    %swap3A_211 = arith.constant 432 : index
    %swap3A_212 = tpu.vector_load %arg6[%swap3A_211] {strides = array<i32>} : memref<640xf32, #tpu.memory_space<vmem>>, vector<16xf32>,
    %swap3A_213 = vector.shape_cast %swap3A_212 : vector<16xf32> to vector<16xf32>
    %swap3A_214 = vector.shape_cast %broadcast_in_dim3A_210 : vector<16xf32> to vector<16xf32>
    tpu.vector_store %arg6[%swap3A_211], %swap3A_214 {strides = array<i32>} : memref<640xf32, #tpu.memory_space<vmem>>, vector<16xf32>,
    %broadcast_in_dim3A_215 = arith.constant 0.000000e+00 : f32
    %broadcast_in_dim3A_216 = vector.broadcast %broadcast_in_dim3A_215 : f32 to vector<16xf32>
    %swap3A_217 = arith.constant 448 : index
    %swap3A_218 = tpu.vector_load %arg6[%swap3A_217] {strides = array<i32>} : memref<640xf32, #tpu.memory_space<vmem>>, vector<16xf32>,
    %swap3A_219 = vector.shape_cast %swap3A_218 : vector<16xf32> to vector<16xf32>
    %swap3A_220 = vector.shape_cast %broadcast_in_dim3A_216 : vector<16xf32> to vector<16xf32>
    tpu.vector_store %arg6[%swap3A_217], %swap3A_220 {strides = array<i32>} : memref<640xf32, #tpu.memory_space<vmem>>, vector<16xf32>,
    %broadcast_in_dim3A_221 = arith.constant 0.000000e+00 : f32
    %broadcast_in_dim3A_222 = vector.broadcast %broadcast_in_dim3A_221 : f32 to vector<16xf32>
    %swap3A_223 = arith.constant 464 : index
    %swap3A_224 = tpu.vector_load %arg6[%swap3A_223] {strides = array<i32>} : memref<640xf32, #tpu.memory_space<vmem>>, vector<16xf32>,
    %swap3A_225 = vector.shape_cast %swap3A_224 : vector<16xf32> to vector<16xf32>
    %swap3A_226 = vector.shape_cast %broadcast_in_dim3A_222 : vector<16xf32> to vector<16xf32>
    tpu.vector_store %arg6[%swap3A_223], %swap3A_226 {strides = array<i32>} : memref<640xf32, #tpu.memory_space<vmem>>, vector<16xf32>,
    %broadcast_in_dim3A_227 = arith.constant 0.000000e+00 : f32
    %broadcast_in_dim3A_228 = vector.broadcast %broadcast_in_dim3A_227 : f32 to vector<16xf32>
    %swap3A_229 = arith.constant 480 : index
    %swap3A_230 = tpu.vector_load %arg6[%swap3A_229] {strides = array<i32>} : memref<640xf32, #tpu.memory_space<vmem>>, vector<16xf32>,
    %swap3A_231 = vector.shape_cast %swap3A_230 : vector<16xf32> to vector<16xf32>
    %swap3A_232 = vector.shape_cast %broadcast_in_dim3A_228 : vector<16xf32> to vector<16xf32>
    tpu.vector_store %arg6[%swap3A_229], %swap3A_232 {strides = array<i32>} : memref<640xf32, #tpu.memory_space<vmem>>, vector<16xf32>,
    %broadcast_in_dim3A_233 = arith.constant 0.000000e+00 : f32
    %broadcast_in_dim3A_234 = vector.broadcast %broadcast_in_dim3A_233 : f32 to vector<16xf32>
    %swap3A_235 = arith.constant 496 : index
    %swap3A_236 = tpu.vector_load %arg6[%swap3A_235] {strides = array<i32>} : memref<640xf32, #tpu.memory_space<vmem>>, vector<16xf32>,
    %swap3A_237 = vector.shape_cast %swap3A_236 : vector<16xf32> to vector<16xf32>
    %swap3A_238 = vector.shape_cast %broadcast_in_dim3A_234 : vector<16xf32> to vector<16xf32>
    tpu.vector_store %arg6[%swap3A_235], %swap3A_238 {strides = array<i32>} : memref<640xf32, #tpu.memory_space<vmem>>, vector<16xf32>,
    %broadcast_in_dim3A_239 = arith.constant 0.000000e+00 : f32
    %broadcast_in_dim3A_240 = vector.broadcast %broadcast_in_dim3A_239 : f32 to vector<16xf32>
    %swap3A_241 = arith.constant 512 : index
    %swap3A_242 = tpu.vector_load %arg6[%swap3A_241] {strides = array<i32>} : memref<640xf32, #tpu.memory_space<vmem>>, vector<16xf32>,
    %swap3A_243 = vector.shape_cast %swap3A_242 : vector<16xf32> to vector<16xf32>
    %swap3A_244 = vector.shape_cast %broadcast_in_dim3A_240 : vector<16xf32> to vector<16xf32>
    tpu.vector_store %arg6[%swap3A_241], %swap3A_244 {strides = array<i32>} : memref<640xf32, #tpu.memory_space<vmem>>, vector<16xf32>,
    %broadcast_in_dim3A_245 = arith.constant 0.000000e+00 : f32
    %broadcast_in_dim3A_246 = vector.broadcast %broadcast_in_dim3A_245 : f32 to vector<16xf32>
    %swap3A_247 = arith.constant 528 : index
    %swap3A_248 = tpu.vector_load %arg6[%swap3A_247] {strides = array<i32>} : memref<640xf32, #tpu.memory_space<vmem>>, vector<16xf32>,
    %swap3A_249 = vector.shape_cast %swap3A_248 : vector<16xf32> to vector<16xf32>
    %swap3A_250 = vector.shape_cast %broadcast_in_dim3A_246 : vector<16xf32> to vector<16xf32>
    tpu.vector_store %arg6[%swap3A_247], %swap3A_250 {strides = array<i32>} : memref<640xf32, #tpu.memory_space<vmem>>, vector<16xf32>,
    %broadcast_in_dim3A_251 = arith.constant 0.000000e+00 : f32
    %broadcast_in_dim3A_252 = vector.broadcast %broadcast_in_dim3A_251 : f32 to vector<16xf32>
    %swap3A_253 = arith.constant 544 : index
    %swap3A_254 = tpu.vector_load %arg6[%swap3A_253] {strides = array<i32>} : memref<640xf32, #tpu.memory_space<vmem>>, vector<16xf32>,
    %swap3A_255 = vector.shape_cast %swap3A_254 : vector<16xf32> to vector<16xf32>
    %swap3A_256 = vector.shape_cast %broadcast_in_dim3A_252 : vector<16xf32> to vector<16xf32>
    tpu.vector_store %arg6[%swap3A_253], %swap3A_256 {strides = array<i32>} : memref<640xf32, #tpu.memory_space<vmem>>, vector<16xf32>,
    %broadcast_in_dim3A_257 = arith.constant 0.000000e+00 : f32
    %broadcast_in_dim3A_258 = vector.broadcast %broadcast_in_dim3A_257 : f32 to vector<16xf32>
    %swap3A_259 = arith.constant 560 : index
    %swap3A_260 = tpu.vector_load %arg6[%swap3A_259] {strides = array<i32>} : memref<640xf32, #tpu.memory_space<vmem>>, vector<16xf32>,
    %swap3A_261 = vector.shape_cast %swap3A_260 : vector<16xf32> to vector<16xf32>
    %swap3A_262 = vector.shape_cast %broadcast_in_dim3A_258 : vector<16xf32> to vector<16xf32>
    tpu.vector_store %arg6[%swap3A_259], %swap3A_262 {strides = array<i32>} : memref<640xf32, #tpu.memory_space<vmem>>, vector<16xf32>,
    %broadcast_in_dim3A_263 = arith.constant 0.000000e+00 : f32
    %broadcast_in_dim3A_264 = vector.broadcast %broadcast_in_dim3A_263 : f32 to vector<16xf32>
    %swap3A_265 = arith.constant 576 : index
    %swap3A_266 = tpu.vector_load %arg6[%swap3A_265] {strides = array<i32>} : memref<640xf32, #tpu.memory_space<vmem>>, vector<16xf32>,
    %swap3A_267 = vector.shape_cast %swap3A_266 : vector<16xf32> to vector<16xf32>
    %swap3A_268 = vector.shape_cast %broadcast_in_dim3A_264 : vector<16xf32> to vector<16xf32>
    tpu.vector_store %arg6[%swap3A_265], %swap3A_268 {strides = array<i32>} : memref<640xf32, #tpu.memory_space<vmem>>, vector<16xf32>,
    %broadcast_in_dim3A_269 = arith.constant 0.000000e+00 : f32
    %broadcast_in_dim3A_270 = vector.broadcast %broadcast_in_dim3A_269 : f32 to vector<16xf32>
    %swap3A_271 = arith.constant 592 : index
    %swap3A_272 = tpu.vector_load %arg6[%swap3A_271] {strides = array<i32>} : memref<640xf32, #tpu.memory_space<vmem>>, vector<16xf32>,
    %swap3A_273 = vector.shape_cast %swap3A_272 : vector<16xf32> to vector<16xf32>
    %swap3A_274 = vector.shape_cast %broadcast_in_dim3A_270 : vector<16xf32> to vector<16xf32>
    tpu.vector_store %arg6[%swap3A_271], %swap3A_274 {strides = array<i32>} : memref<640xf32, #tpu.memory_space<vmem>>, vector<16xf32>,
    %broadcast_in_dim3A_275 = arith.constant 0.000000e+00 : f32
    %broadcast_in_dim3A_276 = vector.broadcast %broadcast_in_dim3A_275 : f32 to vector<16xf32>
    %swap3A_277 = arith.constant 608 : index
    %swap3A_278 = tpu.vector_load %arg6[%swap3A_277] {strides = array<i32>} : memref<640xf32, #tpu.memory_space<vmem>>, vector<16xf32>,
    %swap3A_279 = vector.shape_cast %swap3A_278 : vector<16xf32> to vector<16xf32>
    %swap3A_280 = vector.shape_cast %broadcast_in_dim3A_276 : vector<16xf32> to vector<16xf32>
    tpu.vector_store %arg6[%swap3A_277], %swap3A_280 {strides = array<i32>} : memref<640xf32, #tpu.memory_space<vmem>>, vector<16xf32>,
    %broadcast_in_dim3A_281 = arith.constant 0.000000e+00 : f32
    %broadcast_in_dim3A_282 = vector.broadcast %broadcast_in_dim3A_281 : f32 to vector<16xf32>
    %swap3A_283 = arith.constant 624 : index
    %swap3A_284 = tpu.vector_load %arg6[%swap3A_283] {strides = array<i32>} : memref<640xf32, #tpu.memory_space<vmem>>, vector<16xf32>,
    %swap3A_285 = vector.shape_cast %swap3A_284 : vector<16xf32> to vector<16xf32>
    %swap3A_286 = vector.shape_cast %broadcast_in_dim3A_282 : vector<16xf32> to vector<16xf32>
    tpu.vector_store %arg6[%swap3A_283], %swap3A_286 {strides = array<i32>} : memref<640xf32, #tpu.memory_space<vmem>>, vector<16xf32>,
    %mul3A_287 = arith.constant 640 : i32
    %mul3A_288 = arith.muli %arg1, %mul3A_287 : i32
    "tpu.region"() ({
      %run_scoped3A = tpu.sem_alloc : memref<!tpu.dma_semaphore, #tpu.memory_space<semaphore_mem>>
      %dma_start3A = tpu.memref_slice %arg8[%mul3A_288] : memref<10240xf32, #tpu.memory_space<vmem_shared>> -> memref<640xf32, #tpu.memory_space<vmem_shared>>
      %dma_start3A_364 = tpu.memref_slice %arg8[%mul3A_288] : memref<10240xf32, #tpu.memory_space<vmem_shared>> -> memref<640xf32, #tpu.memory_space<vmem_shared>>
      tpu.enqueue_dma source(%arg6 : memref<640xf32, #tpu.memory_space<vmem>>) target(%dma_start3A_364 : memref<640xf32, #tpu.memory_space<vmem_shared>>) target_semaphore(%run_scoped3A : memref<!tpu.dma_semaphore, #tpu.memory_space<semaphore_mem>>)
      %dma_wait3A = tpu.memref_slice %arg8[%mul3A_288] : memref<10240xf32, #tpu.memory_space<vmem_shared>> -> memref<640xf32, #tpu.memory_space<vmem_shared>>
      %dma_wait3A_365 = tpu.memref_slice %arg8[%mul3A_288] : memref<10240xf32, #tpu.memory_space<vmem_shared>> -> memref<640xf32, #tpu.memory_space<vmem_shared>>
      tpu.wait_dma2 semaphore(%run_scoped3A : memref<!tpu.dma_semaphore, #tpu.memory_space<semaphore_mem>>) src(%arg6 : memref<640xf32, #tpu.memory_space<vmem>>) dst(%dma_wait3A_365 : memref<640xf32, #tpu.memory_space<vmem_shared>>)
      tpu.yield
    }) : () -> ()
    %scan3A = arith.constant 0 : i32
    %scan3A_289 = arith.constant 0 : i32
    %scan3A_290 = arith.constant 80 : i32
    %scan3A_291 = arith.addi %scan3A_289, %scan3A_290 : i32
    %scan3A_292 = arith.constant 1 : i32
    scf.for %scan3A_364 = %scan3A_289 to %scan3A_291 step %scan3A_292  : i32 {
      %mul3A_365 = arith.constant 32 : i32
      %mul3A_366 = arith.muli %mul3A_365, %scan3A_364 : i32
      %add3A_367 = arith.addi %add3A, %mul3A_366 : i32
      %lt3A_368 = arith.constant 2500 : i32
      %lt3A_369 = arith.cmpi slt, %add3A_367, %lt3A_368 : i32
      %convert_element_type3A_370 = arith.extui %lt3A_369 : i1 to i32
      %cond3A_371 = arith.constant 0 : i32
      %cond3A_372 = arith.cmpi ne, %convert_element_type3A_370, %cond3A_371 : i32
      scf.if %cond3A_372 {
        %mul3A_373 = arith.constant 32 : i32
        %mul3A_374 = arith.muli %mul3A_373, %scan3A_364 : i32
        %add3A_375 = arith.addi %add3A, %mul3A_374 : i32
        %mul3A_376 = arith.constant 128 : i32
        %mul3A_377 = arith.muli %add3A_375, %mul3A_376 : i32
        %dma_start3A = arith.constant 1 : i32
        %dma_start3A_378 = arith.constant 0 : i32
        %dma_start3A_379 = tpu.memref_slice %arg4[%scan3A_364, %dma_start3A_378] : memref<80x128xi32, #tpu.memory_space<vmem>> -> memref<1x128xi32, #tpu.memory_space<vmem>>
        %dma_start3A_380 = tpu.memref_squeeze %dma_start3A_379 : memref<1x128xi32, #tpu.memory_space<vmem>> -> memref<128xi32, #tpu.memory_space<vmem>>
        %dma_start3A_381 = arith.constant 0 : i32
        %dma_start3A_382 = tpu.memref_slice %arg2[%dma_start3A, %dma_start3A_381] : memref<2x320000xi32, #tpu.memory_space<hbm>> -> memref<1x320000xi32, #tpu.memory_space<hbm>>
        %dma_start3A_383 = tpu.memref_squeeze %dma_start3A_382 : memref<1x320000xi32, #tpu.memory_space<hbm>> -> memref<320000xi32, #tpu.memory_space<hbm>>
        %dma_start3A_384 = tpu.memref_slice %dma_start3A_383[%mul3A_377] : memref<320000xi32, #tpu.memory_space<hbm>> -> memref<128xi32, #tpu.memory_space<hbm>>
        %dma_start3A_385 = arith.constant 0 : i32
        %dma_start3A_386 = tpu.memref_slice %arg4[%scan3A_364, %dma_start3A_385] : memref<80x128xi32, #tpu.memory_space<vmem>> -> memref<1x128xi32, #tpu.memory_space<vmem>>
        %dma_start3A_387 = tpu.memref_squeeze %dma_start3A_386 : memref<1x128xi32, #tpu.memory_space<vmem>> -> memref<128xi32, #tpu.memory_space<vmem>>
        %dma_start3A_388 = arith.constant 0 : i32
        %dma_start3A_389 = tpu.memref_slice %arg2[%dma_start3A, %dma_start3A_388] : memref<2x320000xi32, #tpu.memory_space<hbm>> -> memref<1x320000xi32, #tpu.memory_space<hbm>>
        %dma_start3A_390 = tpu.memref_squeeze %dma_start3A_389 : memref<1x320000xi32, #tpu.memory_space<hbm>> -> memref<320000xi32, #tpu.memory_space<hbm>>
        %dma_start3A_391 = tpu.memref_slice %dma_start3A_390[%mul3A_377] : memref<320000xi32, #tpu.memory_space<hbm>> -> memref<128xi32, #tpu.memory_space<hbm>>
        tpu.enqueue_dma source(%dma_start3A_391 : memref<128xi32, #tpu.memory_space<hbm>>) target(%dma_start3A_387 : memref<128xi32, #tpu.memory_space<vmem>>) target_semaphore(%arg7 : memref<!tpu.dma_semaphore, #tpu.memory_space<semaphore_mem>>)
      } else {
      }
    }
    %scan3A_293 = arith.constant 80 : i32
    %scan3A_294 = arith.constant 0 : i32
    %scan3A_295 = arith.constant 0 : i32
    %scan3A_296 = arith.constant 80 : i32
    %scan3A_297 = arith.addi %scan3A_295, %scan3A_296 : i32
    %scan3A_298 = arith.constant 1 : i32
    scf.for %scan3A_364 = %scan3A_295 to %scan3A_297 step %scan3A_298  : i32 {
      %mul3A_365 = arith.constant 32 : i32
      %mul3A_366 = arith.muli %mul3A_365, %scan3A_364 : i32
      %add3A_367 = arith.addi %add3A, %mul3A_366 : i32
      %lt3A_368 = arith.constant 2500 : i32
      %lt3A_369 = arith.cmpi slt, %add3A_367, %lt3A_368 : i32
      %convert_element_type3A_370 = arith.extui %lt3A_369 : i1 to i32
      %cond3A_371 = arith.constant 0 : i32
      %cond3A_372 = arith.cmpi ne, %convert_element_type3A_370, %cond3A_371 : i32
      scf.if %cond3A_372 {
        %dma_wait3A = arith.constant 1 : i32
        %dma_wait3A_373 = arith.constant 0 : i32
        %dma_wait3A_374 = arith.constant 0 : i32
        %dma_wait3A_375 = tpu.memref_slice %arg4[%dma_wait3A_373, %dma_wait3A_374] : memref<80x128xi32, #tpu.memory_space<vmem>> -> memref<1x128xi32, #tpu.memory_space<vmem>>
        %dma_wait3A_376 = tpu.memref_squeeze %dma_wait3A_375 : memref<1x128xi32, #tpu.memory_space<vmem>> -> memref<128xi32, #tpu.memory_space<vmem>>
        %dma_wait3A_377 = arith.constant 0 : i32
        %dma_wait3A_378 = tpu.memref_slice %arg2[%dma_wait3A, %dma_wait3A_377] : memref<2x320000xi32, #tpu.memory_space<hbm>> -> memref<1x320000xi32, #tpu.memory_space<hbm>>
        %dma_wait3A_379 = tpu.memref_squeeze %dma_wait3A_378 : memref<1x320000xi32, #tpu.memory_space<hbm>> -> memref<320000xi32, #tpu.memory_space<hbm>>
        %dma_wait3A_380 = arith.constant 0 : i32
        %dma_wait3A_381 = tpu.memref_slice %dma_wait3A_379[%dma_wait3A_380] : memref<320000xi32, #tpu.memory_space<hbm>> -> memref<128xi32, #tpu.memory_space<hbm>>
        %dma_wait3A_382 = arith.constant 0 : i32
        %dma_wait3A_383 = tpu.memref_slice %arg4[%dma_wait3A_373, %dma_wait3A_382] : memref<80x128xi32, #tpu.memory_space<vmem>> -> memref<1x128xi32, #tpu.memory_space<vmem>>
        %dma_wait3A_384 = tpu.memref_squeeze %dma_wait3A_383 : memref<1x128xi32, #tpu.memory_space<vmem>> -> memref<128xi32, #tpu.memory_space<vmem>>
        %dma_wait3A_385 = arith.constant 0 : i32
        %dma_wait3A_386 = tpu.memref_slice %arg2[%dma_wait3A, %dma_wait3A_385] : memref<2x320000xi32, #tpu.memory_space<hbm>> -> memref<1x320000xi32, #tpu.memory_space<hbm>>
        %dma_wait3A_387 = tpu.memref_squeeze %dma_wait3A_386 : memref<1x320000xi32, #tpu.memory_space<hbm>> -> memref<320000xi32, #tpu.memory_space<hbm>>
        %dma_wait3A_388 = arith.constant 0 : i32
        %dma_wait3A_389 = tpu.memref_slice %dma_wait3A_387[%dma_wait3A_388] : memref<320000xi32, #tpu.memory_space<hbm>> -> memref<128xi32, #tpu.memory_space<hbm>>
        tpu.wait_dma2 semaphore(%arg7 : memref<!tpu.dma_semaphore, #tpu.memory_space<semaphore_mem>>) src(%dma_wait3A_389 : memref<128xi32, #tpu.memory_space<hbm>>) dst(%dma_wait3A_384 : memref<128xi32, #tpu.memory_space<vmem>>)
      } else {
      }
    }
    %scan3A_299 = arith.constant 80 : i32
    %barrier3A = arith.constant 0 : index
    tpu.barrier barrier_id(%barrier3A)
    %scan3A_300 = arith.constant 0 : i32
    %scan3A_301 = arith.constant 0 : i32
    %scan3A_302 = arith.constant 80 : i32
    %scan3A_303 = arith.addi %scan3A_301, %scan3A_302 : i32
    %scan3A_304 = arith.constant 1 : i32
    scf.for %scan3A_364 = %scan3A_301 to %scan3A_303 step %scan3A_304  : i32 {
      %mul3A_365 = arith.constant 32 : i32
      %mul3A_366 = arith.muli %mul3A_365, %scan3A_364 : i32
      %add3A_367 = arith.addi %add3A, %mul3A_366 : i32
      %lt3A_368 = arith.constant 2500 : i32
      %lt3A_369 = arith.cmpi slt, %add3A_367, %lt3A_368 : i32
      %convert_element_type3A_370 = arith.extui %lt3A_369 : i1 to i32
      %cond3A_371 = arith.constant 0 : i32
      %cond3A_372 = arith.cmpi ne, %convert_element_type3A_370, %cond3A_371 : i32
      scf.if %cond3A_372 {
        %dma_start3A = arith.constant 0 : i32
        %dma_start3A_383 = tpu.memref_slice %arg4[%scan3A_364, %dma_start3A] : memref<80x128xi32, #tpu.memory_space<vmem>> -> memref<1x128xi32, #tpu.memory_space<vmem>>
        %dma_start3A_384 = tpu.memref_squeeze %dma_start3A_383 : memref<1x128xi32, #tpu.memory_space<vmem>> -> memref<128xi32, #tpu.memory_space<vmem>>
        %dma_start3A_385 = arith.constant 0 : i32
        %dma_start3A_386 = tpu.memref_slice %arg8[%dma_start3A_385] : memref<10240xf32, #tpu.memory_space<vmem_shared>> -> memref<10240xf32, #tpu.memory_space<vmem_shared>>
        tpu.enqueue_indirect_dma source(%arg5 : memref<128xf32, #tpu.memory_space<vmem>>) target(%dma_start3A_386 : memref<10240xf32, #tpu.memory_space<vmem_shared>>) offsets(%dma_start3A_384 : memref<128xi32, #tpu.memory_space<vmem>>) semaphore(%arg7 : memref<!tpu.dma_semaphore, #tpu.memory_space<semaphore_mem>>) {add = true}
      } else {
      }
      %ge3A = arith.constant 8 : i32
      %ge3A_373 = arith.cmpi sge, %scan3A_364, %ge3A : i32
      %sub3A = arith.constant 8 : i32
      %sub3A_374 = arith.subi %scan3A_364, %sub3A : i32
      %mul3A_375 = arith.constant 32 : i32
      %mul3A_376 = arith.muli %mul3A_375, %sub3A_374 : i32
      %add3A_377 = arith.addi %add3A, %mul3A_376 : i32
      %lt3A_378 = arith.constant 2500 : i32
      %lt3A_379 = arith.cmpi slt, %add3A_377, %lt3A_378 : i32
      %and3A = arith.andi %ge3A_373, %lt3A_379 : i1
      %convert_element_type3A_380 = arith.extui %and3A : i1 to i32
      %cond3A_381 = arith.constant 0 : i32
      %cond3A_382 = arith.cmpi ne, %convert_element_type3A_380, %cond3A_381 : i32
      scf.if %cond3A_382 {
        %dma_wait3A = arith.constant 0 : i32
        %dma_wait3A_383 = arith.constant 0 : i32
        %dma_wait3A_384 = tpu.memref_slice %arg4[%dma_wait3A, %dma_wait3A_383] : memref<80x128xi32, #tpu.memory_space<vmem>> -> memref<1x128xi32, #tpu.memory_space<vmem>>
        %dma_wait3A_385 = tpu.memref_squeeze %dma_wait3A_384 : memref<1x128xi32, #tpu.memory_space<vmem>> -> memref<128xi32, #tpu.memory_space<vmem>>
        %dma_wait3A_386 = arith.constant 0 : i32
        %dma_wait3A_387 = tpu.memref_slice %arg8[%dma_wait3A_386] : memref<10240xf32, #tpu.memory_space<vmem_shared>> -> memref<10240xf32, #tpu.memory_space<vmem_shared>>
        tpu.wait_indirect_dma semaphore(%arg7 : memref<!tpu.dma_semaphore, #tpu.memory_space<semaphore_mem>>) src(%arg5 : memref<128xf32, #tpu.memory_space<vmem>>) dst(%dma_wait3A_387 : memref<10240xf32, #tpu.memory_space<vmem_shared>>)
      } else {
      }
    }
    %scan3A_305 = arith.constant 80 : i32
    %add3A_306 = arith.constant 2304 : i32
    %add3A_307 = arith.addi %add3A, %add3A_306 : i32
    %lt3A = arith.constant 2500 : i32
    %lt3A_308 = arith.cmpi slt, %add3A_307, %lt3A : i32
    %convert_element_type3A = arith.extui %lt3A_308 : i1 to i32
    %cond3A = arith.constant 0 : i32
    %cond3A_309 = arith.cmpi ne, %convert_element_type3A, %cond3A : i32
    scf.if %cond3A_309 {
      %dma_wait3A = arith.constant 0 : i32
      %dma_wait3A_364 = arith.constant 0 : i32
      %dma_wait3A_365 = tpu.memref_slice %arg4[%dma_wait3A, %dma_wait3A_364] : memref<80x128xi32, #tpu.memory_space<vmem>> -> memref<1x128xi32, #tpu.memory_space<vmem>>
      %dma_wait3A_366 = tpu.memref_squeeze %dma_wait3A_365 : memref<1x128xi32, #tpu.memory_space<vmem>> -> memref<128xi32, #tpu.memory_space<vmem>>
      %dma_wait3A_367 = arith.constant 0 : i32
      %dma_wait3A_368 = tpu.memref_slice %arg8[%dma_wait3A_367] : memref<10240xf32, #tpu.memory_space<vmem_shared>> -> memref<10240xf32, #tpu.memory_space<vmem_shared>>
      tpu.wait_indirect_dma semaphore(%arg7 : memref<!tpu.dma_semaphore, #tpu.memory_space<semaphore_mem>>) src(%arg5 : memref<128xf32, #tpu.memory_space<vmem>>) dst(%dma_wait3A_368 : memref<10240xf32, #tpu.memory_space<vmem_shared>>)
    } else {
    }
    %add3A_310 = arith.constant 2336 : i32
    %add3A_311 = arith.addi %add3A, %add3A_310 : i32
    %lt3A_312 = arith.constant 2500 : i32
    %lt3A_313 = arith.cmpi slt, %add3A_311, %lt3A_312 : i32
    %convert_element_type3A_314 = arith.extui %lt3A_313 : i1 to i32
    %cond3A_315 = arith.constant 0 : i32
    %cond3A_316 = arith.cmpi ne, %convert_element_type3A_314, %cond3A_315 : i32
    scf.if %cond3A_316 {
      %dma_wait3A = arith.constant 0 : i32
      %dma_wait3A_364 = arith.constant 0 : i32
      %dma_wait3A_365 = tpu.memref_slice %arg4[%dma_wait3A, %dma_wait3A_364] : memref<80x128xi32, #tpu.memory_space<vmem>> -> memref<1x128xi32, #tpu.memory_space<vmem>>
      %dma_wait3A_366 = tpu.memref_squeeze %dma_wait3A_365 : memref<1x128xi32, #tpu.memory_space<vmem>> -> memref<128xi32, #tpu.memory_space<vmem>>
      %dma_wait3A_367 = arith.constant 0 : i32
      %dma_wait3A_368 = tpu.memref_slice %arg8[%dma_wait3A_367] : memref<10240xf32, #tpu.memory_space<vmem_shared>> -> memref<10240xf32, #tpu.memory_space<vmem_shared>>
      tpu.wait_indirect_dma semaphore(%arg7 : memref<!tpu.dma_semaphore, #tpu.memory_space<semaphore_mem>>) src(%arg5 : memref<128xf32, #tpu.memory_space<vmem>>) dst(%dma_wait3A_368 : memref<10240xf32, #tpu.memory_space<vmem_shared>>)
    } else {
    }
    %add3A_317 = arith.constant 2368 : i32
    %add3A_318 = arith.addi %add3A, %add3A_317 : i32
    %lt3A_319 = arith.constant 2500 : i32
    %lt3A_320 = arith.cmpi slt, %add3A_318, %lt3A_319 : i32
    %convert_element_type3A_321 = arith.extui %lt3A_320 : i1 to i32
    %cond3A_322 = arith.constant 0 : i32
    %cond3A_323 = arith.cmpi ne, %convert_element_type3A_321, %cond3A_322 : i32
    scf.if %cond3A_323 {
      %dma_wait3A = arith.constant 0 : i32
      %dma_wait3A_364 = arith.constant 0 : i32
      %dma_wait3A_365 = tpu.memref_slice %arg4[%dma_wait3A, %dma_wait3A_364] : memref<80x128xi32, #tpu.memory_space<vmem>> -> memref<1x128xi32, #tpu.memory_space<vmem>>
      %dma_wait3A_366 = tpu.memref_squeeze %dma_wait3A_365 : memref<1x128xi32, #tpu.memory_space<vmem>> -> memref<128xi32, #tpu.memory_space<vmem>>
      %dma_wait3A_367 = arith.constant 0 : i32
      %dma_wait3A_368 = tpu.memref_slice %arg8[%dma_wait3A_367] : memref<10240xf32, #tpu.memory_space<vmem_shared>> -> memref<10240xf32, #tpu.memory_space<vmem_shared>>
      tpu.wait_indirect_dma semaphore(%arg7 : memref<!tpu.dma_semaphore, #tpu.memory_space<semaphore_mem>>) src(%arg5 : memref<128xf32, #tpu.memory_space<vmem>>) dst(%dma_wait3A_368 : memref<10240xf32, #tpu.memory_space<vmem_shared>>)
    } else {
    }
    %add3A_324 = arith.constant 2400 : i32
    %add3A_325 = arith.addi %add3A, %add3A_324 : i32
    %lt3A_326 = arith.constant 2500 : i32
    %lt3A_327 = arith.cmpi slt, %add3A_325, %lt3A_326 : i32
    %convert_element_type3A_328 = arith.extui %lt3A_327 : i1 to i32
    %cond3A_329 = arith.constant 0 : i32
    %cond3A_330 = arith.cmpi ne, %convert_element_type3A_328, %cond3A_329 : i32
    scf.if %cond3A_330 {
      %dma_wait3A = arith.constant 0 : i32
      %dma_wait3A_364 = arith.constant 0 : i32
      %dma_wait3A_365 = tpu.memref_slice %arg4[%dma_wait3A, %dma_wait3A_364] : memref<80x128xi32, #tpu.memory_space<vmem>> -> memref<1x128xi32, #tpu.memory_space<vmem>>
      %dma_wait3A_366 = tpu.memref_squeeze %dma_wait3A_365 : memref<1x128xi32, #tpu.memory_space<vmem>> -> memref<128xi32, #tpu.memory_space<vmem>>
      %dma_wait3A_367 = arith.constant 0 : i32
      %dma_wait3A_368 = tpu.memref_slice %arg8[%dma_wait3A_367] : memref<10240xf32, #tpu.memory_space<vmem_shared>> -> memref<10240xf32, #tpu.memory_space<vmem_shared>>
      tpu.wait_indirect_dma semaphore(%arg7 : memref<!tpu.dma_semaphore, #tpu.memory_space<semaphore_mem>>) src(%arg5 : memref<128xf32, #tpu.memory_space<vmem>>) dst(%dma_wait3A_368 : memref<10240xf32, #tpu.memory_space<vmem_shared>>)
    } else {
    }
    %add3A_331 = arith.constant 2432 : i32
    %add3A_332 = arith.addi %add3A, %add3A_331 : i32
    %lt3A_333 = arith.constant 2500 : i32
    %lt3A_334 = arith.cmpi slt, %add3A_332, %lt3A_333 : i32
    %convert_element_type3A_335 = arith.extui %lt3A_334 : i1 to i32
    %cond3A_336 = arith.constant 0 : i32
    %cond3A_337 = arith.cmpi ne, %convert_element_type3A_335, %cond3A_336 : i32
    scf.if %cond3A_337 {
      %dma_wait3A = arith.constant 0 : i32
      %dma_wait3A_364 = arith.constant 0 : i32
      %dma_wait3A_365 = tpu.memref_slice %arg4[%dma_wait3A, %dma_wait3A_364] : memref<80x128xi32, #tpu.memory_space<vmem>> -> memref<1x128xi32, #tpu.memory_space<vmem>>
      %dma_wait3A_366 = tpu.memref_squeeze %dma_wait3A_365 : memref<1x128xi32, #tpu.memory_space<vmem>> -> memref<128xi32, #tpu.memory_space<vmem>>
      %dma_wait3A_367 = arith.constant 0 : i32
      %dma_wait3A_368 = tpu.memref_slice %arg8[%dma_wait3A_367] : memref<10240xf32, #tpu.memory_space<vmem_shared>> -> memref<10240xf32, #tpu.memory_space<vmem_shared>>
      tpu.wait_indirect_dma semaphore(%arg7 : memref<!tpu.dma_semaphore, #tpu.memory_space<semaphore_mem>>) src(%arg5 : memref<128xf32, #tpu.memory_space<vmem>>) dst(%dma_wait3A_368 : memref<10240xf32, #tpu.memory_space<vmem_shared>>)
    } else {
    }
    %add3A_338 = arith.constant 2464 : i32
    %add3A_339 = arith.addi %add3A, %add3A_338 : i32
    %lt3A_340 = arith.constant 2500 : i32
    %lt3A_341 = arith.cmpi slt, %add3A_339, %lt3A_340 : i32
    %convert_element_type3A_342 = arith.extui %lt3A_341 : i1 to i32
    %cond3A_343 = arith.constant 0 : i32
    %cond3A_344 = arith.cmpi ne, %convert_element_type3A_342, %cond3A_343 : i32
    scf.if %cond3A_344 {
      %dma_wait3A = arith.constant 0 : i32
      %dma_wait3A_364 = arith.constant 0 : i32
      %dma_wait3A_365 = tpu.memref_slice %arg4[%dma_wait3A, %dma_wait3A_364] : memref<80x128xi32, #tpu.memory_space<vmem>> -> memref<1x128xi32, #tpu.memory_space<vmem>>
      %dma_wait3A_366 = tpu.memref_squeeze %dma_wait3A_365 : memref<1x128xi32, #tpu.memory_space<vmem>> -> memref<128xi32, #tpu.memory_space<vmem>>
      %dma_wait3A_367 = arith.constant 0 : i32
      %dma_wait3A_368 = tpu.memref_slice %arg8[%dma_wait3A_367] : memref<10240xf32, #tpu.memory_space<vmem_shared>> -> memref<10240xf32, #tpu.memory_space<vmem_shared>>
      tpu.wait_indirect_dma semaphore(%arg7 : memref<!tpu.dma_semaphore, #tpu.memory_space<semaphore_mem>>) src(%arg5 : memref<128xf32, #tpu.memory_space<vmem>>) dst(%dma_wait3A_368 : memref<10240xf32, #tpu.memory_space<vmem_shared>>)
    } else {
    }
    %add3A_345 = arith.constant 2496 : i32
    %add3A_346 = arith.addi %add3A, %add3A_345 : i32
    %lt3A_347 = arith.constant 2500 : i32
    %lt3A_348 = arith.cmpi slt, %add3A_346, %lt3A_347 : i32
    %convert_element_type3A_349 = arith.extui %lt3A_348 : i1 to i32
    %cond3A_350 = arith.constant 0 : i32
    %cond3A_351 = arith.cmpi ne, %convert_element_type3A_349, %cond3A_350 : i32
    scf.if %cond3A_351 {
      %dma_wait3A = arith.constant 0 : i32
      %dma_wait3A_364 = arith.constant 0 : i32
      %dma_wait3A_365 = tpu.memref_slice %arg4[%dma_wait3A, %dma_wait3A_364] : memref<80x128xi32, #tpu.memory_space<vmem>> -> memref<1x128xi32, #tpu.memory_space<vmem>>
      %dma_wait3A_366 = tpu.memref_squeeze %dma_wait3A_365 : memref<1x128xi32, #tpu.memory_space<vmem>> -> memref<128xi32, #tpu.memory_space<vmem>>
      %dma_wait3A_367 = arith.constant 0 : i32
      %dma_wait3A_368 = tpu.memref_slice %arg8[%dma_wait3A_367] : memref<10240xf32, #tpu.memory_space<vmem_shared>> -> memref<10240xf32, #tpu.memory_space<vmem_shared>>
      tpu.wait_indirect_dma semaphore(%arg7 : memref<!tpu.dma_semaphore, #tpu.memory_space<semaphore_mem>>) src(%arg5 : memref<128xf32, #tpu.memory_space<vmem>>) dst(%dma_wait3A_368 : memref<10240xf32, #tpu.memory_space<vmem_shared>>)
    } else {
    }
    %add3A_352 = arith.constant 2528 : i32
    %add3A_353 = arith.addi %add3A, %add3A_352 : i32
    %lt3A_354 = arith.constant 2500 : i32
    %lt3A_355 = arith.cmpi slt, %add3A_353, %lt3A_354 : i32
    %convert_element_type3A_356 = arith.extui %lt3A_355 : i1 to i32
    %cond3A_357 = arith.constant 0 : i32
    %cond3A_358 = arith.cmpi ne, %convert_element_type3A_356, %cond3A_357 : i32
    scf.if %cond3A_358 {
      %dma_wait3A = arith.constant 0 : i32
      %dma_wait3A_364 = arith.constant 0 : i32
      %dma_wait3A_365 = tpu.memref_slice %arg4[%dma_wait3A, %dma_wait3A_364] : memref<80x128xi32, #tpu.memory_space<vmem>> -> memref<1x128xi32, #tpu.memory_space<vmem>>
      %dma_wait3A_366 = tpu.memref_squeeze %dma_wait3A_365 : memref<1x128xi32, #tpu.memory_space<vmem>> -> memref<128xi32, #tpu.memory_space<vmem>>
      %dma_wait3A_367 = arith.constant 0 : i32
      %dma_wait3A_368 = tpu.memref_slice %arg8[%dma_wait3A_367] : memref<10240xf32, #tpu.memory_space<vmem_shared>> -> memref<10240xf32, #tpu.memory_space<vmem_shared>>
      tpu.wait_indirect_dma semaphore(%arg7 : memref<!tpu.dma_semaphore, #tpu.memory_space<semaphore_mem>>) src(%arg5 : memref<128xf32, #tpu.memory_space<vmem>>) dst(%dma_wait3A_368 : memref<10240xf32, #tpu.memory_space<vmem_shared>>)
    } else {
    }
    %barrier3A_359 = arith.constant 0 : index
    tpu.barrier barrier_id(%barrier3A_359)
    %mul3A_360 = arith.constant 640 : i32
    %mul3A_361 = arith.muli %arg1, %mul3A_360 : i32
    %mul3A_362 = arith.constant 640 : i32
    %mul3A_363 = arith.muli %arg1, %mul3A_362 : i32
    "tpu.region"() ({
      %run_scoped3A = tpu.sem_alloc : memref<!tpu.dma_semaphore, #tpu.memory_space<semaphore_mem>>
      %dma_start3A = arith.constant 0 : i32
      %dma_start3A_364 = tpu.memref_slice %arg3[%arg0, %dma_start3A] : memref<2x10240xf32, #tpu.memory_space<hbm>> -> memref<1x10240xf32, #tpu.memory_space<hbm>>
      %dma_start3A_365 = tpu.memref_squeeze %dma_start3A_364 : memref<1x10240xf32, #tpu.memory_space<hbm>> -> memref<10240xf32, #tpu.memory_space<hbm>>
      %dma_start3A_366 = tpu.memref_slice %dma_start3A_365[%mul3A_363] : memref<10240xf32, #tpu.memory_space<hbm>> -> memref<640xf32, #tpu.memory_space<hbm>>
      %dma_start3A_367 = tpu.memref_slice %arg8[%mul3A_361] : memref<10240xf32, #tpu.memory_space<vmem_shared>> -> memref<640xf32, #tpu.memory_space<vmem_shared>>
      tpu.enqueue_dma source(%dma_start3A_367 : memref<640xf32, #tpu.memory_space<vmem_shared>>) target(%dma_start3A_366 : memref<640xf32, #tpu.memory_space<hbm>>) target_semaphore(%run_scoped3A : memref<!tpu.dma_semaphore, #tpu.memory_space<semaphore_mem>>)
      %dma_wait3A = arith.constant 0 : i32
      %dma_wait3A_368 = tpu.memref_slice %arg3[%arg0, %dma_wait3A] : memref<2x10240xf32, #tpu.memory_space<hbm>> -> memref<1x10240xf32, #tpu.memory_space<hbm>>
      %dma_wait3A_369 = tpu.memref_squeeze %dma_wait3A_368 : memref<1x10240xf32, #tpu.memory_space<hbm>> -> memref<10240xf32, #tpu.memory_space<hbm>>
      %dma_wait3A_370 = tpu.memref_slice %dma_wait3A_369[%mul3A_363] : memref<10240xf32, #tpu.memory_space<hbm>> -> memref<640xf32, #tpu.memory_space<hbm>>
      %dma_wait3A_371 = tpu.memref_slice %arg8[%mul3A_361] : memref<10240xf32, #tpu.memory_space<vmem_shared>> -> memref<640xf32, #tpu.memory_space<vmem_shared>>
      tpu.wait_dma2 semaphore(%run_scoped3A : memref<!tpu.dma_semaphore, #tpu.memory_space<semaphore_mem>>) src(%dma_wait3A_371 : memref<640xf32, #tpu.memory_space<vmem_shared>>) dst(%dma_wait3A_370 : memref<640xf32, #tpu.memory_space<hbm>>)
      tpu.yield
    }) : () -> ()
    return
  }
}

#map = affine_map<(d0, d1) -> (0, 0)>
#map1 = affine_map<(d0, d1) -> (0, 0, 0)>
module attributes {stable_mosaic.version = 14 : i64} {
  func.func @_agg_body(%arg0: i32, %arg1: i32, %arg2: memref<10240x64xf32, #tpu.memory_space<hbm>>, %arg3: memref<2x320000xi32, #tpu.memory_space<hbm>>, %arg4: memref<2x10240x64xf32, #tpu.memory_space<hbm>>, %arg5: memref<80x128xi32, #tpu.memory_space<vmem>>, %arg6: memref<80x128xi32, #tpu.memory_space<vmem>>, %arg7: memref<128x64xf32, #tpu.memory_space<vmem>>, %arg8: memref<128x64xf32, #tpu.memory_space<vmem>>, %arg9: memref<128x64xf32, #tpu.memory_space<vmem>>, %arg10: memref<128x64xf32, #tpu.memory_space<vmem>>, %arg11: memref<128x64xf32, #tpu.memory_space<vmem>>, %arg12: memref<128x64xf32, #tpu.memory_space<vmem>>, %arg13: memref<128x64xf32, #tpu.memory_space<vmem>>, %arg14: memref<128x64xf32, #tpu.memory_space<vmem>>, %arg15: memref<!tpu.dma_semaphore, #tpu.memory_space<semaphore_mem>>, %arg16: memref<!tpu.dma_semaphore, #tpu.memory_space<semaphore_mem>>, %arg17: memref<!tpu.dma_semaphore, #tpu.memory_space<semaphore_mem>>, %arg18: memref<!tpu.dma_semaphore, #tpu.memory_space<semaphore_mem>>, %arg19: memref<!tpu.dma_semaphore, #tpu.memory_space<semaphore_mem>>, %arg20: memref<!tpu.dma_semaphore, #tpu.memory_space<semaphore_mem>>, %arg21: memref<!tpu.dma_semaphore, #tpu.memory_space<semaphore_mem>>, %arg22: memref<!tpu.dma_semaphore, #tpu.memory_space<semaphore_mem>>, %arg23: memref<!tpu.dma_semaphore, #tpu.memory_space<semaphore_mem>>, %arg24: memref<!tpu.dma_semaphore, #tpu.memory_space<semaphore_mem>>, %arg25: memref<!tpu.dma_semaphore, #tpu.memory_space<semaphore_mem>>, %arg26: memref<!tpu.dma_semaphore, #tpu.memory_space<semaphore_mem>>, %arg27: memref<!tpu.dma_semaphore, #tpu.memory_space<semaphore_mem>>, %arg28: memref<!tpu.dma_semaphore, #tpu.memory_space<semaphore_mem>>, %arg29: memref<!tpu.dma_semaphore, #tpu.memory_space<semaphore_mem>>, %arg30: memref<!tpu.dma_semaphore, #tpu.memory_space<semaphore_mem>>, %arg31: memref<!tpu.dma_semaphore, #tpu.memory_space<semaphore_mem>>, %arg32: memref<10240x64xf32, #tpu.memory_space<vmem_shared>>) attributes {dimension_semantics = [#tpu.dimension_semantics<core_parallel>, #tpu.dimension_semantics<subcore_parallel>], iteration_bounds = array<i64: 2, 16>, scalar_prefetch = 0 : i64, scratch_operands = 28 : i64, tpu.core_type = #tpu.core_type<sc_vector_subcore>, window_params = [{transform_indices = #map}, {transform_indices = #map}, {transform_indices = #map1}]} {
    %mul3A = arith.constant 16 : i32
    %mul3A_0 = arith.muli %arg0, %mul3A : i32
    %add3A = arith.addi %mul3A_0, %arg1 : i32
    %mul3A_1 = arith.constant 640 : i32
    %mul3A_2 = arith.muli %arg1, %mul3A_1 : i32
    %mul3A_3 = arith.constant 640 : i32
    %mul3A_4 = arith.muli %arg1, %mul3A_3 : i32
    "tpu.region"() ({
      %run_scoped3A = tpu.sem_alloc : memref<!tpu.dma_semaphore, #tpu.memory_space<semaphore_mem>>
      %dma_start3A_91 = arith.constant 0 : i32
      %dma_start3A_92 = tpu.memref_slice %arg32[%mul3A_4, %dma_start3A_91] : memref<10240x64xf32, #tpu.memory_space<vmem_shared>> -> memref<640x64xf32, #tpu.memory_space<vmem_shared>>
      %dma_start3A_93 = arith.constant 0 : i32
      %dma_start3A_94 = tpu.memref_slice %arg2[%mul3A_2, %dma_start3A_93] : memref<10240x64xf32, #tpu.memory_space<hbm>> -> memref<640x64xf32, #tpu.memory_space<hbm>>
      tpu.enqueue_dma source(%dma_start3A_94 : memref<640x64xf32, #tpu.memory_space<hbm>>) target(%dma_start3A_92 : memref<640x64xf32, #tpu.memory_space<vmem_shared>>) target_semaphore(%run_scoped3A : memref<!tpu.dma_semaphore, #tpu.memory_space<semaphore_mem>>)
      %dma_wait3A = arith.constant 0 : i32
      %dma_wait3A_95 = tpu.memref_slice %arg32[%mul3A_4, %dma_wait3A] : memref<10240x64xf32, #tpu.memory_space<vmem_shared>> -> memref<640x64xf32, #tpu.memory_space<vmem_shared>>
      %dma_wait3A_96 = arith.constant 0 : i32
      %dma_wait3A_97 = tpu.memref_slice %arg2[%mul3A_2, %dma_wait3A_96] : memref<10240x64xf32, #tpu.memory_space<hbm>> -> memref<640x64xf32, #tpu.memory_space<hbm>>
      tpu.wait_dma2 semaphore(%run_scoped3A : memref<!tpu.dma_semaphore, #tpu.memory_space<semaphore_mem>>) src(%dma_wait3A_97 : memref<640x64xf32, #tpu.memory_space<hbm>>) dst(%dma_wait3A_95 : memref<640x64xf32, #tpu.memory_space<vmem_shared>>)
      tpu.yield
    }) : () -> ()
    %scan3A = arith.constant 0 : i32
    %scan3A_5 = arith.constant 0 : i32
    %scan3A_6 = arith.constant 80 : i32
    %scan3A_7 = arith.addi %scan3A_5, %scan3A_6 : i32
    %scan3A_8 = arith.constant 1 : i32
    scf.for %scan3A_91 = %scan3A_5 to %scan3A_7 step %scan3A_8  : i32 {
      %mul3A_92 = arith.constant 32 : i32
      %mul3A_93 = arith.muli %mul3A_92, %scan3A_91 : i32
      %add3A_94 = arith.addi %add3A, %mul3A_93 : i32
      %lt3A_95 = arith.constant 2500 : i32
      %lt3A_96 = arith.cmpi slt, %add3A_94, %lt3A_95 : i32
      %convert_element_type3A_97 = arith.extui %lt3A_96 : i1 to i32
      %cond3A_98 = arith.constant 0 : i32
      %cond3A_99 = arith.cmpi ne, %convert_element_type3A_97, %cond3A_98 : i32
      scf.if %cond3A_99 {
        %mul3A_100 = arith.constant 32 : i32
        %mul3A_101 = arith.muli %mul3A_100, %scan3A_91 : i32
        %add3A_102 = arith.addi %add3A, %mul3A_101 : i32
        %mul3A_103 = arith.constant 128 : i32
        %mul3A_104 = arith.muli %add3A_102, %mul3A_103 : i32
        %dma_start3A_105 = arith.constant 0 : i32
        %dma_start3A_106 = arith.constant 0 : i32
        %dma_start3A_107 = tpu.memref_slice %arg5[%scan3A_91, %dma_start3A_106] : memref<80x128xi32, #tpu.memory_space<vmem>> -> memref<1x128xi32, #tpu.memory_space<vmem>>
        %dma_start3A_108 = tpu.memref_squeeze %dma_start3A_107 : memref<1x128xi32, #tpu.memory_space<vmem>> -> memref<128xi32, #tpu.memory_space<vmem>>
        %dma_start3A_109 = arith.constant 0 : i32
        %dma_start3A_110 = tpu.memref_slice %arg3[%dma_start3A_105, %dma_start3A_109] : memref<2x320000xi32, #tpu.memory_space<hbm>> -> memref<1x320000xi32, #tpu.memory_space<hbm>>
        %dma_start3A_111 = tpu.memref_squeeze %dma_start3A_110 : memref<1x320000xi32, #tpu.memory_space<hbm>> -> memref<320000xi32, #tpu.memory_space<hbm>>
        %dma_start3A_112 = tpu.memref_slice %dma_start3A_111[%mul3A_104] : memref<320000xi32, #tpu.memory_space<hbm>> -> memref<128xi32, #tpu.memory_space<hbm>>
        %dma_start3A_113 = arith.constant 0 : i32
        %dma_start3A_114 = tpu.memref_slice %arg5[%scan3A_91, %dma_start3A_113] : memref<80x128xi32, #tpu.memory_space<vmem>> -> memref<1x128xi32, #tpu.memory_space<vmem>>
        %dma_start3A_115 = tpu.memref_squeeze %dma_start3A_114 : memref<1x128xi32, #tpu.memory_space<vmem>> -> memref<128xi32, #tpu.memory_space<vmem>>
        %dma_start3A_116 = arith.constant 0 : i32
        %dma_start3A_117 = tpu.memref_slice %arg3[%dma_start3A_105, %dma_start3A_116] : memref<2x320000xi32, #tpu.memory_space<hbm>> -> memref<1x320000xi32, #tpu.memory_space<hbm>>
        %dma_start3A_118 = tpu.memref_squeeze %dma_start3A_117 : memref<1x320000xi32, #tpu.memory_space<hbm>> -> memref<320000xi32, #tpu.memory_space<hbm>>
        %dma_start3A_119 = tpu.memref_slice %dma_start3A_118[%mul3A_104] : memref<320000xi32, #tpu.memory_space<hbm>> -> memref<128xi32, #tpu.memory_space<hbm>>
        tpu.enqueue_dma source(%dma_start3A_119 : memref<128xi32, #tpu.memory_space<hbm>>) target(%dma_start3A_115 : memref<128xi32, #tpu.memory_space<vmem>>) target_semaphore(%arg15 : memref<!tpu.dma_semaphore, #tpu.memory_space<semaphore_mem>>)
      } else {
      }
    }
    %scan3A_9 = arith.constant 80 : i32
    %scan3A_10 = arith.constant 0 : i32
    %scan3A_11 = arith.constant 0 : i32
    %scan3A_12 = arith.constant 80 : i32
    %scan3A_13 = arith.addi %scan3A_11, %scan3A_12 : i32
    %scan3A_14 = arith.constant 1 : i32
    scf.for %scan3A_91 = %scan3A_11 to %scan3A_13 step %scan3A_14  : i32 {
      %mul3A_92 = arith.constant 32 : i32
      %mul3A_93 = arith.muli %mul3A_92, %scan3A_91 : i32
      %add3A_94 = arith.addi %add3A, %mul3A_93 : i32
      %lt3A_95 = arith.constant 2500 : i32
      %lt3A_96 = arith.cmpi slt, %add3A_94, %lt3A_95 : i32
      %convert_element_type3A_97 = arith.extui %lt3A_96 : i1 to i32
      %cond3A_98 = arith.constant 0 : i32
      %cond3A_99 = arith.cmpi ne, %convert_element_type3A_97, %cond3A_98 : i32
      scf.if %cond3A_99 {
        %dma_wait3A = arith.constant 0 : i32
        %dma_wait3A_100 = arith.constant 0 : i32
        %dma_wait3A_101 = arith.constant 0 : i32
        %dma_wait3A_102 = tpu.memref_slice %arg5[%dma_wait3A_100, %dma_wait3A_101] : memref<80x128xi32, #tpu.memory_space<vmem>> -> memref<1x128xi32, #tpu.memory_space<vmem>>
        %dma_wait3A_103 = tpu.memref_squeeze %dma_wait3A_102 : memref<1x128xi32, #tpu.memory_space<vmem>> -> memref<128xi32, #tpu.memory_space<vmem>>
        %dma_wait3A_104 = arith.constant 0 : i32
        %dma_wait3A_105 = tpu.memref_slice %arg3[%dma_wait3A, %dma_wait3A_104] : memref<2x320000xi32, #tpu.memory_space<hbm>> -> memref<1x320000xi32, #tpu.memory_space<hbm>>
        %dma_wait3A_106 = tpu.memref_squeeze %dma_wait3A_105 : memref<1x320000xi32, #tpu.memory_space<hbm>> -> memref<320000xi32, #tpu.memory_space<hbm>>
        %dma_wait3A_107 = arith.constant 0 : i32
        %dma_wait3A_108 = tpu.memref_slice %dma_wait3A_106[%dma_wait3A_107] : memref<320000xi32, #tpu.memory_space<hbm>> -> memref<128xi32, #tpu.memory_space<hbm>>
        %dma_wait3A_109 = arith.constant 0 : i32
        %dma_wait3A_110 = tpu.memref_slice %arg5[%dma_wait3A_100, %dma_wait3A_109] : memref<80x128xi32, #tpu.memory_space<vmem>> -> memref<1x128xi32, #tpu.memory_space<vmem>>
        %dma_wait3A_111 = tpu.memref_squeeze %dma_wait3A_110 : memref<1x128xi32, #tpu.memory_space<vmem>> -> memref<128xi32, #tpu.memory_space<vmem>>
        %dma_wait3A_112 = arith.constant 0 : i32
        %dma_wait3A_113 = tpu.memref_slice %arg3[%dma_wait3A, %dma_wait3A_112] : memref<2x320000xi32, #tpu.memory_space<hbm>> -> memref<1x320000xi32, #tpu.memory_space<hbm>>
        %dma_wait3A_114 = tpu.memref_squeeze %dma_wait3A_113 : memref<1x320000xi32, #tpu.memory_space<hbm>> -> memref<320000xi32, #tpu.memory_space<hbm>>
        %dma_wait3A_115 = arith.constant 0 : i32
        %dma_wait3A_116 = tpu.memref_slice %dma_wait3A_114[%dma_wait3A_115] : memref<320000xi32, #tpu.memory_space<hbm>> -> memref<128xi32, #tpu.memory_space<hbm>>
        tpu.wait_dma2 semaphore(%arg15 : memref<!tpu.dma_semaphore, #tpu.memory_space<semaphore_mem>>) src(%dma_wait3A_116 : memref<128xi32, #tpu.memory_space<hbm>>) dst(%dma_wait3A_111 : memref<128xi32, #tpu.memory_space<vmem>>)
      } else {
      }
    }
    %scan3A_15 = arith.constant 80 : i32
    %scan3A_16 = arith.constant 0 : i32
    %scan3A_17 = arith.constant 0 : i32
    %scan3A_18 = arith.constant 80 : i32
    %scan3A_19 = arith.addi %scan3A_17, %scan3A_18 : i32
    %scan3A_20 = arith.constant 1 : i32
    scf.for %scan3A_91 = %scan3A_17 to %scan3A_19 step %scan3A_20  : i32 {
      %mul3A_92 = arith.constant 32 : i32
      %mul3A_93 = arith.muli %mul3A_92, %scan3A_91 : i32
      %add3A_94 = arith.addi %add3A, %mul3A_93 : i32
      %lt3A_95 = arith.constant 2500 : i32
      %lt3A_96 = arith.cmpi slt, %add3A_94, %lt3A_95 : i32
      %convert_element_type3A_97 = arith.extui %lt3A_96 : i1 to i32
      %cond3A_98 = arith.constant 0 : i32
      %cond3A_99 = arith.cmpi ne, %convert_element_type3A_97, %cond3A_98 : i32
      scf.if %cond3A_99 {
        %mul3A_100 = arith.constant 32 : i32
        %mul3A_101 = arith.muli %mul3A_100, %scan3A_91 : i32
        %add3A_102 = arith.addi %add3A, %mul3A_101 : i32
        %mul3A_103 = arith.constant 128 : i32
        %mul3A_104 = arith.muli %add3A_102, %mul3A_103 : i32
        %dma_start3A_105 = arith.constant 1 : i32
        %dma_start3A_106 = arith.constant 0 : i32
        %dma_start3A_107 = tpu.memref_slice %arg6[%scan3A_91, %dma_start3A_106] : memref<80x128xi32, #tpu.memory_space<vmem>> -> memref<1x128xi32, #tpu.memory_space<vmem>>
        %dma_start3A_108 = tpu.memref_squeeze %dma_start3A_107 : memref<1x128xi32, #tpu.memory_space<vmem>> -> memref<128xi32, #tpu.memory_space<vmem>>
        %dma_start3A_109 = arith.constant 0 : i32
        %dma_start3A_110 = tpu.memref_slice %arg3[%dma_start3A_105, %dma_start3A_109] : memref<2x320000xi32, #tpu.memory_space<hbm>> -> memref<1x320000xi32, #tpu.memory_space<hbm>>
        %dma_start3A_111 = tpu.memref_squeeze %dma_start3A_110 : memref<1x320000xi32, #tpu.memory_space<hbm>> -> memref<320000xi32, #tpu.memory_space<hbm>>
        %dma_start3A_112 = tpu.memref_slice %dma_start3A_111[%mul3A_104] : memref<320000xi32, #tpu.memory_space<hbm>> -> memref<128xi32, #tpu.memory_space<hbm>>
        %dma_start3A_113 = arith.constant 0 : i32
        %dma_start3A_114 = tpu.memref_slice %arg6[%scan3A_91, %dma_start3A_113] : memref<80x128xi32, #tpu.memory_space<vmem>> -> memref<1x128xi32, #tpu.memory_space<vmem>>
        %dma_start3A_115 = tpu.memref_squeeze %dma_start3A_114 : memref<1x128xi32, #tpu.memory_space<vmem>> -> memref<128xi32, #tpu.memory_space<vmem>>
        %dma_start3A_116 = arith.constant 0 : i32
        %dma_start3A_117 = tpu.memref_slice %arg3[%dma_start3A_105, %dma_start3A_116] : memref<2x320000xi32, #tpu.memory_space<hbm>> -> memref<1x320000xi32, #tpu.memory_space<hbm>>
        %dma_start3A_118 = tpu.memref_squeeze %dma_start3A_117 : memref<1x320000xi32, #tpu.memory_space<hbm>> -> memref<320000xi32, #tpu.memory_space<hbm>>
        %dma_start3A_119 = tpu.memref_slice %dma_start3A_118[%mul3A_104] : memref<320000xi32, #tpu.memory_space<hbm>> -> memref<128xi32, #tpu.memory_space<hbm>>
        tpu.enqueue_dma source(%dma_start3A_119 : memref<128xi32, #tpu.memory_space<hbm>>) target(%dma_start3A_115 : memref<128xi32, #tpu.memory_space<vmem>>) target_semaphore(%arg15 : memref<!tpu.dma_semaphore, #tpu.memory_space<semaphore_mem>>)
      } else {
      }
    }
    %scan3A_21 = arith.constant 80 : i32
    %scan3A_22 = arith.constant 0 : i32
    %scan3A_23 = arith.constant 0 : i32
    %scan3A_24 = arith.constant 80 : i32
    %scan3A_25 = arith.addi %scan3A_23, %scan3A_24 : i32
    %scan3A_26 = arith.constant 1 : i32
    scf.for %scan3A_91 = %scan3A_23 to %scan3A_25 step %scan3A_26  : i32 {
      %mul3A_92 = arith.constant 32 : i32
      %mul3A_93 = arith.muli %mul3A_92, %scan3A_91 : i32
      %add3A_94 = arith.addi %add3A, %mul3A_93 : i32
      %lt3A_95 = arith.constant 2500 : i32
      %lt3A_96 = arith.cmpi slt, %add3A_94, %lt3A_95 : i32
      %convert_element_type3A_97 = arith.extui %lt3A_96 : i1 to i32
      %cond3A_98 = arith.constant 0 : i32
      %cond3A_99 = arith.cmpi ne, %convert_element_type3A_97, %cond3A_98 : i32
      scf.if %cond3A_99 {
        %dma_wait3A = arith.constant 1 : i32
        %dma_wait3A_100 = arith.constant 0 : i32
        %dma_wait3A_101 = arith.constant 0 : i32
        %dma_wait3A_102 = tpu.memref_slice %arg6[%dma_wait3A_100, %dma_wait3A_101] : memref<80x128xi32, #tpu.memory_space<vmem>> -> memref<1x128xi32, #tpu.memory_space<vmem>>
        %dma_wait3A_103 = tpu.memref_squeeze %dma_wait3A_102 : memref<1x128xi32, #tpu.memory_space<vmem>> -> memref<128xi32, #tpu.memory_space<vmem>>
        %dma_wait3A_104 = arith.constant 0 : i32
        %dma_wait3A_105 = tpu.memref_slice %arg3[%dma_wait3A, %dma_wait3A_104] : memref<2x320000xi32, #tpu.memory_space<hbm>> -> memref<1x320000xi32, #tpu.memory_space<hbm>>
        %dma_wait3A_106 = tpu.memref_squeeze %dma_wait3A_105 : memref<1x320000xi32, #tpu.memory_space<hbm>> -> memref<320000xi32, #tpu.memory_space<hbm>>
        %dma_wait3A_107 = arith.constant 0 : i32
        %dma_wait3A_108 = tpu.memref_slice %dma_wait3A_106[%dma_wait3A_107] : memref<320000xi32, #tpu.memory_space<hbm>> -> memref<128xi32, #tpu.memory_space<hbm>>
        %dma_wait3A_109 = arith.constant 0 : i32
        %dma_wait3A_110 = tpu.memref_slice %arg6[%dma_wait3A_100, %dma_wait3A_109] : memref<80x128xi32, #tpu.memory_space<vmem>> -> memref<1x128xi32, #tpu.memory_space<vmem>>
        %dma_wait3A_111 = tpu.memref_squeeze %dma_wait3A_110 : memref<1x128xi32, #tpu.memory_space<vmem>> -> memref<128xi32, #tpu.memory_space<vmem>>
        %dma_wait3A_112 = arith.constant 0 : i32
        %dma_wait3A_113 = tpu.memref_slice %arg3[%dma_wait3A, %dma_wait3A_112] : memref<2x320000xi32, #tpu.memory_space<hbm>> -> memref<1x320000xi32, #tpu.memory_space<hbm>>
        %dma_wait3A_114 = tpu.memref_squeeze %dma_wait3A_113 : memref<1x320000xi32, #tpu.memory_space<hbm>> -> memref<320000xi32, #tpu.memory_space<hbm>>
        %dma_wait3A_115 = arith.constant 0 : i32
        %dma_wait3A_116 = tpu.memref_slice %dma_wait3A_114[%dma_wait3A_115] : memref<320000xi32, #tpu.memory_space<hbm>> -> memref<128xi32, #tpu.memory_space<hbm>>
        tpu.wait_dma2 semaphore(%arg15 : memref<!tpu.dma_semaphore, #tpu.memory_space<semaphore_mem>>) src(%dma_wait3A_116 : memref<128xi32, #tpu.memory_space<hbm>>) dst(%dma_wait3A_111 : memref<128xi32, #tpu.memory_space<vmem>>)
      } else {
      }
    }
    %scan3A_27 = arith.constant 80 : i32
    %barrier3A = arith.constant 0 : index
    tpu.barrier barrier_id(%barrier3A)
    %dma_start3A = arith.constant 0 : i32
    %dma_start3A_28 = arith.constant 0 : i32
    %dma_start3A_29 = tpu.memref_slice %arg5[%dma_start3A, %dma_start3A_28] : memref<80x128xi32, #tpu.memory_space<vmem>> -> memref<1x128xi32, #tpu.memory_space<vmem>>
    %dma_start3A_30 = tpu.memref_squeeze %dma_start3A_29 : memref<1x128xi32, #tpu.memory_space<vmem>> -> memref<128xi32, #tpu.memory_space<vmem>>
    %dma_start3A_31 = arith.constant 0 : i32
    %dma_start3A_32 = arith.constant 0 : i32
    %dma_start3A_33 = tpu.memref_slice %arg2[%dma_start3A_31, %dma_start3A_32] : memref<10240x64xf32, #tpu.memory_space<hbm>> -> memref<10240x64xf32, #tpu.memory_space<hbm>>
    tpu.enqueue_indirect_dma source(%dma_start3A_33 : memref<10240x64xf32, #tpu.memory_space<hbm>>) target(%arg7 : memref<128x64xf32, #tpu.memory_space<vmem>>) offsets(%dma_start3A_30 : memref<128xi32, #tpu.memory_space<vmem>>) semaphore(%arg16 : memref<!tpu.dma_semaphore, #tpu.memory_space<semaphore_mem>>)
    %dma_start3A_34 = arith.constant 1 : i32
    %dma_start3A_35 = arith.constant 0 : i32
    %dma_start3A_36 = tpu.memref_slice %arg5[%dma_start3A_34, %dma_start3A_35] : memref<80x128xi32, #tpu.memory_space<vmem>> -> memref<1x128xi32, #tpu.memory_space<vmem>>
    %dma_start3A_37 = tpu.memref_squeeze %dma_start3A_36 : memref<1x128xi32, #tpu.memory_space<vmem>> -> memref<128xi32, #tpu.memory_space<vmem>>
    %dma_start3A_38 = arith.constant 0 : i32
    %dma_start3A_39 = arith.constant 0 : i32
    %dma_start3A_40 = tpu.memref_slice %arg2[%dma_start3A_38, %dma_start3A_39] : memref<10240x64xf32, #tpu.memory_space<hbm>> -> memref<10240x64xf32, #tpu.memory_space<hbm>>
    tpu.enqueue_indirect_dma source(%dma_start3A_40 : memref<10240x64xf32, #tpu.memory_space<hbm>>) target(%arg8 : memref<128x64xf32, #tpu.memory_space<vmem>>) offsets(%dma_start3A_37 : memref<128xi32, #tpu.memory_space<vmem>>) semaphore(%arg17 : memref<!tpu.dma_semaphore, #tpu.memory_space<semaphore_mem>>)
    %dma_start3A_41 = arith.constant 2 : i32
    %dma_start3A_42 = arith.constant 0 : i32
    %dma_start3A_43 = tpu.memref_slice %arg5[%dma_start3A_41, %dma_start3A_42] : memref<80x128xi32, #tpu.memory_space<vmem>> -> memref<1x128xi32, #tpu.memory_space<vmem>>
    %dma_start3A_44 = tpu.memref_squeeze %dma_start3A_43 : memref<1x128xi32, #tpu.memory_space<vmem>> -> memref<128xi32, #tpu.memory_space<vmem>>
    %dma_start3A_45 = arith.constant 0 : i32
    %dma_start3A_46 = arith.constant 0 : i32
    %dma_start3A_47 = tpu.memref_slice %arg2[%dma_start3A_45, %dma_start3A_46] : memref<10240x64xf32, #tpu.memory_space<hbm>> -> memref<10240x64xf32, #tpu.memory_space<hbm>>
    tpu.enqueue_indirect_dma source(%dma_start3A_47 : memref<10240x64xf32, #tpu.memory_space<hbm>>) target(%arg9 : memref<128x64xf32, #tpu.memory_space<vmem>>) offsets(%dma_start3A_44 : memref<128xi32, #tpu.memory_space<vmem>>) semaphore(%arg18 : memref<!tpu.dma_semaphore, #tpu.memory_space<semaphore_mem>>)
    %dma_start3A_48 = arith.constant 3 : i32
    %dma_start3A_49 = arith.constant 0 : i32
    %dma_start3A_50 = tpu.memref_slice %arg5[%dma_start3A_48, %dma_start3A_49] : memref<80x128xi32, #tpu.memory_space<vmem>> -> memref<1x128xi32, #tpu.memory_space<vmem>>
    %dma_start3A_51 = tpu.memref_squeeze %dma_start3A_50 : memref<1x128xi32, #tpu.memory_space<vmem>> -> memref<128xi32, #tpu.memory_space<vmem>>
    %dma_start3A_52 = arith.constant 0 : i32
    %dma_start3A_53 = arith.constant 0 : i32
    %dma_start3A_54 = tpu.memref_slice %arg2[%dma_start3A_52, %dma_start3A_53] : memref<10240x64xf32, #tpu.memory_space<hbm>> -> memref<10240x64xf32, #tpu.memory_space<hbm>>
    tpu.enqueue_indirect_dma source(%dma_start3A_54 : memref<10240x64xf32, #tpu.memory_space<hbm>>) target(%arg10 : memref<128x64xf32, #tpu.memory_space<vmem>>) offsets(%dma_start3A_51 : memref<128xi32, #tpu.memory_space<vmem>>) semaphore(%arg19 : memref<!tpu.dma_semaphore, #tpu.memory_space<semaphore_mem>>)
    %scan3A_55 = arith.constant 0 : i32
    %scan3A_56 = arith.constant 0 : i32
    %scan3A_57 = arith.constant 10 : i32
    %scan3A_58 = arith.addi %scan3A_56, %scan3A_57 : i32
    %scan3A_59 = arith.constant 1 : i32
    scf.for %scan3A_91 = %scan3A_56 to %scan3A_58 step %scan3A_59  : i32 {
      %mul3A_92 = arith.constant 8 : i32
      %mul3A_93 = arith.muli %mul3A_92, %scan3A_91 : i32
      %add3A_94 = arith.constant 0 : i32
      %add3A_95 = arith.addi %mul3A_93, %add3A_94 : i32
      %mul3A_96 = arith.constant 32 : i32
      %mul3A_97 = arith.muli %mul3A_96, %add3A_95 : i32
      %add3A_98 = arith.addi %add3A, %mul3A_97 : i32
      %lt3A_99 = arith.constant 2500 : i32
      %lt3A_100 = arith.cmpi slt, %add3A_98, %lt3A_99 : i32
      %convert_element_type3A_101 = arith.extui %lt3A_100 : i1 to i32
      %cond3A_102 = arith.constant 0 : i32
      %cond3A_103 = arith.cmpi ne, %convert_element_type3A_101, %cond3A_102 : i32
      scf.if %cond3A_103 {
        %dma_wait3A = arith.constant 0 : i32
        %dma_wait3A_409 = tpu.memref_slice %arg5[%add3A_95, %dma_wait3A] : memref<80x128xi32, #tpu.memory_space<vmem>> -> memref<1x128xi32, #tpu.memory_space<vmem>>
        %dma_wait3A_410 = tpu.memref_squeeze %dma_wait3A_409 : memref<1x128xi32, #tpu.memory_space<vmem>> -> memref<128xi32, #tpu.memory_space<vmem>>
        %dma_wait3A_411 = arith.constant 0 : i32
        %dma_wait3A_412 = arith.constant 0 : i32
        %dma_wait3A_413 = tpu.memref_slice %arg2[%dma_wait3A_411, %dma_wait3A_412] : memref<10240x64xf32, #tpu.memory_space<hbm>> -> memref<10240x64xf32, #tpu.memory_space<hbm>>
        tpu.wait_indirect_dma semaphore(%arg16 : memref<!tpu.dma_semaphore, #tpu.memory_space<semaphore_mem>>) src(%dma_wait3A_413 : memref<10240x64xf32, #tpu.memory_space<hbm>>) dst(%arg7 : memref<128x64xf32, #tpu.memory_space<vmem>>)
        %dma_start3A_414 = arith.constant 0 : i32
        %dma_start3A_415 = tpu.memref_slice %arg6[%add3A_95, %dma_start3A_414] : memref<80x128xi32, #tpu.memory_space<vmem>> -> memref<1x128xi32, #tpu.memory_space<vmem>>
        %dma_start3A_416 = tpu.memref_squeeze %dma_start3A_415 : memref<1x128xi32, #tpu.memory_space<vmem>> -> memref<128xi32, #tpu.memory_space<vmem>>
        %dma_start3A_417 = arith.constant 0 : i32
        %dma_start3A_418 = arith.constant 0 : i32
        %dma_start3A_419 = tpu.memref_slice %arg32[%dma_start3A_417, %dma_start3A_418] : memref<10240x64xf32, #tpu.memory_space<vmem_shared>> -> memref<10240x64xf32, #tpu.memory_space<vmem_shared>>
        tpu.enqueue_indirect_dma source(%arg7 : memref<128x64xf32, #tpu.memory_space<vmem>>) target(%dma_start3A_419 : memref<10240x64xf32, #tpu.memory_space<vmem_shared>>) offsets(%dma_start3A_416 : memref<128xi32, #tpu.memory_space<vmem>>) semaphore(%arg24 : memref<!tpu.dma_semaphore, #tpu.memory_space<semaphore_mem>>) {add = true}
      } else {
      }
      %ge3A = arith.constant 4 : i32
      %ge3A_104 = arith.cmpi sge, %add3A_95, %ge3A : i32
      %sub3A = arith.constant 4 : i32
      %sub3A_105 = arith.subi %add3A_95, %sub3A : i32
      %mul3A_106 = arith.constant 32 : i32
      %mul3A_107 = arith.muli %mul3A_106, %sub3A_105 : i32
      %add3A_108 = arith.addi %add3A, %mul3A_107 : i32
      %lt3A_109 = arith.constant 2500 : i32
      %lt3A_110 = arith.cmpi slt, %add3A_108, %lt3A_109 : i32
      %and3A = arith.andi %ge3A_104, %lt3A_110 : i1
      %convert_element_type3A_111 = arith.extui %and3A : i1 to i32
      %cond3A_112 = arith.constant 0 : i32
      %cond3A_113 = arith.cmpi ne, %convert_element_type3A_111, %cond3A_112 : i32
      scf.if %cond3A_113 {
        %sub3A_409 = arith.constant 4 : i32
        %sub3A_410 = arith.subi %add3A_95, %sub3A_409 : i32
        %dma_wait3A = arith.constant 0 : i32
        %dma_wait3A_411 = tpu.memref_slice %arg6[%sub3A_410, %dma_wait3A] : memref<80x128xi32, #tpu.memory_space<vmem>> -> memref<1x128xi32, #tpu.memory_space<vmem>>
        %dma_wait3A_412 = tpu.memref_squeeze %dma_wait3A_411 : memref<1x128xi32, #tpu.memory_space<vmem>> -> memref<128xi32, #tpu.memory_space<vmem>>
        %dma_wait3A_413 = arith.constant 0 : i32
        %dma_wait3A_414 = arith.constant 0 : i32
        %dma_wait3A_415 = tpu.memref_slice %arg32[%dma_wait3A_413, %dma_wait3A_414] : memref<10240x64xf32, #tpu.memory_space<vmem_shared>> -> memref<10240x64xf32, #tpu.memory_space<vmem_shared>>
        tpu.wait_indirect_dma semaphore(%arg28 : memref<!tpu.dma_semaphore, #tpu.memory_space<semaphore_mem>>) src(%arg11 : memref<128x64xf32, #tpu.memory_space<vmem>>) dst(%dma_wait3A_415 : memref<10240x64xf32, #tpu.memory_space<vmem_shared>>)
      } else {
      }
      %add3A_114 = arith.constant 4 : i32
      %add3A_115 = arith.addi %add3A_95, %add3A_114 : i32
      %lt3A_116 = arith.constant 80 : i32
      %lt3A_117 = arith.cmpi slt, %add3A_115, %lt3A_116 : i32
      %add3A_118 = arith.constant 4 : i32
      %add3A_119 = arith.addi %add3A_95, %add3A_118 : i32
      %mul3A_120 = arith.constant 32 : i32
      %mul3A_121 = arith.muli %mul3A_120, %add3A_119 : i32
      %add3A_122 = arith.addi %add3A, %mul3A_121 : i32
      %lt3A_123 = arith.constant 2500 : i32
      %lt3A_124 = arith.cmpi slt, %add3A_122, %lt3A_123 : i32
      %and3A_125 = arith.andi %lt3A_117, %lt3A_124 : i1
      %convert_element_type3A_126 = arith.extui %and3A_125 : i1 to i32
      %cond3A_127 = arith.constant 0 : i32
      %cond3A_128 = arith.cmpi ne, %convert_element_type3A_126, %cond3A_127 : i32
      scf.if %cond3A_128 {
        %add3A_409 = arith.constant 4 : i32
        %add3A_410 = arith.addi %add3A_95, %add3A_409 : i32
        %dma_start3A_411 = arith.constant 0 : i32
        %dma_start3A_412 = tpu.memref_slice %arg5[%add3A_410, %dma_start3A_411] : memref<80x128xi32, #tpu.memory_space<vmem>> -> memref<1x128xi32, #tpu.memory_space<vmem>>
        %dma_start3A_413 = tpu.memref_squeeze %dma_start3A_412 : memref<1x128xi32, #tpu.memory_space<vmem>> -> memref<128xi32, #tpu.memory_space<vmem>>
        %dma_start3A_414 = arith.constant 0 : i32
        %dma_start3A_415 = arith.constant 0 : i32
        %dma_start3A_416 = tpu.memref_slice %arg2[%dma_start3A_414, %dma_start3A_415] : memref<10240x64xf32, #tpu.memory_space<hbm>> -> memref<10240x64xf32, #tpu.memory_space<hbm>>
        tpu.enqueue_indirect_dma source(%dma_start3A_416 : memref<10240x64xf32, #tpu.memory_space<hbm>>) target(%arg11 : memref<128x64xf32, #tpu.memory_space<vmem>>) offsets(%dma_start3A_413 : memref<128xi32, #tpu.memory_space<vmem>>) semaphore(%arg20 : memref<!tpu.dma_semaphore, #tpu.memory_space<semaphore_mem>>)
      } else {
      }
      %mul3A_129 = arith.constant 8 : i32
      %mul3A_130 = arith.muli %mul3A_129, %scan3A_91 : i32
      %add3A_131 = arith.constant 1 : i32
      %add3A_132 = arith.addi %mul3A_130, %add3A_131 : i32
      %mul3A_133 = arith.constant 32 : i32
      %mul3A_134 = arith.muli %mul3A_133, %add3A_132 : i32
      %add3A_135 = arith.addi %add3A, %mul3A_134 : i32
      %lt3A_136 = arith.constant 2500 : i32
      %lt3A_137 = arith.cmpi slt, %add3A_135, %lt3A_136 : i32
      %convert_element_type3A_138 = arith.extui %lt3A_137 : i1 to i32
      %cond3A_139 = arith.constant 0 : i32
      %cond3A_140 = arith.cmpi ne, %convert_element_type3A_138, %cond3A_139 : i32
      scf.if %cond3A_140 {
        %dma_wait3A = arith.constant 0 : i32
        %dma_wait3A_409 = tpu.memref_slice %arg5[%add3A_132, %dma_wait3A] : memref<80x128xi32, #tpu.memory_space<vmem>> -> memref<1x128xi32, #tpu.memory_space<vmem>>
        %dma_wait3A_410 = tpu.memref_squeeze %dma_wait3A_409 : memref<1x128xi32, #tpu.memory_space<vmem>> -> memref<128xi32, #tpu.memory_space<vmem>>
        %dma_wait3A_411 = arith.constant 0 : i32
        %dma_wait3A_412 = arith.constant 0 : i32
        %dma_wait3A_413 = tpu.memref_slice %arg2[%dma_wait3A_411, %dma_wait3A_412] : memref<10240x64xf32, #tpu.memory_space<hbm>> -> memref<10240x64xf32, #tpu.memory_space<hbm>>
        tpu.wait_indirect_dma semaphore(%arg17 : memref<!tpu.dma_semaphore, #tpu.memory_space<semaphore_mem>>) src(%dma_wait3A_413 : memref<10240x64xf32, #tpu.memory_space<hbm>>) dst(%arg8 : memref<128x64xf32, #tpu.memory_space<vmem>>)
        %dma_start3A_414 = arith.constant 0 : i32
        %dma_start3A_415 = tpu.memref_slice %arg6[%add3A_132, %dma_start3A_414] : memref<80x128xi32, #tpu.memory_space<vmem>> -> memref<1x128xi32, #tpu.memory_space<vmem>>
        %dma_start3A_416 = tpu.memref_squeeze %dma_start3A_415 : memref<1x128xi32, #tpu.memory_space<vmem>> -> memref<128xi32, #tpu.memory_space<vmem>>
        %dma_start3A_417 = arith.constant 0 : i32
        %dma_start3A_418 = arith.constant 0 : i32
        %dma_start3A_419 = tpu.memref_slice %arg32[%dma_start3A_417, %dma_start3A_418] : memref<10240x64xf32, #tpu.memory_space<vmem_shared>> -> memref<10240x64xf32, #tpu.memory_space<vmem_shared>>
        tpu.enqueue_indirect_dma source(%arg8 : memref<128x64xf32, #tpu.memory_space<vmem>>) target(%dma_start3A_419 : memref<10240x64xf32, #tpu.memory_space<vmem_shared>>) offsets(%dma_start3A_416 : memref<128xi32, #tpu.memory_space<vmem>>) semaphore(%arg25 : memref<!tpu.dma_semaphore, #tpu.memory_space<semaphore_mem>>) {add = true}
      } else {
      }
      %ge3A_141 = arith.constant 4 : i32
      %ge3A_142 = arith.cmpi sge, %add3A_132, %ge3A_141 : i32
      %sub3A_143 = arith.constant 4 : i32
      %sub3A_144 = arith.subi %add3A_132, %sub3A_143 : i32
      %mul3A_145 = arith.constant 32 : i32
      %mul3A_146 = arith.muli %mul3A_145, %sub3A_144 : i32
      %add3A_147 = arith.addi %add3A, %mul3A_146 : i32
      %lt3A_148 = arith.constant 2500 : i32
      %lt3A_149 = arith.cmpi slt, %add3A_147, %lt3A_148 : i32
      %and3A_150 = arith.andi %ge3A_142, %lt3A_149 : i1
      %convert_element_type3A_151 = arith.extui %and3A_150 : i1 to i32
      %cond3A_152 = arith.constant 0 : i32
      %cond3A_153 = arith.cmpi ne, %convert_element_type3A_151, %cond3A_152 : i32
      scf.if %cond3A_153 {
        %sub3A_409 = arith.constant 4 : i32
        %sub3A_410 = arith.subi %add3A_132, %sub3A_409 : i32
        %dma_wait3A = arith.constant 0 : i32
        %dma_wait3A_411 = tpu.memref_slice %arg6[%sub3A_410, %dma_wait3A] : memref<80x128xi32, #tpu.memory_space<vmem>> -> memref<1x128xi32, #tpu.memory_space<vmem>>
        %dma_wait3A_412 = tpu.memref_squeeze %dma_wait3A_411 : memref<1x128xi32, #tpu.memory_space<vmem>> -> memref<128xi32, #tpu.memory_space<vmem>>
        %dma_wait3A_413 = arith.constant 0 : i32
        %dma_wait3A_414 = arith.constant 0 : i32
        %dma_wait3A_415 = tpu.memref_slice %arg32[%dma_wait3A_413, %dma_wait3A_414] : memref<10240x64xf32, #tpu.memory_space<vmem_shared>> -> memref<10240x64xf32, #tpu.memory_space<vmem_shared>>
        tpu.wait_indirect_dma semaphore(%arg29 : memref<!tpu.dma_semaphore, #tpu.memory_space<semaphore_mem>>) src(%arg12 : memref<128x64xf32, #tpu.memory_space<vmem>>) dst(%dma_wait3A_415 : memref<10240x64xf32, #tpu.memory_space<vmem_shared>>)
      } else {
      }
      %add3A_154 = arith.constant 4 : i32
      %add3A_155 = arith.addi %add3A_132, %add3A_154 : i32
      %lt3A_156 = arith.constant 80 : i32
      %lt3A_157 = arith.cmpi slt, %add3A_155, %lt3A_156 : i32
      %add3A_158 = arith.constant 4 : i32
      %add3A_159 = arith.addi %add3A_132, %add3A_158 : i32
      %mul3A_160 = arith.constant 32 : i32
      %mul3A_161 = arith.muli %mul3A_160, %add3A_159 : i32
      %add3A_162 = arith.addi %add3A, %mul3A_161 : i32
      %lt3A_163 = arith.constant 2500 : i32
      %lt3A_164 = arith.cmpi slt, %add3A_162, %lt3A_163 : i32
      %and3A_165 = arith.andi %lt3A_157, %lt3A_164 : i1
      %convert_element_type3A_166 = arith.extui %and3A_165 : i1 to i32
      %cond3A_167 = arith.constant 0 : i32
      %cond3A_168 = arith.cmpi ne, %convert_element_type3A_166, %cond3A_167 : i32
      scf.if %cond3A_168 {
        %add3A_409 = arith.constant 4 : i32
        %add3A_410 = arith.addi %add3A_132, %add3A_409 : i32
        %dma_start3A_411 = arith.constant 0 : i32
        %dma_start3A_412 = tpu.memref_slice %arg5[%add3A_410, %dma_start3A_411] : memref<80x128xi32, #tpu.memory_space<vmem>> -> memref<1x128xi32, #tpu.memory_space<vmem>>
        %dma_start3A_413 = tpu.memref_squeeze %dma_start3A_412 : memref<1x128xi32, #tpu.memory_space<vmem>> -> memref<128xi32, #tpu.memory_space<vmem>>
        %dma_start3A_414 = arith.constant 0 : i32
        %dma_start3A_415 = arith.constant 0 : i32
        %dma_start3A_416 = tpu.memref_slice %arg2[%dma_start3A_414, %dma_start3A_415] : memref<10240x64xf32, #tpu.memory_space<hbm>> -> memref<10240x64xf32, #tpu.memory_space<hbm>>
        tpu.enqueue_indirect_dma source(%dma_start3A_416 : memref<10240x64xf32, #tpu.memory_space<hbm>>) target(%arg12 : memref<128x64xf32, #tpu.memory_space<vmem>>) offsets(%dma_start3A_413 : memref<128xi32, #tpu.memory_space<vmem>>) semaphore(%arg21 : memref<!tpu.dma_semaphore, #tpu.memory_space<semaphore_mem>>)
      } else {
      }
      %mul3A_169 = arith.constant 8 : i32
      %mul3A_170 = arith.muli %mul3A_169, %scan3A_91 : i32
      %add3A_171 = arith.constant 2 : i32
      %add3A_172 = arith.addi %mul3A_170, %add3A_171 : i32
      %mul3A_173 = arith.constant 32 : i32
      %mul3A_174 = arith.muli %mul3A_173, %add3A_172 : i32
      %add3A_175 = arith.addi %add3A, %mul3A_174 : i32
      %lt3A_176 = arith.constant 2500 : i32
      %lt3A_177 = arith.cmpi slt, %add3A_175, %lt3A_176 : i32
      %convert_element_type3A_178 = arith.extui %lt3A_177 : i1 to i32
      %cond3A_179 = arith.constant 0 : i32
      %cond3A_180 = arith.cmpi ne, %convert_element_type3A_178, %cond3A_179 : i32
      scf.if %cond3A_180 {
        %dma_wait3A = arith.constant 0 : i32
        %dma_wait3A_409 = tpu.memref_slice %arg5[%add3A_172, %dma_wait3A] : memref<80x128xi32, #tpu.memory_space<vmem>> -> memref<1x128xi32, #tpu.memory_space<vmem>>
        %dma_wait3A_410 = tpu.memref_squeeze %dma_wait3A_409 : memref<1x128xi32, #tpu.memory_space<vmem>> -> memref<128xi32, #tpu.memory_space<vmem>>
        %dma_wait3A_411 = arith.constant 0 : i32
        %dma_wait3A_412 = arith.constant 0 : i32
        %dma_wait3A_413 = tpu.memref_slice %arg2[%dma_wait3A_411, %dma_wait3A_412] : memref<10240x64xf32, #tpu.memory_space<hbm>> -> memref<10240x64xf32, #tpu.memory_space<hbm>>
        tpu.wait_indirect_dma semaphore(%arg18 : memref<!tpu.dma_semaphore, #tpu.memory_space<semaphore_mem>>) src(%dma_wait3A_413 : memref<10240x64xf32, #tpu.memory_space<hbm>>) dst(%arg9 : memref<128x64xf32, #tpu.memory_space<vmem>>)
        %dma_start3A_414 = arith.constant 0 : i32
        %dma_start3A_415 = tpu.memref_slice %arg6[%add3A_172, %dma_start3A_414] : memref<80x128xi32, #tpu.memory_space<vmem>> -> memref<1x128xi32, #tpu.memory_space<vmem>>
        %dma_start3A_416 = tpu.memref_squeeze %dma_start3A_415 : memref<1x128xi32, #tpu.memory_space<vmem>> -> memref<128xi32, #tpu.memory_space<vmem>>
        %dma_start3A_417 = arith.constant 0 : i32
        %dma_start3A_418 = arith.constant 0 : i32
        %dma_start3A_419 = tpu.memref_slice %arg32[%dma_start3A_417, %dma_start3A_418] : memref<10240x64xf32, #tpu.memory_space<vmem_shared>> -> memref<10240x64xf32, #tpu.memory_space<vmem_shared>>
        tpu.enqueue_indirect_dma source(%arg9 : memref<128x64xf32, #tpu.memory_space<vmem>>) target(%dma_start3A_419 : memref<10240x64xf32, #tpu.memory_space<vmem_shared>>) offsets(%dma_start3A_416 : memref<128xi32, #tpu.memory_space<vmem>>) semaphore(%arg26 : memref<!tpu.dma_semaphore, #tpu.memory_space<semaphore_mem>>) {add = true}
      } else {
      }
      %ge3A_181 = arith.constant 4 : i32
      %ge3A_182 = arith.cmpi sge, %add3A_172, %ge3A_181 : i32
      %sub3A_183 = arith.constant 4 : i32
      %sub3A_184 = arith.subi %add3A_172, %sub3A_183 : i32
      %mul3A_185 = arith.constant 32 : i32
      %mul3A_186 = arith.muli %mul3A_185, %sub3A_184 : i32
      %add3A_187 = arith.addi %add3A, %mul3A_186 : i32
      %lt3A_188 = arith.constant 2500 : i32
      %lt3A_189 = arith.cmpi slt, %add3A_187, %lt3A_188 : i32
      %and3A_190 = arith.andi %ge3A_182, %lt3A_189 : i1
      %convert_element_type3A_191 = arith.extui %and3A_190 : i1 to i32
      %cond3A_192 = arith.constant 0 : i32
      %cond3A_193 = arith.cmpi ne, %convert_element_type3A_191, %cond3A_192 : i32
      scf.if %cond3A_193 {
        %sub3A_409 = arith.constant 4 : i32
        %sub3A_410 = arith.subi %add3A_172, %sub3A_409 : i32
        %dma_wait3A = arith.constant 0 : i32
        %dma_wait3A_411 = tpu.memref_slice %arg6[%sub3A_410, %dma_wait3A] : memref<80x128xi32, #tpu.memory_space<vmem>> -> memref<1x128xi32, #tpu.memory_space<vmem>>
        %dma_wait3A_412 = tpu.memref_squeeze %dma_wait3A_411 : memref<1x128xi32, #tpu.memory_space<vmem>> -> memref<128xi32, #tpu.memory_space<vmem>>
        %dma_wait3A_413 = arith.constant 0 : i32
        %dma_wait3A_414 = arith.constant 0 : i32
        %dma_wait3A_415 = tpu.memref_slice %arg32[%dma_wait3A_413, %dma_wait3A_414] : memref<10240x64xf32, #tpu.memory_space<vmem_shared>> -> memref<10240x64xf32, #tpu.memory_space<vmem_shared>>
        tpu.wait_indirect_dma semaphore(%arg30 : memref<!tpu.dma_semaphore, #tpu.memory_space<semaphore_mem>>) src(%arg13 : memref<128x64xf32, #tpu.memory_space<vmem>>) dst(%dma_wait3A_415 : memref<10240x64xf32, #tpu.memory_space<vmem_shared>>)
      } else {
      }
      %add3A_194 = arith.constant 4 : i32
      %add3A_195 = arith.addi %add3A_172, %add3A_194 : i32
      %lt3A_196 = arith.constant 80 : i32
      %lt3A_197 = arith.cmpi slt, %add3A_195, %lt3A_196 : i32
      %add3A_198 = arith.constant 4 : i32
      %add3A_199 = arith.addi %add3A_172, %add3A_198 : i32
      %mul3A_200 = arith.constant 32 : i32
      %mul3A_201 = arith.muli %mul3A_200, %add3A_199 : i32
      %add3A_202 = arith.addi %add3A, %mul3A_201 : i32
      %lt3A_203 = arith.constant 2500 : i32
      %lt3A_204 = arith.cmpi slt, %add3A_202, %lt3A_203 : i32
      %and3A_205 = arith.andi %lt3A_197, %lt3A_204 : i1
      %convert_element_type3A_206 = arith.extui %and3A_205 : i1 to i32
      %cond3A_207 = arith.constant 0 : i32
      %cond3A_208 = arith.cmpi ne, %convert_element_type3A_206, %cond3A_207 : i32
      scf.if %cond3A_208 {
        %add3A_409 = arith.constant 4 : i32
        %add3A_410 = arith.addi %add3A_172, %add3A_409 : i32
        %dma_start3A_411 = arith.constant 0 : i32
        %dma_start3A_412 = tpu.memref_slice %arg5[%add3A_410, %dma_start3A_411] : memref<80x128xi32, #tpu.memory_space<vmem>> -> memref<1x128xi32, #tpu.memory_space<vmem>>
        %dma_start3A_413 = tpu.memref_squeeze %dma_start3A_412 : memref<1x128xi32, #tpu.memory_space<vmem>> -> memref<128xi32, #tpu.memory_space<vmem>>
        %dma_start3A_414 = arith.constant 0 : i32
        %dma_start3A_415 = arith.constant 0 : i32
        %dma_start3A_416 = tpu.memref_slice %arg2[%dma_start3A_414, %dma_start3A_415] : memref<10240x64xf32, #tpu.memory_space<hbm>> -> memref<10240x64xf32, #tpu.memory_space<hbm>>
        tpu.enqueue_indirect_dma source(%dma_start3A_416 : memref<10240x64xf32, #tpu.memory_space<hbm>>) target(%arg13 : memref<128x64xf32, #tpu.memory_space<vmem>>) offsets(%dma_start3A_413 : memref<128xi32, #tpu.memory_space<vmem>>) semaphore(%arg22 : memref<!tpu.dma_semaphore, #tpu.memory_space<semaphore_mem>>)
      } else {
      }
      %mul3A_209 = arith.constant 8 : i32
      %mul3A_210 = arith.muli %mul3A_209, %scan3A_91 : i32
      %add3A_211 = arith.constant 3 : i32
      %add3A_212 = arith.addi %mul3A_210, %add3A_211 : i32
      %mul3A_213 = arith.constant 32 : i32
      %mul3A_214 = arith.muli %mul3A_213, %add3A_212 : i32
      %add3A_215 = arith.addi %add3A, %mul3A_214 : i32
      %lt3A_216 = arith.constant 2500 : i32
      %lt3A_217 = arith.cmpi slt, %add3A_215, %lt3A_216 : i32
      %convert_element_type3A_218 = arith.extui %lt3A_217 : i1 to i32
      %cond3A_219 = arith.constant 0 : i32
      %cond3A_220 = arith.cmpi ne, %convert_element_type3A_218, %cond3A_219 : i32
      scf.if %cond3A_220 {
        %dma_wait3A = arith.constant 0 : i32
        %dma_wait3A_409 = tpu.memref_slice %arg5[%add3A_212, %dma_wait3A] : memref<80x128xi32, #tpu.memory_space<vmem>> -> memref<1x128xi32, #tpu.memory_space<vmem>>
        %dma_wait3A_410 = tpu.memref_squeeze %dma_wait3A_409 : memref<1x128xi32, #tpu.memory_space<vmem>> -> memref<128xi32, #tpu.memory_space<vmem>>
        %dma_wait3A_411 = arith.constant 0 : i32
        %dma_wait3A_412 = arith.constant 0 : i32
        %dma_wait3A_413 = tpu.memref_slice %arg2[%dma_wait3A_411, %dma_wait3A_412] : memref<10240x64xf32, #tpu.memory_space<hbm>> -> memref<10240x64xf32, #tpu.memory_space<hbm>>
        tpu.wait_indirect_dma semaphore(%arg19 : memref<!tpu.dma_semaphore, #tpu.memory_space<semaphore_mem>>) src(%dma_wait3A_413 : memref<10240x64xf32, #tpu.memory_space<hbm>>) dst(%arg10 : memref<128x64xf32, #tpu.memory_space<vmem>>)
        %dma_start3A_414 = arith.constant 0 : i32
        %dma_start3A_415 = tpu.memref_slice %arg6[%add3A_212, %dma_start3A_414] : memref<80x128xi32, #tpu.memory_space<vmem>> -> memref<1x128xi32, #tpu.memory_space<vmem>>
        %dma_start3A_416 = tpu.memref_squeeze %dma_start3A_415 : memref<1x128xi32, #tpu.memory_space<vmem>> -> memref<128xi32, #tpu.memory_space<vmem>>
        %dma_start3A_417 = arith.constant 0 : i32
        %dma_start3A_418 = arith.constant 0 : i32
        %dma_start3A_419 = tpu.memref_slice %arg32[%dma_start3A_417, %dma_start3A_418] : memref<10240x64xf32, #tpu.memory_space<vmem_shared>> -> memref<10240x64xf32, #tpu.memory_space<vmem_shared>>
        tpu.enqueue_indirect_dma source(%arg10 : memref<128x64xf32, #tpu.memory_space<vmem>>) target(%dma_start3A_419 : memref<10240x64xf32, #tpu.memory_space<vmem_shared>>) offsets(%dma_start3A_416 : memref<128xi32, #tpu.memory_space<vmem>>) semaphore(%arg27 : memref<!tpu.dma_semaphore, #tpu.memory_space<semaphore_mem>>) {add = true}
      } else {
      }
      %ge3A_221 = arith.constant 4 : i32
      %ge3A_222 = arith.cmpi sge, %add3A_212, %ge3A_221 : i32
      %sub3A_223 = arith.constant 4 : i32
      %sub3A_224 = arith.subi %add3A_212, %sub3A_223 : i32
      %mul3A_225 = arith.constant 32 : i32
      %mul3A_226 = arith.muli %mul3A_225, %sub3A_224 : i32
      %add3A_227 = arith.addi %add3A, %mul3A_226 : i32
      %lt3A_228 = arith.constant 2500 : i32
      %lt3A_229 = arith.cmpi slt, %add3A_227, %lt3A_228 : i32
      %and3A_230 = arith.andi %ge3A_222, %lt3A_229 : i1
      %convert_element_type3A_231 = arith.extui %and3A_230 : i1 to i32
      %cond3A_232 = arith.constant 0 : i32
      %cond3A_233 = arith.cmpi ne, %convert_element_type3A_231, %cond3A_232 : i32
      scf.if %cond3A_233 {
        %sub3A_409 = arith.constant 4 : i32
        %sub3A_410 = arith.subi %add3A_212, %sub3A_409 : i32
        %dma_wait3A = arith.constant 0 : i32
        %dma_wait3A_411 = tpu.memref_slice %arg6[%sub3A_410, %dma_wait3A] : memref<80x128xi32, #tpu.memory_space<vmem>> -> memref<1x128xi32, #tpu.memory_space<vmem>>
        %dma_wait3A_412 = tpu.memref_squeeze %dma_wait3A_411 : memref<1x128xi32, #tpu.memory_space<vmem>> -> memref<128xi32, #tpu.memory_space<vmem>>
        %dma_wait3A_413 = arith.constant 0 : i32
        %dma_wait3A_414 = arith.constant 0 : i32
        %dma_wait3A_415 = tpu.memref_slice %arg32[%dma_wait3A_413, %dma_wait3A_414] : memref<10240x64xf32, #tpu.memory_space<vmem_shared>> -> memref<10240x64xf32, #tpu.memory_space<vmem_shared>>
        tpu.wait_indirect_dma semaphore(%arg31 : memref<!tpu.dma_semaphore, #tpu.memory_space<semaphore_mem>>) src(%arg14 : memref<128x64xf32, #tpu.memory_space<vmem>>) dst(%dma_wait3A_415 : memref<10240x64xf32, #tpu.memory_space<vmem_shared>>)
      } else {
      }
      %add3A_234 = arith.constant 4 : i32
      %add3A_235 = arith.addi %add3A_212, %add3A_234 : i32
      %lt3A_236 = arith.constant 80 : i32
      %lt3A_237 = arith.cmpi slt, %add3A_235, %lt3A_236 : i32
      %add3A_238 = arith.constant 4 : i32
      %add3A_239 = arith.addi %add3A_212, %add3A_238 : i32
      %mul3A_240 = arith.constant 32 : i32
      %mul3A_241 = arith.muli %mul3A_240, %add3A_239 : i32
      %add3A_242 = arith.addi %add3A, %mul3A_241 : i32
      %lt3A_243 = arith.constant 2500 : i32
      %lt3A_244 = arith.cmpi slt, %add3A_242, %lt3A_243 : i32
      %and3A_245 = arith.andi %lt3A_237, %lt3A_244 : i1
      %convert_element_type3A_246 = arith.extui %and3A_245 : i1 to i32
      %cond3A_247 = arith.constant 0 : i32
      %cond3A_248 = arith.cmpi ne, %convert_element_type3A_246, %cond3A_247 : i32
      scf.if %cond3A_248 {
        %add3A_409 = arith.constant 4 : i32
        %add3A_410 = arith.addi %add3A_212, %add3A_409 : i32
        %dma_start3A_411 = arith.constant 0 : i32
        %dma_start3A_412 = tpu.memref_slice %arg5[%add3A_410, %dma_start3A_411] : memref<80x128xi32, #tpu.memory_space<vmem>> -> memref<1x128xi32, #tpu.memory_space<vmem>>
        %dma_start3A_413 = tpu.memref_squeeze %dma_start3A_412 : memref<1x128xi32, #tpu.memory_space<vmem>> -> memref<128xi32, #tpu.memory_space<vmem>>
        %dma_start3A_414 = arith.constant 0 : i32
        %dma_start3A_415 = arith.constant 0 : i32
        %dma_start3A_416 = tpu.memref_slice %arg2[%dma_start3A_414, %dma_start3A_415] : memref<10240x64xf32, #tpu.memory_space<hbm>> -> memref<10240x64xf32, #tpu.memory_space<hbm>>
        tpu.enqueue_indirect_dma source(%dma_start3A_416 : memref<10240x64xf32, #tpu.memory_space<hbm>>) target(%arg14 : memref<128x64xf32, #tpu.memory_space<vmem>>) offsets(%dma_start3A_413 : memref<128xi32, #tpu.memory_space<vmem>>) semaphore(%arg23 : memref<!tpu.dma_semaphore, #tpu.memory_space<semaphore_mem>>)
      } else {
      }
      %mul3A_249 = arith.constant 8 : i32
      %mul3A_250 = arith.muli %mul3A_249, %scan3A_91 : i32
      %add3A_251 = arith.constant 4 : i32
      %add3A_252 = arith.addi %mul3A_250, %add3A_251 : i32
      %mul3A_253 = arith.constant 32 : i32
      %mul3A_254 = arith.muli %mul3A_253, %add3A_252 : i32
      %add3A_255 = arith.addi %add3A, %mul3A_254 : i32
      %lt3A_256 = arith.constant 2500 : i32
      %lt3A_257 = arith.cmpi slt, %add3A_255, %lt3A_256 : i32
      %convert_element_type3A_258 = arith.extui %lt3A_257 : i1 to i32
      %cond3A_259 = arith.constant 0 : i32
      %cond3A_260 = arith.cmpi ne, %convert_element_type3A_258, %cond3A_259 : i32
      scf.if %cond3A_260 {
        %dma_wait3A = arith.constant 0 : i32
        %dma_wait3A_409 = tpu.memref_slice %arg5[%add3A_252, %dma_wait3A] : memref<80x128xi32, #tpu.memory_space<vmem>> -> memref<1x128xi32, #tpu.memory_space<vmem>>
        %dma_wait3A_410 = tpu.memref_squeeze %dma_wait3A_409 : memref<1x128xi32, #tpu.memory_space<vmem>> -> memref<128xi32, #tpu.memory_space<vmem>>
        %dma_wait3A_411 = arith.constant 0 : i32
        %dma_wait3A_412 = arith.constant 0 : i32
        %dma_wait3A_413 = tpu.memref_slice %arg2[%dma_wait3A_411, %dma_wait3A_412] : memref<10240x64xf32, #tpu.memory_space<hbm>> -> memref<10240x64xf32, #tpu.memory_space<hbm>>
        tpu.wait_indirect_dma semaphore(%arg20 : memref<!tpu.dma_semaphore, #tpu.memory_space<semaphore_mem>>) src(%dma_wait3A_413 : memref<10240x64xf32, #tpu.memory_space<hbm>>) dst(%arg11 : memref<128x64xf32, #tpu.memory_space<vmem>>)
        %dma_start3A_414 = arith.constant 0 : i32
        %dma_start3A_415 = tpu.memref_slice %arg6[%add3A_252, %dma_start3A_414] : memref<80x128xi32, #tpu.memory_space<vmem>> -> memref<1x128xi32, #tpu.memory_space<vmem>>
        %dma_start3A_416 = tpu.memref_squeeze %dma_start3A_415 : memref<1x128xi32, #tpu.memory_space<vmem>> -> memref<128xi32, #tpu.memory_space<vmem>>
        %dma_start3A_417 = arith.constant 0 : i32
        %dma_start3A_418 = arith.constant 0 : i32
        %dma_start3A_419 = tpu.memref_slice %arg32[%dma_start3A_417, %dma_start3A_418] : memref<10240x64xf32, #tpu.memory_space<vmem_shared>> -> memref<10240x64xf32, #tpu.memory_space<vmem_shared>>
        tpu.enqueue_indirect_dma source(%arg11 : memref<128x64xf32, #tpu.memory_space<vmem>>) target(%dma_start3A_419 : memref<10240x64xf32, #tpu.memory_space<vmem_shared>>) offsets(%dma_start3A_416 : memref<128xi32, #tpu.memory_space<vmem>>) semaphore(%arg28 : memref<!tpu.dma_semaphore, #tpu.memory_space<semaphore_mem>>) {add = true}
      } else {
      }
      %ge3A_261 = arith.constant 4 : i32
      %ge3A_262 = arith.cmpi sge, %add3A_252, %ge3A_261 : i32
      %sub3A_263 = arith.constant 4 : i32
      %sub3A_264 = arith.subi %add3A_252, %sub3A_263 : i32
      %mul3A_265 = arith.constant 32 : i32
      %mul3A_266 = arith.muli %mul3A_265, %sub3A_264 : i32
      %add3A_267 = arith.addi %add3A, %mul3A_266 : i32
      %lt3A_268 = arith.constant 2500 : i32
      %lt3A_269 = arith.cmpi slt, %add3A_267, %lt3A_268 : i32
      %and3A_270 = arith.andi %ge3A_262, %lt3A_269 : i1
      %convert_element_type3A_271 = arith.extui %and3A_270 : i1 to i32
      %cond3A_272 = arith.constant 0 : i32
      %cond3A_273 = arith.cmpi ne, %convert_element_type3A_271, %cond3A_272 : i32
      scf.if %cond3A_273 {
        %sub3A_409 = arith.constant 4 : i32
        %sub3A_410 = arith.subi %add3A_252, %sub3A_409 : i32
        %dma_wait3A = arith.constant 0 : i32
        %dma_wait3A_411 = tpu.memref_slice %arg6[%sub3A_410, %dma_wait3A] : memref<80x128xi32, #tpu.memory_space<vmem>> -> memref<1x128xi32, #tpu.memory_space<vmem>>
        %dma_wait3A_412 = tpu.memref_squeeze %dma_wait3A_411 : memref<1x128xi32, #tpu.memory_space<vmem>> -> memref<128xi32, #tpu.memory_space<vmem>>
        %dma_wait3A_413 = arith.constant 0 : i32
        %dma_wait3A_414 = arith.constant 0 : i32
        %dma_wait3A_415 = tpu.memref_slice %arg32[%dma_wait3A_413, %dma_wait3A_414] : memref<10240x64xf32, #tpu.memory_space<vmem_shared>> -> memref<10240x64xf32, #tpu.memory_space<vmem_shared>>
        tpu.wait_indirect_dma semaphore(%arg24 : memref<!tpu.dma_semaphore, #tpu.memory_space<semaphore_mem>>) src(%arg7 : memref<128x64xf32, #tpu.memory_space<vmem>>) dst(%dma_wait3A_415 : memref<10240x64xf32, #tpu.memory_space<vmem_shared>>)
      } else {
      }
      %add3A_274 = arith.constant 4 : i32
      %add3A_275 = arith.addi %add3A_252, %add3A_274 : i32
      %lt3A_276 = arith.constant 80 : i32
      %lt3A_277 = arith.cmpi slt, %add3A_275, %lt3A_276 : i32
      %add3A_278 = arith.constant 4 : i32
      %add3A_279 = arith.addi %add3A_252, %add3A_278 : i32
      %mul3A_280 = arith.constant 32 : i32
      %mul3A_281 = arith.muli %mul3A_280, %add3A_279 : i32
      %add3A_282 = arith.addi %add3A, %mul3A_281 : i32
      %lt3A_283 = arith.constant 2500 : i32
      %lt3A_284 = arith.cmpi slt, %add3A_282, %lt3A_283 : i32
      %and3A_285 = arith.andi %lt3A_277, %lt3A_284 : i1
      %convert_element_type3A_286 = arith.extui %and3A_285 : i1 to i32
      %cond3A_287 = arith.constant 0 : i32
      %cond3A_288 = arith.cmpi ne, %convert_element_type3A_286, %cond3A_287 : i32
      scf.if %cond3A_288 {
        %add3A_409 = arith.constant 4 : i32
        %add3A_410 = arith.addi %add3A_252, %add3A_409 : i32
        %dma_start3A_411 = arith.constant 0 : i32
        %dma_start3A_412 = tpu.memref_slice %arg5[%add3A_410, %dma_start3A_411] : memref<80x128xi32, #tpu.memory_space<vmem>> -> memref<1x128xi32, #tpu.memory_space<vmem>>
        %dma_start3A_413 = tpu.memref_squeeze %dma_start3A_412 : memref<1x128xi32, #tpu.memory_space<vmem>> -> memref<128xi32, #tpu.memory_space<vmem>>
        %dma_start3A_414 = arith.constant 0 : i32
        %dma_start3A_415 = arith.constant 0 : i32
        %dma_start3A_416 = tpu.memref_slice %arg2[%dma_start3A_414, %dma_start3A_415] : memref<10240x64xf32, #tpu.memory_space<hbm>> -> memref<10240x64xf32, #tpu.memory_space<hbm>>
        tpu.enqueue_indirect_dma source(%dma_start3A_416 : memref<10240x64xf32, #tpu.memory_space<hbm>>) target(%arg7 : memref<128x64xf32, #tpu.memory_space<vmem>>) offsets(%dma_start3A_413 : memref<128xi32, #tpu.memory_space<vmem>>) semaphore(%arg16 : memref<!tpu.dma_semaphore, #tpu.memory_space<semaphore_mem>>)
      } else {
      }
      %mul3A_289 = arith.constant 8 : i32
      %mul3A_290 = arith.muli %mul3A_289, %scan3A_91 : i32
      %add3A_291 = arith.constant 5 : i32
      %add3A_292 = arith.addi %mul3A_290, %add3A_291 : i32
      %mul3A_293 = arith.constant 32 : i32
      %mul3A_294 = arith.muli %mul3A_293, %add3A_292 : i32
      %add3A_295 = arith.addi %add3A, %mul3A_294 : i32
      %lt3A_296 = arith.constant 2500 : i32
      %lt3A_297 = arith.cmpi slt, %add3A_295, %lt3A_296 : i32
      %convert_element_type3A_298 = arith.extui %lt3A_297 : i1 to i32
      %cond3A_299 = arith.constant 0 : i32
      %cond3A_300 = arith.cmpi ne, %convert_element_type3A_298, %cond3A_299 : i32
      scf.if %cond3A_300 {
        %dma_wait3A = arith.constant 0 : i32
        %dma_wait3A_409 = tpu.memref_slice %arg5[%add3A_292, %dma_wait3A] : memref<80x128xi32, #tpu.memory_space<vmem>> -> memref<1x128xi32, #tpu.memory_space<vmem>>
        %dma_wait3A_410 = tpu.memref_squeeze %dma_wait3A_409 : memref<1x128xi32, #tpu.memory_space<vmem>> -> memref<128xi32, #tpu.memory_space<vmem>>
        %dma_wait3A_411 = arith.constant 0 : i32
        %dma_wait3A_412 = arith.constant 0 : i32
        %dma_wait3A_413 = tpu.memref_slice %arg2[%dma_wait3A_411, %dma_wait3A_412] : memref<10240x64xf32, #tpu.memory_space<hbm>> -> memref<10240x64xf32, #tpu.memory_space<hbm>>
        tpu.wait_indirect_dma semaphore(%arg21 : memref<!tpu.dma_semaphore, #tpu.memory_space<semaphore_mem>>) src(%dma_wait3A_413 : memref<10240x64xf32, #tpu.memory_space<hbm>>) dst(%arg12 : memref<128x64xf32, #tpu.memory_space<vmem>>)
        %dma_start3A_414 = arith.constant 0 : i32
        %dma_start3A_415 = tpu.memref_slice %arg6[%add3A_292, %dma_start3A_414] : memref<80x128xi32, #tpu.memory_space<vmem>> -> memref<1x128xi32, #tpu.memory_space<vmem>>
        %dma_start3A_416 = tpu.memref_squeeze %dma_start3A_415 : memref<1x128xi32, #tpu.memory_space<vmem>> -> memref<128xi32, #tpu.memory_space<vmem>>
        %dma_start3A_417 = arith.constant 0 : i32
        %dma_start3A_418 = arith.constant 0 : i32
        %dma_start3A_419 = tpu.memref_slice %arg32[%dma_start3A_417, %dma_start3A_418] : memref<10240x64xf32, #tpu.memory_space<vmem_shared>> -> memref<10240x64xf32, #tpu.memory_space<vmem_shared>>
        tpu.enqueue_indirect_dma source(%arg12 : memref<128x64xf32, #tpu.memory_space<vmem>>) target(%dma_start3A_419 : memref<10240x64xf32, #tpu.memory_space<vmem_shared>>) offsets(%dma_start3A_416 : memref<128xi32, #tpu.memory_space<vmem>>) semaphore(%arg29 : memref<!tpu.dma_semaphore, #tpu.memory_space<semaphore_mem>>) {add = true}
      } else {
      }
      %ge3A_301 = arith.constant 4 : i32
      %ge3A_302 = arith.cmpi sge, %add3A_292, %ge3A_301 : i32
      %sub3A_303 = arith.constant 4 : i32
      %sub3A_304 = arith.subi %add3A_292, %sub3A_303 : i32
      %mul3A_305 = arith.constant 32 : i32
      %mul3A_306 = arith.muli %mul3A_305, %sub3A_304 : i32
      %add3A_307 = arith.addi %add3A, %mul3A_306 : i32
      %lt3A_308 = arith.constant 2500 : i32
      %lt3A_309 = arith.cmpi slt, %add3A_307, %lt3A_308 : i32
      %and3A_310 = arith.andi %ge3A_302, %lt3A_309 : i1
      %convert_element_type3A_311 = arith.extui %and3A_310 : i1 to i32
      %cond3A_312 = arith.constant 0 : i32
      %cond3A_313 = arith.cmpi ne, %convert_element_type3A_311, %cond3A_312 : i32
      scf.if %cond3A_313 {
        %sub3A_409 = arith.constant 4 : i32
        %sub3A_410 = arith.subi %add3A_292, %sub3A_409 : i32
        %dma_wait3A = arith.constant 0 : i32
        %dma_wait3A_411 = tpu.memref_slice %arg6[%sub3A_410, %dma_wait3A] : memref<80x128xi32, #tpu.memory_space<vmem>> -> memref<1x128xi32, #tpu.memory_space<vmem>>
        %dma_wait3A_412 = tpu.memref_squeeze %dma_wait3A_411 : memref<1x128xi32, #tpu.memory_space<vmem>> -> memref<128xi32, #tpu.memory_space<vmem>>
        %dma_wait3A_413 = arith.constant 0 : i32
        %dma_wait3A_414 = arith.constant 0 : i32
        %dma_wait3A_415 = tpu.memref_slice %arg32[%dma_wait3A_413, %dma_wait3A_414] : memref<10240x64xf32, #tpu.memory_space<vmem_shared>> -> memref<10240x64xf32, #tpu.memory_space<vmem_shared>>
        tpu.wait_indirect_dma semaphore(%arg25 : memref<!tpu.dma_semaphore, #tpu.memory_space<semaphore_mem>>) src(%arg8 : memref<128x64xf32, #tpu.memory_space<vmem>>) dst(%dma_wait3A_415 : memref<10240x64xf32, #tpu.memory_space<vmem_shared>>)
      } else {
      }
      %add3A_314 = arith.constant 4 : i32
      %add3A_315 = arith.addi %add3A_292, %add3A_314 : i32
      %lt3A_316 = arith.constant 80 : i32
      %lt3A_317 = arith.cmpi slt, %add3A_315, %lt3A_316 : i32
      %add3A_318 = arith.constant 4 : i32
      %add3A_319 = arith.addi %add3A_292, %add3A_318 : i32
      %mul3A_320 = arith.constant 32 : i32
      %mul3A_321 = arith.muli %mul3A_320, %add3A_319 : i32
      %add3A_322 = arith.addi %add3A, %mul3A_321 : i32
      %lt3A_323 = arith.constant 2500 : i32
      %lt3A_324 = arith.cmpi slt, %add3A_322, %lt3A_323 : i32
      %and3A_325 = arith.andi %lt3A_317, %lt3A_324 : i1
      %convert_element_type3A_326 = arith.extui %and3A_325 : i1 to i32
      %cond3A_327 = arith.constant 0 : i32
      %cond3A_328 = arith.cmpi ne, %convert_element_type3A_326, %cond3A_327 : i32
      scf.if %cond3A_328 {
        %add3A_409 = arith.constant 4 : i32
        %add3A_410 = arith.addi %add3A_292, %add3A_409 : i32
        %dma_start3A_411 = arith.constant 0 : i32
        %dma_start3A_412 = tpu.memref_slice %arg5[%add3A_410, %dma_start3A_411] : memref<80x128xi32, #tpu.memory_space<vmem>> -> memref<1x128xi32, #tpu.memory_space<vmem>>
        %dma_start3A_413 = tpu.memref_squeeze %dma_start3A_412 : memref<1x128xi32, #tpu.memory_space<vmem>> -> memref<128xi32, #tpu.memory_space<vmem>>
        %dma_start3A_414 = arith.constant 0 : i32
        %dma_start3A_415 = arith.constant 0 : i32
        %dma_start3A_416 = tpu.memref_slice %arg2[%dma_start3A_414, %dma_start3A_415] : memref<10240x64xf32, #tpu.memory_space<hbm>> -> memref<10240x64xf32, #tpu.memory_space<hbm>>
        tpu.enqueue_indirect_dma source(%dma_start3A_416 : memref<10240x64xf32, #tpu.memory_space<hbm>>) target(%arg8 : memref<128x64xf32, #tpu.memory_space<vmem>>) offsets(%dma_start3A_413 : memref<128xi32, #tpu.memory_space<vmem>>) semaphore(%arg17 : memref<!tpu.dma_semaphore, #tpu.memory_space<semaphore_mem>>)
      } else {
      }
      %mul3A_329 = arith.constant 8 : i32
      %mul3A_330 = arith.muli %mul3A_329, %scan3A_91 : i32
      %add3A_331 = arith.constant 6 : i32
      %add3A_332 = arith.addi %mul3A_330, %add3A_331 : i32
      %mul3A_333 = arith.constant 32 : i32
      %mul3A_334 = arith.muli %mul3A_333, %add3A_332 : i32
      %add3A_335 = arith.addi %add3A, %mul3A_334 : i32
      %lt3A_336 = arith.constant 2500 : i32
      %lt3A_337 = arith.cmpi slt, %add3A_335, %lt3A_336 : i32
      %convert_element_type3A_338 = arith.extui %lt3A_337 : i1 to i32
      %cond3A_339 = arith.constant 0 : i32
      %cond3A_340 = arith.cmpi ne, %convert_element_type3A_338, %cond3A_339 : i32
      scf.if %cond3A_340 {
        %dma_wait3A = arith.constant 0 : i32
        %dma_wait3A_409 = tpu.memref_slice %arg5[%add3A_332, %dma_wait3A] : memref<80x128xi32, #tpu.memory_space<vmem>> -> memref<1x128xi32, #tpu.memory_space<vmem>>
        %dma_wait3A_410 = tpu.memref_squeeze %dma_wait3A_409 : memref<1x128xi32, #tpu.memory_space<vmem>> -> memref<128xi32, #tpu.memory_space<vmem>>
        %dma_wait3A_411 = arith.constant 0 : i32
        %dma_wait3A_412 = arith.constant 0 : i32
        %dma_wait3A_413 = tpu.memref_slice %arg2[%dma_wait3A_411, %dma_wait3A_412] : memref<10240x64xf32, #tpu.memory_space<hbm>> -> memref<10240x64xf32, #tpu.memory_space<hbm>>
        tpu.wait_indirect_dma semaphore(%arg22 : memref<!tpu.dma_semaphore, #tpu.memory_space<semaphore_mem>>) src(%dma_wait3A_413 : memref<10240x64xf32, #tpu.memory_space<hbm>>) dst(%arg13 : memref<128x64xf32, #tpu.memory_space<vmem>>)
        %dma_start3A_414 = arith.constant 0 : i32
        %dma_start3A_415 = tpu.memref_slice %arg6[%add3A_332, %dma_start3A_414] : memref<80x128xi32, #tpu.memory_space<vmem>> -> memref<1x128xi32, #tpu.memory_space<vmem>>
        %dma_start3A_416 = tpu.memref_squeeze %dma_start3A_415 : memref<1x128xi32, #tpu.memory_space<vmem>> -> memref<128xi32, #tpu.memory_space<vmem>>
        %dma_start3A_417 = arith.constant 0 : i32
        %dma_start3A_418 = arith.constant 0 : i32
        %dma_start3A_419 = tpu.memref_slice %arg32[%dma_start3A_417, %dma_start3A_418] : memref<10240x64xf32, #tpu.memory_space<vmem_shared>> -> memref<10240x64xf32, #tpu.memory_space<vmem_shared>>
        tpu.enqueue_indirect_dma source(%arg13 : memref<128x64xf32, #tpu.memory_space<vmem>>) target(%dma_start3A_419 : memref<10240x64xf32, #tpu.memory_space<vmem_shared>>) offsets(%dma_start3A_416 : memref<128xi32, #tpu.memory_space<vmem>>) semaphore(%arg30 : memref<!tpu.dma_semaphore, #tpu.memory_space<semaphore_mem>>) {add = true}
      } else {
      }
      %ge3A_341 = arith.constant 4 : i32
      %ge3A_342 = arith.cmpi sge, %add3A_332, %ge3A_341 : i32
      %sub3A_343 = arith.constant 4 : i32
      %sub3A_344 = arith.subi %add3A_332, %sub3A_343 : i32
      %mul3A_345 = arith.constant 32 : i32
      %mul3A_346 = arith.muli %mul3A_345, %sub3A_344 : i32
      %add3A_347 = arith.addi %add3A, %mul3A_346 : i32
      %lt3A_348 = arith.constant 2500 : i32
      %lt3A_349 = arith.cmpi slt, %add3A_347, %lt3A_348 : i32
      %and3A_350 = arith.andi %ge3A_342, %lt3A_349 : i1
      %convert_element_type3A_351 = arith.extui %and3A_350 : i1 to i32
      %cond3A_352 = arith.constant 0 : i32
      %cond3A_353 = arith.cmpi ne, %convert_element_type3A_351, %cond3A_352 : i32
      scf.if %cond3A_353 {
        %sub3A_409 = arith.constant 4 : i32
        %sub3A_410 = arith.subi %add3A_332, %sub3A_409 : i32
        %dma_wait3A = arith.constant 0 : i32
        %dma_wait3A_411 = tpu.memref_slice %arg6[%sub3A_410, %dma_wait3A] : memref<80x128xi32, #tpu.memory_space<vmem>> -> memref<1x128xi32, #tpu.memory_space<vmem>>
        %dma_wait3A_412 = tpu.memref_squeeze %dma_wait3A_411 : memref<1x128xi32, #tpu.memory_space<vmem>> -> memref<128xi32, #tpu.memory_space<vmem>>
        %dma_wait3A_413 = arith.constant 0 : i32
        %dma_wait3A_414 = arith.constant 0 : i32
        %dma_wait3A_415 = tpu.memref_slice %arg32[%dma_wait3A_413, %dma_wait3A_414] : memref<10240x64xf32, #tpu.memory_space<vmem_shared>> -> memref<10240x64xf32, #tpu.memory_space<vmem_shared>>
        tpu.wait_indirect_dma semaphore(%arg26 : memref<!tpu.dma_semaphore, #tpu.memory_space<semaphore_mem>>) src(%arg9 : memref<128x64xf32, #tpu.memory_space<vmem>>) dst(%dma_wait3A_415 : memref<10240x64xf32, #tpu.memory_space<vmem_shared>>)
      } else {
      }
      %add3A_354 = arith.constant 4 : i32
      %add3A_355 = arith.addi %add3A_332, %add3A_354 : i32
      %lt3A_356 = arith.constant 80 : i32
      %lt3A_357 = arith.cmpi slt, %add3A_355, %lt3A_356 : i32
      %add3A_358 = arith.constant 4 : i32
      %add3A_359 = arith.addi %add3A_332, %add3A_358 : i32
      %mul3A_360 = arith.constant 32 : i32
      %mul3A_361 = arith.muli %mul3A_360, %add3A_359 : i32
      %add3A_362 = arith.addi %add3A, %mul3A_361 : i32
      %lt3A_363 = arith.constant 2500 : i32
      %lt3A_364 = arith.cmpi slt, %add3A_362, %lt3A_363 : i32
      %and3A_365 = arith.andi %lt3A_357, %lt3A_364 : i1
      %convert_element_type3A_366 = arith.extui %and3A_365 : i1 to i32
      %cond3A_367 = arith.constant 0 : i32
      %cond3A_368 = arith.cmpi ne, %convert_element_type3A_366, %cond3A_367 : i32
      scf.if %cond3A_368 {
        %add3A_409 = arith.constant 4 : i32
        %add3A_410 = arith.addi %add3A_332, %add3A_409 : i32
        %dma_start3A_411 = arith.constant 0 : i32
        %dma_start3A_412 = tpu.memref_slice %arg5[%add3A_410, %dma_start3A_411] : memref<80x128xi32, #tpu.memory_space<vmem>> -> memref<1x128xi32, #tpu.memory_space<vmem>>
        %dma_start3A_413 = tpu.memref_squeeze %dma_start3A_412 : memref<1x128xi32, #tpu.memory_space<vmem>> -> memref<128xi32, #tpu.memory_space<vmem>>
        %dma_start3A_414 = arith.constant 0 : i32
        %dma_start3A_415 = arith.constant 0 : i32
        %dma_start3A_416 = tpu.memref_slice %arg2[%dma_start3A_414, %dma_start3A_415] : memref<10240x64xf32, #tpu.memory_space<hbm>> -> memref<10240x64xf32, #tpu.memory_space<hbm>>
        tpu.enqueue_indirect_dma source(%dma_start3A_416 : memref<10240x64xf32, #tpu.memory_space<hbm>>) target(%arg9 : memref<128x64xf32, #tpu.memory_space<vmem>>) offsets(%dma_start3A_413 : memref<128xi32, #tpu.memory_space<vmem>>) semaphore(%arg18 : memref<!tpu.dma_semaphore, #tpu.memory_space<semaphore_mem>>)
      } else {
      }
      %mul3A_369 = arith.constant 8 : i32
      %mul3A_370 = arith.muli %mul3A_369, %scan3A_91 : i32
      %add3A_371 = arith.constant 7 : i32
      %add3A_372 = arith.addi %mul3A_370, %add3A_371 : i32
      %mul3A_373 = arith.constant 32 : i32
      %mul3A_374 = arith.muli %mul3A_373, %add3A_372 : i32
      %add3A_375 = arith.addi %add3A, %mul3A_374 : i32
      %lt3A_376 = arith.constant 2500 : i32
      %lt3A_377 = arith.cmpi slt, %add3A_375, %lt3A_376 : i32
      %convert_element_type3A_378 = arith.extui %lt3A_377 : i1 to i32
      %cond3A_379 = arith.constant 0 : i32
      %cond3A_380 = arith.cmpi ne, %convert_element_type3A_378, %cond3A_379 : i32
      scf.if %cond3A_380 {
        %dma_wait3A = arith.constant 0 : i32
        %dma_wait3A_409 = tpu.memref_slice %arg5[%add3A_372, %dma_wait3A] : memref<80x128xi32, #tpu.memory_space<vmem>> -> memref<1x128xi32, #tpu.memory_space<vmem>>
        %dma_wait3A_410 = tpu.memref_squeeze %dma_wait3A_409 : memref<1x128xi32, #tpu.memory_space<vmem>> -> memref<128xi32, #tpu.memory_space<vmem>>
        %dma_wait3A_411 = arith.constant 0 : i32
        %dma_wait3A_412 = arith.constant 0 : i32
        %dma_wait3A_413 = tpu.memref_slice %arg2[%dma_wait3A_411, %dma_wait3A_412] : memref<10240x64xf32, #tpu.memory_space<hbm>> -> memref<10240x64xf32, #tpu.memory_space<hbm>>
        tpu.wait_indirect_dma semaphore(%arg23 : memref<!tpu.dma_semaphore, #tpu.memory_space<semaphore_mem>>) src(%dma_wait3A_413 : memref<10240x64xf32, #tpu.memory_space<hbm>>) dst(%arg14 : memref<128x64xf32, #tpu.memory_space<vmem>>)
        %dma_start3A_414 = arith.constant 0 : i32
        %dma_start3A_415 = tpu.memref_slice %arg6[%add3A_372, %dma_start3A_414] : memref<80x128xi32, #tpu.memory_space<vmem>> -> memref<1x128xi32, #tpu.memory_space<vmem>>
        %dma_start3A_416 = tpu.memref_squeeze %dma_start3A_415 : memref<1x128xi32, #tpu.memory_space<vmem>> -> memref<128xi32, #tpu.memory_space<vmem>>
        %dma_start3A_417 = arith.constant 0 : i32
        %dma_start3A_418 = arith.constant 0 : i32
        %dma_start3A_419 = tpu.memref_slice %arg32[%dma_start3A_417, %dma_start3A_418] : memref<10240x64xf32, #tpu.memory_space<vmem_shared>> -> memref<10240x64xf32, #tpu.memory_space<vmem_shared>>
        tpu.enqueue_indirect_dma source(%arg14 : memref<128x64xf32, #tpu.memory_space<vmem>>) target(%dma_start3A_419 : memref<10240x64xf32, #tpu.memory_space<vmem_shared>>) offsets(%dma_start3A_416 : memref<128xi32, #tpu.memory_space<vmem>>) semaphore(%arg31 : memref<!tpu.dma_semaphore, #tpu.memory_space<semaphore_mem>>) {add = true}
      } else {
      }
      %ge3A_381 = arith.constant 4 : i32
      %ge3A_382 = arith.cmpi sge, %add3A_372, %ge3A_381 : i32
      %sub3A_383 = arith.constant 4 : i32
      %sub3A_384 = arith.subi %add3A_372, %sub3A_383 : i32
      %mul3A_385 = arith.constant 32 : i32
      %mul3A_386 = arith.muli %mul3A_385, %sub3A_384 : i32
      %add3A_387 = arith.addi %add3A, %mul3A_386 : i32
      %lt3A_388 = arith.constant 2500 : i32
      %lt3A_389 = arith.cmpi slt, %add3A_387, %lt3A_388 : i32
      %and3A_390 = arith.andi %ge3A_382, %lt3A_389 : i1
      %convert_element_type3A_391 = arith.extui %and3A_390 : i1 to i32
      %cond3A_392 = arith.constant 0 : i32
      %cond3A_393 = arith.cmpi ne, %convert_element_type3A_391, %cond3A_392 : i32
      scf.if %cond3A_393 {
        %sub3A_409 = arith.constant 4 : i32
        %sub3A_410 = arith.subi %add3A_372, %sub3A_409 : i32
        %dma_wait3A = arith.constant 0 : i32
        %dma_wait3A_411 = tpu.memref_slice %arg6[%sub3A_410, %dma_wait3A] : memref<80x128xi32, #tpu.memory_space<vmem>> -> memref<1x128xi32, #tpu.memory_space<vmem>>
        %dma_wait3A_412 = tpu.memref_squeeze %dma_wait3A_411 : memref<1x128xi32, #tpu.memory_space<vmem>> -> memref<128xi32, #tpu.memory_space<vmem>>
        %dma_wait3A_413 = arith.constant 0 : i32
        %dma_wait3A_414 = arith.constant 0 : i32
        %dma_wait3A_415 = tpu.memref_slice %arg32[%dma_wait3A_413, %dma_wait3A_414] : memref<10240x64xf32, #tpu.memory_space<vmem_shared>> -> memref<10240x64xf32, #tpu.memory_space<vmem_shared>>
        tpu.wait_indirect_dma semaphore(%arg27 : memref<!tpu.dma_semaphore, #tpu.memory_space<semaphore_mem>>) src(%arg10 : memref<128x64xf32, #tpu.memory_space<vmem>>) dst(%dma_wait3A_415 : memref<10240x64xf32, #tpu.memory_space<vmem_shared>>)
      } else {
      }
      %add3A_394 = arith.constant 4 : i32
      %add3A_395 = arith.addi %add3A_372, %add3A_394 : i32
      %lt3A_396 = arith.constant 80 : i32
      %lt3A_397 = arith.cmpi slt, %add3A_395, %lt3A_396 : i32
      %add3A_398 = arith.constant 4 : i32
      %add3A_399 = arith.addi %add3A_372, %add3A_398 : i32
      %mul3A_400 = arith.constant 32 : i32
      %mul3A_401 = arith.muli %mul3A_400, %add3A_399 : i32
      %add3A_402 = arith.addi %add3A, %mul3A_401 : i32
      %lt3A_403 = arith.constant 2500 : i32
      %lt3A_404 = arith.cmpi slt, %add3A_402, %lt3A_403 : i32
      %and3A_405 = arith.andi %lt3A_397, %lt3A_404 : i1
      %convert_element_type3A_406 = arith.extui %and3A_405 : i1 to i32
      %cond3A_407 = arith.constant 0 : i32
      %cond3A_408 = arith.cmpi ne, %convert_element_type3A_406, %cond3A_407 : i32
      scf.if %cond3A_408 {
        %add3A_409 = arith.constant 4 : i32
        %add3A_410 = arith.addi %add3A_372, %add3A_409 : i32
        %dma_start3A_411 = arith.constant 0 : i32
        %dma_start3A_412 = tpu.memref_slice %arg5[%add3A_410, %dma_start3A_411] : memref<80x128xi32, #tpu.memory_space<vmem>> -> memref<1x128xi32, #tpu.memory_space<vmem>>
        %dma_start3A_413 = tpu.memref_squeeze %dma_start3A_412 : memref<1x128xi32, #tpu.memory_space<vmem>> -> memref<128xi32, #tpu.memory_space<vmem>>
        %dma_start3A_414 = arith.constant 0 : i32
        %dma_start3A_415 = arith.constant 0 : i32
        %dma_start3A_416 = tpu.memref_slice %arg2[%dma_start3A_414, %dma_start3A_415] : memref<10240x64xf32, #tpu.memory_space<hbm>> -> memref<10240x64xf32, #tpu.memory_space<hbm>>
        tpu.enqueue_indirect_dma source(%dma_start3A_416 : memref<10240x64xf32, #tpu.memory_space<hbm>>) target(%arg10 : memref<128x64xf32, #tpu.memory_space<vmem>>) offsets(%dma_start3A_413 : memref<128xi32, #tpu.memory_space<vmem>>) semaphore(%arg19 : memref<!tpu.dma_semaphore, #tpu.memory_space<semaphore_mem>>)
      } else {
      }
    }
    %scan3A_60 = arith.constant 10 : i32
    %add3A_61 = arith.constant 2432 : i32
    %add3A_62 = arith.addi %add3A, %add3A_61 : i32
    %lt3A = arith.constant 2500 : i32
    %lt3A_63 = arith.cmpi slt, %add3A_62, %lt3A : i32
    %convert_element_type3A = arith.extui %lt3A_63 : i1 to i32
    %cond3A = arith.constant 0 : i32
    %cond3A_64 = arith.cmpi ne, %convert_element_type3A, %cond3A : i32
    scf.if %cond3A_64 {
      %dma_wait3A = arith.constant 76 : i32
      %dma_wait3A_91 = arith.constant 0 : i32
      %dma_wait3A_92 = tpu.memref_slice %arg6[%dma_wait3A, %dma_wait3A_91] : memref<80x128xi32, #tpu.memory_space<vmem>> -> memref<1x128xi32, #tpu.memory_space<vmem>>
      %dma_wait3A_93 = tpu.memref_squeeze %dma_wait3A_92 : memref<1x128xi32, #tpu.memory_space<vmem>> -> memref<128xi32, #tpu.memory_space<vmem>>
      %dma_wait3A_94 = arith.constant 0 : i32
      %dma_wait3A_95 = arith.constant 0 : i32
      %dma_wait3A_96 = tpu.memref_slice %arg32[%dma_wait3A_94, %dma_wait3A_95] : memref<10240x64xf32, #tpu.memory_space<vmem_shared>> -> memref<10240x64xf32, #tpu.memory_space<vmem_shared>>
      tpu.wait_indirect_dma semaphore(%arg28 : memref<!tpu.dma_semaphore, #tpu.memory_space<semaphore_mem>>) src(%arg11 : memref<128x64xf32, #tpu.memory_space<vmem>>) dst(%dma_wait3A_96 : memref<10240x64xf32, #tpu.memory_space<vmem_shared>>)
    } else {
    }
    %add3A_65 = arith.constant 2464 : i32
    %add3A_66 = arith.addi %add3A, %add3A_65 : i32
    %lt3A_67 = arith.constant 2500 : i32
    %lt3A_68 = arith.cmpi slt, %add3A_66, %lt3A_67 : i32
    %convert_element_type3A_69 = arith.extui %lt3A_68 : i1 to i32
    %cond3A_70 = arith.constant 0 : i32
    %cond3A_71 = arith.cmpi ne, %convert_element_type3A_69, %cond3A_70 : i32
    scf.if %cond3A_71 {
      %dma_wait3A = arith.constant 77 : i32
      %dma_wait3A_91 = arith.constant 0 : i32
      %dma_wait3A_92 = tpu.memref_slice %arg6[%dma_wait3A, %dma_wait3A_91] : memref<80x128xi32, #tpu.memory_space<vmem>> -> memref<1x128xi32, #tpu.memory_space<vmem>>
      %dma_wait3A_93 = tpu.memref_squeeze %dma_wait3A_92 : memref<1x128xi32, #tpu.memory_space<vmem>> -> memref<128xi32, #tpu.memory_space<vmem>>
      %dma_wait3A_94 = arith.constant 0 : i32
      %dma_wait3A_95 = arith.constant 0 : i32
      %dma_wait3A_96 = tpu.memref_slice %arg32[%dma_wait3A_94, %dma_wait3A_95] : memref<10240x64xf32, #tpu.memory_space<vmem_shared>> -> memref<10240x64xf32, #tpu.memory_space<vmem_shared>>
      tpu.wait_indirect_dma semaphore(%arg29 : memref<!tpu.dma_semaphore, #tpu.memory_space<semaphore_mem>>) src(%arg12 : memref<128x64xf32, #tpu.memory_space<vmem>>) dst(%dma_wait3A_96 : memref<10240x64xf32, #tpu.memory_space<vmem_shared>>)
    } else {
    }
    %add3A_72 = arith.constant 2496 : i32
    %add3A_73 = arith.addi %add3A, %add3A_72 : i32
    %lt3A_74 = arith.constant 2500 : i32
    %lt3A_75 = arith.cmpi slt, %add3A_73, %lt3A_74 : i32
    %convert_element_type3A_76 = arith.extui %lt3A_75 : i1 to i32
    %cond3A_77 = arith.constant 0 : i32
    %cond3A_78 = arith.cmpi ne, %convert_element_type3A_76, %cond3A_77 : i32
    scf.if %cond3A_78 {
      %dma_wait3A = arith.constant 78 : i32
      %dma_wait3A_91 = arith.constant 0 : i32
      %dma_wait3A_92 = tpu.memref_slice %arg6[%dma_wait3A, %dma_wait3A_91] : memref<80x128xi32, #tpu.memory_space<vmem>> -> memref<1x128xi32, #tpu.memory_space<vmem>>
      %dma_wait3A_93 = tpu.memref_squeeze %dma_wait3A_92 : memref<1x128xi32, #tpu.memory_space<vmem>> -> memref<128xi32, #tpu.memory_space<vmem>>
      %dma_wait3A_94 = arith.constant 0 : i32
      %dma_wait3A_95 = arith.constant 0 : i32
      %dma_wait3A_96 = tpu.memref_slice %arg32[%dma_wait3A_94, %dma_wait3A_95] : memref<10240x64xf32, #tpu.memory_space<vmem_shared>> -> memref<10240x64xf32, #tpu.memory_space<vmem_shared>>
      tpu.wait_indirect_dma semaphore(%arg30 : memref<!tpu.dma_semaphore, #tpu.memory_space<semaphore_mem>>) src(%arg13 : memref<128x64xf32, #tpu.memory_space<vmem>>) dst(%dma_wait3A_96 : memref<10240x64xf32, #tpu.memory_space<vmem_shared>>)
    } else {
    }
    %add3A_79 = arith.constant 2528 : i32
    %add3A_80 = arith.addi %add3A, %add3A_79 : i32
    %lt3A_81 = arith.constant 2500 : i32
    %lt3A_82 = arith.cmpi slt, %add3A_80, %lt3A_81 : i32
    %convert_element_type3A_83 = arith.extui %lt3A_82 : i1 to i32
    %cond3A_84 = arith.constant 0 : i32
    %cond3A_85 = arith.cmpi ne, %convert_element_type3A_83, %cond3A_84 : i32
    scf.if %cond3A_85 {
      %dma_wait3A = arith.constant 79 : i32
      %dma_wait3A_91 = arith.constant 0 : i32
      %dma_wait3A_92 = tpu.memref_slice %arg6[%dma_wait3A, %dma_wait3A_91] : memref<80x128xi32, #tpu.memory_space<vmem>> -> memref<1x128xi32, #tpu.memory_space<vmem>>
      %dma_wait3A_93 = tpu.memref_squeeze %dma_wait3A_92 : memref<1x128xi32, #tpu.memory_space<vmem>> -> memref<128xi32, #tpu.memory_space<vmem>>
      %dma_wait3A_94 = arith.constant 0 : i32
      %dma_wait3A_95 = arith.constant 0 : i32
      %dma_wait3A_96 = tpu.memref_slice %arg32[%dma_wait3A_94, %dma_wait3A_95] : memref<10240x64xf32, #tpu.memory_space<vmem_shared>> -> memref<10240x64xf32, #tpu.memory_space<vmem_shared>>
      tpu.wait_indirect_dma semaphore(%arg31 : memref<!tpu.dma_semaphore, #tpu.memory_space<semaphore_mem>>) src(%arg14 : memref<128x64xf32, #tpu.memory_space<vmem>>) dst(%dma_wait3A_96 : memref<10240x64xf32, #tpu.memory_space<vmem_shared>>)
    } else {
    }
    %barrier3A_86 = arith.constant 0 : index
    tpu.barrier barrier_id(%barrier3A_86)
    %mul3A_87 = arith.constant 640 : i32
    %mul3A_88 = arith.muli %arg1, %mul3A_87 : i32
    %mul3A_89 = arith.constant 640 : i32
    %mul3A_90 = arith.muli %arg1, %mul3A_89 : i32
    "tpu.region"() ({
      %run_scoped3A = tpu.sem_alloc : memref<!tpu.dma_semaphore, #tpu.memory_space<semaphore_mem>>
      %dma_start3A_91 = arith.constant 0 : i32
      %dma_start3A_92 = arith.constant 0 : i32
      %dma_start3A_93 = tpu.memref_slice %arg4[%arg0, %dma_start3A_91, %dma_start3A_92] : memref<2x10240x64xf32, #tpu.memory_space<hbm>> -> memref<1x10240x64xf32, #tpu.memory_space<hbm>>
      %dma_start3A_94 = tpu.memref_squeeze %dma_start3A_93 : memref<1x10240x64xf32, #tpu.memory_space<hbm>> -> memref<10240x64xf32, #tpu.memory_space<hbm>>
      %dma_start3A_95 = arith.constant 0 : i32
      %dma_start3A_96 = tpu.memref_slice %dma_start3A_94[%mul3A_90, %dma_start3A_95] : memref<10240x64xf32, #tpu.memory_space<hbm>> -> memref<640x64xf32, #tpu.memory_space<hbm>>
      %dma_start3A_97 = arith.constant 0 : i32
      %dma_start3A_98 = tpu.memref_slice %arg32[%mul3A_88, %dma_start3A_97] : memref<10240x64xf32, #tpu.memory_space<vmem_shared>> -> memref<640x64xf32, #tpu.memory_space<vmem_shared>>
      tpu.enqueue_dma source(%dma_start3A_98 : memref<640x64xf32, #tpu.memory_space<vmem_shared>>) target(%dma_start3A_96 : memref<640x64xf32, #tpu.memory_space<hbm>>) target_semaphore(%run_scoped3A : memref<!tpu.dma_semaphore, #tpu.memory_space<semaphore_mem>>)
      %dma_wait3A = arith.constant 0 : i32
      %dma_wait3A_99 = arith.constant 0 : i32
      %dma_wait3A_100 = tpu.memref_slice %arg4[%arg0, %dma_wait3A, %dma_wait3A_99] : memref<2x10240x64xf32, #tpu.memory_space<hbm>> -> memref<1x10240x64xf32, #tpu.memory_space<hbm>>
      %dma_wait3A_101 = tpu.memref_squeeze %dma_wait3A_100 : memref<1x10240x64xf32, #tpu.memory_space<hbm>> -> memref<10240x64xf32, #tpu.memory_space<hbm>>
      %dma_wait3A_102 = arith.constant 0 : i32
      %dma_wait3A_103 = tpu.memref_slice %dma_wait3A_101[%mul3A_90, %dma_wait3A_102] : memref<10240x64xf32, #tpu.memory_space<hbm>> -> memref<640x64xf32, #tpu.memory_space<hbm>>
      %dma_wait3A_104 = arith.constant 0 : i32
      %dma_wait3A_105 = tpu.memref_slice %arg32[%mul3A_88, %dma_wait3A_104] : memref<10240x64xf32, #tpu.memory_space<vmem_shared>> -> memref<640x64xf32, #tpu.memory_space<vmem_shared>>
      tpu.wait_dma2 semaphore(%run_scoped3A : memref<!tpu.dma_semaphore, #tpu.memory_space<semaphore_mem>>) src(%dma_wait3A_105 : memref<640x64xf32, #tpu.memory_space<vmem_shared>>) dst(%dma_wait3A_103 : memref<640x64xf32, #tpu.memory_space<hbm>>)
      tpu.yield
    }) : () -> ()
    return
  }
}

module attributes {stable_mosaic.version = 14 : i64} {
  func.func @_mm1_body(%arg0: memref<10000x128xf32, #tpu.memory_space<vmem>>, %arg1: memref<128x64xf32, #tpu.memory_space<vmem>>, %arg2: memref<2x10240x1xf32, #tpu.memory_space<vmem>>, %arg3: memref<10240x64xf32, #tpu.memory_space<vmem>>) attributes {dimension_semantics = [], scalar_prefetch = 0 : i64, scratch_operands = 0 : i64, tpu.core_type = #tpu.core_type<tc>} {
    %get3A = arith.constant 0 : index
    %get3A_0 = arith.constant 0 : index
    %get3A_1 = arith.constant 0 : index
    %get3A_2 = vector.load %arg2[%get3A, %get3A_0, %get3A_1] : memref<2x10240x1xf32, #tpu.memory_space<vmem>>, vector<1x10240x1xf32>
    %get3A_3 = vector.shape_cast %get3A_2 : vector<1x10240x1xf32> to vector<10240x1xf32>
    %get3A_4 = arith.constant 1 : index
    %get3A_5 = arith.constant 0 : index
    %get3A_6 = arith.constant 0 : index
    %get3A_7 = vector.load %arg2[%get3A_4, %get3A_5, %get3A_6] : memref<2x10240x1xf32, #tpu.memory_space<vmem>>, vector<1x10240x1xf32>
    %get3A_8 = vector.shape_cast %get3A_7 : vector<1x10240x1xf32> to vector<10240x1xf32>
    %add3A = arith.addf %get3A_3, %get3A_8 : vector<10240x1xf32>
    %add3A_9 = arith.constant 1.000000e+00 : f32
    %add3A_10 = vector.broadcast %add3A_9 : f32 to vector<10240x1xf32>
    %add3A_11 = arith.addf %add3A, %add3A_10 : vector<10240x1xf32>
    %rsqrt3A = math.rsqrt %add3A_11 : vector<10240x1xf32>
    %get3A_12 = arith.constant 0 : index
    %get3A_13 = arith.constant 0 : index
    %get3A_14 = vector.load %arg0[%get3A_12, %get3A_13] : memref<10000x128xf32, #tpu.memory_space<vmem>>, vector<10000x128xf32>
    %get3A_15 = arith.constant 0 : index
    %get3A_16 = arith.constant 0 : index
    %get3A_17 = vector.load %arg1[%get3A_15, %get3A_16] : memref<128x64xf32, #tpu.memory_space<vmem>>, vector<128x64xf32>
    %dot_general3A = arith.constant dense<0.000000e+00> : vector<10000x64xf32>
    %dot_general3A_18 = tpu.matmul %get3A_14, %get3A_17, %dot_general3A {dimension_numbers = #tpu.dot_dimension_numbers<[1], [0], [0], [1], [0, 0, 1, 1], [], []>, transpose_lhs_hint = false} : vector<10000x128xf32>, vector<128x64xf32>, vector<10000x64xf32> -> vector<10000x64xf32>
    %slice3A = vector.extract_strided_slice %rsqrt3A {offsets = [0, 0], sizes = [10000, 1], strides = [1, 1]} : vector<10240x1xf32> to vector<10000x1xf32>
    %mul3A = vector.broadcast %slice3A : vector<10000x1xf32> to vector<10000x64xf32>
    %mul3A_19 = arith.mulf %dot_general3A_18, %mul3A : vector<10000x64xf32>
    %swap3A = arith.constant 0 : index
    %swap3A_20 = arith.constant 0 : index
    %swap3A_21 = vector.load %arg3[%swap3A, %swap3A_20] : memref<10240x64xf32, #tpu.memory_space<vmem>>, vector<10000x64xf32>
    tpu.vector_store %arg3[%swap3A, %swap3A_20], %mul3A_19 {strides = array<i32>} : memref<10240x64xf32, #tpu.memory_space<vmem>>, vector<10000x64xf32>,
    %broadcast_in_dim3A = arith.constant 0.000000e+00 : f32
    %broadcast_in_dim3A_22 = vector.broadcast %broadcast_in_dim3A : f32 to vector<240x64xf32>
    %swap3A_23 = arith.constant 10000 : index
    %swap3A_24 = arith.constant 0 : index
    %swap3A_25 = vector.load %arg3[%swap3A_23, %swap3A_24] : memref<10240x64xf32, #tpu.memory_space<vmem>>, vector<240x64xf32>
    tpu.vector_store %arg3[%swap3A_23, %swap3A_24], %broadcast_in_dim3A_22 {strides = array<i32>} : memref<10240x64xf32, #tpu.memory_space<vmem>>, vector<240x64xf32>,
    return
  }
}

module attributes {stable_mosaic.version = 14 : i64} {
  func.func @_mm2_body(%arg0: memref<2x10240x1xf32, #tpu.memory_space<vmem>>, %arg1: memref<10240x64xf32, #tpu.memory_space<vmem>>, %arg2: memref<2x10240x64xf32, #tpu.memory_space<vmem>>, %arg3: memref<1x64xf32, #tpu.memory_space<vmem>>, %arg4: memref<64x16xf32, #tpu.memory_space<vmem>>, %arg5: memref<10240x16xf32, #tpu.memory_space<vmem>>) attributes {dimension_semantics = [], scalar_prefetch = 0 : i64, scratch_operands = 0 : i64, tpu.core_type = #tpu.core_type<tc>} {
    %get3A = arith.constant 0 : index
    %get3A_0 = arith.constant 0 : index
    %get3A_1 = arith.constant 0 : index
    %get3A_2 = vector.load %arg0[%get3A, %get3A_0, %get3A_1] : memref<2x10240x1xf32, #tpu.memory_space<vmem>>, vector<1x10240x1xf32>
    %get3A_3 = vector.shape_cast %get3A_2 : vector<1x10240x1xf32> to vector<10240x1xf32>
    %get3A_4 = arith.constant 1 : index
    %get3A_5 = arith.constant 0 : index
    %get3A_6 = arith.constant 0 : index
    %get3A_7 = vector.load %arg0[%get3A_4, %get3A_5, %get3A_6] : memref<2x10240x1xf32, #tpu.memory_space<vmem>>, vector<1x10240x1xf32>
    %get3A_8 = vector.shape_cast %get3A_7 : vector<1x10240x1xf32> to vector<10240x1xf32>
    %add3A = arith.addf %get3A_3, %get3A_8 : vector<10240x1xf32>
    %add3A_9 = arith.constant 1.000000e+00 : f32
    %add3A_10 = vector.broadcast %add3A_9 : f32 to vector<10240x1xf32>
    %add3A_11 = arith.addf %add3A, %add3A_10 : vector<10240x1xf32>
    %rsqrt3A = math.rsqrt %add3A_11 : vector<10240x1xf32>
    %get3A_12 = arith.constant 0 : index
    %get3A_13 = arith.constant 0 : index
    %get3A_14 = arith.constant 0 : index
    %get3A_15 = vector.load %arg2[%get3A_12, %get3A_13, %get3A_14] : memref<2x10240x64xf32, #tpu.memory_space<vmem>>, vector<1x10240x64xf32>
    %get3A_16 = vector.shape_cast %get3A_15 : vector<1x10240x64xf32> to vector<10240x64xf32>
    %get3A_17 = arith.constant 1 : index
    %get3A_18 = arith.constant 0 : index
    %get3A_19 = arith.constant 0 : index
    %get3A_20 = vector.load %arg2[%get3A_17, %get3A_18, %get3A_19] : memref<2x10240x64xf32, #tpu.memory_space<vmem>>, vector<1x10240x64xf32>
    %get3A_21 = vector.shape_cast %get3A_20 : vector<1x10240x64xf32> to vector<10240x64xf32>
    %add3A_22 = arith.addf %get3A_16, %get3A_21 : vector<10240x64xf32>
    %get3A_23 = arith.constant 0 : index
    %get3A_24 = arith.constant 0 : index
    %get3A_25 = vector.load %arg1[%get3A_23, %get3A_24] : memref<10240x64xf32, #tpu.memory_space<vmem>>, vector<10240x64xf32>
    %sub3A = arith.subf %add3A_22, %get3A_25 : vector<10240x64xf32>
    %mul3A = vector.broadcast %rsqrt3A : vector<10240x1xf32> to vector<10240x64xf32>
    %mul3A_26 = arith.mulf %mul3A, %sub3A : vector<10240x64xf32>
    %get3A_27 = arith.constant 0 : index
    %get3A_28 = arith.constant 0 : index
    %get3A_29 = vector.load %arg3[%get3A_27, %get3A_28] : memref<1x64xf32, #tpu.memory_space<vmem>>, vector<1x64xf32>
    %add3A_30 = vector.broadcast %get3A_29 : vector<1x64xf32> to vector<10240x64xf32>
    %add3A_31 = arith.addf %mul3A_26, %add3A_30 : vector<10240x64xf32>
    %max3A = arith.constant 0.000000e+00 : f32
    %max3A_32 = vector.broadcast %max3A : f32 to vector<10240x64xf32>
    %max3A_33 = arith.maximumf %add3A_31, %max3A_32 : vector<10240x64xf32>
    %get3A_34 = arith.constant 0 : index
    %get3A_35 = arith.constant 0 : index
    %get3A_36 = vector.load %arg4[%get3A_34, %get3A_35] : memref<64x16xf32, #tpu.memory_space<vmem>>, vector<64x16xf32>
    %dot_general3A = arith.constant dense<0.000000e+00> : vector<10240x16xf32>
    %dot_general3A_37 = tpu.matmul %max3A_33, %get3A_36, %dot_general3A {dimension_numbers = #tpu.dot_dimension_numbers<[1], [0], [0], [1], [0, 0, 1, 1], [], []>, transpose_lhs_hint = false} : vector<10240x64xf32>, vector<64x16xf32>, vector<10240x16xf32> -> vector<10240x16xf32>
    %mul3A_38 = vector.broadcast %rsqrt3A : vector<10240x1xf32> to vector<10240x16xf32>
    %mul3A_39 = arith.mulf %dot_general3A_37, %mul3A_38 : vector<10240x16xf32>
    %swap3A = arith.constant 0 : index
    %swap3A_40 = arith.constant 0 : index
    %swap3A_41 = vector.load %arg5[%swap3A, %swap3A_40] : memref<10240x16xf32, #tpu.memory_space<vmem>>, vector<10240x16xf32>
    tpu.vector_store %arg5[%swap3A, %swap3A_40], %mul3A_39 {strides = array<i32>} : memref<10240x16xf32, #tpu.memory_space<vmem>>, vector<10240x16xf32>,
    return
  }
}

module attributes {stable_mosaic.version = 14 : i64} {
  func.func @_soft_body(%arg0: memref<2x10240x1xf32, #tpu.memory_space<vmem>>, %arg1: memref<10240x16xf32, #tpu.memory_space<vmem>>, %arg2: memref<2x10240x16xf32, #tpu.memory_space<vmem>>, %arg3: memref<1x16xf32, #tpu.memory_space<vmem>>, %arg4: memref<10000x2xf32, #tpu.memory_space<vmem>>) attributes {dimension_semantics = [], scalar_prefetch = 0 : i64, scratch_operands = 0 : i64, tpu.core_type = #tpu.core_type<tc>} {
    %get3A = arith.constant 0 : index
    %get3A_0 = arith.constant 0 : index
    %get3A_1 = arith.constant 0 : index
    %get3A_2 = vector.load %arg0[%get3A, %get3A_0, %get3A_1] : memref<2x10240x1xf32, #tpu.memory_space<vmem>>, vector<1x10240x1xf32>
    %get3A_3 = vector.shape_cast %get3A_2 : vector<1x10240x1xf32> to vector<10240x1xf32>
    %get3A_4 = arith.constant 1 : index
    %get3A_5 = arith.constant 0 : index
    %get3A_6 = arith.constant 0 : index
    %get3A_7 = vector.load %arg0[%get3A_4, %get3A_5, %get3A_6] : memref<2x10240x1xf32, #tpu.memory_space<vmem>>, vector<1x10240x1xf32>
    %get3A_8 = vector.shape_cast %get3A_7 : vector<1x10240x1xf32> to vector<10240x1xf32>
    %add3A = arith.addf %get3A_3, %get3A_8 : vector<10240x1xf32>
    %add3A_9 = arith.constant 1.000000e+00 : f32
    %add3A_10 = vector.broadcast %add3A_9 : f32 to vector<10240x1xf32>
    %add3A_11 = arith.addf %add3A, %add3A_10 : vector<10240x1xf32>
    %rsqrt3A = math.rsqrt %add3A_11 : vector<10240x1xf32>
    %get3A_12 = arith.constant 0 : index
    %get3A_13 = arith.constant 0 : index
    %get3A_14 = arith.constant 0 : index
    %get3A_15 = vector.load %arg2[%get3A_12, %get3A_13, %get3A_14] : memref<2x10240x16xf32, #tpu.memory_space<vmem>>, vector<1x10240x16xf32>
    %get3A_16 = vector.shape_cast %get3A_15 : vector<1x10240x16xf32> to vector<10240x16xf32>
    %get3A_17 = arith.constant 1 : index
    %get3A_18 = arith.constant 0 : index
    %get3A_19 = arith.constant 0 : index
    %get3A_20 = vector.load %arg2[%get3A_17, %get3A_18, %get3A_19] : memref<2x10240x16xf32, #tpu.memory_space<vmem>>, vector<1x10240x16xf32>
    %get3A_21 = vector.shape_cast %get3A_20 : vector<1x10240x16xf32> to vector<10240x16xf32>
    %add3A_22 = arith.addf %get3A_16, %get3A_21 : vector<10240x16xf32>
    %get3A_23 = arith.constant 0 : index
    %get3A_24 = arith.constant 0 : index
    %get3A_25 = vector.load %arg1[%get3A_23, %get3A_24] : memref<10240x16xf32, #tpu.memory_space<vmem>>, vector<10240x16xf32>
    %sub3A = arith.subf %add3A_22, %get3A_25 : vector<10240x16xf32>
    %mul3A = vector.broadcast %rsqrt3A : vector<10240x1xf32> to vector<10240x16xf32>
    %mul3A_26 = arith.mulf %mul3A, %sub3A : vector<10240x16xf32>
    %get3A_27 = arith.constant 0 : index
    %get3A_28 = arith.constant 0 : index
    %get3A_29 = vector.load %arg3[%get3A_27, %get3A_28] : memref<1x16xf32, #tpu.memory_space<vmem>>, vector<1x16xf32>
    %add3A_30 = vector.broadcast %get3A_29 : vector<1x16xf32> to vector<10240x16xf32>
    %add3A_31 = arith.addf %mul3A_26, %add3A_30 : vector<10240x16xf32>
    %slice3A = vector.extract_strided_slice %add3A_31 {offsets = [0, 0], sizes = [10000, 2], strides = [1, 1]} : vector<10240x16xf32> to vector<10000x2xf32>
    %reduce_max3A = arith.constant dense<0xFF800000> : vector<10000xf32>
    %reduce_max3A_32 = vector.multi_reduction <maximumf>, %slice3A, %reduce_max3A [1] : vector<10000x2xf32> to vector<10000xf32>
    %broadcast_in_dim3A = vector.shape_cast %reduce_max3A_32 : vector<10000xf32> to vector<10000x1xf32>
    %sub3A_33 = vector.broadcast %broadcast_in_dim3A : vector<10000x1xf32> to vector<10000x2xf32>
    %sub3A_34 = arith.subf %slice3A, %sub3A_33 : vector<10000x2xf32>
    %exp3A = math.exp %sub3A_34 : vector<10000x2xf32>
    %reduce_sum3A = arith.constant dense<0.000000e+00> : vector<10000xf32>
    %reduce_sum3A_35 = vector.multi_reduction <add>, %exp3A, %reduce_sum3A [1] : vector<10000x2xf32> to vector<10000xf32>
    %broadcast_in_dim3A_36 = vector.shape_cast %reduce_sum3A_35 : vector<10000xf32> to vector<10000x1xf32>
    %div3A = vector.broadcast %broadcast_in_dim3A_36 : vector<10000x1xf32> to vector<10000x2xf32>
    %div3A_37 = arith.divf %exp3A, %div3A : vector<10000x2xf32>
    %swap3A = arith.constant 0 : index
    %swap3A_38 = arith.constant 0 : index
    %swap3A_39 = vector.load %arg4[%swap3A, %swap3A_38] : memref<10000x2xf32, #tpu.memory_space<vmem>>, vector<10000x2xf32>
    tpu.vector_store %arg4[%swap3A, %swap3A_38], %div3A_37 {strides = array<i32>} : memref<10000x2xf32, #tpu.memory_space<vmem>>, vector<10000x2xf32>,
    return
  }
}

</mosaic_0001>

<sc_bundles>
// kernel: kernel.11.cloned.1.call-start
scs
__scs_entry_jumppad:
0x0: {  	(pc) =	sbr.rel $0x88, $3  }
0x1: {  	(tag) =	ssettag $0x0;
	lr =	simm.s32 $0x1  }
0x2: {  	[smem:$0x3F9B] =	sst lr;
	_ =	strace $0xD0000000  }
0x3: {  	_ = 	snop  }
0x4: {  	_ = 	snop  }
0x5: {  	_ = 	snop  }
0x6: {  	_ = 	snop  }
0x7: {  	_ = 	snop  }
__scs_overlays_trampoline_lowered:
0x8: {  	[smem:$0x3FAA] =	sst s0  }
0x9: {  	[smem:$0x3FAB] =	sst s1  }
0xa: {  	[smem:$0x3FAC] =	sst s2  }
0xb: {  	[smem:$0x3FAD] =	sst s3  }
0xc: {  	[smem:$0x3FAE] =	sst s4  }
0xd: {  	[smem:$0x3FAF] =	sst s5  }
0xe: {  	[smem:$0x3FB0] =	sst s6  }
0xf: {  	[smem:$0x3FB1] =	sst s7  }
0x10: {  	[smem:$0x3FB2] =	sst s8  }
0x11: {  	[smem:$0x3FB3] =	sst s9;
	s0 =	simm.s32 @!p0 $0x0  }
0x12: {  	s1 =	sld [smem:$0x3F99];
	s0 =	simm.s32 @p0 $0x1  }
0x13: {  	[smem:$0x3FB4] =	sst s0;
	s0 =	simm.s32 @!p1 $0x0  }
0x14: {  	s2 =	sld [smem:$0x3F98];
	s0 =	simm.s32 @p1 $0x1  }
0x15: {  	[smem:$0x3FB5] =	sst s0;
	s0 =	simm.s32 @!p2 $0x0  }
0x16: {  	s3 =	sld [smem:$0x3FDB];
	s0 =	simm.s32 @p2 $0x1  }
0x17: {  	s4 =	simm.s32 $0x1BF5;
	[smem:$0x3FB7] =	sst s0  }
0x18: {  	s0 =	sld [smem:$0x3F9A];
	_ =	swait.ge [sflag:s4], $0x0  }
0x19: {  	s7 =	sld [smem:$0x3F9B]  }
0x1a: {  	s8 =	sadd.s32 $0xFFFFE003, lr  }
0x1b: {  	s9 =	sadd.s32 $0xFFFFFEF7, lr;
	s5 =	simm.s32 $0xFFFFFFFF;
	p2 =	slt.u32 s8, $0xFFFFF086  }
0x1c: {  	p1 =	slt.u32 s9, $0xF7A;
	s5 =	simm.s32 @!p2 $0x0  }
0x1d: {  	s5 =	simm.s32 @p1 $0x1;
	p0 =	seq.s32 s7, s2  }
0x1e: {  	s7 =	smul.u32 @!p0 $0xF7A, s2;
	p2 =	seq.s32 @!p0 s5, $0x0  }
0x1f: {  	s9 =	smul.u32 $0xF7A, s1;
	s8 =	simm.s32 @!p0 $0x1BF5;
	p2 =	por !p2, p0  }
0x20: {  	[sflag:s8] =	ssyncset.s32 @!p0 $0xFFFFF086;
	s6 =	sadd.s32 @!p0 s3, s7;
	s7 =	simm.s32 @!p0 $0x108  }
0x21: {  	s3 =	sadd.s32 s3, s9;
	s6 =	sadd.s32 @!p0 $0x88, s6;
	s7 =	simm.s32 @p2 $0x1082  }
0x22: {  	[simem:s7], [sflag:s8] =	dma.local @!p0 [hbm:s6], $0xF7A  }
0x23: {  	s9 =	sor.u32 $0xD0000000, s2;
	s6 =	simm.s32 $0x108;
	_ =	swait.ge @!p0 [sflag:s8], $0x0  }
0x24: {  	s3 =	sadd.s32 $0x88, s3;
	s6 =	simm.s32 @!p1 $0x1082;
	[sflag:s4] =	ssyncset.s32 $0xFFFFF086  }
0x25: {  	[simem:s6], [sflag:s4] =	dma.local [hbm:s3], $0xF7A  }
0x26: {  	[smem:$0x3F9B] =	sst s1;
	(tag) =	ssettag s2;
	_ =	strace s9  }
0x27: {  	s1 =	sld [smem:$0x3FAB]  }
0x28: {  	s2 =	sld [smem:$0x3FAC]  }
0x29: {  	s4 =	sld [smem:$0x3FAE]  }
0x2a: {  	p0 =	seq.s32 s5, $0x0;
	s5 =	sld [smem:$0x3FAF]  }
0x2b: {  	s6 =	sld [smem:$0x3FB0]  }
0x2c: {  	s7 =	sld [smem:$0x3FB1]  }
0x2d: {  	s3 =	simm.s32 $0x108;
	s8 =	sld [smem:$0x3FB2]  }
0x2e: {  	s3 =	simm.s32 @!p0 $0x1082;
	s9 =	sld [smem:$0x3FB3]  }
0x2f: {  	lr =	sadd.s32 s0, s3;
	s0 =	sld [smem:$0x3FAA]  }
0x30: {  	s3 =	sld [smem:$0x3FAD]  }
0x31: {  	[smem:$0x3FB6] =	sst s10  }
0x32: {  	s10 =	sld [smem:$0x3FB4];
	_ =	sdelay $0x3  }
0x33: {  	p0 =	seq.s32 s10, $0x1;
	s10 =	sld [smem:$0x3FB6];
	_ =	sdelay $0x3  }
0x34: {  	[smem:$0x3FB6] =	sst s10  }
0x35: {  	s10 =	sld [smem:$0x3FB5];
	_ =	sdelay $0x3  }
0x36: {  	p1 =	seq.s32 s10, $0x1;
	s10 =	sld [smem:$0x3FB6];
	_ =	sdelay $0x3  }
0x37: {  	[smem:$0x3FB6] =	sst s10  }
0x38: {  	s10 =	sld [smem:$0x3FB7]  }
0x39: {  	_ = 	snop;
	(pc) =	sbr.ind lr, $3  }
0x3a: {  	_ = 	snop  }
0x3b: {  	_ = 	snop  }
0x3c: {  	p2 =	seq.s32 s10, $0x1;
	s10 =	sld [smem:$0x3FB6]  }
0x3d: {  	_ =	shalt  }
0x3e: {  	_ =	shalt  }
0x3f: {  	_ =	shalt  }
0x40: {  	_ =	shalt  }
0x41: {  	_ =	shalt  }
0x42: {  	_ =	shalt  }
0x43: {  	_ =	shalt  }
0x44: {  	_ =	shalt  }
0x45: {  	_ =	shalt  }
0x46: {  	_ =	shalt  }
0x47: {  	_ =	shalt  }
0x48: {  	_ =	shalt  }
0x49: {  	_ =	shalt  }
0x4a: {  	_ =	shalt  }
0x4b: {  	_ =	shalt  }
0x4c: {  	_ =	shalt  }
0x4d: {  	_ =	shalt  }
0x4e: {  	_ =	shalt  }
0x4f: {  	_ =	shalt  }
0x50: {  	_ =	shalt  }
0x51: {  	_ =	shalt  }
0x52: {  	_ =	shalt  }
0x53: {  	_ =	shalt  }
0x54: {  	_ =	shalt  }
0x55: {  	_ =	shalt  }
0x56: {  	_ =	shalt  }
0x57: {  	_ =	shalt  }
0x58: {  	_ =	shalt  }
0x59: {  	_ =	shalt  }
0x5a: {  	_ =	shalt  }
0x5b: {  	_ =	shalt  }
0x5c: {  	_ =	shalt  }
0x5d: {  	_ =	shalt  }
0x5e: {  	_ =	shalt  }
0x5f: {  	_ =	shalt  }
0x60: {  	_ =	shalt  }
0x61: {  	_ =	shalt  }
0x62: {  	_ =	shalt  }
0x63: {  	_ =	shalt  }
0x64: {  	_ =	shalt  }
0x65: {  	_ =	shalt  }
0x66: {  	_ =	shalt  }
0x67: {  	_ =	shalt  }
0x68: {  	_ =	shalt  }
0x69: {  	_ =	shalt  }
0x6a: {  	_ =	shalt  }
0x6b: {  	_ =	shalt  }
0x6c: {  	_ =	shalt  }
0x6d: {  	_ =	shalt  }
0x6e: {  	_ =	shalt  }
0x6f: {  	_ =	shalt  }
0x70: {  	_ =	shalt  }
0x71: {  	_ =	shalt  }
0x72: {  	_ =	shalt  }
0x73: {  	_ =	shalt  }
0x74: {  	_ =	shalt  }
0x75: {  	_ =	shalt  }
0x76: {  	_ =	shalt  }
0x77: {  	_ =	shalt  }
0x78: {  	_ =	shalt  }
0x79: {  	_ =	shalt  }
0x7a: {  	_ =	shalt  }
0x7b: {  	_ =	shalt  }
0x7c: {  	_ =	shalt  }
0x7d: {  	_ =	shalt  }
0x7e: {  	_ =	shalt  }
0x7f: {  	_ =	shalt  }
0x80: {  	_ =	shalt  }
0x81: {  	_ =	shalt  }
0x82: {  	_ =	shalt  }
0x83: {  	_ =	shalt  }
0x84: {  	_ =	shalt  }
0x85: {  	_ =	shalt  }
0x86: {  	_ =	shalt  }
0x87: {  	_ =	shalt  }
.Lfunc_end0:
.L_simem_size_0:
called_computation.1_lowered:
.L_overlay_start_0:
0x88: {  	s2 =	sld [smem:$0x3FD9]  }
0x89: {  	s3 =	sld [smem:$0x3FFE];
	_ =	sdelay $0x1  }
0x8a: {  	s1 =	srdreg.scid  }
0x8b: {  	s0 =	sand.u32 $0x1, s1  }
0x8c: {  	s16 =	sshll.u32 s0, $0xA;
	s2 =	sadd.s32 s3, s2  }
0x8d: {  	s2 =	sadd.s32 s2, s16  }
0x8e: {  	[smem:$0x3FC2] =	sst s2  }
0x8f: {  	_ = 	snop  }
0x90: {  	(tm) =	ssettm $0x1  }
0x91: {  	s17 =	sld [smem:$0x3FFB];
	_ =	sdelay $0x3  }
0x92: {  	_ =	strace s17  }
0x93: {  	s2 =	sld [smem:$0x3FFC];
	_ =	sdelay $0x3  }
0x94: {  	_ =	strace s2  }
0x95: {  	s2 =	sld [smem:$0x3FFD];
	_ =	sdelay $0x3  }
0x96: {  	_ =	strace s2  }
0x97: {  	_ =	strace $0x8FFFFFFF  }
0x98: {  	s18 =	sld [smem:$0x3FDB];
	_ =	sdelay $0x1  }
0x99: {  	s19 =	simm.s32 $_scs_section_size  }
0x9a: {  	s4 =	simm.s32 $_size__tile_overlayer_lowered;
	s5 =	simm.s32 $_tile_overlayer_lowered  }
0x9b: {  	s22 =	simm.s32 $0x1BFF;
	s21 =	sshll.u32 s5, $0x1;
	s2 =	sadd.s32 s19, s18  }
0x9c: {  	s6 =	simm.s32 $0x0;
	s20 =	sshll.u32 s4, $0x1;
	s4 =	sadd.s32 s21, s2  }
0x9d: {  	[timem:s6], [sflag:s22] =	dma.local [hbm:s4], s20  }
0x9e: {  	_ =	swait.ge [sflag:s22], s20  }
0x9f: {  	s3 =	ssub.s32 $0x0, s20;
	[sflag:s22] =	ssyncset.done $0x0  }
0xa0: {  	[sflag:s22] =	ssyncadd.s32 s3;
	_ =	sdelay $0x1  }
0xa1: {  	s23 =	simm.s32 $0x1B8B  }
0xa2: {  	_ =	swait.ge [sflag:s23], $0x1  }
0xa3: {  	[sflag:s23] =	ssyncset.done $0x0  }
0xa4: {  	s25 =	simm.s32 $0x1B8E;
	s24 =	sld [smem:$0x3FFE];
	[sflag:s23] =	ssyncadd.s32 $0xFFFFFFFF  }
0xa5: {  	s26 =	simm.s32 $execute0_lowered;
	[smem:$0x3FD2] =	sst s25  }
0xa6: {  	s4 =	sshll.u32 s26, $0x1;
	_ =	strace $0x80000049;
	[dreg:$0x1] =	wrdreg $0xFFFFFFFF  }
0xa7: {  	s28 =	simm.s32 $_size_execute0_lowered;
	s2 =	sadd.s32 s2, s4;
	[dreg:$0x0] =	wrdreg $0x0  }
0xa8: {  	s4 =	sshll.u32 s28, $0x1;
	[dreg:$0x2] =	wrdreg s2  }
0xa9: {  	[dreg:$0x3] =	wrdreg s4  }
0xaa: {  	[dreg:$0x4] =	wrdreg $0xC0  }
0xab: {  	_ =	task [dreg:s6], $0x5FFFF  }
0xac: {  	[dreg:$0x1] =	wrdreg $0xFFFFFFFF  }
0xad: {  	[dreg:$0x0] =	wrdreg $0x60  }
0xae: {  	[dreg:$0x2] =	wrdreg s24  }
0xaf: {  	[dreg:$0x3] =	wrdreg $0x150000  }
0xb0: {  	[dreg:$0x4] =	wrdreg $0x9  }
0xb1: {  	_ =	task.clear_ibuf [dreg:s6], $0x5FFFF;
	_ =	strace $0x90000049  }
0xb2: {  	s29 =	simm.s32 $0x9;
	_ =	strace $0x8000004B  }
0xb3: {  	_ =	swait.ge [sflag:s29], $0x1  }
0xb4: {  	[sflag:s29] =	ssyncadd.s32 $0xFFFFFFFF  }
0xb5: {  	_ =	strace $0x9000004B  }
0xb6: {  	_ =	sfence  }
0xb7: {  	s30 =	sld [smem:$0x0];
	_ =	sdelay $0x2  }
0xb8: {  	s31 =	sshll.u32 s1, $0xD;
	s1 =	sshrl.u32 s1, $0x2  }
0xb9: {  	s3 =	sand.u32 $0x4000, s31;
	s1 =	sadd.s32 s1, s30  }
0xba: {  	s0 =	sor.u32 s3, s0;
	s1 =	sshll.u32 s1, $0x11  }
0xbb: {  	s0 =	sor.u32 s1, s0  }
0xbc: {  	s0 =	sadd.s32 $0x8F2B, s0  }
0xbd: {  	[sflag:s0] =	ssyncadd.remote.s32 $0x1  }
0xbe: {  	_ =	sfence.sel $0xFFFF  }
0xbf: {  	[dreg:$0x0] =	wrdreg $0xFFFFFFFF;
	(pc) =	sbr.abs _section_cstart, $3  }
0xc0: {  	[dreg:$0x1] =	wrdreg $0xFFFFFFFF  }
0xc1: {  	_ =	task.clear_ibuf [dreg:s6], $0x2FFFF;
	_ =	strace $0x9FFFFFFF  }
0xc2: {  	(tm) =	ssettm $0x7FFFFFFF  }
0xc3: {  	_ =	shalt  }
tec
execute0_lowered:
.L_overlay_start_1:
0x0: {  	(tag) =	ssettag $0x1  }
0x1: {  	s0 =	rddreg [dreg:$0x0]  }
0x2: {  	s1 =	rddreg [dreg:$0x1];
	s13 =	simm.s32 $0x0  }
0x3: {  	s2 =	srdreg.scid;
	s11 =	stileid.u32;
	s15 =	simm.s32 $0x80  }
0x4: {  	s17 =	simm.s32 $0x5000;
	s19 =	simm.s32 $0x7000;
	s21 =	simm.s32 $0x9000  }
0x5: {  	s28 =	simm.s32 $0x4;
	s29 =	simm.s32 $0x5;
	s30 =	simm.s32 $0x6  }
0x6: {  	s31 =	simm.s32 $0xA;
	s18 =	simm.s32 $0xC;
	[smem:$0x7FF] =	sst s13  }
0x7: {  	s2 =	sand.u32 $0x1, s2;
	s4 =	sadd.s32 $0x15200, s0;
	s9 =	smul.u32 $0xA000, s11  }
0x8: {  	s22 =	sshll.u32 s11, $0x6;
	s16 =	sadd.s32 $0xB440, s0;
	s24 =	sshll.u32 s11, $0x4  }
0x9: {  	_ =	strace $0x8000004A;
	s3 =	sshll.u32 s2, $0x8;
	s5 =	smul.u32 $0x14000, s2  }
0xa: {  	s6 =	ssub.s32 $0x2, s2;
	s2 =	sshll.u32 s2, $0x4;
	[dreg:$0x7] =	wrdreg s16  }
0xb: {  	s7 =	sadd.s32 s3, s0;
	s8 =	sshrl.u32 s6, $0x1;
	s14 =	sor.u32 s11, s2  }
0xc: {  	s20 =	sshrl.u32 s9, $0x3;
	s10 =	sadd.s32 s9, s1;
	s9 =	sor.u32 $0x1C12, s22  }
0xd: {  	s12 =	sor.u32 s24, s3;
	s22 =	simm.s32 $0x2;
	s3 =	simm.s32 $0xB  }
0xe: {  	s5 =	sadd.s32 s5, s0;
	s6 =	ssub.s32 s6, s8;
	s23 =	sadd.s32 s4, s20  }
0xf: {  	s8 =	ssub.s32 $0x9C4, s14;
	s25 =	sadd.s32 s24, s7;
	[dreg:$0x4] =	wrdreg s14  }
0x10: {  	s7 =	simm.s32 $0x12;
	p0 =	sgt.u32 s14, $0x3;
	[dreg:$0x6] =	wrdreg s9  }
0x11: {  	s0 =	simm.s32 $0x7;
	[dreg:$0x5] =	wrdreg s23;
	s6 =	smax.u32 s6, $0x1  }
0x12: {  	s5 =	sadd.s32 $0x29200, s5;
	s11 =	sadd.s32 $0x1800, s25;
	[dreg:$0x8] =	wrdreg s6  }
0x13: {  	s23 =	simm.s32 $0xD000;
	s26 =	sadd.s32 s20, s5;
	[dreg:$0xa] =	wrdreg s11  }
0x14: {  	s25 =	simm.s32 $0x3;
	s6 =	sshrl.u32 s10, $0x3;
	[dreg:$0xb] =	wrdreg s26  }
0x15: {  	s20 =	simm.s32 $0xD;
	s26 =	simm.s32 $0xF000;
	[dreg:$0x9] =	wrdreg s6  }
.LBB2_1:
0x16: {  	s2 =	rddreg [dreg:$0x5]  }
0x17: {  	[spmem:s6], [sflag:s9] =	dma.local [hbm:s2], $0x1400  }
0x18: {  	p1 =	sgt.u32 s14, $0x9C3;
	s5 =	sadd.s32 $0x20, s14;
	_ =	swait.ge [sflag:s7], $0x1400  }
0x19: {  	s2 =	simm.s32 $0x200;
	s6 =	simm.s32 @!p1 $0x0;
	[sflag:s7] =	ssyncset.done $0x0  }
0x1a: {  	s10 =	simm.s32 @!p1 $0x0;
	[sflag:s7] =	ssyncadd.s32 $0xFFFFEC00;
	s7 =	sadd.s32 @!p1 $0x0, s11  }
.LBB2_2:
0x1b: {  	[tilespmem:s6], [sflag:$0x1] =	stream.linear.gather @!p1 [hbm4b:s7+s10], $0x80, $0x38;
	[tilespmem:$0x1F000] =	vst v63  }
0x1c: {  	s7 =	smov.u32 s2;
	s2 =	sadd.s32 $0x200, s2  }
0x1d: {  	p2 =	sne.s32 s2, $0xA000  }
.Ltmp0:
0x1e: {  	(pc) =	sbr.rel @p2 .LBB2_2-.Ltmp0, $3  }
0x1f: {  	_ =	sdelay $0x1  }
0x20: {  	p1 =	sgt.u32 s5, $0x9C3;
	s5 =	sadd.s32 $0x20, s5  }
0x21: {  	s6 =	sshra.s32 @!p1 s7, $0x2;
	s7 =	sadd.s32 @!p1 s7, s11;
	s10 =	simm.s32 @!p1 $0x0  }
0x22: {  	[tilespmem:s6], [sflag:$0x1] =	stream.linear.gather @!p1 [hbm4b:s7+s10], $0x80, $0x38;
	[tilespmem:$0x1F000] =	vst v63  }
0x23: {  	p1 =	sle.u32 s8, $0x0  }
0x24: {  	s5 =	simm.s32 @!p1 $0x1  }
0x25: {  	_ =	swait.ge @!p1 [sflag:s5], $0x80  }
0x26: {  	s2 =	simm.s32 $0x20;
	[sflag:s5] =	ssyncset.done @!p1 $0x0  }
.LBB2_4:
0x27: {  	[sflag:s5] =	ssyncadd.s32 @!p1 $0xFFFFFF80;
	s5 =	smov.u32 s2;
	s2 =	sadd.s32 $0x20, s2  }
0x28: {  	p2 =	sne.s32 s2, $0xA00  }
.Ltmp1:
0x29: {  	(pc) =	sbr.rel @p2 .LBB2_4-.Ltmp1, $4  }
0x2a: {  	p1 =	sge.u32 s5, s8  }
0x2b: {  	s5 =	simm.s32 @!p1 $0x1  }
0x2c: {  	_ =	swait.ge @!p1 [sflag:s5], $0x80  }
0x2d: {  	[sflag:s5] =	ssyncset.done @!p1 $0x0  }
0x2e: {  	[sflag:s5] =	ssyncadd.s32 @!p1 $0xFFFFFF80;
	p1 =	sgt.u32 s14, $0x9C3  }
0x2f: {  	s2 =	simm.s32 $0x200;
	s5 =	sadd.s32 $0x20, s14;
	s7 =	sadd.s32 @!p1 s16, s12  }
0x30: {  	s6 =	simm.s32 @!p1 $0x2800;
	s10 =	simm.s32 @!p1 $0x0;
	s7 =	sadd.s32 @!p1 $0x0, s7  }
.LBB2_6:
0x31: {  	[tilespmem:s6], [sflag:$0x1] =	stream.linear.gather @!p1 [hbm4b:s7+s10], $0x80, $0x38;
	[tilespmem:$0x1F000] =	vst v63  }
0x32: {  	s7 =	smov.u32 s2;
	s2 =	sadd.s32 $0x200, s2  }
0x33: {  	p2 =	sne.s32 s2, $0xA000  }
.Ltmp2:
0x34: {  	(pc) =	sbr.rel @p2 .LBB2_6-.Ltmp2, $4  }
0x35: {  	_ = 	snop  }
0x36: {  	p1 =	sgt.u32 s5, $0x9C3  }
0x37: {  	s5 =	sadd.s32 $0x20, s5;
	s6 =	sshra.s32 @!p1 s7, $0x2;
	s10 =	sadd.s32 @!p1 s16, s12  }
0x38: {  	s6 =	sadd.s32 @!p1 $0x2800, s6;
	s7 =	sadd.s32 @!p1 s7, s10;
	s10 =	simm.s32 @!p1 $0x0  }
0x39: {  	[tilespmem:s6], [sflag:$0x1] =	stream.linear.gather @!p1 [hbm4b:s7+s10], $0x80, $0x38;
	[tilespmem:$0x1F000] =	vst v63  }
0x3a: {  	p1 =	sle.u32 s8, $0x0  }
0x3b: {  	[dreg:$0x3] =	wrdreg s13;
	s5 =	simm.s32 @!p1 $0x1  }
0x3c: {  	_ =	swait.ge @!p1 [sflag:s5], $0x80  }
0x3d: {  	s2 =	simm.s32 $0x20;
	s9 =	simm.s32 $0xB000;
	[sflag:s5] =	ssyncset.done @!p1 $0x0  }
.LBB2_8:
0x3e: {  	[sflag:s5] =	ssyncadd.s32 @!p1 $0xFFFFFF80;
	s5 =	smov.u32 s2;
	s2 =	sadd.s32 $0x20, s2  }
0x3f: {  	p2 =	sne.s32 s2, $0xA00  }
.Ltmp3:
0x40: {  	(pc) =	sbr.rel @p2 .LBB2_8-.Ltmp3, $4  }
0x41: {  	p1 =	sge.u32 s5, s8  }
0x42: {  	s5 =	simm.s32 @!p1 $0x1  }
0x43: {  	_ =	swait.ge @!p1 [sflag:s5], $0x80  }
0x44: {  	[sflag:s5] =	ssyncset.done @!p1 $0x0  }
0x45: {  	[sflag:s5] =	ssyncadd.s32 @!p1 $0xFFFFFF80  }
0x46: {  	s24 =	simm.s32 $0x0;
	[bflag:$0x0] =	sbarrier.arrive $0xFFFF  }
0x47: {  	[tilespmem:s17], [sflag:$0x2] =	stream.indirect.gather [hbm4b:s4+s15], $0x40, s24, s15, $0xb8;
	[tilespmem:$0x1F000] =	vst v63  }
0x48: {  	_ = 	snop  }
0x49: {  	[tilespmem:s19], [sflag:$0x3] =	stream.indirect.gather [hbm4b:s4+s15], $0x40, s15, s15, $0xb8;
	[tilespmem:$0x1F000] =	vst v63  }
0x4a: {  	s2 =	simm.s32 $0x100  }
0x4b: {  	[tilespmem:s21], [sflag:$0x4] =	stream.indirect.gather [hbm4b:s4+s15], $0x40, s2, s15, $0xb8;
	[tilespmem:$0x1F000] =	vst v63  }
0x4c: {  	s14 =	simm.s32 $0x180  }
0x4d: {  	[tilespmem:s9], [sflag:$0x5] =	stream.indirect.gather [hbm4b:s4+s15], $0x40, s14, s15, $0xb8;
	[tilespmem:$0x1F000] =	vst v63  }
0x4e: {  	_ =	swait.ge [sflag:s22], $0x2000  }
0x4f: {  	p3 =	por $0x1, $0x1;
	[sflag:s22] =	ssyncset.done $0x0  }
0x50: {  	s16 =	simm.s32 $0x2800;
	s5 =	simm.s32 @!p3 $0xE;
	[sflag:s22] =	ssyncadd.s32 $0xFFFFE000  }
0x51: {  	[spmem:s1] =	stream.indirect.scatter.add.f32 [tilespmem:s17], [sflag:$0xA], $0x40, s16, s15, $0xb8;
	[tilespmem:$0x1F000] =	vst v63  }
0x52: {  	_ =	swait.ge @!p3 [sflag:s5], $0x2000  }
0x53: {  	[sflag:s5] =	ssyncset.done @!p3 $0x0  }
0x54: {  	s6 =	simm.s32 $0x200;
	[sflag:s5] =	ssyncadd.s32 @!p3 $0xFFFFE000  }
0x55: {  	[tilespmem:s23], [sflag:$0x6] =	stream.indirect.gather [hbm4b:s4+s15], $0x40, s6, s15, $0xb8;
	[tilespmem:$0x1F000] =	vst v63  }
0x56: {  	_ =	swait.ge [sflag:s25], $0x2000  }
0x57: {  	[sflag:s25] =	ssyncset.done $0x0  }
0x58: {  	s7 =	simm.s32 $0x2880;
	s5 =	simm.s32 @!p3 $0xF;
	[sflag:s25] =	ssyncadd.s32 $0xFFFFE000  }
0x59: {  	[spmem:s1] =	stream.indirect.scatter.add.f32 [tilespmem:s19], [sflag:$0xB], $0x40, s7, s15, $0xb8;
	[tilespmem:$0x1F000] =	vst v63  }
0x5a: {  	_ =	swait.ge @!p3 [sflag:s5], $0x2000  }
0x5b: {  	[sflag:s5] =	ssyncset.done @!p3 $0x0  }
0x5c: {  	s10 =	simm.s32 $0x280;
	[sflag:s5] =	ssyncadd.s32 @!p3 $0xFFFFE000  }
0x5d: {  	[tilespmem:s26], [sflag:$0x7] =	stream.indirect.gather [hbm4b:s4+s15], $0x40, s10, s15, $0xb8;
	[tilespmem:$0x1F000] =	vst v63  }
0x5e: {  	_ =	swait.ge [sflag:s28], $0x2000  }
0x5f: {  	[sflag:s28] =	ssyncset.done $0x0  }
0x60: {  	s11 =	simm.s32 $0x2900;
	s5 =	simm.s32 @!p3 $0x10;
	[sflag:s28] =	ssyncadd.s32 $0xFFFFE000  }
0x61: {  	[spmem:s1] =	stream.indirect.scatter.add.f32 [tilespmem:s21], [sflag:$0xC], $0x40, s11, s15, $0xb8;
	[tilespmem:$0x1F000] =	vst v63  }
0x62: {  	p1 =	sle.u32 s8, $0xC0;
	_ =	swait.ge @!p3 [sflag:s5], $0x2000  }
0x63: {  	s2 =	simm.s32 @!p1 $0x11000;
	[sflag:s5] =	ssyncset.done @!p3 $0x0  }
0x64: {  	s6 =	simm.s32 @!p1 $0x300;
	s7 =	simm.s32 @!p1 $0x80;
	[sflag:s5] =	ssyncadd.s32 @!p3 $0xFFFFE000  }
0x65: {  	[tilespmem:s2], [sflag:$0x8] =	stream.indirect.gather @!p1 [hbm4b:s4+s7], $0x40, s6, s7, $0xb8;
	[tilespmem:$0x1F000] =	vst v63  }
0x66: {  	_ =	swait.ge [sflag:s29], $0x2000  }
0x67: {  	[sflag:s29] =	ssyncset.done $0x0  }
0x68: {  	s13 =	simm.s32 $0x2980;
	s6 =	simm.s32 @!p3 $0x11;
	[sflag:s29] =	ssyncadd.s32 $0xFFFFE000  }
0x69: {  	[spmem:s1] =	stream.indirect.scatter.add.f32 [tilespmem:s9], [sflag:$0xD], $0x40, s13, s15, $0xb8;
	[tilespmem:$0x1F000] =	vst v63  }
0x6a: {  	p2 =	sle.u32 s8, $0xE0;
	_ =	swait.ge @!p3 [sflag:s6], $0x2000  }
0x6b: {  	s10 =	simm.s32 @!p2 $0x380;
	[sflag:s6] =	ssyncset.done @!p3 $0x0  }
0x6c: {  	s5 =	simm.s32 @!p2 $0x13000;
	s13 =	simm.s32 @!p2 $0x80;
	[sflag:s6] =	ssyncadd.s32 @!p3 $0xFFFFE000  }
0x6d: {  	[tilespmem:s5], [sflag:$0x9] =	stream.indirect.gather @!p2 [hbm4b:s4+s13], $0x40, s10, s13, $0xb8;
	[tilespmem:$0x1F000] =	vst v63  }
0x6e: {  	_ =	swait.ge [sflag:s30], $0x2000  }
0x6f: {  	[sflag:s30] =	ssyncset.done $0x0  }
0x70: {  	s14 =	simm.s32 $0x2A00;
	[sflag:s30] =	ssyncadd.s32 $0xFFFFE000  }
0x71: {  	[spmem:s1] =	stream.indirect.scatter.add.f32 [tilespmem:s23], [sflag:$0xE], $0x40, s14, s15, $0xb8;
	[tilespmem:$0x1F000] =	vst v63  }
0x72: {  	p3 =	sle.u32 s8, $0x100;
	_ =	swait.ge [sflag:s31], $0x2000  }
0x73: {  	s6 =	simm.s32 @!p3 $0x5000;
	[sflag:s31] =	ssyncset.done $0x0  }
0x74: {  	s10 =	simm.s32 @!p3 $0x400;
	s14 =	simm.s32 @!p3 $0x80;
	[sflag:s31] =	ssyncadd.s32 $0xFFFFE000  }
0x75: {  	[tilespmem:s6], [sflag:$0x2] =	stream.indirect.gather @!p3 [hbm4b:s4+s14], $0x40, s10, s14, $0xb8;
	[tilespmem:$0x1F000] =	vst v63  }
0x76: {  	_ =	swait.ge [sflag:s0], $0x2000  }
0x77: {  	[sflag:s0] =	ssyncset.done $0x0  }
0x78: {  	s16 =	simm.s32 $0x2A80;
	[sflag:s0] =	ssyncadd.s32 $0xFFFFE000  }
0x79: {  	[spmem:s1] =	stream.indirect.scatter.add.f32 [tilespmem:s26], [sflag:$0xF], $0x40, s16, s15, $0xb8;
	[tilespmem:$0x1F000] =	vst v63  }
0x7a: {  	p3 =	sle.u32 s8, $0x120;
	_ =	swait.ge [sflag:s3], $0x2000  }
0x7b: {  	s6 =	simm.s32 @!p3 $0x80;
	[sflag:s3] =	ssyncset.done $0x0  }
0x7c: {  	s10 =	simm.s32 @!p3 $0x480;
	s14 =	simm.s32 @!p3 $0x7000;
	[sflag:s3] =	ssyncadd.s32 $0xFFFFE000  }
0x7d: {  	[tilespmem:s14], [sflag:$0x3] =	stream.indirect.gather @!p3 [hbm4b:s4+s6], $0x40, s10, s6, $0xb8;
	[tilespmem:$0x1F000] =	vst v63  }
0x7e: {  	s6 =	simm.s32 @!p1 $0x8  }
0x7f: {  	_ =	swait.ge @!p1 [sflag:s6], $0x2000  }
0x80: {  	[sflag:s6] =	ssyncset.done @!p1 $0x0  }
0x81: {  	[sflag:s6] =	ssyncadd.s32 @!p1 $0xFFFFE000;
	s6 =	simm.s32 @!p1 $0x2B00  }
0x82: {  	[spmem:s1] =	stream.indirect.scatter.add.f32 @!p1 [tilespmem:s2], [sflag:$0x10], $0x40, s6, s7, $0xb8;
	[tilespmem:$0x1F000] =	vst v63  }
0x83: {  	p1 =	sle.u32 s8, $0x140;
	_ =	swait.ge [sflag:s18], $0x2000  }
0x84: {  	s2 =	simm.s32 @!p1 $0x9000;
	[sflag:s18] =	ssyncset.done $0x0  }
0x85: {  	s6 =	simm.s32 @!p1 $0x80;
	s7 =	simm.s32 @!p1 $0x500;
	[sflag:s18] =	ssyncadd.s32 $0xFFFFE000  }
0x86: {  	[tilespmem:s2], [sflag:$0x4] =	stream.indirect.gather @!p1 [hbm4b:s4+s6], $0x40, s7, s6, $0xb8;
	[tilespmem:$0x1F000] =	vst v63  }
0x87: {  	s2 =	simm.s32 @!p2 $0x9  }
0x88: {  	_ =	swait.ge @!p2 [sflag:s2], $0x2000  }
0x89: {  	[sflag:s2] =	ssyncset.done @!p2 $0x0  }
0x8a: {  	s11 =	simm.s32 $0xB000;
	[sflag:s2] =	ssyncadd.s32 @!p2 $0xFFFFE000;
	s2 =	simm.s32 @!p2 $0x2B80  }
0x8b: {  	[spmem:s1] =	stream.indirect.scatter.add.f32 @!p2 [tilespmem:s5], [sflag:$0x11], $0x40, s2, s13, $0xb8;
	[tilespmem:$0x1F000] =	vst v63  }
0x8c: {  	s10 =	simm.s32 $0x260;
	s6 =	simm.s32 $0x1000;
	p2 =	sle.u32 s8, $0x160  }
.LBB2_10:
0x8d: {  	_ =	swait.ge [sflag:s20], $0x2000  }
0x8e: {  	s2 =	sshra.s32 @!p2 s24, $0x2;
	s24 =	smov.u32 s6;
	s6 =	sadd.s32 $0x1000, s6  }
0x8f: {  	s5 =	simm.s32 @!p2 $0x80;
	[sflag:s20] =	ssyncset.done $0x0;
	s2 =	sadd.s32 @!p2 $0x580, s2  }
0x90: {  	s13 =	simm.s32 @!p2 $0xB000;
	s7 =	sshra.s32 s24, $0x2;
	[sflag:s20] =	ssyncadd.s32 $0xFFFFE000  }
0x91: {  	[tilespmem:s13], [sflag:$0x5] =	stream.indirect.gather @!p2 [hbm4b:s4+s5], $0x40, s2, s5, $0xb8;
	[tilespmem:$0x1F000] =	vst v63  }
0x92: {  	p4 =	seq.s32 s24, $0x0;
	s2 =	sadd.s32 $0x2800, s7;
	_ =	swait.ge [sflag:s22], $0x2000  }
0x93: {  	p1 =	sne.s32 s6, $0xA000;
	s5 =	simm.s32 @!p4 $0xE;
	[sflag:s22] =	ssyncset.done $0x0  }
0x94: {  	[sflag:s22] =	ssyncadd.s32 $0xFFFFE000  }
0x95: {  	[spmem:s1] =	stream.indirect.scatter.add.f32 [tilespmem:s17], [sflag:$0xA], $0x40, s2, s15, $0xb8;
	[tilespmem:$0x1F000] =	vst v63  }
0x96: {  	s2 =	sadd.s32 $0x200, s7;
	_ =	swait.ge @!p4 [sflag:s5], $0x2000  }
0x97: {  	[sflag:s5] =	ssyncset.done @!p4 $0x0  }
0x98: {  	[sflag:s5] =	ssyncadd.s32 @!p4 $0xFFFFE000  }
0x99: {  	[tilespmem:s23], [sflag:$0x6] =	stream.indirect.gather [hbm4b:s4+s15], $0x40, s2, s15, $0xb8;
	[tilespmem:$0x1F000] =	vst v63  }
0x9a: {  	s2 =	sadd.s32 $0x2880, s7;
	_ =	swait.ge [sflag:s25], $0x2000  }
0x9b: {  	s5 =	simm.s32 @!p4 $0xF;
	[sflag:s25] =	ssyncset.done $0x0  }
0x9c: {  	[sflag:s25] =	ssyncadd.s32 $0xFFFFE000  }
0x9d: {  	[spmem:s1] =	stream.indirect.scatter.add.f32 [tilespmem:s19], [sflag:$0xB], $0x40, s2, s15, $0xb8;
	[tilespmem:$0x1F000] =	vst v63  }
0x9e: {  	s2 =	sadd.s32 $0x280, s7;
	_ =	swait.ge @!p4 [sflag:s5], $0x2000  }
0x9f: {  	[sflag:s5] =	ssyncset.done @!p4 $0x0  }
0xa0: {  	[sflag:s5] =	ssyncadd.s32 @!p4 $0xFFFFE000  }
0xa1: {  	[tilespmem:s26], [sflag:$0x7] =	stream.indirect.gather [hbm4b:s4+s15], $0x40, s2, s15, $0xb8;
	[tilespmem:$0x1F000] =	vst v63  }
0xa2: {  	s2 =	sadd.s32 $0x2900, s7;
	_ =	swait.ge [sflag:s28], $0x2000  }
0xa3: {  	s14 =	simm.s32 @!p4 $0x10;
	s5 =	sadd.s32 $0xFFFFFF60, s10;
	[sflag:s28] =	ssyncset.done $0x0  }
0xa4: {  	p2 =	sge.u32 s5, s8;
	[sflag:s28] =	ssyncadd.s32 $0xFFFFE000  }
0xa5: {  	[spmem:s1] =	stream.indirect.scatter.add.f32 [tilespmem:s21], [sflag:$0xC], $0x40, s2, s15, $0xb8;
	[tilespmem:$0x1F000] =	vst v63  }
0xa6: {  	s13 =	simm.s32 @!p2 $0x11000;
	s2 =	sshra.s32 @!p2 s24, $0x2;
	_ =	swait.ge @!p4 [sflag:s14], $0x2000  }
0xa7: {  	s5 =	simm.s32 @!p2 $0x80;
	s17 =	sadd.s32 @!p2 $0x300, s2;
	[sflag:s14] =	ssyncset.done @!p4 $0x0  }
0xa8: {  	s16 =	sadd.s32 @!p2 $0x2B00, s2;
	[sflag:s14] =	ssyncadd.s32 @!p4 $0xFFFFE000  }
0xa9: {  	[tilespmem:s13], [sflag:$0x8] =	stream.indirect.gather @!p2 [hbm4b:s4+s5], $0x40, s17, s5, $0xb8;
	[tilespmem:$0x1F000] =	vst v63  }
0xaa: {  	s2 =	sadd.s32 $0x2980, s7;
	_ =	swait.ge [sflag:s29], $0x2000  }
0xab: {  	s14 =	sadd.s32 $0xFFFFFF80, s10;
	s17 =	simm.s32 @!p4 $0x11;
	[sflag:s29] =	ssyncset.done $0x0  }
0xac: {  	p3 =	sge.u32 s14, s8;
	[sflag:s29] =	ssyncadd.s32 $0xFFFFE000  }
0xad: {  	[spmem:s1] =	stream.indirect.scatter.add.f32 [tilespmem:s11], [sflag:$0xD], $0x40, s2, s15, $0xb8;
	[tilespmem:$0x1F000] =	vst v63  }
0xae: {  	s19 =	sshra.s32 @!p3 s24, $0x2;
	s14 =	simm.s32 @!p3 $0x13000;
	_ =	swait.ge @!p4 [sflag:s17], $0x2000  }
0xaf: {  	s21 =	sadd.s32 @!p3 $0x380, s19;
	s2 =	simm.s32 @!p3 $0x80;
	[sflag:s17] =	ssyncset.done @!p4 $0x0  }
0xb0: {  	[sflag:s17] =	ssyncadd.s32 @!p4 $0xFFFFE000;
	s17 =	sadd.s32 @!p3 $0x2B80, s19  }
0xb1: {  	[tilespmem:s14], [sflag:$0x9] =	stream.indirect.gather @!p3 [hbm4b:s4+s2], $0x40, s21, s2, $0xb8;
	[tilespmem:$0x1F000] =	vst v63  }
0xb2: {  	s19 =	sadd.s32 $0x2A00, s7;
	_ =	swait.ge [sflag:s30], $0x2000  }
0xb3: {  	s21 =	sadd.s32 $0xFFFFFFA0, s10;
	[sflag:s30] =	ssyncset.done $0x0  }
0xb4: {  	p4 =	sge.u32 s21, s8;
	[sflag:s30] =	ssyncadd.s32 $0xFFFFE000  }
0xb5: {  	[spmem:s1] =	stream.indirect.scatter.add.f32 [tilespmem:s23], [sflag:$0xE], $0x40, s19, s15, $0xb8;
	[tilespmem:$0x1F000] =	vst v63  }
0xb6: {  	s21 =	simm.s32 @!p4 $0x5000;
	s19 =	sshra.s32 @!p4 s24, $0x2;
	_ =	swait.ge [sflag:s31], $0x2000  }
0xb7: {  	s9 =	simm.s32 @!p4 $0x80;
	s19 =	sadd.s32 @!p4 $0x400, s19;
	[sflag:s31] =	ssyncset.done $0x0  }
0xb8: {  	[sflag:s31] =	ssyncadd.s32 $0xFFFFE000  }
0xb9: {  	[tilespmem:s21], [sflag:$0x2] =	stream.indirect.gather @!p4 [hbm4b:s4+s9], $0x40, s19, s9, $0xb8;
	[tilespmem:$0x1F000] =	vst v63  }
0xba: {  	s7 =	sadd.s32 $0x2A80, s7;
	_ =	swait.ge [sflag:s0], $0x2000  }
0xbb: {  	s9 =	sadd.s32 $0xFFFFFFC0, s10;
	[sflag:s0] =	ssyncset.done $0x0  }
0xbc: {  	p4 =	sge.u32 s9, s8;
	[sflag:s0] =	ssyncadd.s32 $0xFFFFE000  }
0xbd: {  	[spmem:s1] =	stream.indirect.scatter.add.f32 [tilespmem:s26], [sflag:$0xF], $0x40, s7, s15, $0xb8;
	[tilespmem:$0x1F000] =	vst v63  }
0xbe: {  	s9 =	simm.s32 @!p4 $0x80;
	s7 =	sshra.s32 @!p4 s24, $0x2;
	_ =	swait.ge [sflag:s3], $0x2000  }
0xbf: {  	s19 =	simm.s32 @!p2 $0x8;
	s7 =	sadd.s32 @!p4 $0x480, s7;
	[sflag:s3] =	ssyncset.done $0x0  }
0xc0: {  	s21 =	simm.s32 @!p4 $0x7000;
	[sflag:s3] =	ssyncadd.s32 $0xFFFFE000  }
0xc1: {  	[tilespmem:s21], [sflag:$0x3] =	stream.indirect.gather @!p4 [hbm4b:s4+s9], $0x40, s7, s9, $0xb8;
	[tilespmem:$0x1F000] =	vst v63  }
0xc2: {  	s21 =	simm.s32 $0x9000  }
0xc3: {  	_ =	swait.ge @!p2 [sflag:s19], $0x2000  }
0xc4: {  	[sflag:s19] =	ssyncset.done @!p2 $0x0  }
0xc5: {  	s7 =	sadd.s32 $0xFFFFFFE0, s10;
	[sflag:s19] =	ssyncadd.s32 @!p2 $0xFFFFE000;
	s19 =	simm.s32 $0x7000  }
0xc6: {  	[spmem:s1] =	stream.indirect.scatter.add.f32 @!p2 [tilespmem:s13], [sflag:$0x10], $0x40, s16, s5, $0xb8;
	[tilespmem:$0x1F000] =	vst v63  }
0xc7: {  	p2 =	sge.u32 s7, s8;
	_ =	swait.ge [sflag:s18], $0x2000  }
0xc8: {  	s7 =	simm.s32 @!p3 $0x9;
	s5 =	simm.s32 @!p2 $0x9000;
	[sflag:s18] =	ssyncset.done $0x0  }
0xc9: {  	s9 =	sshra.s32 @!p2 s24, $0x2;
	s13 =	simm.s32 @!p2 $0x80;
	[sflag:s18] =	ssyncadd.s32 $0xFFFFE000  }
0xca: {  	s9 =	sadd.s32 @!p2 $0x500, s9  }
0xcb: {  	[tilespmem:s5], [sflag:$0x4] =	stream.indirect.gather @!p2 [hbm4b:s4+s13], $0x40, s9, s13, $0xb8;
	[tilespmem:$0x1F000] =	vst v63  }
.Ltmp4:
0xcc: {  	_ =	swait.ge @!p3 [sflag:s7], $0x2000;
	(pc) =	sbr.rel @p1 .LBB2_10-.Ltmp4, $4  }
0xcd: {  	[sflag:s7] =	ssyncset.done @!p3 $0x0  }
0xce: {  	p2 =	sge.u32 s10, s8;
	s10 =	sadd.s32 $0x100, s10;
	[sflag:s7] =	ssyncadd.s32 @!p3 $0xFFFFE000  }
0xcf: {  	[spmem:s1] =	stream.indirect.scatter.add.f32 @!p3 [tilespmem:s14], [sflag:$0x11], $0x40, s17, s2, $0xb8;
	[tilespmem:$0x1F000] =	vst v63  }
0xd0: {  	s17 =	simm.s32 $0x5000  }
0xd1: {  	_ =	swait.ge [sflag:s20], $0x2000;
	s2 =	sshra.s32 @!p2 s24, $0x2  }
0xd2: {  	s5 =	simm.s32 @!p2 $0x80;
	s6 =	simm.s32 @!p2 $0xB000;
	[sflag:s20] =	ssyncset.done $0x0  }
0xd3: {  	s13 =	simm.s32 $0xE;
	s2 =	sadd.s32 @!p2 $0x580, s2;
	[sflag:s20] =	ssyncadd.s32 $0xFFFFE000  }
0xd4: {  	[tilespmem:s6], [sflag:$0x5] =	stream.indirect.gather @!p2 [hbm4b:s4+s5], $0x40, s2, s5, $0xb8;
	[tilespmem:$0x1F000] =	vst v63  }
0xd5: {  	_ =	swait.ge [sflag:s13], $0x2000  }
0xd6: {  	[sflag:s13] =	ssyncset.done $0x0  }
0xd7: {  	s14 =	simm.s32 $0xF;
	[sflag:s13] =	ssyncadd.s32 $0xFFFFE000  }
0xd8: {  	_ =	swait.ge [sflag:s14], $0x2000  }
0xd9: {  	[sflag:s14] =	ssyncset.done $0x0  }
0xda: {  	s2 =	simm.s32 @!p0 $0x10;
	[sflag:s14] =	ssyncadd.s32 $0xFFFFE000  }
0xdb: {  	_ =	swait.ge @!p0 [sflag:s2], $0x2000  }
0xdc: {  	[sflag:s2] =	ssyncset.done @!p0 $0x0  }
0xdd: {  	[sflag:s2] =	ssyncadd.s32 @!p0 $0xFFFFE000  }
0xde: {  	[bflag:$0x0] =	sbarrier.arrive $0xFFFF  }
0xdf: {  	s9 =	rddreg [dreg:$0x6]  }
0xe0: {  	s6 =	rddreg [dreg:$0x9]  }
0xe1: {  	s7 =	simm.s32 $0x12;
	s16 =	rddreg [dreg:$0xb]  }
0xe2: {  	[hbm:s16], [sflag:s9] =	dma.local [spmem:s6], $0x1400  }
0xe3: {  	_ =	swait.ge [sflag:s7], $0x1400  }
0xe4: {  	s13 =	rddreg [dreg:$0x3]  }
0xe5: {  	s24 =	rddreg [dreg:$0x8];
	s13 =	sadd.s32 $0x1, s13  }
0xe6: {  	p1 =	sne.s32 s13, s24  }
.Ltmp5:
0xe7: {  	_ = 	snop;
	(pc) =	sbr.rel @p1 .LBB2_1-.Ltmp5, $4  }
0xe8: {  	_ = 	snop  }
0xe9: {  	s14 =	rddreg [dreg:$0x4]  }
0xea: {  	[sflag:s7] =	ssyncset.done $0x0;
	s16 =	rddreg [dreg:$0x7]  }
0xeb: {  	s11 =	rddreg [dreg:$0xa];
	[sflag:s7] =	ssyncadd.s32 $0xFFFFEC00  }
0xec: {  	_ =	sfence.sel $0x180000  }
0xed: {  	[bflag:$0x0] =	sbarrier.arrive $0xFFFF  }
0xee: {  	_ =	strace $0x9000004A  }
0xef: {  	s0 =	stileid.u32;
	[bflag:$0x2] =	sbarrier.arrive $0xFFFF  }
0xf0: {  	p0 =	sne.s32 s0, $0x0;
	s0 =	rddreg [dreg:$0x2]  }
0xf1: {  	s0 =	sadd.s32 @!p0 $0x100000, s0  }
0xf2: {  	[sflag:s0] =	ssyncadd.tile.s32 @!p0 $0x1;
	_ =	shalt  }
.Lfunc_end2:
_tile_overlayer_lowered:
.L_overlay_start_2:
0xf3: {  	(tag) =	ssettag $0x2  }
0xf4: {  	s0 =	rddreg [dreg:$0x0];
	s2 =	stileid.u32  }
0xf5: {  	s1 =	rddreg [dreg:$0x1];
	p0 =	sne.s32 s2, $0x0  }
0xf6: {  	s3 =	rddreg [dreg:$0x2];
	[bflag:$0x3] =	sbarrier.arrive $0xFFFF;
	s2 =	simm.s32 @!p0 $0x1C12  }
0xf7: {  	[timem:s3], [sflag:s2] =	dma.local @!p0 [hbm:s0], s1  }
0xf8: {  	s0 =	simm.s32 @!p0 $0x12  }
0xf9: {  	_ =	swait.ge @!p0 [sflag:s0], s1  }
0xfa: {  	s1 =	ssub.s32 @!p0 $0x0, s1;
	[sflag:s0] =	ssyncset.done @!p0 $0x0  }
0xfb: {  	[sflag:s0] =	ssyncadd.s32 @!p0 s1  }
0xfc: {  	[bflag:$0x3] =	sbarrier.arrive $0xFFFF  }
0xfd: {  	_ =	shalt  }

// kernel: kernel.14.cloned.1.call-start
scs
__scs_entry_jumppad:
0x0: {  	(pc) =	sbr.rel $0x88, $3  }
0x1: {  	(tag) =	ssettag $0x0;
	lr =	simm.s32 $0x1  }
0x2: {  	[smem:$0x3F9B] =	sst lr;
	_ =	strace $0xD0000000  }
0x3: {  	_ = 	snop  }
0x4: {  	_ = 	snop  }
0x5: {  	_ = 	snop  }
0x6: {  	_ = 	snop  }
0x7: {  	_ = 	snop  }
__scs_overlays_trampoline_lowered:
0x8: {  	[smem:$0x3FAA] =	sst s0  }
0x9: {  	[smem:$0x3FAB] =	sst s1  }
0xa: {  	[smem:$0x3FAC] =	sst s2  }
0xb: {  	[smem:$0x3FAD] =	sst s3  }
0xc: {  	[smem:$0x3FAE] =	sst s4  }
0xd: {  	[smem:$0x3FAF] =	sst s5  }
0xe: {  	[smem:$0x3FB0] =	sst s6  }
0xf: {  	[smem:$0x3FB1] =	sst s7  }
0x10: {  	[smem:$0x3FB2] =	sst s8  }
0x11: {  	[smem:$0x3FB3] =	sst s9;
	s0 =	simm.s32 @!p0 $0x0  }
0x12: {  	s1 =	sld [smem:$0x3F99];
	s0 =	simm.s32 @p0 $0x1  }
0x13: {  	[smem:$0x3FB4] =	sst s0;
	s0 =	simm.s32 @!p1 $0x0  }
0x14: {  	s2 =	sld [smem:$0x3F98];
	s0 =	simm.s32 @p1 $0x1  }
0x15: {  	[smem:$0x3FB5] =	sst s0;
	s0 =	simm.s32 @!p2 $0x0  }
0x16: {  	s3 =	sld [smem:$0x3FDB];
	s0 =	simm.s32 @p2 $0x1  }
0x17: {  	s4 =	simm.s32 $0x1BF5;
	[smem:$0x3FB7] =	sst s0  }
0x18: {  	s0 =	sld [smem:$0x3F9A];
	_ =	swait.ge [sflag:s4], $0x0  }
0x19: {  	s7 =	sld [smem:$0x3F9B]  }
0x1a: {  	s8 =	sadd.s32 $0xFFFFE003, lr  }
0x1b: {  	s9 =	sadd.s32 $0xFFFFFEF7, lr;
	s5 =	simm.s32 $0xFFFFFFFF;
	p2 =	slt.u32 s8, $0xFFFFF086  }
0x1c: {  	p1 =	slt.u32 s9, $0xF7A;
	s5 =	simm.s32 @!p2 $0x0  }
0x1d: {  	s5 =	simm.s32 @p1 $0x1;
	p0 =	seq.s32 s7, s2  }
0x1e: {  	s7 =	smul.u32 @!p0 $0xF7A, s2;
	p2 =	seq.s32 @!p0 s5, $0x0  }
0x1f: {  	s9 =	smul.u32 $0xF7A, s1;
	s8 =	simm.s32 @!p0 $0x1BF5;
	p2 =	por !p2, p0  }
0x20: {  	[sflag:s8] =	ssyncset.s32 @!p0 $0xFFFFF086;
	s6 =	sadd.s32 @!p0 s3, s7;
	s7 =	simm.s32 @!p0 $0x108  }
0x21: {  	s3 =	sadd.s32 s3, s9;
	s6 =	sadd.s32 @!p0 $0x88, s6;
	s7 =	simm.s32 @p2 $0x1082  }
0x22: {  	[simem:s7], [sflag:s8] =	dma.local @!p0 [hbm:s6], $0xF7A  }
0x23: {  	s9 =	sor.u32 $0xD0000000, s2;
	s6 =	simm.s32 $0x108;
	_ =	swait.ge @!p0 [sflag:s8], $0x0  }
0x24: {  	s3 =	sadd.s32 $0x88, s3;
	s6 =	simm.s32 @!p1 $0x1082;
	[sflag:s4] =	ssyncset.s32 $0xFFFFF086  }
0x25: {  	[simem:s6], [sflag:s4] =	dma.local [hbm:s3], $0xF7A  }
0x26: {  	[smem:$0x3F9B] =	sst s1;
	(tag) =	ssettag s2;
	_ =	strace s9  }
0x27: {  	s1 =	sld [smem:$0x3FAB]  }
0x28: {  	s2 =	sld [smem:$0x3FAC]  }
0x29: {  	s4 =	sld [smem:$0x3FAE]  }
0x2a: {  	p0 =	seq.s32 s5, $0x0;
	s5 =	sld [smem:$0x3FAF]  }
0x2b: {  	s6 =	sld [smem:$0x3FB0]  }
0x2c: {  	s7 =	sld [smem:$0x3FB1]  }
0x2d: {  	s3 =	simm.s32 $0x108;
	s8 =	sld [smem:$0x3FB2]  }
0x2e: {  	s3 =	simm.s32 @!p0 $0x1082;
	s9 =	sld [smem:$0x3FB3]  }
0x2f: {  	lr =	sadd.s32 s0, s3;
	s0 =	sld [smem:$0x3FAA]  }
0x30: {  	s3 =	sld [smem:$0x3FAD]  }
0x31: {  	[smem:$0x3FB6] =	sst s10  }
0x32: {  	s10 =	sld [smem:$0x3FB4];
	_ =	sdelay $0x3  }
0x33: {  	p0 =	seq.s32 s10, $0x1;
	s10 =	sld [smem:$0x3FB6];
	_ =	sdelay $0x3  }
0x34: {  	[smem:$0x3FB6] =	sst s10  }
0x35: {  	s10 =	sld [smem:$0x3FB5];
	_ =	sdelay $0x3  }
0x36: {  	p1 =	seq.s32 s10, $0x1;
	s10 =	sld [smem:$0x3FB6];
	_ =	sdelay $0x3  }
0x37: {  	[smem:$0x3FB6] =	sst s10  }
0x38: {  	s10 =	sld [smem:$0x3FB7]  }
0x39: {  	_ = 	snop;
	(pc) =	sbr.ind lr, $3  }
0x3a: {  	_ = 	snop  }
0x3b: {  	_ = 	snop  }
0x3c: {  	p2 =	seq.s32 s10, $0x1;
	s10 =	sld [smem:$0x3FB6]  }
0x3d: {  	_ =	shalt  }
0x3e: {  	_ =	shalt  }
0x3f: {  	_ =	shalt  }
0x40: {  	_ =	shalt  }
0x41: {  	_ =	shalt  }
0x42: {  	_ =	shalt  }
0x43: {  	_ =	shalt  }
0x44: {  	_ =	shalt  }
0x45: {  	_ =	shalt  }
0x46: {  	_ =	shalt  }
0x47: {  	_ =	shalt  }
0x48: {  	_ =	shalt  }
0x49: {  	_ =	shalt  }
0x4a: {  	_ =	shalt  }
0x4b: {  	_ =	shalt  }
0x4c: {  	_ =	shalt  }
0x4d: {  	_ =	shalt  }
0x4e: {  	_ =	shalt  }
0x4f: {  	_ =	shalt  }
0x50: {  	_ =	shalt  }
0x51: {  	_ =	shalt  }
0x52: {  	_ =	shalt  }
0x53: {  	_ =	shalt  }
0x54: {  	_ =	shalt  }
0x55: {  	_ =	shalt  }
0x56: {  	_ =	shalt  }
0x57: {  	_ =	shalt  }
0x58: {  	_ =	shalt  }
0x59: {  	_ =	shalt  }
0x5a: {  	_ =	shalt  }
0x5b: {  	_ =	shalt  }
0x5c: {  	_ =	shalt  }
0x5d: {  	_ =	shalt  }
0x5e: {  	_ =	shalt  }
0x5f: {  	_ =	shalt  }
0x60: {  	_ =	shalt  }
0x61: {  	_ =	shalt  }
0x62: {  	_ =	shalt  }
0x63: {  	_ =	shalt  }
0x64: {  	_ =	shalt  }
0x65: {  	_ =	shalt  }
0x66: {  	_ =	shalt  }
0x67: {  	_ =	shalt  }
0x68: {  	_ =	shalt  }
0x69: {  	_ =	shalt  }
0x6a: {  	_ =	shalt  }
0x6b: {  	_ =	shalt  }
0x6c: {  	_ =	shalt  }
0x6d: {  	_ =	shalt  }
0x6e: {  	_ =	shalt  }
0x6f: {  	_ =	shalt  }
0x70: {  	_ =	shalt  }
0x71: {  	_ =	shalt  }
0x72: {  	_ =	shalt  }
0x73: {  	_ =	shalt  }
0x74: {  	_ =	shalt  }
0x75: {  	_ =	shalt  }
0x76: {  	_ =	shalt  }
0x77: {  	_ =	shalt  }
0x78: {  	_ =	shalt  }
0x79: {  	_ =	shalt  }
0x7a: {  	_ =	shalt  }
0x7b: {  	_ =	shalt  }
0x7c: {  	_ =	shalt  }
0x7d: {  	_ =	shalt  }
0x7e: {  	_ =	shalt  }
0x7f: {  	_ =	shalt  }
0x80: {  	_ =	shalt  }
0x81: {  	_ =	shalt  }
0x82: {  	_ =	shalt  }
0x83: {  	_ =	shalt  }
0x84: {  	_ =	shalt  }
0x85: {  	_ =	shalt  }
0x86: {  	_ =	shalt  }
0x87: {  	_ =	shalt  }
.Lfunc_end0:
.L_simem_size_0:
called_computation.2_lowered:
.L_overlay_start_0:
0x88: {  	s2 =	sld [smem:$0x3FD9]  }
0x89: {  	s3 =	sld [smem:$0x3FFE];
	_ =	sdelay $0x1  }
0x8a: {  	s1 =	srdreg.scid  }
0x8b: {  	s0 =	sand.u32 $0x1, s1  }
0x8c: {  	s16 =	sshll.u32 s0, $0xA;
	s2 =	sadd.s32 s3, s2  }
0x8d: {  	s2 =	sadd.s32 s2, s16  }
0x8e: {  	[smem:$0x3FC2] =	sst s2  }
0x8f: {  	_ = 	snop  }
0x90: {  	(tm) =	ssettm $0x1  }
0x91: {  	s17 =	sld [smem:$0x3FFB];
	_ =	sdelay $0x3  }
0x92: {  	_ =	strace s17  }
0x93: {  	s2 =	sld [smem:$0x3FFC];
	_ =	sdelay $0x3  }
0x94: {  	_ =	strace s2  }
0x95: {  	s2 =	sld [smem:$0x3FFD];
	_ =	sdelay $0x3  }
0x96: {  	_ =	strace s2  }
0x97: {  	_ =	strace $0x8FFFFFFF  }
0x98: {  	s18 =	sld [smem:$0x3FDB];
	_ =	sdelay $0x1  }
0x99: {  	s19 =	simm.s32 $_scs_section_size  }
0x9a: {  	s4 =	simm.s32 $_size__tile_overlayer_lowered;
	s5 =	simm.s32 $_tile_overlayer_lowered  }
0x9b: {  	s22 =	simm.s32 $0x1BFF;
	s21 =	sshll.u32 s5, $0x1;
	s2 =	sadd.s32 s19, s18  }
0x9c: {  	s6 =	simm.s32 $0x0;
	s20 =	sshll.u32 s4, $0x1;
	s4 =	sadd.s32 s21, s2  }
0x9d: {  	[timem:s6], [sflag:s22] =	dma.local [hbm:s4], s20  }
0x9e: {  	_ =	swait.ge [sflag:s22], s20  }
0x9f: {  	s3 =	ssub.s32 $0x0, s20;
	[sflag:s22] =	ssyncset.done $0x0  }
0xa0: {  	[sflag:s22] =	ssyncadd.s32 s3;
	_ =	sdelay $0x1  }
0xa1: {  	s23 =	simm.s32 $0x1B8B  }
0xa2: {  	_ =	swait.ge [sflag:s23], $0x1  }
0xa3: {  	[sflag:s23] =	ssyncset.done $0x0  }
0xa4: {  	s25 =	simm.s32 $0x1B8E;
	s24 =	sld [smem:$0x3FFE];
	[sflag:s23] =	ssyncadd.s32 $0xFFFFFFFF  }
0xa5: {  	s26 =	simm.s32 $execute0_lowered;
	[smem:$0x3FD2] =	sst s25  }
0xa6: {  	s4 =	sshll.u32 s26, $0x1;
	_ =	strace $0x8000004C;
	[dreg:$0x1] =	wrdreg $0xFFFFFFFF  }
0xa7: {  	s28 =	simm.s32 $_size_execute0_lowered;
	s2 =	sadd.s32 s2, s4;
	[dreg:$0x0] =	wrdreg $0x0  }
0xa8: {  	s4 =	sshll.u32 s28, $0x1;
	[dreg:$0x2] =	wrdreg s2  }
0xa9: {  	[dreg:$0x3] =	wrdreg s4  }
0xaa: {  	[dreg:$0x4] =	wrdreg $0xC0  }
0xab: {  	_ =	task [dreg:s6], $0x5FFFF  }
0xac: {  	[dreg:$0x1] =	wrdreg $0xFFFFFFFF  }
0xad: {  	[dreg:$0x0] =	wrdreg $0x60  }
0xae: {  	[dreg:$0x2] =	wrdreg s24  }
0xaf: {  	[dreg:$0x3] =	wrdreg $0x90000  }
0xb0: {  	[dreg:$0x4] =	wrdreg $0x9  }
0xb1: {  	_ =	task.clear_ibuf [dreg:s6], $0x5FFFF;
	_ =	strace $0x9000004C  }
0xb2: {  	s29 =	simm.s32 $0x9;
	_ =	strace $0x8000004E  }
0xb3: {  	_ =	swait.ge [sflag:s29], $0x1  }
0xb4: {  	[sflag:s29] =	ssyncadd.s32 $0xFFFFFFFF  }
0xb5: {  	_ =	strace $0x9000004E  }
0xb6: {  	_ =	sfence  }
0xb7: {  	s30 =	sld [smem:$0x0];
	_ =	sdelay $0x2  }
0xb8: {  	s31 =	sshll.u32 s1, $0xD;
	s1 =	sshrl.u32 s1, $0x2  }
0xb9: {  	s3 =	sand.u32 $0x4000, s31;
	s1 =	sadd.s32 s1, s30  }
0xba: {  	s0 =	sor.u32 s3, s0;
	s1 =	sshll.u32 s1, $0x11  }
0xbb: {  	s0 =	sor.u32 s1, s0  }
0xbc: {  	s0 =	sadd.s32 $0x8F2B, s0  }
0xbd: {  	[sflag:s0] =	ssyncadd.remote.s32 $0x1  }
0xbe: {  	_ =	sfence.sel $0xFFFF  }
0xbf: {  	[dreg:$0x0] =	wrdreg $0xFFFFFFFF;
	(pc) =	sbr.abs _section_cstart, $3  }
0xc0: {  	[dreg:$0x1] =	wrdreg $0xFFFFFFFF  }
0xc1: {  	_ =	task.clear_ibuf [dreg:s6], $0x2FFFF;
	_ =	strace $0x9FFFFFFF  }
0xc2: {  	(tm) =	ssettm $0x7FFFFFFF  }
0xc3: {  	_ =	shalt  }
tec
execute0_lowered:
.L_overlay_start_1:
0x0: {  	(tag) =	ssettag $0x1  }
0x1: {  	s0 =	rddreg [dreg:$0x0]  }
0x2: {  	s1 =	rddreg [dreg:$0x1];
	s13 =	simm.s32 $0x0  }
0x3: {  	s2 =	srdreg.scid;
	s11 =	stileid.u32;
	s15 =	simm.s32 $0x80  }
0x4: {  	s17 =	simm.s32 $0x5000;
	s19 =	simm.s32 $0x5800;
	s21 =	simm.s32 $0x6000  }
0x5: {  	s28 =	simm.s32 $0x4;
	s29 =	simm.s32 $0x5;
	s30 =	simm.s32 $0x6  }
0x6: {  	s31 =	simm.s32 $0xA;
	s18 =	simm.s32 $0xC;
	[smem:$0x7FF] =	sst s13  }
0x7: {  	s2 =	sand.u32 $0x1, s2;
	s4 =	sadd.s32 $0x15200, s0;
	s9 =	smul.u32 $0x2800, s11  }
0x8: {  	s22 =	sshll.u32 s11, $0x6;
	s16 =	sadd.s32 $0xB440, s0;
	s24 =	sshll.u32 s11, $0x4  }
0x9: {  	_ =	strace $0x8000004D;
	s3 =	sshll.u32 s2, $0x8;
	s5 =	smul.u32 $0x5000, s2  }
0xa: {  	s6 =	ssub.s32 $0x2, s2;
	s2 =	sshll.u32 s2, $0x4;
	[dreg:$0x7] =	wrdreg s16  }
0xb: {  	s7 =	sadd.s32 s3, s0;
	s8 =	sshrl.u32 s6, $0x1;
	s14 =	sor.u32 s11, s2  }
0xc: {  	s20 =	sshrl.u32 s9, $0x3;
	s10 =	sadd.s32 s9, s1;
	s9 =	sor.u32 $0x1C12, s22  }
0xd: {  	s12 =	sor.u32 s24, s3;
	s22 =	simm.s32 $0x2;
	s3 =	simm.s32 $0xB  }
0xe: {  	s5 =	sadd.s32 s5, s0;
	s6 =	ssub.s32 s6, s8;
	s23 =	sadd.s32 s4, s20  }
0xf: {  	s8 =	ssub.s32 $0x9C4, s14;
	s25 =	sadd.s32 s24, s7;
	[dreg:$0x4] =	wrdreg s14  }
0x10: {  	s7 =	simm.s32 $0x12;
	p0 =	sgt.u32 s14, $0x3;
	[dreg:$0x6] =	wrdreg s9  }
0x11: {  	s0 =	simm.s32 $0x7;
	[dreg:$0x5] =	wrdreg s23;
	s6 =	smax.u32 s6, $0x1  }
0x12: {  	s5 =	sadd.s32 $0x1A200, s5;
	s11 =	sadd.s32 $0x1800, s25;
	[dreg:$0x8] =	wrdreg s6  }
0x13: {  	s23 =	simm.s32 $0x7000;
	s26 =	sadd.s32 s20, s5;
	[dreg:$0xa] =	wrdreg s11  }
0x14: {  	s25 =	simm.s32 $0x3;
	s6 =	sshrl.u32 s10, $0x3;
	[dreg:$0xb] =	wrdreg s26  }
0x15: {  	s20 =	simm.s32 $0xD;
	s26 =	simm.s32 $0x7800;
	[dreg:$0x9] =	wrdreg s6  }
.LBB2_1:
0x16: {  	s2 =	rddreg [dreg:$0x5]  }
0x17: {  	[spmem:s6], [sflag:s9] =	dma.local [hbm:s2], $0x500  }
0x18: {  	p1 =	sgt.u32 s14, $0x9C3;
	s5 =	sadd.s32 $0x20, s14;
	_ =	swait.ge [sflag:s7], $0x500  }
0x19: {  	s2 =	simm.s32 $0x200;
	s6 =	simm.s32 @!p1 $0x0;
	[sflag:s7] =	ssyncset.done $0x0  }
0x1a: {  	s10 =	simm.s32 @!p1 $0x0;
	[sflag:s7] =	ssyncadd.s32 $0xFFFFFB00;
	s7 =	sadd.s32 @!p1 $0x0, s11  }
.LBB2_2:
0x1b: {  	[tilespmem:s6], [sflag:$0x1] =	stream.linear.gather @!p1 [hbm4b:s7+s10], $0x80, $0x38;
	[tilespmem:$0xB800] =	vst v63  }
0x1c: {  	s7 =	smov.u32 s2;
	s2 =	sadd.s32 $0x200, s2  }
0x1d: {  	p2 =	sne.s32 s2, $0xA000  }
.Ltmp0:
0x1e: {  	(pc) =	sbr.rel @p2 .LBB2_2-.Ltmp0, $3  }
0x1f: {  	_ =	sdelay $0x1  }
0x20: {  	p1 =	sgt.u32 s5, $0x9C3;
	s5 =	sadd.s32 $0x20, s5  }
0x21: {  	s6 =	sshra.s32 @!p1 s7, $0x2;
	s7 =	sadd.s32 @!p1 s7, s11;
	s10 =	simm.s32 @!p1 $0x0  }
0x22: {  	[tilespmem:s6], [sflag:$0x1] =	stream.linear.gather @!p1 [hbm4b:s7+s10], $0x80, $0x38;
	[tilespmem:$0xB800] =	vst v63  }
0x23: {  	p1 =	sle.u32 s8, $0x0  }
0x24: {  	s5 =	simm.s32 @!p1 $0x1  }
0x25: {  	_ =	swait.ge @!p1 [sflag:s5], $0x80  }
0x26: {  	s2 =	simm.s32 $0x20;
	[sflag:s5] =	ssyncset.done @!p1 $0x0  }
.LBB2_4:
0x27: {  	[sflag:s5] =	ssyncadd.s32 @!p1 $0xFFFFFF80;
	s5 =	smov.u32 s2;
	s2 =	sadd.s32 $0x20, s2  }
0x28: {  	p2 =	sne.s32 s2, $0xA00  }
.Ltmp1:
0x29: {  	(pc) =	sbr.rel @p2 .LBB2_4-.Ltmp1, $4  }
0x2a: {  	p1 =	sge.u32 s5, s8  }
0x2b: {  	s5 =	simm.s32 @!p1 $0x1  }
0x2c: {  	_ =	swait.ge @!p1 [sflag:s5], $0x80  }
0x2d: {  	[sflag:s5] =	ssyncset.done @!p1 $0x0  }
0x2e: {  	[sflag:s5] =	ssyncadd.s32 @!p1 $0xFFFFFF80;
	p1 =	sgt.u32 s14, $0x9C3  }
0x2f: {  	s2 =	simm.s32 $0x200;
	s5 =	sadd.s32 $0x20, s14;
	s7 =	sadd.s32 @!p1 s16, s12  }
0x30: {  	s6 =	simm.s32 @!p1 $0x2800;
	s10 =	simm.s32 @!p1 $0x0;
	s7 =	sadd.s32 @!p1 $0x0, s7  }
.LBB2_6:
0x31: {  	[tilespmem:s6], [sflag:$0x1] =	stream.linear.gather @!p1 [hbm4b:s7+s10], $0x80, $0x38;
	[tilespmem:$0xB800] =	vst v63  }
0x32: {  	s7 =	smov.u32 s2;
	s2 =	sadd.s32 $0x200, s2  }
0x33: {  	p2 =	sne.s32 s2, $0xA000  }
.Ltmp2:
0x34: {  	(pc) =	sbr.rel @p2 .LBB2_6-.Ltmp2, $4  }
0x35: {  	_ = 	snop  }
0x36: {  	p1 =	sgt.u32 s5, $0x9C3  }
0x37: {  	s5 =	sadd.s32 $0x20, s5;
	s6 =	sshra.s32 @!p1 s7, $0x2;
	s10 =	sadd.s32 @!p1 s16, s12  }
0x38: {  	s6 =	sadd.s32 @!p1 $0x2800, s6;
	s7 =	sadd.s32 @!p1 s7, s10;
	s10 =	simm.s32 @!p1 $0x0  }
0x39: {  	[tilespmem:s6], [sflag:$0x1] =	stream.linear.gather @!p1 [hbm4b:s7+s10], $0x80, $0x38;
	[tilespmem:$0xB800] =	vst v63  }
0x3a: {  	p1 =	sle.u32 s8, $0x0  }
0x3b: {  	[dreg:$0x3] =	wrdreg s13;
	s5 =	simm.s32 @!p1 $0x1  }
0x3c: {  	_ =	swait.ge @!p1 [sflag:s5], $0x80  }
0x3d: {  	s2 =	simm.s32 $0x20;
	s9 =	simm.s32 $0x6800;
	[sflag:s5] =	ssyncset.done @!p1 $0x0  }
.LBB2_8:
0x3e: {  	[sflag:s5] =	ssyncadd.s32 @!p1 $0xFFFFFF80;
	s5 =	smov.u32 s2;
	s2 =	sadd.s32 $0x20, s2  }
0x3f: {  	p2 =	sne.s32 s2, $0xA00  }
.Ltmp3:
0x40: {  	(pc) =	sbr.rel @p2 .LBB2_8-.Ltmp3, $4  }
0x41: {  	p1 =	sge.u32 s5, s8  }
0x42: {  	s5 =	simm.s32 @!p1 $0x1  }
0x43: {  	_ =	swait.ge @!p1 [sflag:s5], $0x80  }
0x44: {  	[sflag:s5] =	ssyncset.done @!p1 $0x0  }
0x45: {  	[sflag:s5] =	ssyncadd.s32 @!p1 $0xFFFFFF80  }
0x46: {  	s24 =	simm.s32 $0x0;
	[bflag:$0x0] =	sbarrier.arrive $0xFFFF  }
0x47: {  	[tilespmem:s17], [sflag:$0x2] =	stream.indirect.gather [hbm4b:s4+s15], $0x10, s24, s15, $0xb8;
	[tilespmem:$0xB800] =	vst v63  }
0x48: {  	_ = 	snop  }
0x49: {  	[tilespmem:s19], [sflag:$0x3] =	stream.indirect.gather [hbm4b:s4+s15], $0x10, s15, s15, $0xb8;
	[tilespmem:$0xB800] =	vst v63  }
0x4a: {  	s2 =	simm.s32 $0x100  }
0x4b: {  	[tilespmem:s21], [sflag:$0x4] =	stream.indirect.gather [hbm4b:s4+s15], $0x10, s2, s15, $0xb8;
	[tilespmem:$0xB800] =	vst v63  }
0x4c: {  	s14 =	simm.s32 $0x180  }
0x4d: {  	[tilespmem:s9], [sflag:$0x5] =	stream.indirect.gather [hbm4b:s4+s15], $0x10, s14, s15, $0xb8;
	[tilespmem:$0xB800] =	vst v63  }
0x4e: {  	_ =	swait.ge [sflag:s22], $0x800  }
0x4f: {  	p3 =	por $0x1, $0x1;
	[sflag:s22] =	ssyncset.done $0x0  }
0x50: {  	s16 =	simm.s32 $0x2800;
	s5 =	simm.s32 @!p3 $0xE;
	[sflag:s22] =	ssyncadd.s32 $0xFFFFF800  }
0x51: {  	[spmem:s1] =	stream.indirect.scatter.add.f32 [tilespmem:s17], [sflag:$0xA], $0x10, s16, s15, $0xb8;
	[tilespmem:$0xB800] =	vst v63  }
0x52: {  	_ =	swait.ge @!p3 [sflag:s5], $0x800  }
0x53: {  	[sflag:s5] =	ssyncset.done @!p3 $0x0  }
0x54: {  	s6 =	simm.s32 $0x200;
	[sflag:s5] =	ssyncadd.s32 @!p3 $0xFFFFF800  }
0x55: {  	[tilespmem:s23], [sflag:$0x6] =	stream.indirect.gather [hbm4b:s4+s15], $0x10, s6, s15, $0xb8;
	[tilespmem:$0xB800] =	vst v63  }
0x56: {  	_ =	swait.ge [sflag:s25], $0x800  }
0x57: {  	[sflag:s25] =	ssyncset.done $0x0  }
0x58: {  	s7 =	simm.s32 $0x2880;
	s5 =	simm.s32 @!p3 $0xF;
	[sflag:s25] =	ssyncadd.s32 $0xFFFFF800  }
0x59: {  	[spmem:s1] =	stream.indirect.scatter.add.f32 [tilespmem:s19], [sflag:$0xB], $0x10, s7, s15, $0xb8;
	[tilespmem:$0xB800] =	vst v63  }
0x5a: {  	_ =	swait.ge @!p3 [sflag:s5], $0x800  }
0x5b: {  	[sflag:s5] =	ssyncset.done @!p3 $0x0  }
0x5c: {  	s10 =	simm.s32 $0x280;
	[sflag:s5] =	ssyncadd.s32 @!p3 $0xFFFFF800  }
0x5d: {  	[tilespmem:s26], [sflag:$0x7] =	stream.indirect.gather [hbm4b:s4+s15], $0x10, s10, s15, $0xb8;
	[tilespmem:$0xB800] =	vst v63  }
0x5e: {  	_ =	swait.ge [sflag:s28], $0x800  }
0x5f: {  	[sflag:s28] =	ssyncset.done $0x0  }
0x60: {  	s11 =	simm.s32 $0x2900;
	s5 =	simm.s32 @!p3 $0x10;
	[sflag:s28] =	ssyncadd.s32 $0xFFFFF800  }
0x61: {  	[spmem:s1] =	stream.indirect.scatter.add.f32 [tilespmem:s21], [sflag:$0xC], $0x10, s11, s15, $0xb8;
	[tilespmem:$0xB800] =	vst v63  }
0x62: {  	p1 =	sle.u32 s8, $0xC0;
	_ =	swait.ge @!p3 [sflag:s5], $0x800  }
0x63: {  	s2 =	simm.s32 @!p1 $0x8000;
	[sflag:s5] =	ssyncset.done @!p3 $0x0  }
0x64: {  	s6 =	simm.s32 @!p1 $0x300;
	s7 =	simm.s32 @!p1 $0x80;
	[sflag:s5] =	ssyncadd.s32 @!p3 $0xFFFFF800  }
0x65: {  	[tilespmem:s2], [sflag:$0x8] =	stream.indirect.gather @!p1 [hbm4b:s4+s7], $0x10, s6, s7, $0xb8;
	[tilespmem:$0xB800] =	vst v63  }
0x66: {  	_ =	swait.ge [sflag:s29], $0x800  }
0x67: {  	[sflag:s29] =	ssyncset.done $0x0  }
0x68: {  	s13 =	simm.s32 $0x2980;
	s6 =	simm.s32 @!p3 $0x11;
	[sflag:s29] =	ssyncadd.s32 $0xFFFFF800  }
0x69: {  	[spmem:s1] =	stream.indirect.scatter.add.f32 [tilespmem:s9], [sflag:$0xD], $0x10, s13, s15, $0xb8;
	[tilespmem:$0xB800] =	vst v63  }
0x6a: {  	p2 =	sle.u32 s8, $0xE0;
	_ =	swait.ge @!p3 [sflag:s6], $0x800  }
0x6b: {  	s10 =	simm.s32 @!p2 $0x380;
	[sflag:s6] =	ssyncset.done @!p3 $0x0  }
0x6c: {  	s5 =	simm.s32 @!p2 $0x8800;
	s13 =	simm.s32 @!p2 $0x80;
	[sflag:s6] =	ssyncadd.s32 @!p3 $0xFFFFF800  }
0x6d: {  	[tilespmem:s5], [sflag:$0x9] =	stream.indirect.gather @!p2 [hbm4b:s4+s13], $0x10, s10, s13, $0xb8;
	[tilespmem:$0xB800] =	vst v63  }
0x6e: {  	_ =	swait.ge [sflag:s30], $0x800  }
0x6f: {  	[sflag:s30] =	ssyncset.done $0x0  }
0x70: {  	s14 =	simm.s32 $0x2A00;
	[sflag:s30] =	ssyncadd.s32 $0xFFFFF800  }
0x71: {  	[spmem:s1] =	stream.indirect.scatter.add.f32 [tilespmem:s23], [sflag:$0xE], $0x10, s14, s15, $0xb8;
	[tilespmem:$0xB800] =	vst v63  }
0x72: {  	p3 =	sle.u32 s8, $0x100;
	_ =	swait.ge [sflag:s31], $0x800  }
0x73: {  	s6 =	simm.s32 @!p3 $0x5000;
	[sflag:s31] =	ssyncset.done $0x0  }
0x74: {  	s10 =	simm.s32 @!p3 $0x400;
	s14 =	simm.s32 @!p3 $0x80;
	[sflag:s31] =	ssyncadd.s32 $0xFFFFF800  }
0x75: {  	[tilespmem:s6], [sflag:$0x2] =	stream.indirect.gather @!p3 [hbm4b:s4+s14], $0x10, s10, s14, $0xb8;
	[tilespmem:$0xB800] =	vst v63  }
0x76: {  	_ =	swait.ge [sflag:s0], $0x800  }
0x77: {  	[sflag:s0] =	ssyncset.done $0x0  }
0x78: {  	s16 =	simm.s32 $0x2A80;
	[sflag:s0] =	ssyncadd.s32 $0xFFFFF800  }
0x79: {  	[spmem:s1] =	stream.indirect.scatter.add.f32 [tilespmem:s26], [sflag:$0xF], $0x10, s16, s15, $0xb8;
	[tilespmem:$0xB800] =	vst v63  }
0x7a: {  	p3 =	sle.u32 s8, $0x120;
	_ =	swait.ge [sflag:s3], $0x800  }
0x7b: {  	s6 =	simm.s32 @!p3 $0x80;
	[sflag:s3] =	ssyncset.done $0x0  }
0x7c: {  	s10 =	simm.s32 @!p3 $0x480;
	s14 =	simm.s32 @!p3 $0x5800;
	[sflag:s3] =	ssyncadd.s32 $0xFFFFF800  }
0x7d: {  	[tilespmem:s14], [sflag:$0x3] =	stream.indirect.gather @!p3 [hbm4b:s4+s6], $0x10, s10, s6, $0xb8;
	[tilespmem:$0xB800] =	vst v63  }
0x7e: {  	s6 =	simm.s32 @!p1 $0x8  }
0x7f: {  	_ =	swait.ge @!p1 [sflag:s6], $0x800  }
0x80: {  	[sflag:s6] =	ssyncset.done @!p1 $0x0  }
0x81: {  	[sflag:s6] =	ssyncadd.s32 @!p1 $0xFFFFF800;
	s6 =	simm.s32 @!p1 $0x2B00  }
0x82: {  	[spmem:s1] =	stream.indirect.scatter.add.f32 @!p1 [tilespmem:s2], [sflag:$0x10], $0x10, s6, s7, $0xb8;
	[tilespmem:$0xB800] =	vst v63  }
0x83: {  	p1 =	sle.u32 s8, $0x140;
	_ =	swait.ge [sflag:s18], $0x800  }
0x84: {  	s2 =	simm.s32 @!p1 $0x6000;
	[sflag:s18] =	ssyncset.done $0x0  }
0x85: {  	s6 =	simm.s32 @!p1 $0x80;
	s7 =	simm.s32 @!p1 $0x500;
	[sflag:s18] =	ssyncadd.s32 $0xFFFFF800  }
0x86: {  	[tilespmem:s2], [sflag:$0x4] =	stream.indirect.gather @!p1 [hbm4b:s4+s6], $0x10, s7, s6, $0xb8;
	[tilespmem:$0xB800] =	vst v63  }
0x87: {  	s2 =	simm.s32 @!p2 $0x9  }
0x88: {  	_ =	swait.ge @!p2 [sflag:s2], $0x800  }
0x89: {  	[sflag:s2] =	ssyncset.done @!p2 $0x0  }
0x8a: {  	s11 =	simm.s32 $0x6800;
	[sflag:s2] =	ssyncadd.s32 @!p2 $0xFFFFF800;
	s2 =	simm.s32 @!p2 $0x2B80  }
0x8b: {  	[spmem:s1] =	stream.indirect.scatter.add.f32 @!p2 [tilespmem:s5], [sflag:$0x11], $0x10, s2, s13, $0xb8;
	[tilespmem:$0xB800] =	vst v63  }
0x8c: {  	s10 =	simm.s32 $0x260;
	s6 =	simm.s32 $0x1000;
	p2 =	sle.u32 s8, $0x160  }
.LBB2_10:
0x8d: {  	_ =	swait.ge [sflag:s20], $0x800  }
0x8e: {  	s2 =	sshra.s32 @!p2 s24, $0x2;
	s24 =	smov.u32 s6;
	s6 =	sadd.s32 $0x1000, s6  }
0x8f: {  	s5 =	simm.s32 @!p2 $0x80;
	[sflag:s20] =	ssyncset.done $0x0;
	s2 =	sadd.s32 @!p2 $0x580, s2  }
0x90: {  	s13 =	simm.s32 @!p2 $0x6800;
	s7 =	sshra.s32 s24, $0x2;
	[sflag:s20] =	ssyncadd.s32 $0xFFFFF800  }
0x91: {  	[tilespmem:s13], [sflag:$0x5] =	stream.indirect.gather @!p2 [hbm4b:s4+s5], $0x10, s2, s5, $0xb8;
	[tilespmem:$0xB800] =	vst v63  }
0x92: {  	p4 =	seq.s32 s24, $0x0;
	s2 =	sadd.s32 $0x2800, s7;
	_ =	swait.ge [sflag:s22], $0x800  }
0x93: {  	p1 =	sne.s32 s6, $0xA000;
	s5 =	simm.s32 @!p4 $0xE;
	[sflag:s22] =	ssyncset.done $0x0  }
0x94: {  	[sflag:s22] =	ssyncadd.s32 $0xFFFFF800  }
0x95: {  	[spmem:s1] =	stream.indirect.scatter.add.f32 [tilespmem:s17], [sflag:$0xA], $0x10, s2, s15, $0xb8;
	[tilespmem:$0xB800] =	vst v63  }
0x96: {  	s2 =	sadd.s32 $0x200, s7;
	_ =	swait.ge @!p4 [sflag:s5], $0x800  }
0x97: {  	[sflag:s5] =	ssyncset.done @!p4 $0x0  }
0x98: {  	[sflag:s5] =	ssyncadd.s32 @!p4 $0xFFFFF800  }
0x99: {  	[tilespmem:s23], [sflag:$0x6] =	stream.indirect.gather [hbm4b:s4+s15], $0x10, s2, s15, $0xb8;
	[tilespmem:$0xB800] =	vst v63  }
0x9a: {  	s2 =	sadd.s32 $0x2880, s7;
	_ =	swait.ge [sflag:s25], $0x800  }
0x9b: {  	s5 =	simm.s32 @!p4 $0xF;
	[sflag:s25] =	ssyncset.done $0x0  }
0x9c: {  	[sflag:s25] =	ssyncadd.s32 $0xFFFFF800  }
0x9d: {  	[spmem:s1] =	stream.indirect.scatter.add.f32 [tilespmem:s19], [sflag:$0xB], $0x10, s2, s15, $0xb8;
	[tilespmem:$0xB800] =	vst v63  }
0x9e: {  	s2 =	sadd.s32 $0x280, s7;
	_ =	swait.ge @!p4 [sflag:s5], $0x800  }
0x9f: {  	[sflag:s5] =	ssyncset.done @!p4 $0x0  }
0xa0: {  	[sflag:s5] =	ssyncadd.s32 @!p4 $0xFFFFF800  }
0xa1: {  	[tilespmem:s26], [sflag:$0x7] =	stream.indirect.gather [hbm4b:s4+s15], $0x10, s2, s15, $0xb8;
	[tilespmem:$0xB800] =	vst v63  }
0xa2: {  	s2 =	sadd.s32 $0x2900, s7;
	_ =	swait.ge [sflag:s28], $0x800  }
0xa3: {  	s14 =	simm.s32 @!p4 $0x10;
	s5 =	sadd.s32 $0xFFFFFF60, s10;
	[sflag:s28] =	ssyncset.done $0x0  }
0xa4: {  	p2 =	sge.u32 s5, s8;
	[sflag:s28] =	ssyncadd.s32 $0xFFFFF800  }
0xa5: {  	[spmem:s1] =	stream.indirect.scatter.add.f32 [tilespmem:s21], [sflag:$0xC], $0x10, s2, s15, $0xb8;
	[tilespmem:$0xB800] =	vst v63  }
0xa6: {  	s13 =	simm.s32 @!p2 $0x8000;
	s2 =	sshra.s32 @!p2 s24, $0x2;
	_ =	swait.ge @!p4 [sflag:s14], $0x800  }
0xa7: {  	s5 =	simm.s32 @!p2 $0x80;
	s17 =	sadd.s32 @!p2 $0x300, s2;
	[sflag:s14] =	ssyncset.done @!p4 $0x0  }
0xa8: {  	s16 =	sadd.s32 @!p2 $0x2B00, s2;
	[sflag:s14] =	ssyncadd.s32 @!p4 $0xFFFFF800  }
0xa9: {  	[tilespmem:s13], [sflag:$0x8] =	stream.indirect.gather @!p2 [hbm4b:s4+s5], $0x10, s17, s5, $0xb8;
	[tilespmem:$0xB800] =	vst v63  }
0xaa: {  	s2 =	sadd.s32 $0x2980, s7;
	_ =	swait.ge [sflag:s29], $0x800  }
0xab: {  	s14 =	sadd.s32 $0xFFFFFF80, s10;
	s17 =	simm.s32 @!p4 $0x11;
	[sflag:s29] =	ssyncset.done $0x0  }
0xac: {  	p3 =	sge.u32 s14, s8;
	[sflag:s29] =	ssyncadd.s32 $0xFFFFF800  }
0xad: {  	[spmem:s1] =	stream.indirect.scatter.add.f32 [tilespmem:s11], [sflag:$0xD], $0x10, s2, s15, $0xb8;
	[tilespmem:$0xB800] =	vst v63  }
0xae: {  	s19 =	sshra.s32 @!p3 s24, $0x2;
	s14 =	simm.s32 @!p3 $0x8800;
	_ =	swait.ge @!p4 [sflag:s17], $0x800  }
0xaf: {  	s21 =	sadd.s32 @!p3 $0x380, s19;
	s2 =	simm.s32 @!p3 $0x80;
	[sflag:s17] =	ssyncset.done @!p4 $0x0  }
0xb0: {  	[sflag:s17] =	ssyncadd.s32 @!p4 $0xFFFFF800;
	s17 =	sadd.s32 @!p3 $0x2B80, s19  }
0xb1: {  	[tilespmem:s14], [sflag:$0x9] =	stream.indirect.gather @!p3 [hbm4b:s4+s2], $0x10, s21, s2, $0xb8;
	[tilespmem:$0xB800] =	vst v63  }
0xb2: {  	s19 =	sadd.s32 $0x2A00, s7;
	_ =	swait.ge [sflag:s30], $0x800  }
0xb3: {  	s21 =	sadd.s32 $0xFFFFFFA0, s10;
	[sflag:s30] =	ssyncset.done $0x0  }
0xb4: {  	p4 =	sge.u32 s21, s8;
	[sflag:s30] =	ssyncadd.s32 $0xFFFFF800  }
0xb5: {  	[spmem:s1] =	stream.indirect.scatter.add.f32 [tilespmem:s23], [sflag:$0xE], $0x10, s19, s15, $0xb8;
	[tilespmem:$0xB800] =	vst v63  }
0xb6: {  	s21 =	simm.s32 @!p4 $0x5000;
	s19 =	sshra.s32 @!p4 s24, $0x2;
	_ =	swait.ge [sflag:s31], $0x800  }
0xb7: {  	s9 =	simm.s32 @!p4 $0x80;
	s19 =	sadd.s32 @!p4 $0x400, s19;
	[sflag:s31] =	ssyncset.done $0x0  }
0xb8: {  	[sflag:s31] =	ssyncadd.s32 $0xFFFFF800  }
0xb9: {  	[tilespmem:s21], [sflag:$0x2] =	stream.indirect.gather @!p4 [hbm4b:s4+s9], $0x10, s19, s9, $0xb8;
	[tilespmem:$0xB800] =	vst v63  }
0xba: {  	s7 =	sadd.s32 $0x2A80, s7;
	_ =	swait.ge [sflag:s0], $0x800  }
0xbb: {  	s9 =	sadd.s32 $0xFFFFFFC0, s10;
	[sflag:s0] =	ssyncset.done $0x0  }
0xbc: {  	p4 =	sge.u32 s9, s8;
	[sflag:s0] =	ssyncadd.s32 $0xFFFFF800  }
0xbd: {  	[spmem:s1] =	stream.indirect.scatter.add.f32 [tilespmem:s26], [sflag:$0xF], $0x10, s7, s15, $0xb8;
	[tilespmem:$0xB800] =	vst v63  }
0xbe: {  	s9 =	simm.s32 @!p4 $0x80;
	s7 =	sshra.s32 @!p4 s24, $0x2;
	_ =	swait.ge [sflag:s3], $0x800  }
0xbf: {  	s19 =	simm.s32 @!p2 $0x8;
	s7 =	sadd.s32 @!p4 $0x480, s7;
	[sflag:s3] =	ssyncset.done $0x0  }
0xc0: {  	s21 =	simm.s32 @!p4 $0x5800;
	[sflag:s3] =	ssyncadd.s32 $0xFFFFF800  }
0xc1: {  	[tilespmem:s21], [sflag:$0x3] =	stream.indirect.gather @!p4 [hbm4b:s4+s9], $0x10, s7, s9, $0xb8;
	[tilespmem:$0xB800] =	vst v63  }
0xc2: {  	s21 =	simm.s32 $0x6000  }
0xc3: {  	_ =	swait.ge @!p2 [sflag:s19], $0x800  }
0xc4: {  	[sflag:s19] =	ssyncset.done @!p2 $0x0  }
0xc5: {  	s7 =	sadd.s32 $0xFFFFFFE0, s10;
	[sflag:s19] =	ssyncadd.s32 @!p2 $0xFFFFF800;
	s19 =	simm.s32 $0x5800  }
0xc6: {  	[spmem:s1] =	stream.indirect.scatter.add.f32 @!p2 [tilespmem:s13], [sflag:$0x10], $0x10, s16, s5, $0xb8;
	[tilespmem:$0xB800] =	vst v63  }
0xc7: {  	p2 =	sge.u32 s7, s8;
	_ =	swait.ge [sflag:s18], $0x800  }
0xc8: {  	s7 =	simm.s32 @!p3 $0x9;
	s5 =	simm.s32 @!p2 $0x6000;
	[sflag:s18] =	ssyncset.done $0x0  }
0xc9: {  	s9 =	sshra.s32 @!p2 s24, $0x2;
	s13 =	simm.s32 @!p2 $0x80;
	[sflag:s18] =	ssyncadd.s32 $0xFFFFF800  }
0xca: {  	s9 =	sadd.s32 @!p2 $0x500, s9  }
0xcb: {  	[tilespmem:s5], [sflag:$0x4] =	stream.indirect.gather @!p2 [hbm4b:s4+s13], $0x10, s9, s13, $0xb8;
	[tilespmem:$0xB800] =	vst v63  }
.Ltmp4:
0xcc: {  	_ =	swait.ge @!p3 [sflag:s7], $0x800;
	(pc) =	sbr.rel @p1 .LBB2_10-.Ltmp4, $4  }
0xcd: {  	[sflag:s7] =	ssyncset.done @!p3 $0x0  }
0xce: {  	p2 =	sge.u32 s10, s8;
	s10 =	sadd.s32 $0x100, s10;
	[sflag:s7] =	ssyncadd.s32 @!p3 $0xFFFFF800  }
0xcf: {  	[spmem:s1] =	stream.indirect.scatter.add.f32 @!p3 [tilespmem:s14], [sflag:$0x11], $0x10, s17, s2, $0xb8;
	[tilespmem:$0xB800] =	vst v63  }
0xd0: {  	s17 =	simm.s32 $0x5000  }
0xd1: {  	_ =	swait.ge [sflag:s20], $0x800;
	s2 =	sshra.s32 @!p2 s24, $0x2  }
0xd2: {  	s5 =	simm.s32 @!p2 $0x80;
	s6 =	simm.s32 @!p2 $0x6800;
	[sflag:s20] =	ssyncset.done $0x0  }
0xd3: {  	s13 =	simm.s32 $0xE;
	s2 =	sadd.s32 @!p2 $0x580, s2;
	[sflag:s20] =	ssyncadd.s32 $0xFFFFF800  }
0xd4: {  	[tilespmem:s6], [sflag:$0x5] =	stream.indirect.gather @!p2 [hbm4b:s4+s5], $0x10, s2, s5, $0xb8;
	[tilespmem:$0xB800] =	vst v63  }
0xd5: {  	_ =	swait.ge [sflag:s13], $0x800  }
0xd6: {  	[sflag:s13] =	ssyncset.done $0x0  }
0xd7: {  	s14 =	simm.s32 $0xF;
	[sflag:s13] =	ssyncadd.s32 $0xFFFFF800  }
0xd8: {  	_ =	swait.ge [sflag:s14], $0x800  }
0xd9: {  	[sflag:s14] =	ssyncset.done $0x0  }
0xda: {  	s2 =	simm.s32 @!p0 $0x10;
	[sflag:s14] =	ssyncadd.s32 $0xFFFFF800  }
0xdb: {  	_ =	swait.ge @!p0 [sflag:s2], $0x800  }
0xdc: {  	[sflag:s2] =	ssyncset.done @!p0 $0x0  }
0xdd: {  	[sflag:s2] =	ssyncadd.s32 @!p0 $0xFFFFF800  }
0xde: {  	[bflag:$0x0] =	sbarrier.arrive $0xFFFF  }
0xdf: {  	s9 =	rddreg [dreg:$0x6]  }
0xe0: {  	s6 =	rddreg [dreg:$0x9]  }
0xe1: {  	s7 =	simm.s32 $0x12;
	s16 =	rddreg [dreg:$0xb]  }
0xe2: {  	[hbm:s16], [sflag:s9] =	dma.local [spmem:s6], $0x500  }
0xe3: {  	_ =	swait.ge [sflag:s7], $0x500  }
0xe4: {  	s13 =	rddreg [dreg:$0x3]  }
0xe5: {  	s24 =	rddreg [dreg:$0x8];
	s13 =	sadd.s32 $0x1, s13  }
0xe6: {  	p1 =	sne.s32 s13, s24  }
.Ltmp5:
0xe7: {  	_ = 	snop;
	(pc) =	sbr.rel @p1 .LBB2_1-.Ltmp5, $4  }
0xe8: {  	_ = 	snop  }
0xe9: {  	s14 =	rddreg [dreg:$0x4]  }
0xea: {  	[sflag:s7] =	ssyncset.done $0x0;
	s16 =	rddreg [dreg:$0x7]  }
0xeb: {  	s11 =	rddreg [dreg:$0xa];
	[sflag:s7] =	ssyncadd.s32 $0xFFFFFB00  }
0xec: {  	_ =	sfence.sel $0x180000  }
0xed: {  	[bflag:$0x0] =	sbarrier.arrive $0xFFFF  }
0xee: {  	_ =	strace $0x9000004D  }
0xef: {  	s0 =	stileid.u32;
	[bflag:$0x2] =	sbarrier.arrive $0xFFFF  }
0xf0: {  	p0 =	sne.s32 s0, $0x0;
	s0 =	rddreg [dreg:$0x2]  }
0xf1: {  	s0 =	sadd.s32 @!p0 $0x100000, s0  }
0xf2: {  	[sflag:s0] =	ssyncadd.tile.s32 @!p0 $0x1;
	_ =	shalt  }
.Lfunc_end2:
_tile_overlayer_lowered:
.L_overlay_start_2:
0xf3: {  	(tag) =	ssettag $0x2  }
0xf4: {  	s0 =	rddreg [dreg:$0x0];
	s2 =	stileid.u32  }
0xf5: {  	s1 =	rddreg [dreg:$0x1];
	p0 =	sne.s32 s2, $0x0  }
0xf6: {  	s3 =	rddreg [dreg:$0x2];
	[bflag:$0x3] =	sbarrier.arrive $0xFFFF;
	s2 =	simm.s32 @!p0 $0x1C12  }
0xf7: {  	[timem:s3], [sflag:s2] =	dma.local @!p0 [hbm:s0], s1  }
0xf8: {  	s0 =	simm.s32 @!p0 $0x12  }
0xf9: {  	_ =	swait.ge @!p0 [sflag:s0], s1  }
0xfa: {  	s1 =	ssub.s32 @!p0 $0x0, s1;
	[sflag:s0] =	ssyncset.done @!p0 $0x0  }
0xfb: {  	[sflag:s0] =	ssyncadd.s32 @!p0 s1  }
0xfc: {  	[bflag:$0x3] =	sbarrier.arrive $0xFFFF  }
0xfd: {  	_ =	shalt  }

// kernel: kernel.8.cloned.1.call-start
scs
__scs_entry_jumppad:
0x0: {  	(pc) =	sbr.rel $0x88, $3  }
0x1: {  	(tag) =	ssettag $0x0;
	lr =	simm.s32 $0x1  }
0x2: {  	[smem:$0x3F9B] =	sst lr;
	_ =	strace $0xD0000000  }
0x3: {  	_ = 	snop  }
0x4: {  	_ = 	snop  }
0x5: {  	_ = 	snop  }
0x6: {  	_ = 	snop  }
0x7: {  	_ = 	snop  }
__scs_overlays_trampoline_lowered:
0x8: {  	[smem:$0x3FAA] =	sst s0  }
0x9: {  	[smem:$0x3FAB] =	sst s1  }
0xa: {  	[smem:$0x3FAC] =	sst s2  }
0xb: {  	[smem:$0x3FAD] =	sst s3  }
0xc: {  	[smem:$0x3FAE] =	sst s4  }
0xd: {  	[smem:$0x3FAF] =	sst s5  }
0xe: {  	[smem:$0x3FB0] =	sst s6  }
0xf: {  	[smem:$0x3FB1] =	sst s7  }
0x10: {  	[smem:$0x3FB2] =	sst s8  }
0x11: {  	[smem:$0x3FB3] =	sst s9;
	s0 =	simm.s32 @!p0 $0x0  }
0x12: {  	s1 =	sld [smem:$0x3F99];
	s0 =	simm.s32 @p0 $0x1  }
0x13: {  	[smem:$0x3FB4] =	sst s0;
	s0 =	simm.s32 @!p1 $0x0  }
0x14: {  	s2 =	sld [smem:$0x3F98];
	s0 =	simm.s32 @p1 $0x1  }
0x15: {  	[smem:$0x3FB5] =	sst s0;
	s0 =	simm.s32 @!p2 $0x0  }
0x16: {  	s3 =	sld [smem:$0x3FDB];
	s0 =	simm.s32 @p2 $0x1  }
0x17: {  	s4 =	simm.s32 $0x1BF5;
	[smem:$0x3FB7] =	sst s0  }
0x18: {  	s0 =	sld [smem:$0x3F9A];
	_ =	swait.ge [sflag:s4], $0x0  }
0x19: {  	s7 =	sld [smem:$0x3F9B]  }
0x1a: {  	s8 =	sadd.s32 $0xFFFFE003, lr  }
0x1b: {  	s9 =	sadd.s32 $0xFFFFFEF7, lr;
	s5 =	simm.s32 $0xFFFFFFFF;
	p2 =	slt.u32 s8, $0xFFFFF086  }
0x1c: {  	p1 =	slt.u32 s9, $0xF7A;
	s5 =	simm.s32 @!p2 $0x0  }
0x1d: {  	s5 =	simm.s32 @p1 $0x1;
	p0 =	seq.s32 s7, s2  }
0x1e: {  	s7 =	smul.u32 @!p0 $0xF7A, s2;
	p2 =	seq.s32 @!p0 s5, $0x0  }
0x1f: {  	s9 =	smul.u32 $0xF7A, s1;
	s8 =	simm.s32 @!p0 $0x1BF5;
	p2 =	por !p2, p0  }
0x20: {  	[sflag:s8] =	ssyncset.s32 @!p0 $0xFFFFF086;
	s6 =	sadd.s32 @!p0 s3, s7;
	s7 =	simm.s32 @!p0 $0x108  }
0x21: {  	s3 =	sadd.s32 s3, s9;
	s6 =	sadd.s32 @!p0 $0x88, s6;
	s7 =	simm.s32 @p2 $0x1082  }
0x22: {  	[simem:s7], [sflag:s8] =	dma.local @!p0 [hbm:s6], $0xF7A  }
0x23: {  	s9 =	sor.u32 $0xD0000000, s2;
	s6 =	simm.s32 $0x108;
	_ =	swait.ge @!p0 [sflag:s8], $0x0  }
0x24: {  	s3 =	sadd.s32 $0x88, s3;
	s6 =	simm.s32 @!p1 $0x1082;
	[sflag:s4] =	ssyncset.s32 $0xFFFFF086  }
0x25: {  	[simem:s6], [sflag:s4] =	dma.local [hbm:s3], $0xF7A  }
0x26: {  	[smem:$0x3F9B] =	sst s1;
	(tag) =	ssettag s2;
	_ =	strace s9  }
0x27: {  	s1 =	sld [smem:$0x3FAB]  }
0x28: {  	s2 =	sld [smem:$0x3FAC]  }
0x29: {  	s4 =	sld [smem:$0x3FAE]  }
0x2a: {  	p0 =	seq.s32 s5, $0x0;
	s5 =	sld [smem:$0x3FAF]  }
0x2b: {  	s6 =	sld [smem:$0x3FB0]  }
0x2c: {  	s7 =	sld [smem:$0x3FB1]  }
0x2d: {  	s3 =	simm.s32 $0x108;
	s8 =	sld [smem:$0x3FB2]  }
0x2e: {  	s3 =	simm.s32 @!p0 $0x1082;
	s9 =	sld [smem:$0x3FB3]  }
0x2f: {  	lr =	sadd.s32 s0, s3;
	s0 =	sld [smem:$0x3FAA]  }
0x30: {  	s3 =	sld [smem:$0x3FAD]  }
0x31: {  	[smem:$0x3FB6] =	sst s10  }
0x32: {  	s10 =	sld [smem:$0x3FB4];
	_ =	sdelay $0x3  }
0x33: {  	p0 =	seq.s32 s10, $0x1;
	s10 =	sld [smem:$0x3FB6];
	_ =	sdelay $0x3  }
0x34: {  	[smem:$0x3FB6] =	sst s10  }
0x35: {  	s10 =	sld [smem:$0x3FB5];
	_ =	sdelay $0x3  }
0x36: {  	p1 =	seq.s32 s10, $0x1;
	s10 =	sld [smem:$0x3FB6];
	_ =	sdelay $0x3  }
0x37: {  	[smem:$0x3FB6] =	sst s10  }
0x38: {  	s10 =	sld [smem:$0x3FB7]  }
0x39: {  	_ = 	snop;
	(pc) =	sbr.ind lr, $3  }
0x3a: {  	_ = 	snop  }
0x3b: {  	_ = 	snop  }
0x3c: {  	p2 =	seq.s32 s10, $0x1;
	s10 =	sld [smem:$0x3FB6]  }
0x3d: {  	_ =	shalt  }
0x3e: {  	_ =	shalt  }
0x3f: {  	_ =	shalt  }
0x40: {  	_ =	shalt  }
0x41: {  	_ =	shalt  }
0x42: {  	_ =	shalt  }
0x43: {  	_ =	shalt  }
0x44: {  	_ =	shalt  }
0x45: {  	_ =	shalt  }
0x46: {  	_ =	shalt  }
0x47: {  	_ =	shalt  }
0x48: {  	_ =	shalt  }
0x49: {  	_ =	shalt  }
0x4a: {  	_ =	shalt  }
0x4b: {  	_ =	shalt  }
0x4c: {  	_ =	shalt  }
0x4d: {  	_ =	shalt  }
0x4e: {  	_ =	shalt  }
0x4f: {  	_ =	shalt  }
0x50: {  	_ =	shalt  }
0x51: {  	_ =	shalt  }
0x52: {  	_ =	shalt  }
0x53: {  	_ =	shalt  }
0x54: {  	_ =	shalt  }
0x55: {  	_ =	shalt  }
0x56: {  	_ =	shalt  }
0x57: {  	_ =	shalt  }
0x58: {  	_ =	shalt  }
0x59: {  	_ =	shalt  }
0x5a: {  	_ =	shalt  }
0x5b: {  	_ =	shalt  }
0x5c: {  	_ =	shalt  }
0x5d: {  	_ =	shalt  }
0x5e: {  	_ =	shalt  }
0x5f: {  	_ =	shalt  }
0x60: {  	_ =	shalt  }
0x61: {  	_ =	shalt  }
0x62: {  	_ =	shalt  }
0x63: {  	_ =	shalt  }
0x64: {  	_ =	shalt  }
0x65: {  	_ =	shalt  }
0x66: {  	_ =	shalt  }
0x67: {  	_ =	shalt  }
0x68: {  	_ =	shalt  }
0x69: {  	_ =	shalt  }
0x6a: {  	_ =	shalt  }
0x6b: {  	_ =	shalt  }
0x6c: {  	_ =	shalt  }
0x6d: {  	_ =	shalt  }
0x6e: {  	_ =	shalt  }
0x6f: {  	_ =	shalt  }
0x70: {  	_ =	shalt  }
0x71: {  	_ =	shalt  }
0x72: {  	_ =	shalt  }
0x73: {  	_ =	shalt  }
0x74: {  	_ =	shalt  }
0x75: {  	_ =	shalt  }
0x76: {  	_ =	shalt  }
0x77: {  	_ =	shalt  }
0x78: {  	_ =	shalt  }
0x79: {  	_ =	shalt  }
0x7a: {  	_ =	shalt  }
0x7b: {  	_ =	shalt  }
0x7c: {  	_ =	shalt  }
0x7d: {  	_ =	shalt  }
0x7e: {  	_ =	shalt  }
0x7f: {  	_ =	shalt  }
0x80: {  	_ =	shalt  }
0x81: {  	_ =	shalt  }
0x82: {  	_ =	shalt  }
0x83: {  	_ =	shalt  }
0x84: {  	_ =	shalt  }
0x85: {  	_ =	shalt  }
0x86: {  	_ =	shalt  }
0x87: {  	_ =	shalt  }
.Lfunc_end0:
.L_simem_size_0:
called_computation_lowered:
.L_overlay_start_0:
0x88: {  	s2 =	sld [smem:$0x3FD9]  }
0x89: {  	s3 =	sld [smem:$0x3FFE];
	_ =	sdelay $0x1  }
0x8a: {  	s1 =	srdreg.scid  }
0x8b: {  	s0 =	sand.u32 $0x1, s1  }
0x8c: {  	s16 =	sshll.u32 s0, $0xA;
	s2 =	sadd.s32 s3, s2  }
0x8d: {  	s2 =	sadd.s32 s2, s16  }
0x8e: {  	[smem:$0x3FC2] =	sst s2  }
0x8f: {  	_ = 	snop  }
0x90: {  	(tm) =	ssettm $0x1  }
0x91: {  	s17 =	sld [smem:$0x3FFB];
	_ =	sdelay $0x3  }
0x92: {  	_ =	strace s17  }
0x93: {  	s2 =	sld [smem:$0x3FFC];
	_ =	sdelay $0x3  }
0x94: {  	_ =	strace s2  }
0x95: {  	s2 =	sld [smem:$0x3FFD];
	_ =	sdelay $0x3  }
0x96: {  	_ =	strace s2  }
0x97: {  	_ =	strace $0x8FFFFFFF  }
0x98: {  	s18 =	sld [smem:$0x3FDB];
	_ =	sdelay $0x1  }
0x99: {  	s19 =	simm.s32 $_scs_section_size  }
0x9a: {  	s4 =	simm.s32 $_size__tile_overlayer_lowered;
	s5 =	simm.s32 $_tile_overlayer_lowered  }
0x9b: {  	s22 =	simm.s32 $0x1BFF;
	s21 =	sshll.u32 s5, $0x1;
	s2 =	sadd.s32 s19, s18  }
0x9c: {  	s6 =	simm.s32 $0x0;
	s20 =	sshll.u32 s4, $0x1;
	s4 =	sadd.s32 s21, s2  }
0x9d: {  	[timem:s6], [sflag:s22] =	dma.local [hbm:s4], s20  }
0x9e: {  	_ =	swait.ge [sflag:s22], s20  }
0x9f: {  	s3 =	ssub.s32 $0x0, s20;
	[sflag:s22] =	ssyncset.done $0x0  }
0xa0: {  	[sflag:s22] =	ssyncadd.s32 s3;
	_ =	sdelay $0x1  }
0xa1: {  	s23 =	simm.s32 $0x1B8B  }
0xa2: {  	_ =	swait.ge [sflag:s23], $0x1  }
0xa3: {  	[sflag:s23] =	ssyncset.done $0x0  }
0xa4: {  	s25 =	simm.s32 $0x1B8E;
	s24 =	sld [smem:$0x3FFE];
	[sflag:s23] =	ssyncadd.s32 $0xFFFFFFFF  }
0xa5: {  	s26 =	simm.s32 $execute0_lowered;
	[smem:$0x3FD2] =	sst s25  }
0xa6: {  	s4 =	sshll.u32 s26, $0x1;
	_ =	strace $0x80000046;
	[dreg:$0x1] =	wrdreg $0xFFFFFFFF  }
0xa7: {  	s28 =	simm.s32 $_size_execute0_lowered;
	s2 =	sadd.s32 s2, s4;
	[dreg:$0x0] =	wrdreg $0x0  }
0xa8: {  	s4 =	sshll.u32 s28, $0x1;
	[dreg:$0x2] =	wrdreg s2  }
0xa9: {  	[dreg:$0x3] =	wrdreg s4  }
0xaa: {  	[dreg:$0x4] =	wrdreg $0xC0  }
0xab: {  	_ =	task [dreg:s6], $0x5FFFF  }
0xac: {  	[dreg:$0x1] =	wrdreg $0xFFFFFFFF  }
0xad: {  	[dreg:$0x0] =	wrdreg $0x60  }
0xae: {  	[dreg:$0x2] =	wrdreg s24  }
0xaf: {  	[dreg:$0x3] =	wrdreg $0x2B000  }
0xb0: {  	[dreg:$0x4] =	wrdreg $0x9  }
0xb1: {  	_ =	task.clear_ibuf [dreg:s6], $0x5FFFF;
	_ =	strace $0x90000046  }
0xb2: {  	s29 =	simm.s32 $0x9;
	_ =	strace $0x80000048  }
0xb3: {  	_ =	swait.ge [sflag:s29], $0x1  }
0xb4: {  	[sflag:s29] =	ssyncadd.s32 $0xFFFFFFFF  }
0xb5: {  	_ =	strace $0x90000048  }
0xb6: {  	_ =	sfence  }
0xb7: {  	s30 =	sld [smem:$0x0];
	_ =	sdelay $0x2  }
0xb8: {  	s31 =	sshll.u32 s1, $0xD;
	s1 =	sshrl.u32 s1, $0x2  }
0xb9: {  	s3 =	sand.u32 $0x4000, s31;
	s1 =	sadd.s32 s1, s30  }
0xba: {  	s0 =	sor.u32 s3, s0;
	s1 =	sshll.u32 s1, $0x11  }
0xbb: {  	s0 =	sor.u32 s1, s0  }
0xbc: {  	s0 =	sadd.s32 $0x8F2B, s0  }
0xbd: {  	[sflag:s0] =	ssyncadd.remote.s32 $0x1  }
0xbe: {  	_ =	sfence.sel $0xFFFF  }
0xbf: {  	[dreg:$0x0] =	wrdreg $0xFFFFFFFF;
	(pc) =	sbr.abs _section_cstart, $3  }
0xc0: {  	[dreg:$0x1] =	wrdreg $0xFFFFFFFF  }
0xc1: {  	_ =	task.clear_ibuf [dreg:s6], $0x2FFFF;
	_ =	strace $0x9FFFFFFF  }
0xc2: {  	(tm) =	ssettm $0x7FFFFFFF  }
0xc3: {  	_ =	shalt  }
tec
execute0_lowered:
.L_overlay_start_1:
0x0: {  	(tag) =	ssettag $0x1  }
0x1: {  	s6 =	rddreg [dreg:$0x0]  }
0x2: {  	s1 =	rddreg [dreg:$0x1]  }
0x3: {  	s0 =	rddreg [dreg:$0x2];
	s2 =	simm.s32 $0x0;
	s3 =	srdreg.scid  }
0x4: {  	[smem:$0x7FF] =	sst s2;
	s9 =	sand.u32 $0x1, s3  }
0x5: {  	s12 =	simm.s32 $0x1;
	s3 =	stileid.u32;
	s4 =	smul.u32 $0x500, s9  }
0x6: {  	s5 =	ssub.s32 $0x2, s9;
	_ =	strace $0x80000047;
	s8 =	smul.u32 $0x280, s3  }
0x7: {  	s30 =	sshll.u32 s9, $0x4;
	s9 =	sshll.u32 s9, $0x8;
	s31 =	sshll.u32 s3, $0x4  }
0x8: {  	s7 =	sshrl.u32 s5, $0x1;
	s9 =	sor.u32 s31, s9;
	s10 =	sadd.s32 s4, s6  }
0x9: {  	s11 =	ssub.s32 s5, s7;
	s4 =	sor.u32 s3, s30;
	s5 =	sadd.s32 s8, s1  }
0xa: {  	s6 =	sadd.s32 $0xB440, s6;
	s14 =	sshrl.u32 s8, $0x3;
	s7 =	ssub.s32 $0x9C4, s4  }
0xb: {  	s13 =	sadd.s32 $0x15200, s10;
	s8 =	smax.u32 s11, $0x1;
	s10 =	simm.s32 $0x2880  }
0xc: {  	v0 =	vimm.f32 $1.000000000e+00;
	v1 =	vimm.f32 $0.0e+00;
	s11 =	simm.s32 $0x2;
	p0 =	sgt.u32 s4, $0x3;
	s13 =	sadd.s32 s14, s13  }
.LBB2_1:
0xd: {  	[tilespmem:$0x2800] =	vst v0  }
0xe: {  	[tilespmem:$0x2810] =	vst v0  }
0xf: {  	[tilespmem:$0x2820] =	vst v0  }
0x10: {  	[tilespmem:$0x2830] =	vst v0  }
0x11: {  	[tilespmem:$0x2840] =	vst v0  }
0x12: {  	[tilespmem:$0x2850] =	vst v0  }
0x13: {  	[tilespmem:$0x2860] =	vst v0  }
0x14: {  	[tilespmem:$0x2870] =	vst v0  }
0x15: {  	[tilespmem:$0x2880] =	vst v1  }
0x16: {  	[tilespmem:$0x2890] =	vst v1  }
0x17: {  	[tilespmem:$0x28A0] =	vst v1  }
0x18: {  	[tilespmem:$0x28B0] =	vst v1  }
0x19: {  	[tilespmem:$0x28C0] =	vst v1  }
0x1a: {  	[tilespmem:$0x28D0] =	vst v1  }
0x1b: {  	[tilespmem:$0x28E0] =	vst v1  }
0x1c: {  	[tilespmem:$0x28F0] =	vst v1  }
0x1d: {  	[tilespmem:$0x2900] =	vst v1  }
0x1e: {  	[tilespmem:$0x2910] =	vst v1  }
0x1f: {  	[tilespmem:$0x2920] =	vst v1  }
0x20: {  	[tilespmem:$0x2930] =	vst v1  }
0x21: {  	[tilespmem:$0x2940] =	vst v1  }
0x22: {  	[tilespmem:$0x2950] =	vst v1  }
0x23: {  	[tilespmem:$0x2960] =	vst v1  }
0x24: {  	[tilespmem:$0x2970] =	vst v1  }
0x25: {  	[tilespmem:$0x2980] =	vst v1  }
0x26: {  	[tilespmem:$0x2990] =	vst v1  }
0x27: {  	[tilespmem:$0x29A0] =	vst v1  }
0x28: {  	[tilespmem:$0x29B0] =	vst v1  }
0x29: {  	[tilespmem:$0x29C0] =	vst v1  }
0x2a: {  	[tilespmem:$0x29D0] =	vst v1  }
0x2b: {  	[tilespmem:$0x29E0] =	vst v1  }
0x2c: {  	[tilespmem:$0x29F0] =	vst v1  }
0x2d: {  	[tilespmem:$0x2A00] =	vst v1  }
0x2e: {  	[tilespmem:$0x2A10] =	vst v1  }
0x2f: {  	[tilespmem:$0x2A20] =	vst v1  }
0x30: {  	[tilespmem:$0x2A30] =	vst v1  }
0x31: {  	[tilespmem:$0x2A40] =	vst v1  }
0x32: {  	[tilespmem:$0x2A50] =	vst v1  }
0x33: {  	[tilespmem:$0x2A60] =	vst v1  }
0x34: {  	[tilespmem:$0x2A70] =	vst v1  }
0x35: {  	[tilespmem:$0x2A80] =	vst v1  }
0x36: {  	[tilespmem:$0x2A90] =	vst v1  }
0x37: {  	[tilespmem:$0x2AA0] =	vst v1  }
0x38: {  	[tilespmem:$0x2AB0] =	vst v1  }
0x39: {  	[tilespmem:$0x2AC0] =	vst v1  }
0x3a: {  	[tilespmem:$0x2AD0] =	vst v1  }
0x3b: {  	[tilespmem:$0x2AE0] =	vst v1  }
0x3c: {  	[tilespmem:$0x2AF0] =	vst v1;
	p1 =	sgt.u32 s4, $0x9C3  }
0x3d: {  	[spmem:s5] =	stream.linear.scatter [tilespmem:s10], [sflag:$0x2], $0x280, $0x38;
	[tilespmem:$0x2D80] =	vst v63  }
0x3e: {  	s14 =	simm.s32 $0x200;
	s15 =	sadd.s32 $0x20, s4;
	_ =	swait.ge [sflag:s11], $0x280  }
0x3f: {  	s17 =	sadd.s32 @!p1 s6, s9;
	s16 =	simm.s32 @!p1 $0x0;
	[sflag:s11] =	ssyncset.done $0x0  }
0x40: {  	s18 =	simm.s32 @!p1 $0x0;
	s17 =	sadd.s32 @!p1 $0x0, s17;
	[sflag:s11] =	ssyncadd.s32 $0xFFFFFD80  }
.LBB2_2:
0x41: {  	[tilespmem:s16], [sflag:$0x1] =	stream.linear.gather @!p1 [hbm4b:s17+s18], $0x80, $0x38;
	[tilespmem:$0x2D80] =	vst v63  }
0x42: {  	s17 =	smov.u32 s14;
	s14 =	sadd.s32 $0x200, s14  }
0x43: {  	p2 =	sne.s32 s14, $0xA000  }
.Ltmp0:
0x44: {  	(pc) =	sbr.rel @p2 .LBB2_2-.Ltmp0, $4  }
0x45: {  	_ = 	snop  }
0x46: {  	p1 =	sgt.u32 s15, $0x9C3  }
0x47: {  	s15 =	sadd.s32 $0x20, s15;
	s18 =	sadd.s32 @!p1 s6, s9  }
0x48: {  	s16 =	sshra.s32 @!p1 s17, $0x2;
	s17 =	sadd.s32 @!p1 s17, s18;
	s18 =	simm.s32 @!p1 $0x0  }
0x49: {  	[tilespmem:s16], [sflag:$0x1] =	stream.linear.gather @!p1 [hbm4b:s17+s18], $0x80, $0x38;
	[tilespmem:$0x2D80] =	vst v63  }
0x4a: {  	p1 =	sle.u32 s7, $0x0  }
0x4b: {  	s15 =	simm.s32 @!p1 $0x1  }
0x4c: {  	_ =	swait.ge @!p1 [sflag:s15], $0x80  }
0x4d: {  	s14 =	simm.s32 $0x20;
	[sflag:s15] =	ssyncset.done @!p1 $0x0  }
.LBB2_4:
0x4e: {  	[sflag:s15] =	ssyncadd.s32 @!p1 $0xFFFFFF80;
	s15 =	smov.u32 s14;
	s14 =	sadd.s32 $0x20, s14  }
0x4f: {  	p2 =	sne.s32 s14, $0xA00  }
.Ltmp1:
0x50: {  	(pc) =	sbr.rel @p2 .LBB2_4-.Ltmp1, $4  }
0x51: {  	p1 =	sge.u32 s15, s7  }
0x52: {  	s15 =	simm.s32 @!p1 $0x1  }
0x53: {  	_ =	swait.ge @!p1 [sflag:s15], $0x80  }
0x54: {  	[sflag:s15] =	ssyncset.done @!p1 $0x0  }
0x55: {  	[sflag:s15] =	ssyncadd.s32 @!p1 $0xFFFFFF80;
	s14 =	simm.s32 $0x0  }
0x56: {  	p2 =	sle.u32 s7, $0x0;
	p1 =	por $0x1, $0x1;
	[bflag:$0x0] =	sbarrier.arrive $0xFFFF  }
0x57: {  	s15 =	simm.s32 @!p2 $0x80;
	s16 =	simm.s32 @!p2 $0x2800;
	s17 =	simm.s32 @!p1 $0x1  }
0x58: {  	[spmem:s1] =	stream.indirect.scatter.add.f32 @!p2 [tilespmem:s16], [sflag:$0x1], $0x1, s14, s15, $0xb8;
	[tilespmem:$0x2D80] =	vst v63  }
0x59: {  	s15 =	simm.s32 $0x1;
	s16 =	simm.s32 $0x20;
	_ =	swait.ge @!p1 [sflag:s17], $0x80  }
.LBB2_6:
0x5a: {  	[sflag:s17] =	ssyncset.done @!p1 $0x0  }
0x5b: {  	s14 =	sadd.s32 $0x80, s14;
	s18 =	smov.u32 s15;
	s15 =	sadd.s32 $0x1, s15  }
0x5c: {  	p2 =	sge.u32 s16, s7;
	[sflag:s17] =	ssyncadd.s32 @!p1 $0xFFFFFF80  }
0x5d: {  	s17 =	simm.s32 @!p2 $0x80;
	s19 =	simm.s32 @!p2 $0x2800;
	p1 =	slt.u32 s18, $0x8  }
0x5e: {  	[spmem:s1] =	stream.indirect.scatter.add.f32 @!p2 [tilespmem:s19], [sflag:$0x1], $0x1, s14, s17, $0xb8;
	[tilespmem:$0x2D80] =	vst v63  }
0x5f: {  	p2 =	sne.s32 s15, $0x50  }
.Ltmp2:
0x60: {  	_ = 	snop;
	(pc) =	sbr.rel @p2 .LBB2_6-.Ltmp2, $3  }
0x61: {  	_ =	sdelay $0x1  }
0x62: {  	s17 =	simm.s32 @!p1 $0x1  }
0x63: {  	s16 =	sadd.s32 $0x20, s16;
	_ =	swait.ge @!p1 [sflag:s17], $0x80  }
0x64: {  	[sflag:s17] =	ssyncset.done @!p1 $0x0  }
0x65: {  	[sflag:s17] =	ssyncadd.s32 @!p1 $0xFFFFFF80  }
0x66: {  	_ =	swait.ge [sflag:s12], $0x80  }
0x67: {  	[sflag:s12] =	ssyncset.done $0x0  }
0x68: {  	[sflag:s12] =	ssyncadd.s32 $0xFFFFFF80  }
0x69: {  	_ =	swait.ge [sflag:s12], $0x80  }
0x6a: {  	[sflag:s12] =	ssyncset.done $0x0  }
0x6b: {  	[sflag:s12] =	ssyncadd.s32 $0xFFFFFF80  }
0x6c: {  	_ =	swait.ge [sflag:s12], $0x80  }
0x6d: {  	[sflag:s12] =	ssyncset.done $0x0  }
0x6e: {  	[sflag:s12] =	ssyncadd.s32 $0xFFFFFF80  }
0x6f: {  	_ =	swait.ge [sflag:s12], $0x80  }
0x70: {  	[sflag:s12] =	ssyncset.done $0x0  }
0x71: {  	[sflag:s12] =	ssyncadd.s32 $0xFFFFFF80  }
0x72: {  	_ =	swait.ge [sflag:s12], $0x80  }
0x73: {  	[sflag:s12] =	ssyncset.done $0x0  }
0x74: {  	[sflag:s12] =	ssyncadd.s32 $0xFFFFFF80  }
0x75: {  	_ =	swait.ge [sflag:s12], $0x80  }
0x76: {  	[sflag:s12] =	ssyncset.done $0x0  }
0x77: {  	s14 =	simm.s32 @!p0 $0x1;
	[sflag:s12] =	ssyncadd.s32 $0xFFFFFF80  }
0x78: {  	_ =	swait.ge @!p0 [sflag:s14], $0x80  }
0x79: {  	s31 =	sshll.u32 s3, $0x6;
	s2 =	sadd.s32 $0x1, s2;
	[sflag:s14] =	ssyncset.done @!p0 $0x0  }
0x7a: {  	s15 =	sshrl.u32 s5, $0x3;
	p1 =	sne.s32 s2, s8;
	[sflag:s14] =	ssyncadd.s32 @!p0 $0xFFFFFF80  }
.Ltmp3:
0x7b: {  	s14 =	sor.u32 $0x1C02, s31;
	[bflag:$0x0] =	sbarrier.arrive $0xFFFF;
	(pc) =	sbr.rel @p1 .LBB2_1-.Ltmp3, $4  }
0x7c: {  	[hbm:s13], [sflag:s14] =	dma.local [spmem:s15], $0x50  }
0x7d: {  	_ =	swait.ge [sflag:s11], $0x50  }
0x7e: {  	[sflag:s11] =	ssyncset.done $0x0  }
0x7f: {  	[sflag:s11] =	ssyncadd.s32 $0xFFFFFFB0  }
0x80: {  	_ =	sfence.sel $0x180000  }
0x81: {  	[bflag:$0x0] =	sbarrier.arrive $0xFFFF  }
0x82: {  	p0 =	sne.s32 s3, $0x0;
	_ =	strace $0x90000047  }
0x83: {  	s0 =	sadd.s32 @!p0 $0x100000, s0;
	[bflag:$0x2] =	sbarrier.arrive $0xFFFF  }
0x84: {  	[sflag:s0] =	ssyncadd.tile.s32 @!p0 $0x1;
	_ =	shalt  }
.Lfunc_end2:
_tile_overlayer_lowered:
.L_overlay_start_2:
0x85: {  	(tag) =	ssettag $0x2  }
0x86: {  	s0 =	rddreg [dreg:$0x0];
	s2 =	stileid.u32  }
0x87: {  	s1 =	rddreg [dreg:$0x1];
	p0 =	sne.s32 s2, $0x0  }
0x88: {  	s3 =	rddreg [dreg:$0x2];
	[bflag:$0x3] =	sbarrier.arrive $0xFFFF;
	s2 =	simm.s32 @!p0 $0x1C02  }
0x89: {  	[timem:s3], [sflag:s2] =	dma.local @!p0 [hbm:s0], s1  }
0x8a: {  	s0 =	simm.s32 @!p0 $0x2  }
0x8b: {  	_ =	swait.ge @!p0 [sflag:s0], s1  }
0x8c: {  	s1 =	ssub.s32 @!p0 $0x0, s1;
	[sflag:s0] =	ssyncset.done @!p0 $0x0  }
0x8d: {  	[sflag:s0] =	ssyncadd.s32 @!p0 s1  }
0x8e: {  	[bflag:$0x3] =	sbarrier.arrive $0xFFFF  }
0x8f: {  	_ =	shalt  }

</sc_bundles>
